<compile_context>
chip_gen: v7x
topology: tpu7x:2x2x1
jax: 0.10.2.dev20260603
libtpu: 0.0.44.dev20260713+nightly
codegen_flags: <defaults>
</compile_context>

<pallas_src>
import functools

import jax
import jax.numpy as jnp
from jax import lax
from jax.experimental import pallas as pl
from jax.experimental.pallas import tpu as pltpu
from jax.experimental.pallas import tpu_sc as plsc

_N = 10000
_D = 128
_E = 320000
_NPAD = 10240
_EPAD = 327680
_NW = 32
_CH = 128
_C = 80
_RT = _NPAD // 16
_EPS = 1e-5
_BR = 512

_mesh = plsc.VectorSubcoreMesh(core_axis_name="c", subcore_axis_name="s")



@functools.partial(
    pl.kernel,
    out_type=jax.ShapeDtypeStruct((2, _NPAD, _D), jnp.float32),
    mesh=_mesh,
    scratch_types=[
        pltpu.VMEM((_CH, _C), jnp.int32),
        pltpu.VMEM((_C, _D), jnp.float32),
        pltpu.VMEM_SHARED((_NPAD, _D), jnp.float32),
    ],
)
def _deg_kernel(dst_hbm, ones_hbm, zeros_hbm, out_hbm, didx, ones_v, deg_sh):
    c = lax.axis_index("c")
    s = lax.axis_index("s")
    wid = s * 2 + c
    pltpu.sync_copy(dst_hbm.at[wid], didx)
    pltpu.sync_copy(ones_hbm, ones_v)
    pltpu.sync_copy(zeros_hbm, deg_sh.at[pl.ds(s * _RT, _RT)])
    plsc.subcore_barrier()

    def body(j, carry):
        pltpu.sync_copy(ones_v, deg_sh.at[didx.at[j]], add=True)
        return carry

    lax.fori_loop(0, _CH, body, 0)
    plsc.subcore_barrier()
    pltpu.sync_copy(deg_sh.at[pl.ds(s * _RT, _RT)],
                    out_hbm.at[c, pl.ds(s * _RT, _RT)])


@functools.partial(
    pl.kernel,
    out_type=jax.ShapeDtypeStruct((2, _NPAD, _D), jnp.float32),
    mesh=_mesh,
    scratch_types=[
        [pltpu.VMEM((_C,), jnp.int32) for _ in range(4)],
        [pltpu.VMEM((_C,), jnp.int32) for _ in range(4)],
        [pltpu.VMEM((_C, _D), jnp.float32) for _ in range(4)],
        pltpu.VMEM_SHARED((_NPAD, _D), jnp.float32),
        [pltpu.SemaphoreType.DMA for _ in range(4)],
        [pltpu.SemaphoreType.DMA for _ in range(4)],
        [pltpu.SemaphoreType.DMA for _ in range(4)],
        [pltpu.SemaphoreType.DMA for _ in range(4)],
    ],
)
def _agg_kernel(t_hbm, src_hbm, dst_hbm, zeros_hbm, out_hbm, si, di, rows,
                agg_sh, semI, semD, semG, semS):
    c = lax.axis_index("c")
    s = lax.axis_index("s")
    wid = s * 2 + c
    pltpu.sync_copy(zeros_hbm, agg_sh.at[pl.ds(s * _RT, _RT)])
    plsc.subcore_barrier()

    def ld_src(k, r):
        pltpu.async_copy(src_hbm.at[wid, k], si[r], semI[r])

    def wt_src(k, r):
        pltpu.make_async_copy(src_hbm.at[wid, k], si[r], semI[r]).wait()

    def ld_dst(k, r):
        pltpu.async_copy(dst_hbm.at[wid, k], di[r], semD[r])

    def wt_dst(k, r):
        pltpu.make_async_copy(dst_hbm.at[wid, k], di[r], semD[r]).wait()

    def gather(r):
        pltpu.async_copy(t_hbm.at[si[r]], rows[r], semG[r])

    def wt_gather(r):
        pltpu.make_async_copy(t_hbm.at[si[r]], rows[r], semG[r]).wait()

    def scatter(r):
        pltpu.async_copy(rows[r], agg_sh.at[di[r]], semS[r], add=True)

    def wt_scatter(r):
        pltpu.make_async_copy(rows[r], agg_sh.at[di[r]], semS[r]).wait()

    def step(k, r, ld4, wt1, wts, ld1, g1):
        rn = (r + 1) % 4
        wt_gather(r)
        if ld4:
            ld_src(k + 4, r)
        wt_dst(k, r)
        scatter(r)
        if wt1:
            wt_src(k + 1, rn)
        if wts:
            wt_scatter(rn)
        if ld1:
            ld_dst(k + 1, rn)
        if g1:
            gather(rn)

    for r in range(4):
        ld_src(r, r)
    ld_dst(0, 0)
    wt_src(0, 0)
    gather(0)
    for k in range(3):
        step(k, k, True, True, False, True, True)
    step(3, 3, True, True, True, True, True)

    def body(jj, carry):
        k = 4 * jj
        step(k + 0, 0, True, True, True, True, True)
        step(k + 1, 1, True, True, True, True, True)
        step(k + 2, 2, True, True, True, True, True)
        step(k + 3, 3, True, True, True, True, True)
        return carry

    lax.fori_loop(1, _CH // 4 - 1, body, 0)

    step(_CH - 4, 0, False, True, True, True, True)
    step(_CH - 3, 1, False, True, True, True, True)
    step(_CH - 2, 2, False, True, True, True, True)
    step(_CH - 1, 3, False, False, True, False, False)
    wt_scatter(1)
    wt_scatter(2)
    wt_scatter(3)

    plsc.subcore_barrier()
    pltpu.sync_copy(agg_sh.at[pl.ds(s * _RT, _RT)],
                    out_hbm.at[c, pl.ds(s * _RT, _RT)])



def _dinv_kernel(degp):
    def body(d_ref, o_ref):
        d = d_ref[...]
        deg = d[0, :, 0:1] + d[1, :, 0:1] + 1.0
        o_ref[...] = 1.0 / jnp.sqrt(deg)

    return pl.pallas_call(
        body,
        out_shape=jax.ShapeDtypeStruct((_NPAD, 1), jnp.float32),
    )(degp)


def _mm_scale(x, W, dinv):
    def body(x_ref, w_ref, dv_ref, o_ref):
        o_ref[...] = jnp.dot(x_ref[...], w_ref[...],
                             preferred_element_type=jnp.float32) * dv_ref[...]

    return pl.pallas_call(
        body,
        grid=(_NPAD // _BR,),
        in_specs=[
            pl.BlockSpec((_BR, _D), lambda i: (i, 0)),
            pl.BlockSpec((_D, _D), lambda i: (0, 0)),
            pl.BlockSpec((_BR, 1), lambda i: (i, 0)),
        ],
        out_specs=pl.BlockSpec((_BR, _D), lambda i: (i, 0)),
        out_shape=jax.ShapeDtypeStruct((_NPAD, _D), jnp.float32),
    )(x, W, dinv)


def _combine_stats(agg, t, dinv, b):

    def body(a0_ref, a1_ref, t_ref, dv_ref, b_ref, y_ref, st_ref):
        i = pl.program_id(0)
        y = dv_ref[...] * (a0_ref[...][0] + a1_ref[...][0] + t_ref[...]) \
            + b_ref[...]
        y_ref[...] = y
        rid = lax.broadcasted_iota(jnp.int32, (_BR, 1), 0) + i * _BR
        m = (rid < _N).astype(jnp.float32)
        ym = y * m

        @pl.when(i == 0)
        def _():
            st_ref[...] = jnp.zeros_like(st_ref)

        st_ref[0:1, :] += jnp.sum(ym, axis=0, keepdims=True)
        st_ref[1:2, :] += jnp.sum(ym * ym, axis=0, keepdims=True)

    return pl.pallas_call(
        body,
        grid=(_NPAD // _BR,),
        in_specs=[
            pl.BlockSpec((1, _BR, _D), lambda i: (0, i, 0)),
            pl.BlockSpec((1, _BR, _D), lambda i: (1, i, 0)),
            pl.BlockSpec((_BR, _D), lambda i: (i, 0)),
            pl.BlockSpec((_BR, 1), lambda i: (i, 0)),
            pl.BlockSpec((1, _D), lambda i: (0, 0)),
        ],
        out_specs=[
            pl.BlockSpec((_BR, _D), lambda i: (i, 0)),
            pl.BlockSpec((2, _D), lambda i: (0, 0)),
        ],
        out_shape=[
            jax.ShapeDtypeStruct((_NPAD, _D), jnp.float32),
            jax.ShapeDtypeStruct((2, _D), jnp.float32),
        ],
    )(agg, agg, t, dinv, b)


def _bn_act_mm(y, st, g, bt, a, W, dinv):

    def body(y_ref, st_ref, g_ref, bt_ref, a_ref, w_ref, dv_ref, o_ref):
        st = st_ref[...]
        mu = st[0:1, :] * (1.0 / _N)
        var = st[1:2, :] * (1.0 / _N) - mu * mu
        z = g_ref[...] * (y_ref[...] - mu) / jnp.sqrt(var + _EPS) + bt_ref[...]
        h = jnp.where(z >= 0, z, a_ref[...] * z)
        o_ref[...] = jnp.dot(h, w_ref[...],
                             preferred_element_type=jnp.float32) * dv_ref[...]

    return pl.pallas_call(
        body,
        grid=(_NPAD // _BR,),
        in_specs=[
            pl.BlockSpec((_BR, _D), lambda i: (i, 0)),
            pl.BlockSpec((2, _D), lambda i: (0, 0)),
            pl.BlockSpec((1, _D), lambda i: (0, 0)),
            pl.BlockSpec((1, _D), lambda i: (0, 0)),
            pl.BlockSpec((1, 1), lambda i: (0, 0)),
            pl.BlockSpec((_D, _D), lambda i: (0, 0)),
            pl.BlockSpec((_BR, 1), lambda i: (i, 0)),
        ],
        out_specs=pl.BlockSpec((_BR, _D), lambda i: (i, 0)),
        out_shape=jax.ShapeDtypeStruct((_NPAD, _D), jnp.float32),
    )(y, st, g, bt, a, W, dinv)


def _bn_act(y, st, g, bt, a):

    def body(y_ref, st_ref, g_ref, bt_ref, a_ref, o_ref):
        st = st_ref[...]
        mu = st[0:1, :] * (1.0 / _N)
        var = st[1:2, :] * (1.0 / _N) - mu * mu
        z = g_ref[...] * (y_ref[...] - mu) / jnp.sqrt(var + _EPS) + bt_ref[...]
        o_ref[...] = jnp.where(z >= 0, z, a_ref[...] * z)

    return pl.pallas_call(
        body,
        grid=(_NPAD // _BR,),
        in_specs=[
            pl.BlockSpec((_BR, _D), lambda i: (i, 0)),
            pl.BlockSpec((2, _D), lambda i: (0, 0)),
            pl.BlockSpec((1, _D), lambda i: (0, 0)),
            pl.BlockSpec((1, _D), lambda i: (0, 0)),
            pl.BlockSpec((1, 1), lambda i: (0, 0)),
        ],
        out_specs=pl.BlockSpec((_BR, _D), lambda i: (i, 0)),
        out_shape=jax.ShapeDtypeStruct((_NPAD, _D), jnp.float32),
    )(y, st, g, bt, a)



def kernel(x, edge_index, W1, b1, g1, bt1, a1, W2, b2, g2, bt2, a2):
    src = edge_index[0]
    dst = edge_index[1]
    pad = _EPAD - _E
    pad_src = (jnp.arange(pad, dtype=jnp.int32) * 13) % _N
    src_p = jnp.concatenate([src, pad_src]).reshape(_NW, _CH, _C)
    dst_p = jnp.concatenate(
        [dst, jnp.full((pad,), _N, jnp.int32)]).reshape(_NW, _CH, _C)
    x_p = jnp.pad(x, ((0, _NPAD - _N), (0, 0)))
    onesD = jnp.ones((_C, _D), jnp.float32)
    zerosRT = jnp.zeros((_RT, _D), jnp.float32)

    degp = _deg_kernel(dst_p, onesD, zerosRT)
    dinv = _dinv_kernel(degp)

    t1 = _mm_scale(x_p, W1, dinv)
    agg1 = _agg_kernel(t1, src_p, dst_p, zerosRT)
    y1, st1 = _combine_stats(agg1, t1, dinv, b1.reshape(1, _D))
    t2 = _bn_act_mm(y1, st1, g1.reshape(1, _D), bt1.reshape(1, _D),
                    a1.reshape(1, 1), W2, dinv)
    agg2 = _agg_kernel(t2, src_p, dst_p, zerosRT)
    y2, st2 = _combine_stats(agg2, t2, dinv, b2.reshape(1, _D))
    h = _bn_act(y2, st2, g2.reshape(1, _D), bt2.reshape(1, _D),
                a2.reshape(1, 1))
    return h[:_N]

# --- scband reference (transcript-rebuilt; emitter-appended) ---
"""Pipeline reference for scband-encoder-26766236188766 (READ-ONLY COPY).

The authoritative reference and input builder live on the scoring server;
editing this copy changes nothing except your own understanding.
"""

import jax, jax.numpy as jnp
import numpy as np

N = 10000
E = 320000
D = 128


def setup_inputs(seed: int = 0) -> dict:
    key = jax.random.key(seed)
    ks = jax.random.split(key, 8)
    x = jax.random.normal(ks[0], (N, D), dtype=jnp.float32)
    edge_index = jax.random.randint(ks[1], (2, E), 0, N, dtype=jnp.int32)
    scale = 1.0 / np.sqrt(D)
    W1 = jax.random.normal(ks[2], (D, D), dtype=jnp.float32) * scale
    b1 = jnp.zeros((D,), dtype=jnp.float32)
    g1 = jnp.ones((D,), dtype=jnp.float32)
    bt1 = jnp.zeros((D,), dtype=jnp.float32)
    a1 = jnp.array(0.25, dtype=jnp.float32)
    W2 = jax.random.normal(ks[3], (D, D), dtype=jnp.float32) * scale
    b2 = jnp.zeros((D,), dtype=jnp.float32)
    g2 = jnp.ones((D,), dtype=jnp.float32)
    bt2 = jnp.zeros((D,), dtype=jnp.float32)
    a2 = jnp.array(0.25, dtype=jnp.float32)
    return {"x": x, "edge_index": edge_index, "W1": W1, "b1": b1, "g1": g1, "bt1": bt1, "a1": a1, "W2": W2, "b2": b2, "g2": g2, "bt2": bt2, "a2": a2}


def _gcn_layer(x, W, b, src, dst):
    # GCNConv: linear transform, add self-loops, symmetric normalization, scatter-add aggregate
    m = x @ W
    loop = jnp.arange(N, dtype=src.dtype)
    s = jnp.concatenate([src, loop])
    d = jnp.concatenate([dst, loop])
    ones = jnp.ones(s.shape[0], dtype=jnp.float32)
    deg = jax.ops.segment_sum(ones, d, num_segments=N)
    dinv = jnp.where(deg > 0, 1.0 / jnp.sqrt(deg), 0.0)
    coef = dinv[s] * dinv[d]
    out = jax.ops.segment_sum(m[s] * coef[:, None], d, num_segments=N)
    return out + b


def _bn(x, g, bt):
    mu = jnp.mean(x, axis=0)
    var = jnp.var(x, axis=0)
    return g * (x - mu) / jnp.sqrt(var + 1e-5) + bt


def _prelu(x, a):
    return jnp.where(x >= 0, x, a * x)


def reference(x, edge_index, W1, b1, g1, bt1, a1, W2, b2, g2, bt2, a2):
    src = edge_index[0]
    dst = edge_index[1]
    h = _prelu(_bn(_gcn_layer(x, W1, b1, src, dst), g1, bt1), a1)
    h = _prelu(_bn(_gcn_layer(h, W2, b2, src, dst), g2, bt2), a2)
    return h

if __name__ == "__main__":
    import jax
    _d = setup_inputs()
    print(jax.jit(kernel)(*tuple(_d.values())))

</pallas_src>

<mosaic_0001>
#map = affine_map<(d0, d1) -> (0, 0, 0)>
#map1 = affine_map<(d0, d1) -> (0, 0)>
module attributes {stable_mosaic.version = 14 : i64} {
  func.func @_deg_kernel(%arg0: i32, %arg1: i32, %arg2: memref<32x128x80xi32, #tpu.memory_space<hbm>>, %arg3: memref<80x128xf32, #tpu.memory_space<hbm>>, %arg4: memref<640x128xf32, #tpu.memory_space<hbm>>, %arg5: memref<2x10240x128xf32, #tpu.memory_space<hbm>>, %arg6: memref<128x80xi32, #tpu.memory_space<vmem>>, %arg7: memref<80x128xf32, #tpu.memory_space<vmem>>, %arg8: memref<10240x128xf32, #tpu.memory_space<vmem_shared>>) attributes {dimension_semantics = [#tpu.dimension_semantics<core_parallel>, #tpu.dimension_semantics<subcore_parallel>], iteration_bounds = array<i64: 2, 16>, scalar_prefetch = 0 : i64, scratch_operands = 3 : i64, tpu.core_type = #tpu.core_type<sc_vector_subcore>, window_params = [{transform_indices = #map}, {transform_indices = #map1}, {transform_indices = #map1}, {transform_indices = #map}]} {
    %mul3A = arith.constant 2 : i32
    %mul3A_0 = arith.muli %arg1, %mul3A : i32
    %add3A = arith.addi %mul3A_0, %arg0 : i32
    "tpu.region"() ({
      %run_scoped3A = tpu.sem_alloc : memref<!tpu.dma_semaphore, #tpu.memory_space<semaphore_mem>>
      %dma_start3A = arith.constant 0 : i32
      %dma_start3A_13 = arith.constant 0 : i32
      %dma_start3A_14 = tpu.memref_slice %arg2[%add3A, %dma_start3A, %dma_start3A_13] : memref<32x128x80xi32, #tpu.memory_space<hbm>> -> memref<1x128x80xi32, #tpu.memory_space<hbm>>
      %dma_start3A_15 = tpu.memref_squeeze %dma_start3A_14 : memref<1x128x80xi32, #tpu.memory_space<hbm>> -> memref<128x80xi32, #tpu.memory_space<hbm>>
      %dma_start3A_16 = arith.constant 0 : i32
      %dma_start3A_17 = arith.constant 0 : i32
      %dma_start3A_18 = tpu.memref_slice %arg2[%add3A, %dma_start3A_16, %dma_start3A_17] : memref<32x128x80xi32, #tpu.memory_space<hbm>> -> memref<1x128x80xi32, #tpu.memory_space<hbm>>
      %dma_start3A_19 = tpu.memref_squeeze %dma_start3A_18 : memref<1x128x80xi32, #tpu.memory_space<hbm>> -> memref<128x80xi32, #tpu.memory_space<hbm>>
      tpu.enqueue_dma source(%dma_start3A_19 : memref<128x80xi32, #tpu.memory_space<hbm>>) target(%arg6 : memref<128x80xi32, #tpu.memory_space<vmem>>) target_semaphore(%run_scoped3A : memref<!tpu.dma_semaphore, #tpu.memory_space<semaphore_mem>>)
      %dma_wait3A = arith.constant 0 : i32
      %dma_wait3A_20 = arith.constant 0 : i32
      %dma_wait3A_21 = tpu.memref_slice %arg2[%add3A, %dma_wait3A, %dma_wait3A_20] : memref<32x128x80xi32, #tpu.memory_space<hbm>> -> memref<1x128x80xi32, #tpu.memory_space<hbm>>
      %dma_wait3A_22 = tpu.memref_squeeze %dma_wait3A_21 : memref<1x128x80xi32, #tpu.memory_space<hbm>> -> memref<128x80xi32, #tpu.memory_space<hbm>>
      %dma_wait3A_23 = arith.constant 0 : i32
      %dma_wait3A_24 = arith.constant 0 : i32
      %dma_wait3A_25 = tpu.memref_slice %arg2[%add3A, %dma_wait3A_23, %dma_wait3A_24] : memref<32x128x80xi32, #tpu.memory_space<hbm>> -> memref<1x128x80xi32, #tpu.memory_space<hbm>>
      %dma_wait3A_26 = tpu.memref_squeeze %dma_wait3A_25 : memref<1x128x80xi32, #tpu.memory_space<hbm>> -> memref<128x80xi32, #tpu.memory_space<hbm>>
      tpu.wait_dma2 semaphore(%run_scoped3A : memref<!tpu.dma_semaphore, #tpu.memory_space<semaphore_mem>>) src(%dma_wait3A_26 : memref<128x80xi32, #tpu.memory_space<hbm>>) dst(%arg6 : memref<128x80xi32, #tpu.memory_space<vmem>>)
      tpu.yield
    }) : () -> ()
    "tpu.region"() ({
      %run_scoped3A = tpu.sem_alloc : memref<!tpu.dma_semaphore, #tpu.memory_space<semaphore_mem>>
      tpu.enqueue_dma source(%arg3 : memref<80x128xf32, #tpu.memory_space<hbm>>) target(%arg7 : memref<80x128xf32, #tpu.memory_space<vmem>>) target_semaphore(%run_scoped3A : memref<!tpu.dma_semaphore, #tpu.memory_space<semaphore_mem>>)
      tpu.wait_dma2 semaphore(%run_scoped3A : memref<!tpu.dma_semaphore, #tpu.memory_space<semaphore_mem>>) src(%arg3 : memref<80x128xf32, #tpu.memory_space<hbm>>) dst(%arg7 : memref<80x128xf32, #tpu.memory_space<vmem>>)
      tpu.yield
    }) : () -> ()
    %mul3A_1 = arith.constant 640 : i32
    %mul3A_2 = arith.muli %arg1, %mul3A_1 : i32
    "tpu.region"() ({
      %run_scoped3A = tpu.sem_alloc : memref<!tpu.dma_semaphore, #tpu.memory_space<semaphore_mem>>
      %dma_start3A = arith.constant 0 : i32
      %dma_start3A_13 = tpu.memref_slice %arg8[%mul3A_2, %dma_start3A] : memref<10240x128xf32, #tpu.memory_space<vmem_shared>> -> memref<640x128xf32, #tpu.memory_space<vmem_shared>>
      tpu.enqueue_dma source(%arg4 : memref<640x128xf32, #tpu.memory_space<hbm>>) target(%dma_start3A_13 : memref<640x128xf32, #tpu.memory_space<vmem_shared>>) target_semaphore(%run_scoped3A : memref<!tpu.dma_semaphore, #tpu.memory_space<semaphore_mem>>)
      %dma_wait3A = arith.constant 0 : i32
      %dma_wait3A_14 = tpu.memref_slice %arg8[%mul3A_2, %dma_wait3A] : memref<10240x128xf32, #tpu.memory_space<vmem_shared>> -> memref<640x128xf32, #tpu.memory_space<vmem_shared>>
      tpu.wait_dma2 semaphore(%run_scoped3A : memref<!tpu.dma_semaphore, #tpu.memory_space<semaphore_mem>>) src(%arg4 : memref<640x128xf32, #tpu.memory_space<hbm>>) dst(%dma_wait3A_14 : memref<640x128xf32, #tpu.memory_space<vmem_shared>>)
      tpu.yield
    }) : () -> ()
    %barrier3A = arith.constant 0 : index
    tpu.barrier barrier_id(%barrier3A)
    %scan3A = arith.constant 0 : i32
    %scan3A_3 = arith.constant 0 : i32
    %scan3A_4 = arith.constant 128 : i32
    %scan3A_5 = arith.addi %scan3A_3, %scan3A_4 : i32
    %scan3A_6 = arith.constant 1 : i32
    scf.for %scan3A_13 = %scan3A_3 to %scan3A_5 step %scan3A_6  : i32 {
      "tpu.region"() ({
        %run_scoped3A = tpu.sem_alloc : memref<!tpu.dma_semaphore, #tpu.memory_space<semaphore_mem>>
        %dma_start3A = arith.constant 0 : i32
        %dma_start3A_14 = tpu.memref_slice %arg6[%scan3A_13, %dma_start3A] : memref<128x80xi32, #tpu.memory_space<vmem>> -> memref<1x80xi32, #tpu.memory_space<vmem>>
        %dma_start3A_15 = tpu.memref_squeeze %dma_start3A_14 : memref<1x80xi32, #tpu.memory_space<vmem>> -> memref<80xi32, #tpu.memory_space<vmem>>
        %dma_start3A_16 = arith.constant 0 : i32
        %dma_start3A_17 = arith.constant 0 : i32
        %dma_start3A_18 = tpu.memref_slice %arg8[%dma_start3A_16, %dma_start3A_17] : memref<10240x128xf32, #tpu.memory_space<vmem_shared>> -> memref<10240x128xf32, #tpu.memory_space<vmem_shared>>
        tpu.enqueue_indirect_dma source(%arg7 : memref<80x128xf32, #tpu.memory_space<vmem>>) target(%dma_start3A_18 : memref<10240x128xf32, #tpu.memory_space<vmem_shared>>) offsets(%dma_start3A_15 : memref<80xi32, #tpu.memory_space<vmem>>) semaphore(%run_scoped3A : memref<!tpu.dma_semaphore, #tpu.memory_space<semaphore_mem>>) {add = true}
        %dma_wait3A = arith.constant 0 : i32
        %dma_wait3A_19 = tpu.memref_slice %arg6[%scan3A_13, %dma_wait3A] : memref<128x80xi32, #tpu.memory_space<vmem>> -> memref<1x80xi32, #tpu.memory_space<vmem>>
        %dma_wait3A_20 = tpu.memref_squeeze %dma_wait3A_19 : memref<1x80xi32, #tpu.memory_space<vmem>> -> memref<80xi32, #tpu.memory_space<vmem>>
        %dma_wait3A_21 = arith.constant 0 : i32
        %dma_wait3A_22 = arith.constant 0 : i32
        %dma_wait3A_23 = tpu.memref_slice %arg8[%dma_wait3A_21, %dma_wait3A_22] : memref<10240x128xf32, #tpu.memory_space<vmem_shared>> -> memref<10240x128xf32, #tpu.memory_space<vmem_shared>>
        tpu.wait_indirect_dma semaphore(%run_scoped3A : memref<!tpu.dma_semaphore, #tpu.memory_space<semaphore_mem>>) src(%arg7 : memref<80x128xf32, #tpu.memory_space<vmem>>) dst(%dma_wait3A_23 : memref<10240x128xf32, #tpu.memory_space<vmem_shared>>)
        tpu.yield
      }) : () -> ()
    }
    %scan3A_7 = arith.constant 128 : i32
    %barrier3A_8 = arith.constant 0 : index
    tpu.barrier barrier_id(%barrier3A_8)
    %mul3A_9 = arith.constant 640 : i32
    %mul3A_10 = arith.muli %arg1, %mul3A_9 : i32
    %mul3A_11 = arith.constant 640 : i32
    %mul3A_12 = arith.muli %arg1, %mul3A_11 : i32
    "tpu.region"() ({
      %run_scoped3A = tpu.sem_alloc : memref<!tpu.dma_semaphore, #tpu.memory_space<semaphore_mem>>
      %dma_start3A = arith.constant 0 : i32
      %dma_start3A_13 = tpu.memref_slice %arg5[%arg0, %mul3A_12, %dma_start3A] : memref<2x10240x128xf32, #tpu.memory_space<hbm>> -> memref<1x640x128xf32, #tpu.memory_space<hbm>>
      %dma_start3A_14 = tpu.memref_squeeze %dma_start3A_13 : memref<1x640x128xf32, #tpu.memory_space<hbm>> -> memref<640x128xf32, #tpu.memory_space<hbm>>
      %dma_start3A_15 = arith.constant 0 : i32
      %dma_start3A_16 = tpu.memref_slice %arg8[%mul3A_10, %dma_start3A_15] : memref<10240x128xf32, #tpu.memory_space<vmem_shared>> -> memref<640x128xf32, #tpu.memory_space<vmem_shared>>
      tpu.enqueue_dma source(%dma_start3A_16 : memref<640x128xf32, #tpu.memory_space<vmem_shared>>) target(%dma_start3A_14 : memref<640x128xf32, #tpu.memory_space<hbm>>) target_semaphore(%run_scoped3A : memref<!tpu.dma_semaphore, #tpu.memory_space<semaphore_mem>>)
      %dma_wait3A = arith.constant 0 : i32
      %dma_wait3A_17 = tpu.memref_slice %arg5[%arg0, %mul3A_12, %dma_wait3A] : memref<2x10240x128xf32, #tpu.memory_space<hbm>> -> memref<1x640x128xf32, #tpu.memory_space<hbm>>
      %dma_wait3A_18 = tpu.memref_squeeze %dma_wait3A_17 : memref<1x640x128xf32, #tpu.memory_space<hbm>> -> memref<640x128xf32, #tpu.memory_space<hbm>>
      %dma_wait3A_19 = arith.constant 0 : i32
      %dma_wait3A_20 = tpu.memref_slice %arg8[%mul3A_10, %dma_wait3A_19] : memref<10240x128xf32, #tpu.memory_space<vmem_shared>> -> memref<640x128xf32, #tpu.memory_space<vmem_shared>>
      tpu.wait_dma2 semaphore(%run_scoped3A : memref<!tpu.dma_semaphore, #tpu.memory_space<semaphore_mem>>) src(%dma_wait3A_20 : memref<640x128xf32, #tpu.memory_space<vmem_shared>>) dst(%dma_wait3A_18 : memref<640x128xf32, #tpu.memory_space<hbm>>)
      tpu.yield
    }) : () -> ()
    return
  }
}

#map = affine_map<(d0, d1) -> (0, 0)>
#map1 = affine_map<(d0, d1) -> (0, 0, 0)>
module attributes {stable_mosaic.version = 14 : i64} {
  func.func @_agg_kernel(%arg0: i32, %arg1: i32, %arg2: memref<10240x128xf32, #tpu.memory_space<hbm>>, %arg3: memref<32x128x80xi32, #tpu.memory_space<hbm>>, %arg4: memref<32x128x80xi32, #tpu.memory_space<hbm>>, %arg5: memref<640x128xf32, #tpu.memory_space<hbm>>, %arg6: memref<2x10240x128xf32, #tpu.memory_space<hbm>>, %arg7: memref<80xi32, #tpu.memory_space<vmem>>, %arg8: memref<80xi32, #tpu.memory_space<vmem>>, %arg9: memref<80xi32, #tpu.memory_space<vmem>>, %arg10: memref<80xi32, #tpu.memory_space<vmem>>, %arg11: memref<80xi32, #tpu.memory_space<vmem>>, %arg12: memref<80xi32, #tpu.memory_space<vmem>>, %arg13: memref<80xi32, #tpu.memory_space<vmem>>, %arg14: memref<80xi32, #tpu.memory_space<vmem>>, %arg15: memref<80x128xf32, #tpu.memory_space<vmem>>, %arg16: memref<80x128xf32, #tpu.memory_space<vmem>>, %arg17: memref<80x128xf32, #tpu.memory_space<vmem>>, %arg18: memref<80x128xf32, #tpu.memory_space<vmem>>, %arg19: memref<10240x128xf32, #tpu.memory_space<vmem_shared>>, %arg20: memref<!tpu.dma_semaphore, #tpu.memory_space<semaphore_mem>>, %arg21: memref<!tpu.dma_semaphore, #tpu.memory_space<semaphore_mem>>, %arg22: memref<!tpu.dma_semaphore, #tpu.memory_space<semaphore_mem>>, %arg23: memref<!tpu.dma_semaphore, #tpu.memory_space<semaphore_mem>>, %arg24: memref<!tpu.dma_semaphore, #tpu.memory_space<semaphore_mem>>, %arg25: memref<!tpu.dma_semaphore, #tpu.memory_space<semaphore_mem>>, %arg26: memref<!tpu.dma_semaphore, #tpu.memory_space<semaphore_mem>>, %arg27: memref<!tpu.dma_semaphore, #tpu.memory_space<semaphore_mem>>, %arg28: memref<!tpu.dma_semaphore, #tpu.memory_space<semaphore_mem>>, %arg29: memref<!tpu.dma_semaphore, #tpu.memory_space<semaphore_mem>>, %arg30: memref<!tpu.dma_semaphore, #tpu.memory_space<semaphore_mem>>, %arg31: memref<!tpu.dma_semaphore, #tpu.memory_space<semaphore_mem>>, %arg32: memref<!tpu.dma_semaphore, #tpu.memory_space<semaphore_mem>>, %arg33: memref<!tpu.dma_semaphore, #tpu.memory_space<semaphore_mem>>, %arg34: memref<!tpu.dma_semaphore, #tpu.memory_space<semaphore_mem>>, %arg35: memref<!tpu.dma_semaphore, #tpu.memory_space<semaphore_mem>>) attributes {dimension_semantics = [#tpu.dimension_semantics<core_parallel>, #tpu.dimension_semantics<subcore_parallel>], iteration_bounds = array<i64: 2, 16>, scalar_prefetch = 0 : i64, scratch_operands = 29 : i64, tpu.core_type = #tpu.core_type<sc_vector_subcore>, window_params = [{transform_indices = #map}, {transform_indices = #map1}, {transform_indices = #map1}, {transform_indices = #map}, {transform_indices = #map1}]} {
    %mul3A = arith.constant 2 : i32
    %mul3A_0 = arith.muli %arg1, %mul3A : i32
    %add3A = arith.addi %mul3A_0, %arg0 : i32
    %mul3A_1 = arith.constant 640 : i32
    %mul3A_2 = arith.muli %arg1, %mul3A_1 : i32
    "tpu.region"() ({
      %run_scoped3A = tpu.sem_alloc : memref<!tpu.dma_semaphore, #tpu.memory_space<semaphore_mem>>
      %dma_start3A_331 = arith.constant 0 : i32
      %dma_start3A_332 = tpu.memref_slice %arg19[%mul3A_2, %dma_start3A_331] : memref<10240x128xf32, #tpu.memory_space<vmem_shared>> -> memref<640x128xf32, #tpu.memory_space<vmem_shared>>
      tpu.enqueue_dma source(%arg5 : memref<640x128xf32, #tpu.memory_space<hbm>>) target(%dma_start3A_332 : memref<640x128xf32, #tpu.memory_space<vmem_shared>>) target_semaphore(%run_scoped3A : memref<!tpu.dma_semaphore, #tpu.memory_space<semaphore_mem>>)
      %dma_wait3A_333 = arith.constant 0 : i32
      %dma_wait3A_334 = tpu.memref_slice %arg19[%mul3A_2, %dma_wait3A_333] : memref<10240x128xf32, #tpu.memory_space<vmem_shared>> -> memref<640x128xf32, #tpu.memory_space<vmem_shared>>
      tpu.wait_dma2 semaphore(%run_scoped3A : memref<!tpu.dma_semaphore, #tpu.memory_space<semaphore_mem>>) src(%arg5 : memref<640x128xf32, #tpu.memory_space<hbm>>) dst(%dma_wait3A_334 : memref<640x128xf32, #tpu.memory_space<vmem_shared>>)
      tpu.yield
    }) : () -> ()
    %barrier3A = arith.constant 0 : index
    tpu.barrier barrier_id(%barrier3A)
    %dma_start3A = arith.constant 0 : i32
    %dma_start3A_3 = arith.constant 0 : i32
    %dma_start3A_4 = tpu.memref_slice %arg3[%add3A, %dma_start3A, %dma_start3A_3] : memref<32x128x80xi32, #tpu.memory_space<hbm>> -> memref<1x1x80xi32, #tpu.memory_space<hbm>>
    %dma_start3A_5 = tpu.memref_squeeze %dma_start3A_4 : memref<1x1x80xi32, #tpu.memory_space<hbm>> -> memref<80xi32, #tpu.memory_space<hbm>>
    %dma_start3A_6 = arith.constant 0 : i32
    %dma_start3A_7 = tpu.memref_slice %arg3[%add3A, %dma_start3A, %dma_start3A_6] : memref<32x128x80xi32, #tpu.memory_space<hbm>> -> memref<1x1x80xi32, #tpu.memory_space<hbm>>
    %dma_start3A_8 = tpu.memref_squeeze %dma_start3A_7 : memref<1x1x80xi32, #tpu.memory_space<hbm>> -> memref<80xi32, #tpu.memory_space<hbm>>
    tpu.enqueue_dma source(%dma_start3A_8 : memref<80xi32, #tpu.memory_space<hbm>>) target(%arg7 : memref<80xi32, #tpu.memory_space<vmem>>) target_semaphore(%arg20 : memref<!tpu.dma_semaphore, #tpu.memory_space<semaphore_mem>>)
    %dma_start3A_9 = arith.constant 1 : i32
    %dma_start3A_10 = arith.constant 0 : i32
    %dma_start3A_11 = tpu.memref_slice %arg3[%add3A, %dma_start3A_9, %dma_start3A_10] : memref<32x128x80xi32, #tpu.memory_space<hbm>> -> memref<1x1x80xi32, #tpu.memory_space<hbm>>
    %dma_start3A_12 = tpu.memref_squeeze %dma_start3A_11 : memref<1x1x80xi32, #tpu.memory_space<hbm>> -> memref<80xi32, #tpu.memory_space<hbm>>
    %dma_start3A_13 = arith.constant 0 : i32
    %dma_start3A_14 = tpu.memref_slice %arg3[%add3A, %dma_start3A_9, %dma_start3A_13] : memref<32x128x80xi32, #tpu.memory_space<hbm>> -> memref<1x1x80xi32, #tpu.memory_space<hbm>>
    %dma_start3A_15 = tpu.memref_squeeze %dma_start3A_14 : memref<1x1x80xi32, #tpu.memory_space<hbm>> -> memref<80xi32, #tpu.memory_space<hbm>>
    tpu.enqueue_dma source(%dma_start3A_15 : memref<80xi32, #tpu.memory_space<hbm>>) target(%arg8 : memref<80xi32, #tpu.memory_space<vmem>>) target_semaphore(%arg21 : memref<!tpu.dma_semaphore, #tpu.memory_space<semaphore_mem>>)
    %dma_start3A_16 = arith.constant 2 : i32
    %dma_start3A_17 = arith.constant 0 : i32
    %dma_start3A_18 = tpu.memref_slice %arg3[%add3A, %dma_start3A_16, %dma_start3A_17] : memref<32x128x80xi32, #tpu.memory_space<hbm>> -> memref<1x1x80xi32, #tpu.memory_space<hbm>>
    %dma_start3A_19 = tpu.memref_squeeze %dma_start3A_18 : memref<1x1x80xi32, #tpu.memory_space<hbm>> -> memref<80xi32, #tpu.memory_space<hbm>>
    %dma_start3A_20 = arith.constant 0 : i32
    %dma_start3A_21 = tpu.memref_slice %arg3[%add3A, %dma_start3A_16, %dma_start3A_20] : memref<32x128x80xi32, #tpu.memory_space<hbm>> -> memref<1x1x80xi32, #tpu.memory_space<hbm>>
    %dma_start3A_22 = tpu.memref_squeeze %dma_start3A_21 : memref<1x1x80xi32, #tpu.memory_space<hbm>> -> memref<80xi32, #tpu.memory_space<hbm>>
    tpu.enqueue_dma source(%dma_start3A_22 : memref<80xi32, #tpu.memory_space<hbm>>) target(%arg9 : memref<80xi32, #tpu.memory_space<vmem>>) target_semaphore(%arg22 : memref<!tpu.dma_semaphore, #tpu.memory_space<semaphore_mem>>)
    %dma_start3A_23 = arith.constant 3 : i32
    %dma_start3A_24 = arith.constant 0 : i32
    %dma_start3A_25 = tpu.memref_slice %arg3[%add3A, %dma_start3A_23, %dma_start3A_24] : memref<32x128x80xi32, #tpu.memory_space<hbm>> -> memref<1x1x80xi32, #tpu.memory_space<hbm>>
    %dma_start3A_26 = tpu.memref_squeeze %dma_start3A_25 : memref<1x1x80xi32, #tpu.memory_space<hbm>> -> memref<80xi32, #tpu.memory_space<hbm>>
    %dma_start3A_27 = arith.constant 0 : i32
    %dma_start3A_28 = tpu.memref_slice %arg3[%add3A, %dma_start3A_23, %dma_start3A_27] : memref<32x128x80xi32, #tpu.memory_space<hbm>> -> memref<1x1x80xi32, #tpu.memory_space<hbm>>
    %dma_start3A_29 = tpu.memref_squeeze %dma_start3A_28 : memref<1x1x80xi32, #tpu.memory_space<hbm>> -> memref<80xi32, #tpu.memory_space<hbm>>
    tpu.enqueue_dma source(%dma_start3A_29 : memref<80xi32, #tpu.memory_space<hbm>>) target(%arg10 : memref<80xi32, #tpu.memory_space<vmem>>) target_semaphore(%arg23 : memref<!tpu.dma_semaphore, #tpu.memory_space<semaphore_mem>>)
    %dma_start3A_30 = arith.constant 0 : i32
    %dma_start3A_31 = arith.constant 0 : i32
    %dma_start3A_32 = tpu.memref_slice %arg4[%add3A, %dma_start3A_30, %dma_start3A_31] : memref<32x128x80xi32, #tpu.memory_space<hbm>> -> memref<1x1x80xi32, #tpu.memory_space<hbm>>
    %dma_start3A_33 = tpu.memref_squeeze %dma_start3A_32 : memref<1x1x80xi32, #tpu.memory_space<hbm>> -> memref<80xi32, #tpu.memory_space<hbm>>
    %dma_start3A_34 = arith.constant 0 : i32
    %dma_start3A_35 = tpu.memref_slice %arg4[%add3A, %dma_start3A_30, %dma_start3A_34] : memref<32x128x80xi32, #tpu.memory_space<hbm>> -> memref<1x1x80xi32, #tpu.memory_space<hbm>>
    %dma_start3A_36 = tpu.memref_squeeze %dma_start3A_35 : memref<1x1x80xi32, #tpu.memory_space<hbm>> -> memref<80xi32, #tpu.memory_space<hbm>>
    tpu.enqueue_dma source(%dma_start3A_36 : memref<80xi32, #tpu.memory_space<hbm>>) target(%arg11 : memref<80xi32, #tpu.memory_space<vmem>>) target_semaphore(%arg24 : memref<!tpu.dma_semaphore, #tpu.memory_space<semaphore_mem>>)
    %dma_wait3A = arith.constant 0 : i32
    %dma_wait3A_37 = arith.constant 0 : i32
    %dma_wait3A_38 = tpu.memref_slice %arg3[%add3A, %dma_wait3A, %dma_wait3A_37] : memref<32x128x80xi32, #tpu.memory_space<hbm>> -> memref<1x1x80xi32, #tpu.memory_space<hbm>>
    %dma_wait3A_39 = tpu.memref_squeeze %dma_wait3A_38 : memref<1x1x80xi32, #tpu.memory_space<hbm>> -> memref<80xi32, #tpu.memory_space<hbm>>
    %dma_wait3A_40 = arith.constant 0 : i32
    %dma_wait3A_41 = tpu.memref_slice %arg3[%add3A, %dma_wait3A, %dma_wait3A_40] : memref<32x128x80xi32, #tpu.memory_space<hbm>> -> memref<1x1x80xi32, #tpu.memory_space<hbm>>
    %dma_wait3A_42 = tpu.memref_squeeze %dma_wait3A_41 : memref<1x1x80xi32, #tpu.memory_space<hbm>> -> memref<80xi32, #tpu.memory_space<hbm>>
    tpu.wait_dma2 semaphore(%arg20 : memref<!tpu.dma_semaphore, #tpu.memory_space<semaphore_mem>>) src(%dma_wait3A_42 : memref<80xi32, #tpu.memory_space<hbm>>) dst(%arg7 : memref<80xi32, #tpu.memory_space<vmem>>)
    %dma_start3A_43 = arith.constant 0 : i32
    %dma_start3A_44 = arith.constant 0 : i32
    %dma_start3A_45 = tpu.memref_slice %arg2[%dma_start3A_43, %dma_start3A_44] : memref<10240x128xf32, #tpu.memory_space<hbm>> -> memref<10240x128xf32, #tpu.memory_space<hbm>>
    tpu.enqueue_indirect_dma source(%dma_start3A_45 : memref<10240x128xf32, #tpu.memory_space<hbm>>) target(%arg15 : memref<80x128xf32, #tpu.memory_space<vmem>>) offsets(%arg7 : memref<80xi32, #tpu.memory_space<vmem>>) semaphore(%arg28 : memref<!tpu.dma_semaphore, #tpu.memory_space<semaphore_mem>>)
    %dma_wait3A_46 = arith.constant 0 : i32
    %dma_wait3A_47 = arith.constant 0 : i32
    %dma_wait3A_48 = tpu.memref_slice %arg2[%dma_wait3A_46, %dma_wait3A_47] : memref<10240x128xf32, #tpu.memory_space<hbm>> -> memref<10240x128xf32, #tpu.memory_space<hbm>>
    tpu.wait_indirect_dma semaphore(%arg28 : memref<!tpu.dma_semaphore, #tpu.memory_space<semaphore_mem>>) src(%dma_wait3A_48 : memref<10240x128xf32, #tpu.memory_space<hbm>>) dst(%arg15 : memref<80x128xf32, #tpu.memory_space<vmem>>)
    %dma_start3A_49 = arith.constant 4 : i32
    %dma_start3A_50 = arith.constant 0 : i32
    %dma_start3A_51 = tpu.memref_slice %arg3[%add3A, %dma_start3A_49, %dma_start3A_50] : memref<32x128x80xi32, #tpu.memory_space<hbm>> -> memref<1x1x80xi32, #tpu.memory_space<hbm>>
    %dma_start3A_52 = tpu.memref_squeeze %dma_start3A_51 : memref<1x1x80xi32, #tpu.memory_space<hbm>> -> memref<80xi32, #tpu.memory_space<hbm>>
    %dma_start3A_53 = arith.constant 0 : i32
    %dma_start3A_54 = tpu.memref_slice %arg3[%add3A, %dma_start3A_49, %dma_start3A_53] : memref<32x128x80xi32, #tpu.memory_space<hbm>> -> memref<1x1x80xi32, #tpu.memory_space<hbm>>
    %dma_start3A_55 = tpu.memref_squeeze %dma_start3A_54 : memref<1x1x80xi32, #tpu.memory_space<hbm>> -> memref<80xi32, #tpu.memory_space<hbm>>
    tpu.enqueue_dma source(%dma_start3A_55 : memref<80xi32, #tpu.memory_space<hbm>>) target(%arg7 : memref<80xi32, #tpu.memory_space<vmem>>) target_semaphore(%arg20 : memref<!tpu.dma_semaphore, #tpu.memory_space<semaphore_mem>>)
    %dma_wait3A_56 = arith.constant 0 : i32
    %dma_wait3A_57 = arith.constant 0 : i32
    %dma_wait3A_58 = tpu.memref_slice %arg4[%add3A, %dma_wait3A_56, %dma_wait3A_57] : memref<32x128x80xi32, #tpu.memory_space<hbm>> -> memref<1x1x80xi32, #tpu.memory_space<hbm>>
    %dma_wait3A_59 = tpu.memref_squeeze %dma_wait3A_58 : memref<1x1x80xi32, #tpu.memory_space<hbm>> -> memref<80xi32, #tpu.memory_space<hbm>>
    %dma_wait3A_60 = arith.constant 0 : i32
    %dma_wait3A_61 = tpu.memref_slice %arg4[%add3A, %dma_wait3A_56, %dma_wait3A_60] : memref<32x128x80xi32, #tpu.memory_space<hbm>> -> memref<1x1x80xi32, #tpu.memory_space<hbm>>
    %dma_wait3A_62 = tpu.memref_squeeze %dma_wait3A_61 : memref<1x1x80xi32, #tpu.memory_space<hbm>> -> memref<80xi32, #tpu.memory_space<hbm>>
    tpu.wait_dma2 semaphore(%arg24 : memref<!tpu.dma_semaphore, #tpu.memory_space<semaphore_mem>>) src(%dma_wait3A_62 : memref<80xi32, #tpu.memory_space<hbm>>) dst(%arg11 : memref<80xi32, #tpu.memory_space<vmem>>)
    %dma_start3A_63 = arith.constant 0 : i32
    %dma_start3A_64 = arith.constant 0 : i32
    %dma_start3A_65 = tpu.memref_slice %arg19[%dma_start3A_63, %dma_start3A_64] : memref<10240x128xf32, #tpu.memory_space<vmem_shared>> -> memref<10240x128xf32, #tpu.memory_space<vmem_shared>>
    tpu.enqueue_indirect_dma source(%arg15 : memref<80x128xf32, #tpu.memory_space<vmem>>) target(%dma_start3A_65 : memref<10240x128xf32, #tpu.memory_space<vmem_shared>>) offsets(%arg11 : memref<80xi32, #tpu.memory_space<vmem>>) semaphore(%arg32 : memref<!tpu.dma_semaphore, #tpu.memory_space<semaphore_mem>>) {add = true}
    %dma_wait3A_66 = arith.constant 1 : i32
    %dma_wait3A_67 = arith.constant 0 : i32
    %dma_wait3A_68 = tpu.memref_slice %arg3[%add3A, %dma_wait3A_66, %dma_wait3A_67] : memref<32x128x80xi32, #tpu.memory_space<hbm>> -> memref<1x1x80xi32, #tpu.memory_space<hbm>>
    %dma_wait3A_69 = tpu.memref_squeeze %dma_wait3A_68 : memref<1x1x80xi32, #tpu.memory_space<hbm>> -> memref<80xi32, #tpu.memory_space<hbm>>
    %dma_wait3A_70 = arith.constant 0 : i32
    %dma_wait3A_71 = tpu.memref_slice %arg3[%add3A, %dma_wait3A_66, %dma_wait3A_70] : memref<32x128x80xi32, #tpu.memory_space<hbm>> -> memref<1x1x80xi32, #tpu.memory_space<hbm>>
    %dma_wait3A_72 = tpu.memref_squeeze %dma_wait3A_71 : memref<1x1x80xi32, #tpu.memory_space<hbm>> -> memref<80xi32, #tpu.memory_space<hbm>>
    tpu.wait_dma2 semaphore(%arg21 : memref<!tpu.dma_semaphore, #tpu.memory_space<semaphore_mem>>) src(%dma_wait3A_72 : memref<80xi32, #tpu.memory_space<hbm>>) dst(%arg8 : memref<80xi32, #tpu.memory_space<vmem>>)
    %dma_start3A_73 = arith.constant 1 : i32
    %dma_start3A_74 = arith.constant 0 : i32
    %dma_start3A_75 = tpu.memref_slice %arg4[%add3A, %dma_start3A_73, %dma_start3A_74] : memref<32x128x80xi32, #tpu.memory_space<hbm>> -> memref<1x1x80xi32, #tpu.memory_space<hbm>>
    %dma_start3A_76 = tpu.memref_squeeze %dma_start3A_75 : memref<1x1x80xi32, #tpu.memory_space<hbm>> -> memref<80xi32, #tpu.memory_space<hbm>>
    %dma_start3A_77 = arith.constant 0 : i32
    %dma_start3A_78 = tpu.memref_slice %arg4[%add3A, %dma_start3A_73, %dma_start3A_77] : memref<32x128x80xi32, #tpu.memory_space<hbm>> -> memref<1x1x80xi32, #tpu.memory_space<hbm>>
    %dma_start3A_79 = tpu.memref_squeeze %dma_start3A_78 : memref<1x1x80xi32, #tpu.memory_space<hbm>> -> memref<80xi32, #tpu.memory_space<hbm>>
    tpu.enqueue_dma source(%dma_start3A_79 : memref<80xi32, #tpu.memory_space<hbm>>) target(%arg12 : memref<80xi32, #tpu.memory_space<vmem>>) target_semaphore(%arg25 : memref<!tpu.dma_semaphore, #tpu.memory_space<semaphore_mem>>)
    %dma_start3A_80 = arith.constant 0 : i32
    %dma_start3A_81 = arith.constant 0 : i32
    %dma_start3A_82 = tpu.memref_slice %arg2[%dma_start3A_80, %dma_start3A_81] : memref<10240x128xf32, #tpu.memory_space<hbm>> -> memref<10240x128xf32, #tpu.memory_space<hbm>>
    tpu.enqueue_indirect_dma source(%dma_start3A_82 : memref<10240x128xf32, #tpu.memory_space<hbm>>) target(%arg16 : memref<80x128xf32, #tpu.memory_space<vmem>>) offsets(%arg8 : memref<80xi32, #tpu.memory_space<vmem>>) semaphore(%arg29 : memref<!tpu.dma_semaphore, #tpu.memory_space<semaphore_mem>>)
    %dma_wait3A_83 = arith.constant 0 : i32
    %dma_wait3A_84 = arith.constant 0 : i32
    %dma_wait3A_85 = tpu.memref_slice %arg2[%dma_wait3A_83, %dma_wait3A_84] : memref<10240x128xf32, #tpu.memory_space<hbm>> -> memref<10240x128xf32, #tpu.memory_space<hbm>>
    tpu.wait_indirect_dma semaphore(%arg29 : memref<!tpu.dma_semaphore, #tpu.memory_space<semaphore_mem>>) src(%dma_wait3A_85 : memref<10240x128xf32, #tpu.memory_space<hbm>>) dst(%arg16 : memref<80x128xf32, #tpu.memory_space<vmem>>)
    %dma_start3A_86 = arith.constant 5 : i32
    %dma_start3A_87 = arith.constant 0 : i32
    %dma_start3A_88 = tpu.memref_slice %arg3[%add3A, %dma_start3A_86, %dma_start3A_87] : memref<32x128x80xi32, #tpu.memory_space<hbm>> -> memref<1x1x80xi32, #tpu.memory_space<hbm>>
    %dma_start3A_89 = tpu.memref_squeeze %dma_start3A_88 : memref<1x1x80xi32, #tpu.memory_space<hbm>> -> memref<80xi32, #tpu.memory_space<hbm>>
    %dma_start3A_90 = arith.constant 0 : i32
    %dma_start3A_91 = tpu.memref_slice %arg3[%add3A, %dma_start3A_86, %dma_start3A_90] : memref<32x128x80xi32, #tpu.memory_space<hbm>> -> memref<1x1x80xi32, #tpu.memory_space<hbm>>
    %dma_start3A_92 = tpu.memref_squeeze %dma_start3A_91 : memref<1x1x80xi32, #tpu.memory_space<hbm>> -> memref<80xi32, #tpu.memory_space<hbm>>
    tpu.enqueue_dma source(%dma_start3A_92 : memref<80xi32, #tpu.memory_space<hbm>>) target(%arg8 : memref<80xi32, #tpu.memory_space<vmem>>) target_semaphore(%arg21 : memref<!tpu.dma_semaphore, #tpu.memory_space<semaphore_mem>>)
    %dma_wait3A_93 = arith.constant 1 : i32
    %dma_wait3A_94 = arith.constant 0 : i32
    %dma_wait3A_95 = tpu.memref_slice %arg4[%add3A, %dma_wait3A_93, %dma_wait3A_94] : memref<32x128x80xi32, #tpu.memory_space<hbm>> -> memref<1x1x80xi32, #tpu.memory_space<hbm>>
    %dma_wait3A_96 = tpu.memref_squeeze %dma_wait3A_95 : memref<1x1x80xi32, #tpu.memory_space<hbm>> -> memref<80xi32, #tpu.memory_space<hbm>>
    %dma_wait3A_97 = arith.constant 0 : i32
    %dma_wait3A_98 = tpu.memref_slice %arg4[%add3A, %dma_wait3A_93, %dma_wait3A_97] : memref<32x128x80xi32, #tpu.memory_space<hbm>> -> memref<1x1x80xi32, #tpu.memory_space<hbm>>
    %dma_wait3A_99 = tpu.memref_squeeze %dma_wait3A_98 : memref<1x1x80xi32, #tpu.memory_space<hbm>> -> memref<80xi32, #tpu.memory_space<hbm>>
    tpu.wait_dma2 semaphore(%arg25 : memref<!tpu.dma_semaphore, #tpu.memory_space<semaphore_mem>>) src(%dma_wait3A_99 : memref<80xi32, #tpu.memory_space<hbm>>) dst(%arg12 : memref<80xi32, #tpu.memory_space<vmem>>)
    %dma_start3A_100 = arith.constant 0 : i32
    %dma_start3A_101 = arith.constant 0 : i32
    %dma_start3A_102 = tpu.memref_slice %arg19[%dma_start3A_100, %dma_start3A_101] : memref<10240x128xf32, #tpu.memory_space<vmem_shared>> -> memref<10240x128xf32, #tpu.memory_space<vmem_shared>>
    tpu.enqueue_indirect_dma source(%arg16 : memref<80x128xf32, #tpu.memory_space<vmem>>) target(%dma_start3A_102 : memref<10240x128xf32, #tpu.memory_space<vmem_shared>>) offsets(%arg12 : memref<80xi32, #tpu.memory_space<vmem>>) semaphore(%arg33 : memref<!tpu.dma_semaphore, #tpu.memory_space<semaphore_mem>>) {add = true}
    %dma_wait3A_103 = arith.constant 2 : i32
    %dma_wait3A_104 = arith.constant 0 : i32
    %dma_wait3A_105 = tpu.memref_slice %arg3[%add3A, %dma_wait3A_103, %dma_wait3A_104] : memref<32x128x80xi32, #tpu.memory_space<hbm>> -> memref<1x1x80xi32, #tpu.memory_space<hbm>>
    %dma_wait3A_106 = tpu.memref_squeeze %dma_wait3A_105 : memref<1x1x80xi32, #tpu.memory_space<hbm>> -> memref<80xi32, #tpu.memory_space<hbm>>
    %dma_wait3A_107 = arith.constant 0 : i32
    %dma_wait3A_108 = tpu.memref_slice %arg3[%add3A, %dma_wait3A_103, %dma_wait3A_107] : memref<32x128x80xi32, #tpu.memory_space<hbm>> -> memref<1x1x80xi32, #tpu.memory_space<hbm>>
    %dma_wait3A_109 = tpu.memref_squeeze %dma_wait3A_108 : memref<1x1x80xi32, #tpu.memory_space<hbm>> -> memref<80xi32, #tpu.memory_space<hbm>>
    tpu.wait_dma2 semaphore(%arg22 : memref<!tpu.dma_semaphore, #tpu.memory_space<semaphore_mem>>) src(%dma_wait3A_109 : memref<80xi32, #tpu.memory_space<hbm>>) dst(%arg9 : memref<80xi32, #tpu.memory_space<vmem>>)
    %dma_start3A_110 = arith.constant 2 : i32
    %dma_start3A_111 = arith.constant 0 : i32
    %dma_start3A_112 = tpu.memref_slice %arg4[%add3A, %dma_start3A_110, %dma_start3A_111] : memref<32x128x80xi32, #tpu.memory_space<hbm>> -> memref<1x1x80xi32, #tpu.memory_space<hbm>>
    %dma_start3A_113 = tpu.memref_squeeze %dma_start3A_112 : memref<1x1x80xi32, #tpu.memory_space<hbm>> -> memref<80xi32, #tpu.memory_space<hbm>>
    %dma_start3A_114 = arith.constant 0 : i32
    %dma_start3A_115 = tpu.memref_slice %arg4[%add3A, %dma_start3A_110, %dma_start3A_114] : memref<32x128x80xi32, #tpu.memory_space<hbm>> -> memref<1x1x80xi32, #tpu.memory_space<hbm>>
    %dma_start3A_116 = tpu.memref_squeeze %dma_start3A_115 : memref<1x1x80xi32, #tpu.memory_space<hbm>> -> memref<80xi32, #tpu.memory_space<hbm>>
    tpu.enqueue_dma source(%dma_start3A_116 : memref<80xi32, #tpu.memory_space<hbm>>) target(%arg13 : memref<80xi32, #tpu.memory_space<vmem>>) target_semaphore(%arg26 : memref<!tpu.dma_semaphore, #tpu.memory_space<semaphore_mem>>)
    %dma_start3A_117 = arith.constant 0 : i32
    %dma_start3A_118 = arith.constant 0 : i32
    %dma_start3A_119 = tpu.memref_slice %arg2[%dma_start3A_117, %dma_start3A_118] : memref<10240x128xf32, #tpu.memory_space<hbm>> -> memref<10240x128xf32, #tpu.memory_space<hbm>>
    tpu.enqueue_indirect_dma source(%dma_start3A_119 : memref<10240x128xf32, #tpu.memory_space<hbm>>) target(%arg17 : memref<80x128xf32, #tpu.memory_space<vmem>>) offsets(%arg9 : memref<80xi32, #tpu.memory_space<vmem>>) semaphore(%arg30 : memref<!tpu.dma_semaphore, #tpu.memory_space<semaphore_mem>>)
    %dma_wait3A_120 = arith.constant 0 : i32
    %dma_wait3A_121 = arith.constant 0 : i32
    %dma_wait3A_122 = tpu.memref_slice %arg2[%dma_wait3A_120, %dma_wait3A_121] : memref<10240x128xf32, #tpu.memory_space<hbm>> -> memref<10240x128xf32, #tpu.memory_space<hbm>>
    tpu.wait_indirect_dma semaphore(%arg30 : memref<!tpu.dma_semaphore, #tpu.memory_space<semaphore_mem>>) src(%dma_wait3A_122 : memref<10240x128xf32, #tpu.memory_space<hbm>>) dst(%arg17 : memref<80x128xf32, #tpu.memory_space<vmem>>)
    %dma_start3A_123 = arith.constant 6 : i32
    %dma_start3A_124 = arith.constant 0 : i32
    %dma_start3A_125 = tpu.memref_slice %arg3[%add3A, %dma_start3A_123, %dma_start3A_124] : memref<32x128x80xi32, #tpu.memory_space<hbm>> -> memref<1x1x80xi32, #tpu.memory_space<hbm>>
    %dma_start3A_126 = tpu.memref_squeeze %dma_start3A_125 : memref<1x1x80xi32, #tpu.memory_space<hbm>> -> memref<80xi32, #tpu.memory_space<hbm>>
    %dma_start3A_127 = arith.constant 0 : i32
    %dma_start3A_128 = tpu.memref_slice %arg3[%add3A, %dma_start3A_123, %dma_start3A_127] : memref<32x128x80xi32, #tpu.memory_space<hbm>> -> memref<1x1x80xi32, #tpu.memory_space<hbm>>
    %dma_start3A_129 = tpu.memref_squeeze %dma_start3A_128 : memref<1x1x80xi32, #tpu.memory_space<hbm>> -> memref<80xi32, #tpu.memory_space<hbm>>
    tpu.enqueue_dma source(%dma_start3A_129 : memref<80xi32, #tpu.memory_space<hbm>>) target(%arg9 : memref<80xi32, #tpu.memory_space<vmem>>) target_semaphore(%arg22 : memref<!tpu.dma_semaphore, #tpu.memory_space<semaphore_mem>>)
    %dma_wait3A_130 = arith.constant 2 : i32
    %dma_wait3A_131 = arith.constant 0 : i32
    %dma_wait3A_132 = tpu.memref_slice %arg4[%add3A, %dma_wait3A_130, %dma_wait3A_131] : memref<32x128x80xi32, #tpu.memory_space<hbm>> -> memref<1x1x80xi32, #tpu.memory_space<hbm>>
    %dma_wait3A_133 = tpu.memref_squeeze %dma_wait3A_132 : memref<1x1x80xi32, #tpu.memory_space<hbm>> -> memref<80xi32, #tpu.memory_space<hbm>>
    %dma_wait3A_134 = arith.constant 0 : i32
    %dma_wait3A_135 = tpu.memref_slice %arg4[%add3A, %dma_wait3A_130, %dma_wait3A_134] : memref<32x128x80xi32, #tpu.memory_space<hbm>> -> memref<1x1x80xi32, #tpu.memory_space<hbm>>
    %dma_wait3A_136 = tpu.memref_squeeze %dma_wait3A_135 : memref<1x1x80xi32, #tpu.memory_space<hbm>> -> memref<80xi32, #tpu.memory_space<hbm>>
    tpu.wait_dma2 semaphore(%arg26 : memref<!tpu.dma_semaphore, #tpu.memory_space<semaphore_mem>>) src(%dma_wait3A_136 : memref<80xi32, #tpu.memory_space<hbm>>) dst(%arg13 : memref<80xi32, #tpu.memory_space<vmem>>)
    %dma_start3A_137 = arith.constant 0 : i32
    %dma_start3A_138 = arith.constant 0 : i32
    %dma_start3A_139 = tpu.memref_slice %arg19[%dma_start3A_137, %dma_start3A_138] : memref<10240x128xf32, #tpu.memory_space<vmem_shared>> -> memref<10240x128xf32, #tpu.memory_space<vmem_shared>>
    tpu.enqueue_indirect_dma source(%arg17 : memref<80x128xf32, #tpu.memory_space<vmem>>) target(%dma_start3A_139 : memref<10240x128xf32, #tpu.memory_space<vmem_shared>>) offsets(%arg13 : memref<80xi32, #tpu.memory_space<vmem>>) semaphore(%arg34 : memref<!tpu.dma_semaphore, #tpu.memory_space<semaphore_mem>>) {add = true}
    %dma_wait3A_140 = arith.constant 3 : i32
    %dma_wait3A_141 = arith.constant 0 : i32
    %dma_wait3A_142 = tpu.memref_slice %arg3[%add3A, %dma_wait3A_140, %dma_wait3A_141] : memref<32x128x80xi32, #tpu.memory_space<hbm>> -> memref<1x1x80xi32, #tpu.memory_space<hbm>>
    %dma_wait3A_143 = tpu.memref_squeeze %dma_wait3A_142 : memref<1x1x80xi32, #tpu.memory_space<hbm>> -> memref<80xi32, #tpu.memory_space<hbm>>
    %dma_wait3A_144 = arith.constant 0 : i32
    %dma_wait3A_145 = tpu.memref_slice %arg3[%add3A, %dma_wait3A_140, %dma_wait3A_144] : memref<32x128x80xi32, #tpu.memory_space<hbm>> -> memref<1x1x80xi32, #tpu.memory_space<hbm>>
    %dma_wait3A_146 = tpu.memref_squeeze %dma_wait3A_145 : memref<1x1x80xi32, #tpu.memory_space<hbm>> -> memref<80xi32, #tpu.memory_space<hbm>>
    tpu.wait_dma2 semaphore(%arg23 : memref<!tpu.dma_semaphore, #tpu.memory_space<semaphore_mem>>) src(%dma_wait3A_146 : memref<80xi32, #tpu.memory_space<hbm>>) dst(%arg10 : memref<80xi32, #tpu.memory_space<vmem>>)
    %dma_start3A_147 = arith.constant 3 : i32
    %dma_start3A_148 = arith.constant 0 : i32
    %dma_start3A_149 = tpu.memref_slice %arg4[%add3A, %dma_start3A_147, %dma_start3A_148] : memref<32x128x80xi32, #tpu.memory_space<hbm>> -> memref<1x1x80xi32, #tpu.memory_space<hbm>>
    %dma_start3A_150 = tpu.memref_squeeze %dma_start3A_149 : memref<1x1x80xi32, #tpu.memory_space<hbm>> -> memref<80xi32, #tpu.memory_space<hbm>>
    %dma_start3A_151 = arith.constant 0 : i32
    %dma_start3A_152 = tpu.memref_slice %arg4[%add3A, %dma_start3A_147, %dma_start3A_151] : memref<32x128x80xi32, #tpu.memory_space<hbm>> -> memref<1x1x80xi32, #tpu.memory_space<hbm>>
    %dma_start3A_153 = tpu.memref_squeeze %dma_start3A_152 : memref<1x1x80xi32, #tpu.memory_space<hbm>> -> memref<80xi32, #tpu.memory_space<hbm>>
    tpu.enqueue_dma source(%dma_start3A_153 : memref<80xi32, #tpu.memory_space<hbm>>) target(%arg14 : memref<80xi32, #tpu.memory_space<vmem>>) target_semaphore(%arg27 : memref<!tpu.dma_semaphore, #tpu.memory_space<semaphore_mem>>)
    %dma_start3A_154 = arith.constant 0 : i32
    %dma_start3A_155 = arith.constant 0 : i32
    %dma_start3A_156 = tpu.memref_slice %arg2[%dma_start3A_154, %dma_start3A_155] : memref<10240x128xf32, #tpu.memory_space<hbm>> -> memref<10240x128xf32, #tpu.memory_space<hbm>>
    tpu.enqueue_indirect_dma source(%dma_start3A_156 : memref<10240x128xf32, #tpu.memory_space<hbm>>) target(%arg18 : memref<80x128xf32, #tpu.memory_space<vmem>>) offsets(%arg10 : memref<80xi32, #tpu.memory_space<vmem>>) semaphore(%arg31 : memref<!tpu.dma_semaphore, #tpu.memory_space<semaphore_mem>>)
    %dma_wait3A_157 = arith.constant 0 : i32
    %dma_wait3A_158 = arith.constant 0 : i32
    %dma_wait3A_159 = tpu.memref_slice %arg2[%dma_wait3A_157, %dma_wait3A_158] : memref<10240x128xf32, #tpu.memory_space<hbm>> -> memref<10240x128xf32, #tpu.memory_space<hbm>>
    tpu.wait_indirect_dma semaphore(%arg31 : memref<!tpu.dma_semaphore, #tpu.memory_space<semaphore_mem>>) src(%dma_wait3A_159 : memref<10240x128xf32, #tpu.memory_space<hbm>>) dst(%arg18 : memref<80x128xf32, #tpu.memory_space<vmem>>)
    %dma_start3A_160 = arith.constant 7 : i32
    %dma_start3A_161 = arith.constant 0 : i32
    %dma_start3A_162 = tpu.memref_slice %arg3[%add3A, %dma_start3A_160, %dma_start3A_161] : memref<32x128x80xi32, #tpu.memory_space<hbm>> -> memref<1x1x80xi32, #tpu.memory_space<hbm>>
    %dma_start3A_163 = tpu.memref_squeeze %dma_start3A_162 : memref<1x1x80xi32, #tpu.memory_space<hbm>> -> memref<80xi32, #tpu.memory_space<hbm>>
    %dma_start3A_164 = arith.constant 0 : i32
    %dma_start3A_165 = tpu.memref_slice %arg3[%add3A, %dma_start3A_160, %dma_start3A_164] : memref<32x128x80xi32, #tpu.memory_space<hbm>> -> memref<1x1x80xi32, #tpu.memory_space<hbm>>
    %dma_start3A_166 = tpu.memref_squeeze %dma_start3A_165 : memref<1x1x80xi32, #tpu.memory_space<hbm>> -> memref<80xi32, #tpu.memory_space<hbm>>
    tpu.enqueue_dma source(%dma_start3A_166 : memref<80xi32, #tpu.memory_space<hbm>>) target(%arg10 : memref<80xi32, #tpu.memory_space<vmem>>) target_semaphore(%arg23 : memref<!tpu.dma_semaphore, #tpu.memory_space<semaphore_mem>>)
    %dma_wait3A_167 = arith.constant 3 : i32
    %dma_wait3A_168 = arith.constant 0 : i32
    %dma_wait3A_169 = tpu.memref_slice %arg4[%add3A, %dma_wait3A_167, %dma_wait3A_168] : memref<32x128x80xi32, #tpu.memory_space<hbm>> -> memref<1x1x80xi32, #tpu.memory_space<hbm>>
    %dma_wait3A_170 = tpu.memref_squeeze %dma_wait3A_169 : memref<1x1x80xi32, #tpu.memory_space<hbm>> -> memref<80xi32, #tpu.memory_space<hbm>>
    %dma_wait3A_171 = arith.constant 0 : i32
    %dma_wait3A_172 = tpu.memref_slice %arg4[%add3A, %dma_wait3A_167, %dma_wait3A_171] : memref<32x128x80xi32, #tpu.memory_space<hbm>> -> memref<1x1x80xi32, #tpu.memory_space<hbm>>
    %dma_wait3A_173 = tpu.memref_squeeze %dma_wait3A_172 : memref<1x1x80xi32, #tpu.memory_space<hbm>> -> memref<80xi32, #tpu.memory_space<hbm>>
    tpu.wait_dma2 semaphore(%arg27 : memref<!tpu.dma_semaphore, #tpu.memory_space<semaphore_mem>>) src(%dma_wait3A_173 : memref<80xi32, #tpu.memory_space<hbm>>) dst(%arg14 : memref<80xi32, #tpu.memory_space<vmem>>)
    %dma_start3A_174 = arith.constant 0 : i32
    %dma_start3A_175 = arith.constant 0 : i32
    %dma_start3A_176 = tpu.memref_slice %arg19[%dma_start3A_174, %dma_start3A_175] : memref<10240x128xf32, #tpu.memory_space<vmem_shared>> -> memref<10240x128xf32, #tpu.memory_space<vmem_shared>>
    tpu.enqueue_indirect_dma source(%arg18 : memref<80x128xf32, #tpu.memory_space<vmem>>) target(%dma_start3A_176 : memref<10240x128xf32, #tpu.memory_space<vmem_shared>>) offsets(%arg14 : memref<80xi32, #tpu.memory_space<vmem>>) semaphore(%arg35 : memref<!tpu.dma_semaphore, #tpu.memory_space<semaphore_mem>>) {add = true}
    %dma_wait3A_177 = arith.constant 4 : i32
    %dma_wait3A_178 = arith.constant 0 : i32
    %dma_wait3A_179 = tpu.memref_slice %arg3[%add3A, %dma_wait3A_177, %dma_wait3A_178] : memref<32x128x80xi32, #tpu.memory_space<hbm>> -> memref<1x1x80xi32, #tpu.memory_space<hbm>>
    %dma_wait3A_180 = tpu.memref_squeeze %dma_wait3A_179 : memref<1x1x80xi32, #tpu.memory_space<hbm>> -> memref<80xi32, #tpu.memory_space<hbm>>
    %dma_wait3A_181 = arith.constant 0 : i32
    %dma_wait3A_182 = tpu.memref_slice %arg3[%add3A, %dma_wait3A_177, %dma_wait3A_181] : memref<32x128x80xi32, #tpu.memory_space<hbm>> -> memref<1x1x80xi32, #tpu.memory_space<hbm>>
    %dma_wait3A_183 = tpu.memref_squeeze %dma_wait3A_182 : memref<1x1x80xi32, #tpu.memory_space<hbm>> -> memref<80xi32, #tpu.memory_space<hbm>>
    tpu.wait_dma2 semaphore(%arg20 : memref<!tpu.dma_semaphore, #tpu.memory_space<semaphore_mem>>) src(%dma_wait3A_183 : memref<80xi32, #tpu.memory_space<hbm>>) dst(%arg7 : memref<80xi32, #tpu.memory_space<vmem>>)
    %dma_wait3A_184 = arith.constant 0 : i32
    %dma_wait3A_185 = arith.constant 0 : i32
    %dma_wait3A_186 = tpu.memref_slice %arg19[%dma_wait3A_184, %dma_wait3A_185] : memref<10240x128xf32, #tpu.memory_space<vmem_shared>> -> memref<10240x128xf32, #tpu.memory_space<vmem_shared>>
    tpu.wait_indirect_dma semaphore(%arg32 : memref<!tpu.dma_semaphore, #tpu.memory_space<semaphore_mem>>) src(%arg15 : memref<80x128xf32, #tpu.memory_space<vmem>>) dst(%dma_wait3A_186 : memref<10240x128xf32, #tpu.memory_space<vmem_shared>>)
    %dma_start3A_187 = arith.constant 4 : i32
    %dma_start3A_188 = arith.constant 0 : i32
    %dma_start3A_189 = tpu.memref_slice %arg4[%add3A, %dma_start3A_187, %dma_start3A_188] : memref<32x128x80xi32, #tpu.memory_space<hbm>> -> memref<1x1x80xi32, #tpu.memory_space<hbm>>
    %dma_start3A_190 = tpu.memref_squeeze %dma_start3A_189 : memref<1x1x80xi32, #tpu.memory_space<hbm>> -> memref<80xi32, #tpu.memory_space<hbm>>
    %dma_start3A_191 = arith.constant 0 : i32
    %dma_start3A_192 = tpu.memref_slice %arg4[%add3A, %dma_start3A_187, %dma_start3A_191] : memref<32x128x80xi32, #tpu.memory_space<hbm>> -> memref<1x1x80xi32, #tpu.memory_space<hbm>>
    %dma_start3A_193 = tpu.memref_squeeze %dma_start3A_192 : memref<1x1x80xi32, #tpu.memory_space<hbm>> -> memref<80xi32, #tpu.memory_space<hbm>>
    tpu.enqueue_dma source(%dma_start3A_193 : memref<80xi32, #tpu.memory_space<hbm>>) target(%arg11 : memref<80xi32, #tpu.memory_space<vmem>>) target_semaphore(%arg24 : memref<!tpu.dma_semaphore, #tpu.memory_space<semaphore_mem>>)
    %dma_start3A_194 = arith.constant 0 : i32
    %dma_start3A_195 = arith.constant 0 : i32
    %dma_start3A_196 = tpu.memref_slice %arg2[%dma_start3A_194, %dma_start3A_195] : memref<10240x128xf32, #tpu.memory_space<hbm>> -> memref<10240x128xf32, #tpu.memory_space<hbm>>
    tpu.enqueue_indirect_dma source(%dma_start3A_196 : memref<10240x128xf32, #tpu.memory_space<hbm>>) target(%arg15 : memref<80x128xf32, #tpu.memory_space<vmem>>) offsets(%arg7 : memref<80xi32, #tpu.memory_space<vmem>>) semaphore(%arg28 : memref<!tpu.dma_semaphore, #tpu.memory_space<semaphore_mem>>)
    %scan3A = arith.constant 0 : i32
    %scan3A_197 = arith.constant 1 : i32
    %scan3A_198 = arith.constant 30 : i32
    %scan3A_199 = arith.addi %scan3A_197, %scan3A_198 : i32
    %scan3A_200 = arith.constant 1 : i32
    scf.for %scan3A_331 = %scan3A_197 to %scan3A_199 step %scan3A_200  : i32 {
      %mul3A_332 = arith.constant 4 : i32
      %mul3A_333 = arith.muli %mul3A_332, %scan3A_331 : i32
      %add3A_334 = arith.constant 0 : i32
      %add3A_335 = arith.addi %mul3A_333, %add3A_334 : i32
      %dma_wait3A_336 = arith.constant 0 : i32
      %dma_wait3A_337 = arith.constant 0 : i32
      %dma_wait3A_338 = tpu.memref_slice %arg2[%dma_wait3A_336, %dma_wait3A_337] : memref<10240x128xf32, #tpu.memory_space<hbm>> -> memref<10240x128xf32, #tpu.memory_space<hbm>>
      tpu.wait_indirect_dma semaphore(%arg28 : memref<!tpu.dma_semaphore, #tpu.memory_space<semaphore_mem>>) src(%dma_wait3A_338 : memref<10240x128xf32, #tpu.memory_space<hbm>>) dst(%arg15 : memref<80x128xf32, #tpu.memory_space<vmem>>)
      %add3A_339 = arith.constant 4 : i32
      %add3A_340 = arith.addi %add3A_335, %add3A_339 : i32
      %dma_start3A_341 = arith.constant 0 : i32
      %dma_start3A_342 = tpu.memref_slice %arg3[%add3A, %add3A_340, %dma_start3A_341] : memref<32x128x80xi32, #tpu.memory_space<hbm>> -> memref<1x1x80xi32, #tpu.memory_space<hbm>>
      %dma_start3A_343 = tpu.memref_squeeze %dma_start3A_342 : memref<1x1x80xi32, #tpu.memory_space<hbm>> -> memref<80xi32, #tpu.memory_space<hbm>>
      %dma_start3A_344 = arith.constant 0 : i32
      %dma_start3A_345 = tpu.memref_slice %arg3[%add3A, %add3A_340, %dma_start3A_344] : memref<32x128x80xi32, #tpu.memory_space<hbm>> -> memref<1x1x80xi32, #tpu.memory_space<hbm>>
      %dma_start3A_346 = tpu.memref_squeeze %dma_start3A_345 : memref<1x1x80xi32, #tpu.memory_space<hbm>> -> memref<80xi32, #tpu.memory_space<hbm>>
      tpu.enqueue_dma source(%dma_start3A_346 : memref<80xi32, #tpu.memory_space<hbm>>) target(%arg7 : memref<80xi32, #tpu.memory_space<vmem>>) target_semaphore(%arg20 : memref<!tpu.dma_semaphore, #tpu.memory_space<semaphore_mem>>)
      %dma_wait3A_347 = arith.constant 0 : i32
      %dma_wait3A_348 = tpu.memref_slice %arg4[%add3A, %add3A_335, %dma_wait3A_347] : memref<32x128x80xi32, #tpu.memory_space<hbm>> -> memref<1x1x80xi32, #tpu.memory_space<hbm>>
      %dma_wait3A_349 = tpu.memref_squeeze %dma_wait3A_348 : memref<1x1x80xi32, #tpu.memory_space<hbm>> -> memref<80xi32, #tpu.memory_space<hbm>>
      %dma_wait3A_350 = arith.constant 0 : i32
      %dma_wait3A_351 = tpu.memref_slice %arg4[%add3A, %add3A_335, %dma_wait3A_350] : memref<32x128x80xi32, #tpu.memory_space<hbm>> -> memref<1x1x80xi32, #tpu.memory_space<hbm>>
      %dma_wait3A_352 = tpu.memref_squeeze %dma_wait3A_351 : memref<1x1x80xi32, #tpu.memory_space<hbm>> -> memref<80xi32, #tpu.memory_space<hbm>>
      tpu.wait_dma2 semaphore(%arg24 : memref<!tpu.dma_semaphore, #tpu.memory_space<semaphore_mem>>) src(%dma_wait3A_352 : memref<80xi32, #tpu.memory_space<hbm>>) dst(%arg11 : memref<80xi32, #tpu.memory_space<vmem>>)
      %dma_start3A_353 = arith.constant 0 : i32
      %dma_start3A_354 = arith.constant 0 : i32
      %dma_start3A_355 = tpu.memref_slice %arg19[%dma_start3A_353, %dma_start3A_354] : memref<10240x128xf32, #tpu.memory_space<vmem_shared>> -> memref<10240x128xf32, #tpu.memory_space<vmem_shared>>
      tpu.enqueue_indirect_dma source(%arg15 : memref<80x128xf32, #tpu.memory_space<vmem>>) target(%dma_start3A_355 : memref<10240x128xf32, #tpu.memory_space<vmem_shared>>) offsets(%arg11 : memref<80xi32, #tpu.memory_space<vmem>>) semaphore(%arg32 : memref<!tpu.dma_semaphore, #tpu.memory_space<semaphore_mem>>) {add = true}
      %add3A_356 = arith.constant 1 : i32
      %add3A_357 = arith.addi %add3A_335, %add3A_356 : i32
      %dma_wait3A_358 = arith.constant 0 : i32
      %dma_wait3A_359 = tpu.memref_slice %arg3[%add3A, %add3A_357, %dma_wait3A_358] : memref<32x128x80xi32, #tpu.memory_space<hbm>> -> memref<1x1x80xi32, #tpu.memory_space<hbm>>
      %dma_wait3A_360 = tpu.memref_squeeze %dma_wait3A_359 : memref<1x1x80xi32, #tpu.memory_space<hbm>> -> memref<80xi32, #tpu.memory_space<hbm>>
      %dma_wait3A_361 = arith.constant 0 : i32
      %dma_wait3A_362 = tpu.memref_slice %arg3[%add3A, %add3A_357, %dma_wait3A_361] : memref<32x128x80xi32, #tpu.memory_space<hbm>> -> memref<1x1x80xi32, #tpu.memory_space<hbm>>
      %dma_wait3A_363 = tpu.memref_squeeze %dma_wait3A_362 : memref<1x1x80xi32, #tpu.memory_space<hbm>> -> memref<80xi32, #tpu.memory_space<hbm>>
      tpu.wait_dma2 semaphore(%arg21 : memref<!tpu.dma_semaphore, #tpu.memory_space<semaphore_mem>>) src(%dma_wait3A_363 : memref<80xi32, #tpu.memory_space<hbm>>) dst(%arg8 : memref<80xi32, #tpu.memory_space<vmem>>)
      %dma_wait3A_364 = arith.constant 0 : i32
      %dma_wait3A_365 = arith.constant 0 : i32
      %dma_wait3A_366 = tpu.memref_slice %arg19[%dma_wait3A_364, %dma_wait3A_365] : memref<10240x128xf32, #tpu.memory_space<vmem_shared>> -> memref<10240x128xf32, #tpu.memory_space<vmem_shared>>
      tpu.wait_indirect_dma semaphore(%arg33 : memref<!tpu.dma_semaphore, #tpu.memory_space<semaphore_mem>>) src(%arg16 : memref<80x128xf32, #tpu.memory_space<vmem>>) dst(%dma_wait3A_366 : memref<10240x128xf32, #tpu.memory_space<vmem_shared>>)
      %add3A_367 = arith.constant 1 : i32
      %add3A_368 = arith.addi %add3A_335, %add3A_367 : i32
      %dma_start3A_369 = arith.constant 0 : i32
      %dma_start3A_370 = tpu.memref_slice %arg4[%add3A, %add3A_368, %dma_start3A_369] : memref<32x128x80xi32, #tpu.memory_space<hbm>> -> memref<1x1x80xi32, #tpu.memory_space<hbm>>
      %dma_start3A_371 = tpu.memref_squeeze %dma_start3A_370 : memref<1x1x80xi32, #tpu.memory_space<hbm>> -> memref<80xi32, #tpu.memory_space<hbm>>
      %dma_start3A_372 = arith.constant 0 : i32
      %dma_start3A_373 = tpu.memref_slice %arg4[%add3A, %add3A_368, %dma_start3A_372] : memref<32x128x80xi32, #tpu.memory_space<hbm>> -> memref<1x1x80xi32, #tpu.memory_space<hbm>>
      %dma_start3A_374 = tpu.memref_squeeze %dma_start3A_373 : memref<1x1x80xi32, #tpu.memory_space<hbm>> -> memref<80xi32, #tpu.memory_space<hbm>>
      tpu.enqueue_dma source(%dma_start3A_374 : memref<80xi32, #tpu.memory_space<hbm>>) target(%arg12 : memref<80xi32, #tpu.memory_space<vmem>>) target_semaphore(%arg25 : memref<!tpu.dma_semaphore, #tpu.memory_space<semaphore_mem>>)
      %dma_start3A_375 = arith.constant 0 : i32
      %dma_start3A_376 = arith.constant 0 : i32
      %dma_start3A_377 = tpu.memref_slice %arg2[%dma_start3A_375, %dma_start3A_376] : memref<10240x128xf32, #tpu.memory_space<hbm>> -> memref<10240x128xf32, #tpu.memory_space<hbm>>
      tpu.enqueue_indirect_dma source(%dma_start3A_377 : memref<10240x128xf32, #tpu.memory_space<hbm>>) target(%arg16 : memref<80x128xf32, #tpu.memory_space<vmem>>) offsets(%arg8 : memref<80xi32, #tpu.memory_space<vmem>>) semaphore(%arg29 : memref<!tpu.dma_semaphore, #tpu.memory_space<semaphore_mem>>)
      %add3A_378 = arith.constant 1 : i32
      %add3A_379 = arith.addi %mul3A_333, %add3A_378 : i32
      %dma_wait3A_380 = arith.constant 0 : i32
      %dma_wait3A_381 = arith.constant 0 : i32
      %dma_wait3A_382 = tpu.memref_slice %arg2[%dma_wait3A_380, %dma_wait3A_381] : memref<10240x128xf32, #tpu.memory_space<hbm>> -> memref<10240x128xf32, #tpu.memory_space<hbm>>
      tpu.wait_indirect_dma semaphore(%arg29 : memref<!tpu.dma_semaphore, #tpu.memory_space<semaphore_mem>>) src(%dma_wait3A_382 : memref<10240x128xf32, #tpu.memory_space<hbm>>) dst(%arg16 : memref<80x128xf32, #tpu.memory_space<vmem>>)
      %add3A_383 = arith.constant 4 : i32
      %add3A_384 = arith.addi %add3A_379, %add3A_383 : i32
      %dma_start3A_385 = arith.constant 0 : i32
      %dma_start3A_386 = tpu.memref_slice %arg3[%add3A, %add3A_384, %dma_start3A_385] : memref<32x128x80xi32, #tpu.memory_space<hbm>> -> memref<1x1x80xi32, #tpu.memory_space<hbm>>
      %dma_start3A_387 = tpu.memref_squeeze %dma_start3A_386 : memref<1x1x80xi32, #tpu.memory_space<hbm>> -> memref<80xi32, #tpu.memory_space<hbm>>
      %dma_start3A_388 = arith.constant 0 : i32
      %dma_start3A_389 = tpu.memref_slice %arg3[%add3A, %add3A_384, %dma_start3A_388] : memref<32x128x80xi32, #tpu.memory_space<hbm>> -> memref<1x1x80xi32, #tpu.memory_space<hbm>>
      %dma_start3A_390 = tpu.memref_squeeze %dma_start3A_389 : memref<1x1x80xi32, #tpu.memory_space<hbm>> -> memref<80xi32, #tpu.memory_space<hbm>>
      tpu.enqueue_dma source(%dma_start3A_390 : memref<80xi32, #tpu.memory_space<hbm>>) target(%arg8 : memref<80xi32, #tpu.memory_space<vmem>>) target_semaphore(%arg21 : memref<!tpu.dma_semaphore, #tpu.memory_space<semaphore_mem>>)
      %dma_wait3A_391 = arith.constant 0 : i32
      %dma_wait3A_392 = tpu.memref_slice %arg4[%add3A, %add3A_379, %dma_wait3A_391] : memref<32x128x80xi32, #tpu.memory_space<hbm>> -> memref<1x1x80xi32, #tpu.memory_space<hbm>>
      %dma_wait3A_393 = tpu.memref_squeeze %dma_wait3A_392 : memref<1x1x80xi32, #tpu.memory_space<hbm>> -> memref<80xi32, #tpu.memory_space<hbm>>
      %dma_wait3A_394 = arith.constant 0 : i32
      %dma_wait3A_395 = tpu.memref_slice %arg4[%add3A, %add3A_379, %dma_wait3A_394] : memref<32x128x80xi32, #tpu.memory_space<hbm>> -> memref<1x1x80xi32, #tpu.memory_space<hbm>>
      %dma_wait3A_396 = tpu.memref_squeeze %dma_wait3A_395 : memref<1x1x80xi32, #tpu.memory_space<hbm>> -> memref<80xi32, #tpu.memory_space<hbm>>
      tpu.wait_dma2 semaphore(%arg25 : memref<!tpu.dma_semaphore, #tpu.memory_space<semaphore_mem>>) src(%dma_wait3A_396 : memref<80xi32, #tpu.memory_space<hbm>>) dst(%arg12 : memref<80xi32, #tpu.memory_space<vmem>>)
      %dma_start3A_397 = arith.constant 0 : i32
      %dma_start3A_398 = arith.constant 0 : i32
      %dma_start3A_399 = tpu.memref_slice %arg19[%dma_start3A_397, %dma_start3A_398] : memref<10240x128xf32, #tpu.memory_space<vmem_shared>> -> memref<10240x128xf32, #tpu.memory_space<vmem_shared>>
      tpu.enqueue_indirect_dma source(%arg16 : memref<80x128xf32, #tpu.memory_space<vmem>>) target(%dma_start3A_399 : memref<10240x128xf32, #tpu.memory_space<vmem_shared>>) offsets(%arg12 : memref<80xi32, #tpu.memory_space<vmem>>) semaphore(%arg33 : memref<!tpu.dma_semaphore, #tpu.memory_space<semaphore_mem>>) {add = true}
      %add3A_400 = arith.constant 1 : i32
      %add3A_401 = arith.addi %add3A_379, %add3A_400 : i32
      %dma_wait3A_402 = arith.constant 0 : i32
      %dma_wait3A_403 = tpu.memref_slice %arg3[%add3A, %add3A_401, %dma_wait3A_402] : memref<32x128x80xi32, #tpu.memory_space<hbm>> -> memref<1x1x80xi32, #tpu.memory_space<hbm>>
      %dma_wait3A_404 = tpu.memref_squeeze %dma_wait3A_403 : memref<1x1x80xi32, #tpu.memory_space<hbm>> -> memref<80xi32, #tpu.memory_space<hbm>>
      %dma_wait3A_405 = arith.constant 0 : i32
      %dma_wait3A_406 = tpu.memref_slice %arg3[%add3A, %add3A_401, %dma_wait3A_405] : memref<32x128x80xi32, #tpu.memory_space<hbm>> -> memref<1x1x80xi32, #tpu.memory_space<hbm>>
      %dma_wait3A_407 = tpu.memref_squeeze %dma_wait3A_406 : memref<1x1x80xi32, #tpu.memory_space<hbm>> -> memref<80xi32, #tpu.memory_space<hbm>>
      tpu.wait_dma2 semaphore(%arg22 : memref<!tpu.dma_semaphore, #tpu.memory_space<semaphore_mem>>) src(%dma_wait3A_407 : memref<80xi32, #tpu.memory_space<hbm>>) dst(%arg9 : memref<80xi32, #tpu.memory_space<vmem>>)
      %dma_wait3A_408 = arith.constant 0 : i32
      %dma_wait3A_409 = arith.constant 0 : i32
      %dma_wait3A_410 = tpu.memref_slice %arg19[%dma_wait3A_408, %dma_wait3A_409] : memref<10240x128xf32, #tpu.memory_space<vmem_shared>> -> memref<10240x128xf32, #tpu.memory_space<vmem_shared>>
      tpu.wait_indirect_dma semaphore(%arg34 : memref<!tpu.dma_semaphore, #tpu.memory_space<semaphore_mem>>) src(%arg17 : memref<80x128xf32, #tpu.memory_space<vmem>>) dst(%dma_wait3A_410 : memref<10240x128xf32, #tpu.memory_space<vmem_shared>>)
      %add3A_411 = arith.constant 1 : i32
      %add3A_412 = arith.addi %add3A_379, %add3A_411 : i32
      %dma_start3A_413 = arith.constant 0 : i32
      %dma_start3A_414 = tpu.memref_slice %arg4[%add3A, %add3A_412, %dma_start3A_413] : memref<32x128x80xi32, #tpu.memory_space<hbm>> -> memref<1x1x80xi32, #tpu.memory_space<hbm>>
      %dma_start3A_415 = tpu.memref_squeeze %dma_start3A_414 : memref<1x1x80xi32, #tpu.memory_space<hbm>> -> memref<80xi32, #tpu.memory_space<hbm>>
      %dma_start3A_416 = arith.constant 0 : i32
      %dma_start3A_417 = tpu.memref_slice %arg4[%add3A, %add3A_412, %dma_start3A_416] : memref<32x128x80xi32, #tpu.memory_space<hbm>> -> memref<1x1x80xi32, #tpu.memory_space<hbm>>
      %dma_start3A_418 = tpu.memref_squeeze %dma_start3A_417 : memref<1x1x80xi32, #tpu.memory_space<hbm>> -> memref<80xi32, #tpu.memory_space<hbm>>
      tpu.enqueue_dma source(%dma_start3A_418 : memref<80xi32, #tpu.memory_space<hbm>>) target(%arg13 : memref<80xi32, #tpu.memory_space<vmem>>) target_semaphore(%arg26 : memref<!tpu.dma_semaphore, #tpu.memory_space<semaphore_mem>>)
      %dma_start3A_419 = arith.constant 0 : i32
      %dma_start3A_420 = arith.constant 0 : i32
      %dma_start3A_421 = tpu.memref_slice %arg2[%dma_start3A_419, %dma_start3A_420] : memref<10240x128xf32, #tpu.memory_space<hbm>> -> memref<10240x128xf32, #tpu.memory_space<hbm>>
      tpu.enqueue_indirect_dma source(%dma_start3A_421 : memref<10240x128xf32, #tpu.memory_space<hbm>>) target(%arg17 : memref<80x128xf32, #tpu.memory_space<vmem>>) offsets(%arg9 : memref<80xi32, #tpu.memory_space<vmem>>) semaphore(%arg30 : memref<!tpu.dma_semaphore, #tpu.memory_space<semaphore_mem>>)
      %add3A_422 = arith.constant 2 : i32
      %add3A_423 = arith.addi %mul3A_333, %add3A_422 : i32
      %dma_wait3A_424 = arith.constant 0 : i32
      %dma_wait3A_425 = arith.constant 0 : i32
      %dma_wait3A_426 = tpu.memref_slice %arg2[%dma_wait3A_424, %dma_wait3A_425] : memref<10240x128xf32, #tpu.memory_space<hbm>> -> memref<10240x128xf32, #tpu.memory_space<hbm>>
      tpu.wait_indirect_dma semaphore(%arg30 : memref<!tpu.dma_semaphore, #tpu.memory_space<semaphore_mem>>) src(%dma_wait3A_426 : memref<10240x128xf32, #tpu.memory_space<hbm>>) dst(%arg17 : memref<80x128xf32, #tpu.memory_space<vmem>>)
      %add3A_427 = arith.constant 4 : i32
      %add3A_428 = arith.addi %add3A_423, %add3A_427 : i32
      %dma_start3A_429 = arith.constant 0 : i32
      %dma_start3A_430 = tpu.memref_slice %arg3[%add3A, %add3A_428, %dma_start3A_429] : memref<32x128x80xi32, #tpu.memory_space<hbm>> -> memref<1x1x80xi32, #tpu.memory_space<hbm>>
      %dma_start3A_431 = tpu.memref_squeeze %dma_start3A_430 : memref<1x1x80xi32, #tpu.memory_space<hbm>> -> memref<80xi32, #tpu.memory_space<hbm>>
      %dma_start3A_432 = arith.constant 0 : i32
      %dma_start3A_433 = tpu.memref_slice %arg3[%add3A, %add3A_428, %dma_start3A_432] : memref<32x128x80xi32, #tpu.memory_space<hbm>> -> memref<1x1x80xi32, #tpu.memory_space<hbm>>
      %dma_start3A_434 = tpu.memref_squeeze %dma_start3A_433 : memref<1x1x80xi32, #tpu.memory_space<hbm>> -> memref<80xi32, #tpu.memory_space<hbm>>
      tpu.enqueue_dma source(%dma_start3A_434 : memref<80xi32, #tpu.memory_space<hbm>>) target(%arg9 : memref<80xi32, #tpu.memory_space<vmem>>) target_semaphore(%arg22 : memref<!tpu.dma_semaphore, #tpu.memory_space<semaphore_mem>>)
      %dma_wait3A_435 = arith.constant 0 : i32
      %dma_wait3A_436 = tpu.memref_slice %arg4[%add3A, %add3A_423, %dma_wait3A_435] : memref<32x128x80xi32, #tpu.memory_space<hbm>> -> memref<1x1x80xi32, #tpu.memory_space<hbm>>
      %dma_wait3A_437 = tpu.memref_squeeze %dma_wait3A_436 : memref<1x1x80xi32, #tpu.memory_space<hbm>> -> memref<80xi32, #tpu.memory_space<hbm>>
      %dma_wait3A_438 = arith.constant 0 : i32
      %dma_wait3A_439 = tpu.memref_slice %arg4[%add3A, %add3A_423, %dma_wait3A_438] : memref<32x128x80xi32, #tpu.memory_space<hbm>> -> memref<1x1x80xi32, #tpu.memory_space<hbm>>
      %dma_wait3A_440 = tpu.memref_squeeze %dma_wait3A_439 : memref<1x1x80xi32, #tpu.memory_space<hbm>> -> memref<80xi32, #tpu.memory_space<hbm>>
      tpu.wait_dma2 semaphore(%arg26 : memref<!tpu.dma_semaphore, #tpu.memory_space<semaphore_mem>>) src(%dma_wait3A_440 : memref<80xi32, #tpu.memory_space<hbm>>) dst(%arg13 : memref<80xi32, #tpu.memory_space<vmem>>)
      %dma_start3A_441 = arith.constant 0 : i32
      %dma_start3A_442 = arith.constant 0 : i32
      %dma_start3A_443 = tpu.memref_slice %arg19[%dma_start3A_441, %dma_start3A_442] : memref<10240x128xf32, #tpu.memory_space<vmem_shared>> -> memref<10240x128xf32, #tpu.memory_space<vmem_shared>>
      tpu.enqueue_indirect_dma source(%arg17 : memref<80x128xf32, #tpu.memory_space<vmem>>) target(%dma_start3A_443 : memref<10240x128xf32, #tpu.memory_space<vmem_shared>>) offsets(%arg13 : memref<80xi32, #tpu.memory_space<vmem>>) semaphore(%arg34 : memref<!tpu.dma_semaphore, #tpu.memory_space<semaphore_mem>>) {add = true}
      %add3A_444 = arith.constant 1 : i32
      %add3A_445 = arith.addi %add3A_423, %add3A_444 : i32
      %dma_wait3A_446 = arith.constant 0 : i32
      %dma_wait3A_447 = tpu.memref_slice %arg3[%add3A, %add3A_445, %dma_wait3A_446] : memref<32x128x80xi32, #tpu.memory_space<hbm>> -> memref<1x1x80xi32, #tpu.memory_space<hbm>>
      %dma_wait3A_448 = tpu.memref_squeeze %dma_wait3A_447 : memref<1x1x80xi32, #tpu.memory_space<hbm>> -> memref<80xi32, #tpu.memory_space<hbm>>
      %dma_wait3A_449 = arith.constant 0 : i32
      %dma_wait3A_450 = tpu.memref_slice %arg3[%add3A, %add3A_445, %dma_wait3A_449] : memref<32x128x80xi32, #tpu.memory_space<hbm>> -> memref<1x1x80xi32, #tpu.memory_space<hbm>>
      %dma_wait3A_451 = tpu.memref_squeeze %dma_wait3A_450 : memref<1x1x80xi32, #tpu.memory_space<hbm>> -> memref<80xi32, #tpu.memory_space<hbm>>
      tpu.wait_dma2 semaphore(%arg23 : memref<!tpu.dma_semaphore, #tpu.memory_space<semaphore_mem>>) src(%dma_wait3A_451 : memref<80xi32, #tpu.memory_space<hbm>>) dst(%arg10 : memref<80xi32, #tpu.memory_space<vmem>>)
      %dma_wait3A_452 = arith.constant 0 : i32
      %dma_wait3A_453 = arith.constant 0 : i32
      %dma_wait3A_454 = tpu.memref_slice %arg19[%dma_wait3A_452, %dma_wait3A_453] : memref<10240x128xf32, #tpu.memory_space<vmem_shared>> -> memref<10240x128xf32, #tpu.memory_space<vmem_shared>>
      tpu.wait_indirect_dma semaphore(%arg35 : memref<!tpu.dma_semaphore, #tpu.memory_space<semaphore_mem>>) src(%arg18 : memref<80x128xf32, #tpu.memory_space<vmem>>) dst(%dma_wait3A_454 : memref<10240x128xf32, #tpu.memory_space<vmem_shared>>)
      %add3A_455 = arith.constant 1 : i32
      %add3A_456 = arith.addi %add3A_423, %add3A_455 : i32
      %dma_start3A_457 = arith.constant 0 : i32
      %dma_start3A_458 = tpu.memref_slice %arg4[%add3A, %add3A_456, %dma_start3A_457] : memref<32x128x80xi32, #tpu.memory_space<hbm>> -> memref<1x1x80xi32, #tpu.memory_space<hbm>>
      %dma_start3A_459 = tpu.memref_squeeze %dma_start3A_458 : memref<1x1x80xi32, #tpu.memory_space<hbm>> -> memref<80xi32, #tpu.memory_space<hbm>>
      %dma_start3A_460 = arith.constant 0 : i32
      %dma_start3A_461 = tpu.memref_slice %arg4[%add3A, %add3A_456, %dma_start3A_460] : memref<32x128x80xi32, #tpu.memory_space<hbm>> -> memref<1x1x80xi32, #tpu.memory_space<hbm>>
      %dma_start3A_462 = tpu.memref_squeeze %dma_start3A_461 : memref<1x1x80xi32, #tpu.memory_space<hbm>> -> memref<80xi32, #tpu.memory_space<hbm>>
      tpu.enqueue_dma source(%dma_start3A_462 : memref<80xi32, #tpu.memory_space<hbm>>) target(%arg14 : memref<80xi32, #tpu.memory_space<vmem>>) target_semaphore(%arg27 : memref<!tpu.dma_semaphore, #tpu.memory_space<semaphore_mem>>)
      %dma_start3A_463 = arith.constant 0 : i32
      %dma_start3A_464 = arith.constant 0 : i32
      %dma_start3A_465 = tpu.memref_slice %arg2[%dma_start3A_463, %dma_start3A_464] : memref<10240x128xf32, #tpu.memory_space<hbm>> -> memref<10240x128xf32, #tpu.memory_space<hbm>>
      tpu.enqueue_indirect_dma source(%dma_start3A_465 : memref<10240x128xf32, #tpu.memory_space<hbm>>) target(%arg18 : memref<80x128xf32, #tpu.memory_space<vmem>>) offsets(%arg10 : memref<80xi32, #tpu.memory_space<vmem>>) semaphore(%arg31 : memref<!tpu.dma_semaphore, #tpu.memory_space<semaphore_mem>>)
      %add3A_466 = arith.constant 3 : i32
      %add3A_467 = arith.addi %mul3A_333, %add3A_466 : i32
      %dma_wait3A_468 = arith.constant 0 : i32
      %dma_wait3A_469 = arith.constant 0 : i32
      %dma_wait3A_470 = tpu.memref_slice %arg2[%dma_wait3A_468, %dma_wait3A_469] : memref<10240x128xf32, #tpu.memory_space<hbm>> -> memref<10240x128xf32, #tpu.memory_space<hbm>>
      tpu.wait_indirect_dma semaphore(%arg31 : memref<!tpu.dma_semaphore, #tpu.memory_space<semaphore_mem>>) src(%dma_wait3A_470 : memref<10240x128xf32, #tpu.memory_space<hbm>>) dst(%arg18 : memref<80x128xf32, #tpu.memory_space<vmem>>)
      %add3A_471 = arith.constant 4 : i32
      %add3A_472 = arith.addi %add3A_467, %add3A_471 : i32
      %dma_start3A_473 = arith.constant 0 : i32
      %dma_start3A_474 = tpu.memref_slice %arg3[%add3A, %add3A_472, %dma_start3A_473] : memref<32x128x80xi32, #tpu.memory_space<hbm>> -> memref<1x1x80xi32, #tpu.memory_space<hbm>>
      %dma_start3A_475 = tpu.memref_squeeze %dma_start3A_474 : memref<1x1x80xi32, #tpu.memory_space<hbm>> -> memref<80xi32, #tpu.memory_space<hbm>>
      %dma_start3A_476 = arith.constant 0 : i32
      %dma_start3A_477 = tpu.memref_slice %arg3[%add3A, %add3A_472, %dma_start3A_476] : memref<32x128x80xi32, #tpu.memory_space<hbm>> -> memref<1x1x80xi32, #tpu.memory_space<hbm>>
      %dma_start3A_478 = tpu.memref_squeeze %dma_start3A_477 : memref<1x1x80xi32, #tpu.memory_space<hbm>> -> memref<80xi32, #tpu.memory_space<hbm>>
      tpu.enqueue_dma source(%dma_start3A_478 : memref<80xi32, #tpu.memory_space<hbm>>) target(%arg10 : memref<80xi32, #tpu.memory_space<vmem>>) target_semaphore(%arg23 : memref<!tpu.dma_semaphore, #tpu.memory_space<semaphore_mem>>)
      %dma_wait3A_479 = arith.constant 0 : i32
      %dma_wait3A_480 = tpu.memref_slice %arg4[%add3A, %add3A_467, %dma_wait3A_479] : memref<32x128x80xi32, #tpu.memory_space<hbm>> -> memref<1x1x80xi32, #tpu.memory_space<hbm>>
      %dma_wait3A_481 = tpu.memref_squeeze %dma_wait3A_480 : memref<1x1x80xi32, #tpu.memory_space<hbm>> -> memref<80xi32, #tpu.memory_space<hbm>>
      %dma_wait3A_482 = arith.constant 0 : i32
      %dma_wait3A_483 = tpu.memref_slice %arg4[%add3A, %add3A_467, %dma_wait3A_482] : memref<32x128x80xi32, #tpu.memory_space<hbm>> -> memref<1x1x80xi32, #tpu.memory_space<hbm>>
      %dma_wait3A_484 = tpu.memref_squeeze %dma_wait3A_483 : memref<1x1x80xi32, #tpu.memory_space<hbm>> -> memref<80xi32, #tpu.memory_space<hbm>>
      tpu.wait_dma2 semaphore(%arg27 : memref<!tpu.dma_semaphore, #tpu.memory_space<semaphore_mem>>) src(%dma_wait3A_484 : memref<80xi32, #tpu.memory_space<hbm>>) dst(%arg14 : memref<80xi32, #tpu.memory_space<vmem>>)
      %dma_start3A_485 = arith.constant 0 : i32
      %dma_start3A_486 = arith.constant 0 : i32
      %dma_start3A_487 = tpu.memref_slice %arg19[%dma_start3A_485, %dma_start3A_486] : memref<10240x128xf32, #tpu.memory_space<vmem_shared>> -> memref<10240x128xf32, #tpu.memory_space<vmem_shared>>
      tpu.enqueue_indirect_dma source(%arg18 : memref<80x128xf32, #tpu.memory_space<vmem>>) target(%dma_start3A_487 : memref<10240x128xf32, #tpu.memory_space<vmem_shared>>) offsets(%arg14 : memref<80xi32, #tpu.memory_space<vmem>>) semaphore(%arg35 : memref<!tpu.dma_semaphore, #tpu.memory_space<semaphore_mem>>) {add = true}
      %add3A_488 = arith.constant 1 : i32
      %add3A_489 = arith.addi %add3A_467, %add3A_488 : i32
      %dma_wait3A_490 = arith.constant 0 : i32
      %dma_wait3A_491 = tpu.memref_slice %arg3[%add3A, %add3A_489, %dma_wait3A_490] : memref<32x128x80xi32, #tpu.memory_space<hbm>> -> memref<1x1x80xi32, #tpu.memory_space<hbm>>
      %dma_wait3A_492 = tpu.memref_squeeze %dma_wait3A_491 : memref<1x1x80xi32, #tpu.memory_space<hbm>> -> memref<80xi32, #tpu.memory_space<hbm>>
      %dma_wait3A_493 = arith.constant 0 : i32
      %dma_wait3A_494 = tpu.memref_slice %arg3[%add3A, %add3A_489, %dma_wait3A_493] : memref<32x128x80xi32, #tpu.memory_space<hbm>> -> memref<1x1x80xi32, #tpu.memory_space<hbm>>
      %dma_wait3A_495 = tpu.memref_squeeze %dma_wait3A_494 : memref<1x1x80xi32, #tpu.memory_space<hbm>> -> memref<80xi32, #tpu.memory_space<hbm>>
      tpu.wait_dma2 semaphore(%arg20 : memref<!tpu.dma_semaphore, #tpu.memory_space<semaphore_mem>>) src(%dma_wait3A_495 : memref<80xi32, #tpu.memory_space<hbm>>) dst(%arg7 : memref<80xi32, #tpu.memory_space<vmem>>)
      %dma_wait3A_496 = arith.constant 0 : i32
      %dma_wait3A_497 = arith.constant 0 : i32
      %dma_wait3A_498 = tpu.memref_slice %arg19[%dma_wait3A_496, %dma_wait3A_497] : memref<10240x128xf32, #tpu.memory_space<vmem_shared>> -> memref<10240x128xf32, #tpu.memory_space<vmem_shared>>
      tpu.wait_indirect_dma semaphore(%arg32 : memref<!tpu.dma_semaphore, #tpu.memory_space<semaphore_mem>>) src(%arg15 : memref<80x128xf32, #tpu.memory_space<vmem>>) dst(%dma_wait3A_498 : memref<10240x128xf32, #tpu.memory_space<vmem_shared>>)
      %add3A_499 = arith.constant 1 : i32
      %add3A_500 = arith.addi %add3A_467, %add3A_499 : i32
      %dma_start3A_501 = arith.constant 0 : i32
      %dma_start3A_502 = tpu.memref_slice %arg4[%add3A, %add3A_500, %dma_start3A_501] : memref<32x128x80xi32, #tpu.memory_space<hbm>> -> memref<1x1x80xi32, #tpu.memory_space<hbm>>
      %dma_start3A_503 = tpu.memref_squeeze %dma_start3A_502 : memref<1x1x80xi32, #tpu.memory_space<hbm>> -> memref<80xi32, #tpu.memory_space<hbm>>
      %dma_start3A_504 = arith.constant 0 : i32
      %dma_start3A_505 = tpu.memref_slice %arg4[%add3A, %add3A_500, %dma_start3A_504] : memref<32x128x80xi32, #tpu.memory_space<hbm>> -> memref<1x1x80xi32, #tpu.memory_space<hbm>>
      %dma_start3A_506 = tpu.memref_squeeze %dma_start3A_505 : memref<1x1x80xi32, #tpu.memory_space<hbm>> -> memref<80xi32, #tpu.memory_space<hbm>>
      tpu.enqueue_dma source(%dma_start3A_506 : memref<80xi32, #tpu.memory_space<hbm>>) target(%arg11 : memref<80xi32, #tpu.memory_space<vmem>>) target_semaphore(%arg24 : memref<!tpu.dma_semaphore, #tpu.memory_space<semaphore_mem>>)
      %dma_start3A_507 = arith.constant 0 : i32
      %dma_start3A_508 = arith.constant 0 : i32
      %dma_start3A_509 = tpu.memref_slice %arg2[%dma_start3A_507, %dma_start3A_508] : memref<10240x128xf32, #tpu.memory_space<hbm>> -> memref<10240x128xf32, #tpu.memory_space<hbm>>
      tpu.enqueue_indirect_dma source(%dma_start3A_509 : memref<10240x128xf32, #tpu.memory_space<hbm>>) target(%arg15 : memref<80x128xf32, #tpu.memory_space<vmem>>) offsets(%arg7 : memref<80xi32, #tpu.memory_space<vmem>>) semaphore(%arg28 : memref<!tpu.dma_semaphore, #tpu.memory_space<semaphore_mem>>)
    }
    %scan3A_201 = arith.constant 30 : i32
    %dma_wait3A_202 = arith.constant 0 : i32
    %dma_wait3A_203 = arith.constant 0 : i32
    %dma_wait3A_204 = tpu.memref_slice %arg2[%dma_wait3A_202, %dma_wait3A_203] : memref<10240x128xf32, #tpu.memory_space<hbm>> -> memref<10240x128xf32, #tpu.memory_space<hbm>>
    tpu.wait_indirect_dma semaphore(%arg28 : memref<!tpu.dma_semaphore, #tpu.memory_space<semaphore_mem>>) src(%dma_wait3A_204 : memref<10240x128xf32, #tpu.memory_space<hbm>>) dst(%arg15 : memref<80x128xf32, #tpu.memory_space<vmem>>)
    %dma_wait3A_205 = arith.constant 124 : i32
    %dma_wait3A_206 = arith.constant 0 : i32
    %dma_wait3A_207 = tpu.memref_slice %arg4[%add3A, %dma_wait3A_205, %dma_wait3A_206] : memref<32x128x80xi32, #tpu.memory_space<hbm>> -> memref<1x1x80xi32, #tpu.memory_space<hbm>>
    %dma_wait3A_208 = tpu.memref_squeeze %dma_wait3A_207 : memref<1x1x80xi32, #tpu.memory_space<hbm>> -> memref<80xi32, #tpu.memory_space<hbm>>
    %dma_wait3A_209 = arith.constant 0 : i32
    %dma_wait3A_210 = tpu.memref_slice %arg4[%add3A, %dma_wait3A_205, %dma_wait3A_209] : memref<32x128x80xi32, #tpu.memory_space<hbm>> -> memref<1x1x80xi32, #tpu.memory_space<hbm>>
    %dma_wait3A_211 = tpu.memref_squeeze %dma_wait3A_210 : memref<1x1x80xi32, #tpu.memory_space<hbm>> -> memref<80xi32, #tpu.memory_space<hbm>>
    tpu.wait_dma2 semaphore(%arg24 : memref<!tpu.dma_semaphore, #tpu.memory_space<semaphore_mem>>) src(%dma_wait3A_211 : memref<80xi32, #tpu.memory_space<hbm>>) dst(%arg11 : memref<80xi32, #tpu.memory_space<vmem>>)
    %dma_start3A_212 = arith.constant 0 : i32
    %dma_start3A_213 = arith.constant 0 : i32
    %dma_start3A_214 = tpu.memref_slice %arg19[%dma_start3A_212, %dma_start3A_213] : memref<10240x128xf32, #tpu.memory_space<vmem_shared>> -> memref<10240x128xf32, #tpu.memory_space<vmem_shared>>
    tpu.enqueue_indirect_dma source(%arg15 : memref<80x128xf32, #tpu.memory_space<vmem>>) target(%dma_start3A_214 : memref<10240x128xf32, #tpu.memory_space<vmem_shared>>) offsets(%arg11 : memref<80xi32, #tpu.memory_space<vmem>>) semaphore(%arg32 : memref<!tpu.dma_semaphore, #tpu.memory_space<semaphore_mem>>) {add = true}
    %dma_wait3A_215 = arith.constant 125 : i32
    %dma_wait3A_216 = arith.constant 0 : i32
    %dma_wait3A_217 = tpu.memref_slice %arg3[%add3A, %dma_wait3A_215, %dma_wait3A_216] : memref<32x128x80xi32, #tpu.memory_space<hbm>> -> memref<1x1x80xi32, #tpu.memory_space<hbm>>
    %dma_wait3A_218 = tpu.memref_squeeze %dma_wait3A_217 : memref<1x1x80xi32, #tpu.memory_space<hbm>> -> memref<80xi32, #tpu.memory_space<hbm>>
    %dma_wait3A_219 = arith.constant 0 : i32
    %dma_wait3A_220 = tpu.memref_slice %arg3[%add3A, %dma_wait3A_215, %dma_wait3A_219] : memref<32x128x80xi32, #tpu.memory_space<hbm>> -> memref<1x1x80xi32, #tpu.memory_space<hbm>>
    %dma_wait3A_221 = tpu.memref_squeeze %dma_wait3A_220 : memref<1x1x80xi32, #tpu.memory_space<hbm>> -> memref<80xi32, #tpu.memory_space<hbm>>
    tpu.wait_dma2 semaphore(%arg21 : memref<!tpu.dma_semaphore, #tpu.memory_space<semaphore_mem>>) src(%dma_wait3A_221 : memref<80xi32, #tpu.memory_space<hbm>>) dst(%arg8 : memref<80xi32, #tpu.memory_space<vmem>>)
    %dma_wait3A_222 = arith.constant 0 : i32
    %dma_wait3A_223 = arith.constant 0 : i32
    %dma_wait3A_224 = tpu.memref_slice %arg19[%dma_wait3A_222, %dma_wait3A_223] : memref<10240x128xf32, #tpu.memory_space<vmem_shared>> -> memref<10240x128xf32, #tpu.memory_space<vmem_shared>>
    tpu.wait_indirect_dma semaphore(%arg33 : memref<!tpu.dma_semaphore, #tpu.memory_space<semaphore_mem>>) src(%arg16 : memref<80x128xf32, #tpu.memory_space<vmem>>) dst(%dma_wait3A_224 : memref<10240x128xf32, #tpu.memory_space<vmem_shared>>)
    %dma_start3A_225 = arith.constant 125 : i32
    %dma_start3A_226 = arith.constant 0 : i32
    %dma_start3A_227 = tpu.memref_slice %arg4[%add3A, %dma_start3A_225, %dma_start3A_226] : memref<32x128x80xi32, #tpu.memory_space<hbm>> -> memref<1x1x80xi32, #tpu.memory_space<hbm>>
    %dma_start3A_228 = tpu.memref_squeeze %dma_start3A_227 : memref<1x1x80xi32, #tpu.memory_space<hbm>> -> memref<80xi32, #tpu.memory_space<hbm>>
    %dma_start3A_229 = arith.constant 0 : i32
    %dma_start3A_230 = tpu.memref_slice %arg4[%add3A, %dma_start3A_225, %dma_start3A_229] : memref<32x128x80xi32, #tpu.memory_space<hbm>> -> memref<1x1x80xi32, #tpu.memory_space<hbm>>
    %dma_start3A_231 = tpu.memref_squeeze %dma_start3A_230 : memref<1x1x80xi32, #tpu.memory_space<hbm>> -> memref<80xi32, #tpu.memory_space<hbm>>
    tpu.enqueue_dma source(%dma_start3A_231 : memref<80xi32, #tpu.memory_space<hbm>>) target(%arg12 : memref<80xi32, #tpu.memory_space<vmem>>) target_semaphore(%arg25 : memref<!tpu.dma_semaphore, #tpu.memory_space<semaphore_mem>>)
    %dma_start3A_232 = arith.constant 0 : i32
    %dma_start3A_233 = arith.constant 0 : i32
    %dma_start3A_234 = tpu.memref_slice %arg2[%dma_start3A_232, %dma_start3A_233] : memref<10240x128xf32, #tpu.memory_space<hbm>> -> memref<10240x128xf32, #tpu.memory_space<hbm>>
    tpu.enqueue_indirect_dma source(%dma_start3A_234 : memref<10240x128xf32, #tpu.memory_space<hbm>>) target(%arg16 : memref<80x128xf32, #tpu.memory_space<vmem>>) offsets(%arg8 : memref<80xi32, #tpu.memory_space<vmem>>) semaphore(%arg29 : memref<!tpu.dma_semaphore, #tpu.memory_space<semaphore_mem>>)
    %dma_wait3A_235 = arith.constant 0 : i32
    %dma_wait3A_236 = arith.constant 0 : i32
    %dma_wait3A_237 = tpu.memref_slice %arg2[%dma_wait3A_235, %dma_wait3A_236] : memref<10240x128xf32, #tpu.memory_space<hbm>> -> memref<10240x128xf32, #tpu.memory_space<hbm>>
    tpu.wait_indirect_dma semaphore(%arg29 : memref<!tpu.dma_semaphore, #tpu.memory_space<semaphore_mem>>) src(%dma_wait3A_237 : memref<10240x128xf32, #tpu.memory_space<hbm>>) dst(%arg16 : memref<80x128xf32, #tpu.memory_space<vmem>>)
    %dma_wait3A_238 = arith.constant 125 : i32
    %dma_wait3A_239 = arith.constant 0 : i32
    %dma_wait3A_240 = tpu.memref_slice %arg4[%add3A, %dma_wait3A_238, %dma_wait3A_239] : memref<32x128x80xi32, #tpu.memory_space<hbm>> -> memref<1x1x80xi32, #tpu.memory_space<hbm>>
    %dma_wait3A_241 = tpu.memref_squeeze %dma_wait3A_240 : memref<1x1x80xi32, #tpu.memory_space<hbm>> -> memref<80xi32, #tpu.memory_space<hbm>>
    %dma_wait3A_242 = arith.constant 0 : i32
    %dma_wait3A_243 = tpu.memref_slice %arg4[%add3A, %dma_wait3A_238, %dma_wait3A_242] : memref<32x128x80xi32, #tpu.memory_space<hbm>> -> memref<1x1x80xi32, #tpu.memory_space<hbm>>
    %dma_wait3A_244 = tpu.memref_squeeze %dma_wait3A_243 : memref<1x1x80xi32, #tpu.memory_space<hbm>> -> memref<80xi32, #tpu.memory_space<hbm>>
    tpu.wait_dma2 semaphore(%arg25 : memref<!tpu.dma_semaphore, #tpu.memory_space<semaphore_mem>>) src(%dma_wait3A_244 : memref<80xi32, #tpu.memory_space<hbm>>) dst(%arg12 : memref<80xi32, #tpu.memory_space<vmem>>)
    %dma_start3A_245 = arith.constant 0 : i32
    %dma_start3A_246 = arith.constant 0 : i32
    %dma_start3A_247 = tpu.memref_slice %arg19[%dma_start3A_245, %dma_start3A_246] : memref<10240x128xf32, #tpu.memory_space<vmem_shared>> -> memref<10240x128xf32, #tpu.memory_space<vmem_shared>>
    tpu.enqueue_indirect_dma source(%arg16 : memref<80x128xf32, #tpu.memory_space<vmem>>) target(%dma_start3A_247 : memref<10240x128xf32, #tpu.memory_space<vmem_shared>>) offsets(%arg12 : memref<80xi32, #tpu.memory_space<vmem>>) semaphore(%arg33 : memref<!tpu.dma_semaphore, #tpu.memory_space<semaphore_mem>>) {add = true}
    %dma_wait3A_248 = arith.constant 126 : i32
    %dma_wait3A_249 = arith.constant 0 : i32
    %dma_wait3A_250 = tpu.memref_slice %arg3[%add3A, %dma_wait3A_248, %dma_wait3A_249] : memref<32x128x80xi32, #tpu.memory_space<hbm>> -> memref<1x1x80xi32, #tpu.memory_space<hbm>>
    %dma_wait3A_251 = tpu.memref_squeeze %dma_wait3A_250 : memref<1x1x80xi32, #tpu.memory_space<hbm>> -> memref<80xi32, #tpu.memory_space<hbm>>
    %dma_wait3A_252 = arith.constant 0 : i32
    %dma_wait3A_253 = tpu.memref_slice %arg3[%add3A, %dma_wait3A_248, %dma_wait3A_252] : memref<32x128x80xi32, #tpu.memory_space<hbm>> -> memref<1x1x80xi32, #tpu.memory_space<hbm>>
    %dma_wait3A_254 = tpu.memref_squeeze %dma_wait3A_253 : memref<1x1x80xi32, #tpu.memory_space<hbm>> -> memref<80xi32, #tpu.memory_space<hbm>>
    tpu.wait_dma2 semaphore(%arg22 : memref<!tpu.dma_semaphore, #tpu.memory_space<semaphore_mem>>) src(%dma_wait3A_254 : memref<80xi32, #tpu.memory_space<hbm>>) dst(%arg9 : memref<80xi32, #tpu.memory_space<vmem>>)
    %dma_wait3A_255 = arith.constant 0 : i32
    %dma_wait3A_256 = arith.constant 0 : i32
    %dma_wait3A_257 = tpu.memref_slice %arg19[%dma_wait3A_255, %dma_wait3A_256] : memref<10240x128xf32, #tpu.memory_space<vmem_shared>> -> memref<10240x128xf32, #tpu.memory_space<vmem_shared>>
    tpu.wait_indirect_dma semaphore(%arg34 : memref<!tpu.dma_semaphore, #tpu.memory_space<semaphore_mem>>) src(%arg17 : memref<80x128xf32, #tpu.memory_space<vmem>>) dst(%dma_wait3A_257 : memref<10240x128xf32, #tpu.memory_space<vmem_shared>>)
    %dma_start3A_258 = arith.constant 126 : i32
    %dma_start3A_259 = arith.constant 0 : i32
    %dma_start3A_260 = tpu.memref_slice %arg4[%add3A, %dma_start3A_258, %dma_start3A_259] : memref<32x128x80xi32, #tpu.memory_space<hbm>> -> memref<1x1x80xi32, #tpu.memory_space<hbm>>
    %dma_start3A_261 = tpu.memref_squeeze %dma_start3A_260 : memref<1x1x80xi32, #tpu.memory_space<hbm>> -> memref<80xi32, #tpu.memory_space<hbm>>
    %dma_start3A_262 = arith.constant 0 : i32
    %dma_start3A_263 = tpu.memref_slice %arg4[%add3A, %dma_start3A_258, %dma_start3A_262] : memref<32x128x80xi32, #tpu.memory_space<hbm>> -> memref<1x1x80xi32, #tpu.memory_space<hbm>>
    %dma_start3A_264 = tpu.memref_squeeze %dma_start3A_263 : memref<1x1x80xi32, #tpu.memory_space<hbm>> -> memref<80xi32, #tpu.memory_space<hbm>>
    tpu.enqueue_dma source(%dma_start3A_264 : memref<80xi32, #tpu.memory_space<hbm>>) target(%arg13 : memref<80xi32, #tpu.memory_space<vmem>>) target_semaphore(%arg26 : memref<!tpu.dma_semaphore, #tpu.memory_space<semaphore_mem>>)
    %dma_start3A_265 = arith.constant 0 : i32
    %dma_start3A_266 = arith.constant 0 : i32
    %dma_start3A_267 = tpu.memref_slice %arg2[%dma_start3A_265, %dma_start3A_266] : memref<10240x128xf32, #tpu.memory_space<hbm>> -> memref<10240x128xf32, #tpu.memory_space<hbm>>
    tpu.enqueue_indirect_dma source(%dma_start3A_267 : memref<10240x128xf32, #tpu.memory_space<hbm>>) target(%arg17 : memref<80x128xf32, #tpu.memory_space<vmem>>) offsets(%arg9 : memref<80xi32, #tpu.memory_space<vmem>>) semaphore(%arg30 : memref<!tpu.dma_semaphore, #tpu.memory_space<semaphore_mem>>)
    %dma_wait3A_268 = arith.constant 0 : i32
    %dma_wait3A_269 = arith.constant 0 : i32
    %dma_wait3A_270 = tpu.memref_slice %arg2[%dma_wait3A_268, %dma_wait3A_269] : memref<10240x128xf32, #tpu.memory_space<hbm>> -> memref<10240x128xf32, #tpu.memory_space<hbm>>
    tpu.wait_indirect_dma semaphore(%arg30 : memref<!tpu.dma_semaphore, #tpu.memory_space<semaphore_mem>>) src(%dma_wait3A_270 : memref<10240x128xf32, #tpu.memory_space<hbm>>) dst(%arg17 : memref<80x128xf32, #tpu.memory_space<vmem>>)
    %dma_wait3A_271 = arith.constant 126 : i32
    %dma_wait3A_272 = arith.constant 0 : i32
    %dma_wait3A_273 = tpu.memref_slice %arg4[%add3A, %dma_wait3A_271, %dma_wait3A_272] : memref<32x128x80xi32, #tpu.memory_space<hbm>> -> memref<1x1x80xi32, #tpu.memory_space<hbm>>
    %dma_wait3A_274 = tpu.memref_squeeze %dma_wait3A_273 : memref<1x1x80xi32, #tpu.memory_space<hbm>> -> memref<80xi32, #tpu.memory_space<hbm>>
    %dma_wait3A_275 = arith.constant 0 : i32
    %dma_wait3A_276 = tpu.memref_slice %arg4[%add3A, %dma_wait3A_271, %dma_wait3A_275] : memref<32x128x80xi32, #tpu.memory_space<hbm>> -> memref<1x1x80xi32, #tpu.memory_space<hbm>>
    %dma_wait3A_277 = tpu.memref_squeeze %dma_wait3A_276 : memref<1x1x80xi32, #tpu.memory_space<hbm>> -> memref<80xi32, #tpu.memory_space<hbm>>
    tpu.wait_dma2 semaphore(%arg26 : memref<!tpu.dma_semaphore, #tpu.memory_space<semaphore_mem>>) src(%dma_wait3A_277 : memref<80xi32, #tpu.memory_space<hbm>>) dst(%arg13 : memref<80xi32, #tpu.memory_space<vmem>>)
    %dma_start3A_278 = arith.constant 0 : i32
    %dma_start3A_279 = arith.constant 0 : i32
    %dma_start3A_280 = tpu.memref_slice %arg19[%dma_start3A_278, %dma_start3A_279] : memref<10240x128xf32, #tpu.memory_space<vmem_shared>> -> memref<10240x128xf32, #tpu.memory_space<vmem_shared>>
    tpu.enqueue_indirect_dma source(%arg17 : memref<80x128xf32, #tpu.memory_space<vmem>>) target(%dma_start3A_280 : memref<10240x128xf32, #tpu.memory_space<vmem_shared>>) offsets(%arg13 : memref<80xi32, #tpu.memory_space<vmem>>) semaphore(%arg34 : memref<!tpu.dma_semaphore, #tpu.memory_space<semaphore_mem>>) {add = true}
    %dma_wait3A_281 = arith.constant 127 : i32
    %dma_wait3A_282 = arith.constant 0 : i32
    %dma_wait3A_283 = tpu.memref_slice %arg3[%add3A, %dma_wait3A_281, %dma_wait3A_282] : memref<32x128x80xi32, #tpu.memory_space<hbm>> -> memref<1x1x80xi32, #tpu.memory_space<hbm>>
    %dma_wait3A_284 = tpu.memref_squeeze %dma_wait3A_283 : memref<1x1x80xi32, #tpu.memory_space<hbm>> -> memref<80xi32, #tpu.memory_space<hbm>>
    %dma_wait3A_285 = arith.constant 0 : i32
    %dma_wait3A_286 = tpu.memref_slice %arg3[%add3A, %dma_wait3A_281, %dma_wait3A_285] : memref<32x128x80xi32, #tpu.memory_space<hbm>> -> memref<1x1x80xi32, #tpu.memory_space<hbm>>
    %dma_wait3A_287 = tpu.memref_squeeze %dma_wait3A_286 : memref<1x1x80xi32, #tpu.memory_space<hbm>> -> memref<80xi32, #tpu.memory_space<hbm>>
    tpu.wait_dma2 semaphore(%arg23 : memref<!tpu.dma_semaphore, #tpu.memory_space<semaphore_mem>>) src(%dma_wait3A_287 : memref<80xi32, #tpu.memory_space<hbm>>) dst(%arg10 : memref<80xi32, #tpu.memory_space<vmem>>)
    %dma_wait3A_288 = arith.constant 0 : i32
    %dma_wait3A_289 = arith.constant 0 : i32
    %dma_wait3A_290 = tpu.memref_slice %arg19[%dma_wait3A_288, %dma_wait3A_289] : memref<10240x128xf32, #tpu.memory_space<vmem_shared>> -> memref<10240x128xf32, #tpu.memory_space<vmem_shared>>
    tpu.wait_indirect_dma semaphore(%arg35 : memref<!tpu.dma_semaphore, #tpu.memory_space<semaphore_mem>>) src(%arg18 : memref<80x128xf32, #tpu.memory_space<vmem>>) dst(%dma_wait3A_290 : memref<10240x128xf32, #tpu.memory_space<vmem_shared>>)
    %dma_start3A_291 = arith.constant 127 : i32
    %dma_start3A_292 = arith.constant 0 : i32
    %dma_start3A_293 = tpu.memref_slice %arg4[%add3A, %dma_start3A_291, %dma_start3A_292] : memref<32x128x80xi32, #tpu.memory_space<hbm>> -> memref<1x1x80xi32, #tpu.memory_space<hbm>>
    %dma_start3A_294 = tpu.memref_squeeze %dma_start3A_293 : memref<1x1x80xi32, #tpu.memory_space<hbm>> -> memref<80xi32, #tpu.memory_space<hbm>>
    %dma_start3A_295 = arith.constant 0 : i32
    %dma_start3A_296 = tpu.memref_slice %arg4[%add3A, %dma_start3A_291, %dma_start3A_295] : memref<32x128x80xi32, #tpu.memory_space<hbm>> -> memref<1x1x80xi32, #tpu.memory_space<hbm>>
    %dma_start3A_297 = tpu.memref_squeeze %dma_start3A_296 : memref<1x1x80xi32, #tpu.memory_space<hbm>> -> memref<80xi32, #tpu.memory_space<hbm>>
    tpu.enqueue_dma source(%dma_start3A_297 : memref<80xi32, #tpu.memory_space<hbm>>) target(%arg14 : memref<80xi32, #tpu.memory_space<vmem>>) target_semaphore(%arg27 : memref<!tpu.dma_semaphore, #tpu.memory_space<semaphore_mem>>)
    %dma_start3A_298 = arith.constant 0 : i32
    %dma_start3A_299 = arith.constant 0 : i32
    %dma_start3A_300 = tpu.memref_slice %arg2[%dma_start3A_298, %dma_start3A_299] : memref<10240x128xf32, #tpu.memory_space<hbm>> -> memref<10240x128xf32, #tpu.memory_space<hbm>>
    tpu.enqueue_indirect_dma source(%dma_start3A_300 : memref<10240x128xf32, #tpu.memory_space<hbm>>) target(%arg18 : memref<80x128xf32, #tpu.memory_space<vmem>>) offsets(%arg10 : memref<80xi32, #tpu.memory_space<vmem>>) semaphore(%arg31 : memref<!tpu.dma_semaphore, #tpu.memory_space<semaphore_mem>>)
    %dma_wait3A_301 = arith.constant 0 : i32
    %dma_wait3A_302 = arith.constant 0 : i32
    %dma_wait3A_303 = tpu.memref_slice %arg2[%dma_wait3A_301, %dma_wait3A_302] : memref<10240x128xf32, #tpu.memory_space<hbm>> -> memref<10240x128xf32, #tpu.memory_space<hbm>>
    tpu.wait_indirect_dma semaphore(%arg31 : memref<!tpu.dma_semaphore, #tpu.memory_space<semaphore_mem>>) src(%dma_wait3A_303 : memref<10240x128xf32, #tpu.memory_space<hbm>>) dst(%arg18 : memref<80x128xf32, #tpu.memory_space<vmem>>)
    %dma_wait3A_304 = arith.constant 127 : i32
    %dma_wait3A_305 = arith.constant 0 : i32
    %dma_wait3A_306 = tpu.memref_slice %arg4[%add3A, %dma_wait3A_304, %dma_wait3A_305] : memref<32x128x80xi32, #tpu.memory_space<hbm>> -> memref<1x1x80xi32, #tpu.memory_space<hbm>>
    %dma_wait3A_307 = tpu.memref_squeeze %dma_wait3A_306 : memref<1x1x80xi32, #tpu.memory_space<hbm>> -> memref<80xi32, #tpu.memory_space<hbm>>
    %dma_wait3A_308 = arith.constant 0 : i32
    %dma_wait3A_309 = tpu.memref_slice %arg4[%add3A, %dma_wait3A_304, %dma_wait3A_308] : memref<32x128x80xi32, #tpu.memory_space<hbm>> -> memref<1x1x80xi32, #tpu.memory_space<hbm>>
    %dma_wait3A_310 = tpu.memref_squeeze %dma_wait3A_309 : memref<1x1x80xi32, #tpu.memory_space<hbm>> -> memref<80xi32, #tpu.memory_space<hbm>>
    tpu.wait_dma2 semaphore(%arg27 : memref<!tpu.dma_semaphore, #tpu.memory_space<semaphore_mem>>) src(%dma_wait3A_310 : memref<80xi32, #tpu.memory_space<hbm>>) dst(%arg14 : memref<80xi32, #tpu.memory_space<vmem>>)
    %dma_start3A_311 = arith.constant 0 : i32
    %dma_start3A_312 = arith.constant 0 : i32
    %dma_start3A_313 = tpu.memref_slice %arg19[%dma_start3A_311, %dma_start3A_312] : memref<10240x128xf32, #tpu.memory_space<vmem_shared>> -> memref<10240x128xf32, #tpu.memory_space<vmem_shared>>
    tpu.enqueue_indirect_dma source(%arg18 : memref<80x128xf32, #tpu.memory_space<vmem>>) target(%dma_start3A_313 : memref<10240x128xf32, #tpu.memory_space<vmem_shared>>) offsets(%arg14 : memref<80xi32, #tpu.memory_space<vmem>>) semaphore(%arg35 : memref<!tpu.dma_semaphore, #tpu.memory_space<semaphore_mem>>) {add = true}
    %dma_wait3A_314 = arith.constant 0 : i32
    %dma_wait3A_315 = arith.constant 0 : i32
    %dma_wait3A_316 = tpu.memref_slice %arg19[%dma_wait3A_314, %dma_wait3A_315] : memref<10240x128xf32, #tpu.memory_space<vmem_shared>> -> memref<10240x128xf32, #tpu.memory_space<vmem_shared>>
    tpu.wait_indirect_dma semaphore(%arg32 : memref<!tpu.dma_semaphore, #tpu.memory_space<semaphore_mem>>) src(%arg15 : memref<80x128xf32, #tpu.memory_space<vmem>>) dst(%dma_wait3A_316 : memref<10240x128xf32, #tpu.memory_space<vmem_shared>>)
    %dma_wait3A_317 = arith.constant 0 : i32
    %dma_wait3A_318 = arith.constant 0 : i32
    %dma_wait3A_319 = tpu.memref_slice %arg19[%dma_wait3A_317, %dma_wait3A_318] : memref<10240x128xf32, #tpu.memory_space<vmem_shared>> -> memref<10240x128xf32, #tpu.memory_space<vmem_shared>>
    tpu.wait_indirect_dma semaphore(%arg33 : memref<!tpu.dma_semaphore, #tpu.memory_space<semaphore_mem>>) src(%arg16 : memref<80x128xf32, #tpu.memory_space<vmem>>) dst(%dma_wait3A_319 : memref<10240x128xf32, #tpu.memory_space<vmem_shared>>)
    %dma_wait3A_320 = arith.constant 0 : i32
    %dma_wait3A_321 = arith.constant 0 : i32
    %dma_wait3A_322 = tpu.memref_slice %arg19[%dma_wait3A_320, %dma_wait3A_321] : memref<10240x128xf32, #tpu.memory_space<vmem_shared>> -> memref<10240x128xf32, #tpu.memory_space<vmem_shared>>
    tpu.wait_indirect_dma semaphore(%arg34 : memref<!tpu.dma_semaphore, #tpu.memory_space<semaphore_mem>>) src(%arg17 : memref<80x128xf32, #tpu.memory_space<vmem>>) dst(%dma_wait3A_322 : memref<10240x128xf32, #tpu.memory_space<vmem_shared>>)
    %dma_wait3A_323 = arith.constant 0 : i32
    %dma_wait3A_324 = arith.constant 0 : i32
    %dma_wait3A_325 = tpu.memref_slice %arg19[%dma_wait3A_323, %dma_wait3A_324] : memref<10240x128xf32, #tpu.memory_space<vmem_shared>> -> memref<10240x128xf32, #tpu.memory_space<vmem_shared>>
    tpu.wait_indirect_dma semaphore(%arg35 : memref<!tpu.dma_semaphore, #tpu.memory_space<semaphore_mem>>) src(%arg18 : memref<80x128xf32, #tpu.memory_space<vmem>>) dst(%dma_wait3A_325 : memref<10240x128xf32, #tpu.memory_space<vmem_shared>>)
    %barrier3A_326 = arith.constant 0 : index
    tpu.barrier barrier_id(%barrier3A_326)
    %mul3A_327 = arith.constant 640 : i32
    %mul3A_328 = arith.muli %arg1, %mul3A_327 : i32
    %mul3A_329 = arith.constant 640 : i32
    %mul3A_330 = arith.muli %arg1, %mul3A_329 : i32
    "tpu.region"() ({
      %run_scoped3A = tpu.sem_alloc : memref<!tpu.dma_semaphore, #tpu.memory_space<semaphore_mem>>
      %dma_start3A_331 = arith.constant 0 : i32
      %dma_start3A_332 = tpu.memref_slice %arg6[%arg0, %mul3A_330, %dma_start3A_331] : memref<2x10240x128xf32, #tpu.memory_space<hbm>> -> memref<1x640x128xf32, #tpu.memory_space<hbm>>
      %dma_start3A_333 = tpu.memref_squeeze %dma_start3A_332 : memref<1x640x128xf32, #tpu.memory_space<hbm>> -> memref<640x128xf32, #tpu.memory_space<hbm>>
      %dma_start3A_334 = arith.constant 0 : i32
      %dma_start3A_335 = tpu.memref_slice %arg19[%mul3A_328, %dma_start3A_334] : memref<10240x128xf32, #tpu.memory_space<vmem_shared>> -> memref<640x128xf32, #tpu.memory_space<vmem_shared>>
      tpu.enqueue_dma source(%dma_start3A_335 : memref<640x128xf32, #tpu.memory_space<vmem_shared>>) target(%dma_start3A_333 : memref<640x128xf32, #tpu.memory_space<hbm>>) target_semaphore(%run_scoped3A : memref<!tpu.dma_semaphore, #tpu.memory_space<semaphore_mem>>)
      %dma_wait3A_336 = arith.constant 0 : i32
      %dma_wait3A_337 = tpu.memref_slice %arg6[%arg0, %mul3A_330, %dma_wait3A_336] : memref<2x10240x128xf32, #tpu.memory_space<hbm>> -> memref<1x640x128xf32, #tpu.memory_space<hbm>>
      %dma_wait3A_338 = tpu.memref_squeeze %dma_wait3A_337 : memref<1x640x128xf32, #tpu.memory_space<hbm>> -> memref<640x128xf32, #tpu.memory_space<hbm>>
      %dma_wait3A_339 = arith.constant 0 : i32
      %dma_wait3A_340 = tpu.memref_slice %arg19[%mul3A_328, %dma_wait3A_339] : memref<10240x128xf32, #tpu.memory_space<vmem_shared>> -> memref<640x128xf32, #tpu.memory_space<vmem_shared>>
      tpu.wait_dma2 semaphore(%run_scoped3A : memref<!tpu.dma_semaphore, #tpu.memory_space<semaphore_mem>>) src(%dma_wait3A_340 : memref<640x128xf32, #tpu.memory_space<vmem_shared>>) dst(%dma_wait3A_338 : memref<640x128xf32, #tpu.memory_space<hbm>>)
      tpu.yield
    }) : () -> ()
    return
  }
}

#map = affine_map<(d0, d1) -> (0, 0)>
#map1 = affine_map<(d0, d1) -> (0, 0, 0)>
module attributes {stable_mosaic.version = 14 : i64} {
  func.func @_agg_kernel(%arg0: i32, %arg1: i32, %arg2: memref<10240x128xf32, #tpu.memory_space<hbm>>, %arg3: memref<32x128x80xi32, #tpu.memory_space<hbm>>, %arg4: memref<32x128x80xi32, #tpu.memory_space<hbm>>, %arg5: memref<640x128xf32, #tpu.memory_space<hbm>>, %arg6: memref<2x10240x128xf32, #tpu.memory_space<hbm>>, %arg7: memref<80xi32, #tpu.memory_space<vmem>>, %arg8: memref<80xi32, #tpu.memory_space<vmem>>, %arg9: memref<80xi32, #tpu.memory_space<vmem>>, %arg10: memref<80xi32, #tpu.memory_space<vmem>>, %arg11: memref<80xi32, #tpu.memory_space<vmem>>, %arg12: memref<80xi32, #tpu.memory_space<vmem>>, %arg13: memref<80xi32, #tpu.memory_space<vmem>>, %arg14: memref<80xi32, #tpu.memory_space<vmem>>, %arg15: memref<80x128xf32, #tpu.memory_space<vmem>>, %arg16: memref<80x128xf32, #tpu.memory_space<vmem>>, %arg17: memref<80x128xf32, #tpu.memory_space<vmem>>, %arg18: memref<80x128xf32, #tpu.memory_space<vmem>>, %arg19: memref<10240x128xf32, #tpu.memory_space<vmem_shared>>, %arg20: memref<!tpu.dma_semaphore, #tpu.memory_space<semaphore_mem>>, %arg21: memref<!tpu.dma_semaphore, #tpu.memory_space<semaphore_mem>>, %arg22: memref<!tpu.dma_semaphore, #tpu.memory_space<semaphore_mem>>, %arg23: memref<!tpu.dma_semaphore, #tpu.memory_space<semaphore_mem>>, %arg24: memref<!tpu.dma_semaphore, #tpu.memory_space<semaphore_mem>>, %arg25: memref<!tpu.dma_semaphore, #tpu.memory_space<semaphore_mem>>, %arg26: memref<!tpu.dma_semaphore, #tpu.memory_space<semaphore_mem>>, %arg27: memref<!tpu.dma_semaphore, #tpu.memory_space<semaphore_mem>>, %arg28: memref<!tpu.dma_semaphore, #tpu.memory_space<semaphore_mem>>, %arg29: memref<!tpu.dma_semaphore, #tpu.memory_space<semaphore_mem>>, %arg30: memref<!tpu.dma_semaphore, #tpu.memory_space<semaphore_mem>>, %arg31: memref<!tpu.dma_semaphore, #tpu.memory_space<semaphore_mem>>, %arg32: memref<!tpu.dma_semaphore, #tpu.memory_space<semaphore_mem>>, %arg33: memref<!tpu.dma_semaphore, #tpu.memory_space<semaphore_mem>>, %arg34: memref<!tpu.dma_semaphore, #tpu.memory_space<semaphore_mem>>, %arg35: memref<!tpu.dma_semaphore, #tpu.memory_space<semaphore_mem>>) attributes {dimension_semantics = [#tpu.dimension_semantics<core_parallel>, #tpu.dimension_semantics<subcore_parallel>], iteration_bounds = array<i64: 2, 16>, scalar_prefetch = 0 : i64, scratch_operands = 29 : i64, tpu.core_type = #tpu.core_type<sc_vector_subcore>, window_params = [{transform_indices = #map}, {transform_indices = #map1}, {transform_indices = #map1}, {transform_indices = #map}, {transform_indices = #map1}]} {
    %mul3A = arith.constant 2 : i32
    %mul3A_0 = arith.muli %arg1, %mul3A : i32
    %add3A = arith.addi %mul3A_0, %arg0 : i32
    %mul3A_1 = arith.constant 640 : i32
    %mul3A_2 = arith.muli %arg1, %mul3A_1 : i32
    "tpu.region"() ({
      %run_scoped3A = tpu.sem_alloc : memref<!tpu.dma_semaphore, #tpu.memory_space<semaphore_mem>>
      %dma_start3A_331 = arith.constant 0 : i32
      %dma_start3A_332 = tpu.memref_slice %arg19[%mul3A_2, %dma_start3A_331] : memref<10240x128xf32, #tpu.memory_space<vmem_shared>> -> memref<640x128xf32, #tpu.memory_space<vmem_shared>>
      tpu.enqueue_dma source(%arg5 : memref<640x128xf32, #tpu.memory_space<hbm>>) target(%dma_start3A_332 : memref<640x128xf32, #tpu.memory_space<vmem_shared>>) target_semaphore(%run_scoped3A : memref<!tpu.dma_semaphore, #tpu.memory_space<semaphore_mem>>)
      %dma_wait3A_333 = arith.constant 0 : i32
      %dma_wait3A_334 = tpu.memref_slice %arg19[%mul3A_2, %dma_wait3A_333] : memref<10240x128xf32, #tpu.memory_space<vmem_shared>> -> memref<640x128xf32, #tpu.memory_space<vmem_shared>>
      tpu.wait_dma2 semaphore(%run_scoped3A : memref<!tpu.dma_semaphore, #tpu.memory_space<semaphore_mem>>) src(%arg5 : memref<640x128xf32, #tpu.memory_space<hbm>>) dst(%dma_wait3A_334 : memref<640x128xf32, #tpu.memory_space<vmem_shared>>)
      tpu.yield
    }) : () -> ()
    %barrier3A = arith.constant 0 : index
    tpu.barrier barrier_id(%barrier3A)
    %dma_start3A = arith.constant 0 : i32
    %dma_start3A_3 = arith.constant 0 : i32
    %dma_start3A_4 = tpu.memref_slice %arg3[%add3A, %dma_start3A, %dma_start3A_3] : memref<32x128x80xi32, #tpu.memory_space<hbm>> -> memref<1x1x80xi32, #tpu.memory_space<hbm>>
    %dma_start3A_5 = tpu.memref_squeeze %dma_start3A_4 : memref<1x1x80xi32, #tpu.memory_space<hbm>> -> memref<80xi32, #tpu.memory_space<hbm>>
    %dma_start3A_6 = arith.constant 0 : i32
    %dma_start3A_7 = tpu.memref_slice %arg3[%add3A, %dma_start3A, %dma_start3A_6] : memref<32x128x80xi32, #tpu.memory_space<hbm>> -> memref<1x1x80xi32, #tpu.memory_space<hbm>>
    %dma_start3A_8 = tpu.memref_squeeze %dma_start3A_7 : memref<1x1x80xi32, #tpu.memory_space<hbm>> -> memref<80xi32, #tpu.memory_space<hbm>>
    tpu.enqueue_dma source(%dma_start3A_8 : memref<80xi32, #tpu.memory_space<hbm>>) target(%arg7 : memref<80xi32, #tpu.memory_space<vmem>>) target_semaphore(%arg20 : memref<!tpu.dma_semaphore, #tpu.memory_space<semaphore_mem>>)
    %dma_start3A_9 = arith.constant 1 : i32
    %dma_start3A_10 = arith.constant 0 : i32
    %dma_start3A_11 = tpu.memref_slice %arg3[%add3A, %dma_start3A_9, %dma_start3A_10] : memref<32x128x80xi32, #tpu.memory_space<hbm>> -> memref<1x1x80xi32, #tpu.memory_space<hbm>>
    %dma_start3A_12 = tpu.memref_squeeze %dma_start3A_11 : memref<1x1x80xi32, #tpu.memory_space<hbm>> -> memref<80xi32, #tpu.memory_space<hbm>>
    %dma_start3A_13 = arith.constant 0 : i32
    %dma_start3A_14 = tpu.memref_slice %arg3[%add3A, %dma_start3A_9, %dma_start3A_13] : memref<32x128x80xi32, #tpu.memory_space<hbm>> -> memref<1x1x80xi32, #tpu.memory_space<hbm>>
    %dma_start3A_15 = tpu.memref_squeeze %dma_start3A_14 : memref<1x1x80xi32, #tpu.memory_space<hbm>> -> memref<80xi32, #tpu.memory_space<hbm>>
    tpu.enqueue_dma source(%dma_start3A_15 : memref<80xi32, #tpu.memory_space<hbm>>) target(%arg8 : memref<80xi32, #tpu.memory_space<vmem>>) target_semaphore(%arg21 : memref<!tpu.dma_semaphore, #tpu.memory_space<semaphore_mem>>)
    %dma_start3A_16 = arith.constant 2 : i32
    %dma_start3A_17 = arith.constant 0 : i32
    %dma_start3A_18 = tpu.memref_slice %arg3[%add3A, %dma_start3A_16, %dma_start3A_17] : memref<32x128x80xi32, #tpu.memory_space<hbm>> -> memref<1x1x80xi32, #tpu.memory_space<hbm>>
    %dma_start3A_19 = tpu.memref_squeeze %dma_start3A_18 : memref<1x1x80xi32, #tpu.memory_space<hbm>> -> memref<80xi32, #tpu.memory_space<hbm>>
    %dma_start3A_20 = arith.constant 0 : i32
    %dma_start3A_21 = tpu.memref_slice %arg3[%add3A, %dma_start3A_16, %dma_start3A_20] : memref<32x128x80xi32, #tpu.memory_space<hbm>> -> memref<1x1x80xi32, #tpu.memory_space<hbm>>
    %dma_start3A_22 = tpu.memref_squeeze %dma_start3A_21 : memref<1x1x80xi32, #tpu.memory_space<hbm>> -> memref<80xi32, #tpu.memory_space<hbm>>
    tpu.enqueue_dma source(%dma_start3A_22 : memref<80xi32, #tpu.memory_space<hbm>>) target(%arg9 : memref<80xi32, #tpu.memory_space<vmem>>) target_semaphore(%arg22 : memref<!tpu.dma_semaphore, #tpu.memory_space<semaphore_mem>>)
    %dma_start3A_23 = arith.constant 3 : i32
    %dma_start3A_24 = arith.constant 0 : i32
    %dma_start3A_25 = tpu.memref_slice %arg3[%add3A, %dma_start3A_23, %dma_start3A_24] : memref<32x128x80xi32, #tpu.memory_space<hbm>> -> memref<1x1x80xi32, #tpu.memory_space<hbm>>
    %dma_start3A_26 = tpu.memref_squeeze %dma_start3A_25 : memref<1x1x80xi32, #tpu.memory_space<hbm>> -> memref<80xi32, #tpu.memory_space<hbm>>
    %dma_start3A_27 = arith.constant 0 : i32
    %dma_start3A_28 = tpu.memref_slice %arg3[%add3A, %dma_start3A_23, %dma_start3A_27] : memref<32x128x80xi32, #tpu.memory_space<hbm>> -> memref<1x1x80xi32, #tpu.memory_space<hbm>>
    %dma_start3A_29 = tpu.memref_squeeze %dma_start3A_28 : memref<1x1x80xi32, #tpu.memory_space<hbm>> -> memref<80xi32, #tpu.memory_space<hbm>>
    tpu.enqueue_dma source(%dma_start3A_29 : memref<80xi32, #tpu.memory_space<hbm>>) target(%arg10 : memref<80xi32, #tpu.memory_space<vmem>>) target_semaphore(%arg23 : memref<!tpu.dma_semaphore, #tpu.memory_space<semaphore_mem>>)
    %dma_start3A_30 = arith.constant 0 : i32
    %dma_start3A_31 = arith.constant 0 : i32
    %dma_start3A_32 = tpu.memref_slice %arg4[%add3A, %dma_start3A_30, %dma_start3A_31] : memref<32x128x80xi32, #tpu.memory_space<hbm>> -> memref<1x1x80xi32, #tpu.memory_space<hbm>>
    %dma_start3A_33 = tpu.memref_squeeze %dma_start3A_32 : memref<1x1x80xi32, #tpu.memory_space<hbm>> -> memref<80xi32, #tpu.memory_space<hbm>>
    %dma_start3A_34 = arith.constant 0 : i32
    %dma_start3A_35 = tpu.memref_slice %arg4[%add3A, %dma_start3A_30, %dma_start3A_34] : memref<32x128x80xi32, #tpu.memory_space<hbm>> -> memref<1x1x80xi32, #tpu.memory_space<hbm>>
    %dma_start3A_36 = tpu.memref_squeeze %dma_start3A_35 : memref<1x1x80xi32, #tpu.memory_space<hbm>> -> memref<80xi32, #tpu.memory_space<hbm>>
    tpu.enqueue_dma source(%dma_start3A_36 : memref<80xi32, #tpu.memory_space<hbm>>) target(%arg11 : memref<80xi32, #tpu.memory_space<vmem>>) target_semaphore(%arg24 : memref<!tpu.dma_semaphore, #tpu.memory_space<semaphore_mem>>)
    %dma_wait3A = arith.constant 0 : i32
    %dma_wait3A_37 = arith.constant 0 : i32
    %dma_wait3A_38 = tpu.memref_slice %arg3[%add3A, %dma_wait3A, %dma_wait3A_37] : memref<32x128x80xi32, #tpu.memory_space<hbm>> -> memref<1x1x80xi32, #tpu.memory_space<hbm>>
    %dma_wait3A_39 = tpu.memref_squeeze %dma_wait3A_38 : memref<1x1x80xi32, #tpu.memory_space<hbm>> -> memref<80xi32, #tpu.memory_space<hbm>>
    %dma_wait3A_40 = arith.constant 0 : i32
    %dma_wait3A_41 = tpu.memref_slice %arg3[%add3A, %dma_wait3A, %dma_wait3A_40] : memref<32x128x80xi32, #tpu.memory_space<hbm>> -> memref<1x1x80xi32, #tpu.memory_space<hbm>>
    %dma_wait3A_42 = tpu.memref_squeeze %dma_wait3A_41 : memref<1x1x80xi32, #tpu.memory_space<hbm>> -> memref<80xi32, #tpu.memory_space<hbm>>
    tpu.wait_dma2 semaphore(%arg20 : memref<!tpu.dma_semaphore, #tpu.memory_space<semaphore_mem>>) src(%dma_wait3A_42 : memref<80xi32, #tpu.memory_space<hbm>>) dst(%arg7 : memref<80xi32, #tpu.memory_space<vmem>>)
    %dma_start3A_43 = arith.constant 0 : i32
    %dma_start3A_44 = arith.constant 0 : i32
    %dma_start3A_45 = tpu.memref_slice %arg2[%dma_start3A_43, %dma_start3A_44] : memref<10240x128xf32, #tpu.memory_space<hbm>> -> memref<10240x128xf32, #tpu.memory_space<hbm>>
    tpu.enqueue_indirect_dma source(%dma_start3A_45 : memref<10240x128xf32, #tpu.memory_space<hbm>>) target(%arg15 : memref<80x128xf32, #tpu.memory_space<vmem>>) offsets(%arg7 : memref<80xi32, #tpu.memory_space<vmem>>) semaphore(%arg28 : memref<!tpu.dma_semaphore, #tpu.memory_space<semaphore_mem>>)
    %dma_wait3A_46 = arith.constant 0 : i32
    %dma_wait3A_47 = arith.constant 0 : i32
    %dma_wait3A_48 = tpu.memref_slice %arg2[%dma_wait3A_46, %dma_wait3A_47] : memref<10240x128xf32, #tpu.memory_space<hbm>> -> memref<10240x128xf32, #tpu.memory_space<hbm>>
    tpu.wait_indirect_dma semaphore(%arg28 : memref<!tpu.dma_semaphore, #tpu.memory_space<semaphore_mem>>) src(%dma_wait3A_48 : memref<10240x128xf32, #tpu.memory_space<hbm>>) dst(%arg15 : memref<80x128xf32, #tpu.memory_space<vmem>>)
    %dma_start3A_49 = arith.constant 4 : i32
    %dma_start3A_50 = arith.constant 0 : i32
    %dma_start3A_51 = tpu.memref_slice %arg3[%add3A, %dma_start3A_49, %dma_start3A_50] : memref<32x128x80xi32, #tpu.memory_space<hbm>> -> memref<1x1x80xi32, #tpu.memory_space<hbm>>
    %dma_start3A_52 = tpu.memref_squeeze %dma_start3A_51 : memref<1x1x80xi32, #tpu.memory_space<hbm>> -> memref<80xi32, #tpu.memory_space<hbm>>
    %dma_start3A_53 = arith.constant 0 : i32
    %dma_start3A_54 = tpu.memref_slice %arg3[%add3A, %dma_start3A_49, %dma_start3A_53] : memref<32x128x80xi32, #tpu.memory_space<hbm>> -> memref<1x1x80xi32, #tpu.memory_space<hbm>>
    %dma_start3A_55 = tpu.memref_squeeze %dma_start3A_54 : memref<1x1x80xi32, #tpu.memory_space<hbm>> -> memref<80xi32, #tpu.memory_space<hbm>>
    tpu.enqueue_dma source(%dma_start3A_55 : memref<80xi32, #tpu.memory_space<hbm>>) target(%arg7 : memref<80xi32, #tpu.memory_space<vmem>>) target_semaphore(%arg20 : memref<!tpu.dma_semaphore, #tpu.memory_space<semaphore_mem>>)
    %dma_wait3A_56 = arith.constant 0 : i32
    %dma_wait3A_57 = arith.constant 0 : i32
    %dma_wait3A_58 = tpu.memref_slice %arg4[%add3A, %dma_wait3A_56, %dma_wait3A_57] : memref<32x128x80xi32, #tpu.memory_space<hbm>> -> memref<1x1x80xi32, #tpu.memory_space<hbm>>
    %dma_wait3A_59 = tpu.memref_squeeze %dma_wait3A_58 : memref<1x1x80xi32, #tpu.memory_space<hbm>> -> memref<80xi32, #tpu.memory_space<hbm>>
    %dma_wait3A_60 = arith.constant 0 : i32
    %dma_wait3A_61 = tpu.memref_slice %arg4[%add3A, %dma_wait3A_56, %dma_wait3A_60] : memref<32x128x80xi32, #tpu.memory_space<hbm>> -> memref<1x1x80xi32, #tpu.memory_space<hbm>>
    %dma_wait3A_62 = tpu.memref_squeeze %dma_wait3A_61 : memref<1x1x80xi32, #tpu.memory_space<hbm>> -> memref<80xi32, #tpu.memory_space<hbm>>
    tpu.wait_dma2 semaphore(%arg24 : memref<!tpu.dma_semaphore, #tpu.memory_space<semaphore_mem>>) src(%dma_wait3A_62 : memref<80xi32, #tpu.memory_space<hbm>>) dst(%arg11 : memref<80xi32, #tpu.memory_space<vmem>>)
    %dma_start3A_63 = arith.constant 0 : i32
    %dma_start3A_64 = arith.constant 0 : i32
    %dma_start3A_65 = tpu.memref_slice %arg19[%dma_start3A_63, %dma_start3A_64] : memref<10240x128xf32, #tpu.memory_space<vmem_shared>> -> memref<10240x128xf32, #tpu.memory_space<vmem_shared>>
    tpu.enqueue_indirect_dma source(%arg15 : memref<80x128xf32, #tpu.memory_space<vmem>>) target(%dma_start3A_65 : memref<10240x128xf32, #tpu.memory_space<vmem_shared>>) offsets(%arg11 : memref<80xi32, #tpu.memory_space<vmem>>) semaphore(%arg32 : memref<!tpu.dma_semaphore, #tpu.memory_space<semaphore_mem>>) {add = true}
    %dma_wait3A_66 = arith.constant 1 : i32
    %dma_wait3A_67 = arith.constant 0 : i32
    %dma_wait3A_68 = tpu.memref_slice %arg3[%add3A, %dma_wait3A_66, %dma_wait3A_67] : memref<32x128x80xi32, #tpu.memory_space<hbm>> -> memref<1x1x80xi32, #tpu.memory_space<hbm>>
    %dma_wait3A_69 = tpu.memref_squeeze %dma_wait3A_68 : memref<1x1x80xi32, #tpu.memory_space<hbm>> -> memref<80xi32, #tpu.memory_space<hbm>>
    %dma_wait3A_70 = arith.constant 0 : i32
    %dma_wait3A_71 = tpu.memref_slice %arg3[%add3A, %dma_wait3A_66, %dma_wait3A_70] : memref<32x128x80xi32, #tpu.memory_space<hbm>> -> memref<1x1x80xi32, #tpu.memory_space<hbm>>
    %dma_wait3A_72 = tpu.memref_squeeze %dma_wait3A_71 : memref<1x1x80xi32, #tpu.memory_space<hbm>> -> memref<80xi32, #tpu.memory_space<hbm>>
    tpu.wait_dma2 semaphore(%arg21 : memref<!tpu.dma_semaphore, #tpu.memory_space<semaphore_mem>>) src(%dma_wait3A_72 : memref<80xi32, #tpu.memory_space<hbm>>) dst(%arg8 : memref<80xi32, #tpu.memory_space<vmem>>)
    %dma_start3A_73 = arith.constant 1 : i32
    %dma_start3A_74 = arith.constant 0 : i32
    %dma_start3A_75 = tpu.memref_slice %arg4[%add3A, %dma_start3A_73, %dma_start3A_74] : memref<32x128x80xi32, #tpu.memory_space<hbm>> -> memref<1x1x80xi32, #tpu.memory_space<hbm>>
    %dma_start3A_76 = tpu.memref_squeeze %dma_start3A_75 : memref<1x1x80xi32, #tpu.memory_space<hbm>> -> memref<80xi32, #tpu.memory_space<hbm>>
    %dma_start3A_77 = arith.constant 0 : i32
    %dma_start3A_78 = tpu.memref_slice %arg4[%add3A, %dma_start3A_73, %dma_start3A_77] : memref<32x128x80xi32, #tpu.memory_space<hbm>> -> memref<1x1x80xi32, #tpu.memory_space<hbm>>
    %dma_start3A_79 = tpu.memref_squeeze %dma_start3A_78 : memref<1x1x80xi32, #tpu.memory_space<hbm>> -> memref<80xi32, #tpu.memory_space<hbm>>
    tpu.enqueue_dma source(%dma_start3A_79 : memref<80xi32, #tpu.memory_space<hbm>>) target(%arg12 : memref<80xi32, #tpu.memory_space<vmem>>) target_semaphore(%arg25 : memref<!tpu.dma_semaphore, #tpu.memory_space<semaphore_mem>>)
    %dma_start3A_80 = arith.constant 0 : i32
    %dma_start3A_81 = arith.constant 0 : i32
    %dma_start3A_82 = tpu.memref_slice %arg2[%dma_start3A_80, %dma_start3A_81] : memref<10240x128xf32, #tpu.memory_space<hbm>> -> memref<10240x128xf32, #tpu.memory_space<hbm>>
    tpu.enqueue_indirect_dma source(%dma_start3A_82 : memref<10240x128xf32, #tpu.memory_space<hbm>>) target(%arg16 : memref<80x128xf32, #tpu.memory_space<vmem>>) offsets(%arg8 : memref<80xi32, #tpu.memory_space<vmem>>) semaphore(%arg29 : memref<!tpu.dma_semaphore, #tpu.memory_space<semaphore_mem>>)
    %dma_wait3A_83 = arith.constant 0 : i32
    %dma_wait3A_84 = arith.constant 0 : i32
    %dma_wait3A_85 = tpu.memref_slice %arg2[%dma_wait3A_83, %dma_wait3A_84] : memref<10240x128xf32, #tpu.memory_space<hbm>> -> memref<10240x128xf32, #tpu.memory_space<hbm>>
    tpu.wait_indirect_dma semaphore(%arg29 : memref<!tpu.dma_semaphore, #tpu.memory_space<semaphore_mem>>) src(%dma_wait3A_85 : memref<10240x128xf32, #tpu.memory_space<hbm>>) dst(%arg16 : memref<80x128xf32, #tpu.memory_space<vmem>>)
    %dma_start3A_86 = arith.constant 5 : i32
    %dma_start3A_87 = arith.constant 0 : i32
    %dma_start3A_88 = tpu.memref_slice %arg3[%add3A, %dma_start3A_86, %dma_start3A_87] : memref<32x128x80xi32, #tpu.memory_space<hbm>> -> memref<1x1x80xi32, #tpu.memory_space<hbm>>
    %dma_start3A_89 = tpu.memref_squeeze %dma_start3A_88 : memref<1x1x80xi32, #tpu.memory_space<hbm>> -> memref<80xi32, #tpu.memory_space<hbm>>
    %dma_start3A_90 = arith.constant 0 : i32
    %dma_start3A_91 = tpu.memref_slice %arg3[%add3A, %dma_start3A_86, %dma_start3A_90] : memref<32x128x80xi32, #tpu.memory_space<hbm>> -> memref<1x1x80xi32, #tpu.memory_space<hbm>>
    %dma_start3A_92 = tpu.memref_squeeze %dma_start3A_91 : memref<1x1x80xi32, #tpu.memory_space<hbm>> -> memref<80xi32, #tpu.memory_space<hbm>>
    tpu.enqueue_dma source(%dma_start3A_92 : memref<80xi32, #tpu.memory_space<hbm>>) target(%arg8 : memref<80xi32, #tpu.memory_space<vmem>>) target_semaphore(%arg21 : memref<!tpu.dma_semaphore, #tpu.memory_space<semaphore_mem>>)
    %dma_wait3A_93 = arith.constant 1 : i32
    %dma_wait3A_94 = arith.constant 0 : i32
    %dma_wait3A_95 = tpu.memref_slice %arg4[%add3A, %dma_wait3A_93, %dma_wait3A_94] : memref<32x128x80xi32, #tpu.memory_space<hbm>> -> memref<1x1x80xi32, #tpu.memory_space<hbm>>
    %dma_wait3A_96 = tpu.memref_squeeze %dma_wait3A_95 : memref<1x1x80xi32, #tpu.memory_space<hbm>> -> memref<80xi32, #tpu.memory_space<hbm>>
    %dma_wait3A_97 = arith.constant 0 : i32
    %dma_wait3A_98 = tpu.memref_slice %arg4[%add3A, %dma_wait3A_93, %dma_wait3A_97] : memref<32x128x80xi32, #tpu.memory_space<hbm>> -> memref<1x1x80xi32, #tpu.memory_space<hbm>>
    %dma_wait3A_99 = tpu.memref_squeeze %dma_wait3A_98 : memref<1x1x80xi32, #tpu.memory_space<hbm>> -> memref<80xi32, #tpu.memory_space<hbm>>
    tpu.wait_dma2 semaphore(%arg25 : memref<!tpu.dma_semaphore, #tpu.memory_space<semaphore_mem>>) src(%dma_wait3A_99 : memref<80xi32, #tpu.memory_space<hbm>>) dst(%arg12 : memref<80xi32, #tpu.memory_space<vmem>>)
    %dma_start3A_100 = arith.constant 0 : i32
    %dma_start3A_101 = arith.constant 0 : i32
    %dma_start3A_102 = tpu.memref_slice %arg19[%dma_start3A_100, %dma_start3A_101] : memref<10240x128xf32, #tpu.memory_space<vmem_shared>> -> memref<10240x128xf32, #tpu.memory_space<vmem_shared>>
    tpu.enqueue_indirect_dma source(%arg16 : memref<80x128xf32, #tpu.memory_space<vmem>>) target(%dma_start3A_102 : memref<10240x128xf32, #tpu.memory_space<vmem_shared>>) offsets(%arg12 : memref<80xi32, #tpu.memory_space<vmem>>) semaphore(%arg33 : memref<!tpu.dma_semaphore, #tpu.memory_space<semaphore_mem>>) {add = true}
    %dma_wait3A_103 = arith.constant 2 : i32
    %dma_wait3A_104 = arith.constant 0 : i32
    %dma_wait3A_105 = tpu.memref_slice %arg3[%add3A, %dma_wait3A_103, %dma_wait3A_104] : memref<32x128x80xi32, #tpu.memory_space<hbm>> -> memref<1x1x80xi32, #tpu.memory_space<hbm>>
    %dma_wait3A_106 = tpu.memref_squeeze %dma_wait3A_105 : memref<1x1x80xi32, #tpu.memory_space<hbm>> -> memref<80xi32, #tpu.memory_space<hbm>>
    %dma_wait3A_107 = arith.constant 0 : i32
    %dma_wait3A_108 = tpu.memref_slice %arg3[%add3A, %dma_wait3A_103, %dma_wait3A_107] : memref<32x128x80xi32, #tpu.memory_space<hbm>> -> memref<1x1x80xi32, #tpu.memory_space<hbm>>
    %dma_wait3A_109 = tpu.memref_squeeze %dma_wait3A_108 : memref<1x1x80xi32, #tpu.memory_space<hbm>> -> memref<80xi32, #tpu.memory_space<hbm>>
    tpu.wait_dma2 semaphore(%arg22 : memref<!tpu.dma_semaphore, #tpu.memory_space<semaphore_mem>>) src(%dma_wait3A_109 : memref<80xi32, #tpu.memory_space<hbm>>) dst(%arg9 : memref<80xi32, #tpu.memory_space<vmem>>)
    %dma_start3A_110 = arith.constant 2 : i32
    %dma_start3A_111 = arith.constant 0 : i32
    %dma_start3A_112 = tpu.memref_slice %arg4[%add3A, %dma_start3A_110, %dma_start3A_111] : memref<32x128x80xi32, #tpu.memory_space<hbm>> -> memref<1x1x80xi32, #tpu.memory_space<hbm>>
    %dma_start3A_113 = tpu.memref_squeeze %dma_start3A_112 : memref<1x1x80xi32, #tpu.memory_space<hbm>> -> memref<80xi32, #tpu.memory_space<hbm>>
    %dma_start3A_114 = arith.constant 0 : i32
    %dma_start3A_115 = tpu.memref_slice %arg4[%add3A, %dma_start3A_110, %dma_start3A_114] : memref<32x128x80xi32, #tpu.memory_space<hbm>> -> memref<1x1x80xi32, #tpu.memory_space<hbm>>
    %dma_start3A_116 = tpu.memref_squeeze %dma_start3A_115 : memref<1x1x80xi32, #tpu.memory_space<hbm>> -> memref<80xi32, #tpu.memory_space<hbm>>
    tpu.enqueue_dma source(%dma_start3A_116 : memref<80xi32, #tpu.memory_space<hbm>>) target(%arg13 : memref<80xi32, #tpu.memory_space<vmem>>) target_semaphore(%arg26 : memref<!tpu.dma_semaphore, #tpu.memory_space<semaphore_mem>>)
    %dma_start3A_117 = arith.constant 0 : i32
    %dma_start3A_118 = arith.constant 0 : i32
    %dma_start3A_119 = tpu.memref_slice %arg2[%dma_start3A_117, %dma_start3A_118] : memref<10240x128xf32, #tpu.memory_space<hbm>> -> memref<10240x128xf32, #tpu.memory_space<hbm>>
    tpu.enqueue_indirect_dma source(%dma_start3A_119 : memref<10240x128xf32, #tpu.memory_space<hbm>>) target(%arg17 : memref<80x128xf32, #tpu.memory_space<vmem>>) offsets(%arg9 : memref<80xi32, #tpu.memory_space<vmem>>) semaphore(%arg30 : memref<!tpu.dma_semaphore, #tpu.memory_space<semaphore_mem>>)
    %dma_wait3A_120 = arith.constant 0 : i32
    %dma_wait3A_121 = arith.constant 0 : i32
    %dma_wait3A_122 = tpu.memref_slice %arg2[%dma_wait3A_120, %dma_wait3A_121] : memref<10240x128xf32, #tpu.memory_space<hbm>> -> memref<10240x128xf32, #tpu.memory_space<hbm>>
    tpu.wait_indirect_dma semaphore(%arg30 : memref<!tpu.dma_semaphore, #tpu.memory_space<semaphore_mem>>) src(%dma_wait3A_122 : memref<10240x128xf32, #tpu.memory_space<hbm>>) dst(%arg17 : memref<80x128xf32, #tpu.memory_space<vmem>>)
    %dma_start3A_123 = arith.constant 6 : i32
    %dma_start3A_124 = arith.constant 0 : i32
    %dma_start3A_125 = tpu.memref_slice %arg3[%add3A, %dma_start3A_123, %dma_start3A_124] : memref<32x128x80xi32, #tpu.memory_space<hbm>> -> memref<1x1x80xi32, #tpu.memory_space<hbm>>
    %dma_start3A_126 = tpu.memref_squeeze %dma_start3A_125 : memref<1x1x80xi32, #tpu.memory_space<hbm>> -> memref<80xi32, #tpu.memory_space<hbm>>
    %dma_start3A_127 = arith.constant 0 : i32
    %dma_start3A_128 = tpu.memref_slice %arg3[%add3A, %dma_start3A_123, %dma_start3A_127] : memref<32x128x80xi32, #tpu.memory_space<hbm>> -> memref<1x1x80xi32, #tpu.memory_space<hbm>>
    %dma_start3A_129 = tpu.memref_squeeze %dma_start3A_128 : memref<1x1x80xi32, #tpu.memory_space<hbm>> -> memref<80xi32, #tpu.memory_space<hbm>>
    tpu.enqueue_dma source(%dma_start3A_129 : memref<80xi32, #tpu.memory_space<hbm>>) target(%arg9 : memref<80xi32, #tpu.memory_space<vmem>>) target_semaphore(%arg22 : memref<!tpu.dma_semaphore, #tpu.memory_space<semaphore_mem>>)
    %dma_wait3A_130 = arith.constant 2 : i32
    %dma_wait3A_131 = arith.constant 0 : i32
    %dma_wait3A_132 = tpu.memref_slice %arg4[%add3A, %dma_wait3A_130, %dma_wait3A_131] : memref<32x128x80xi32, #tpu.memory_space<hbm>> -> memref<1x1x80xi32, #tpu.memory_space<hbm>>
    %dma_wait3A_133 = tpu.memref_squeeze %dma_wait3A_132 : memref<1x1x80xi32, #tpu.memory_space<hbm>> -> memref<80xi32, #tpu.memory_space<hbm>>
    %dma_wait3A_134 = arith.constant 0 : i32
    %dma_wait3A_135 = tpu.memref_slice %arg4[%add3A, %dma_wait3A_130, %dma_wait3A_134] : memref<32x128x80xi32, #tpu.memory_space<hbm>> -> memref<1x1x80xi32, #tpu.memory_space<hbm>>
    %dma_wait3A_136 = tpu.memref_squeeze %dma_wait3A_135 : memref<1x1x80xi32, #tpu.memory_space<hbm>> -> memref<80xi32, #tpu.memory_space<hbm>>
    tpu.wait_dma2 semaphore(%arg26 : memref<!tpu.dma_semaphore, #tpu.memory_space<semaphore_mem>>) src(%dma_wait3A_136 : memref<80xi32, #tpu.memory_space<hbm>>) dst(%arg13 : memref<80xi32, #tpu.memory_space<vmem>>)
    %dma_start3A_137 = arith.constant 0 : i32
    %dma_start3A_138 = arith.constant 0 : i32
    %dma_start3A_139 = tpu.memref_slice %arg19[%dma_start3A_137, %dma_start3A_138] : memref<10240x128xf32, #tpu.memory_space<vmem_shared>> -> memref<10240x128xf32, #tpu.memory_space<vmem_shared>>
    tpu.enqueue_indirect_dma source(%arg17 : memref<80x128xf32, #tpu.memory_space<vmem>>) target(%dma_start3A_139 : memref<10240x128xf32, #tpu.memory_space<vmem_shared>>) offsets(%arg13 : memref<80xi32, #tpu.memory_space<vmem>>) semaphore(%arg34 : memref<!tpu.dma_semaphore, #tpu.memory_space<semaphore_mem>>) {add = true}
    %dma_wait3A_140 = arith.constant 3 : i32
    %dma_wait3A_141 = arith.constant 0 : i32
    %dma_wait3A_142 = tpu.memref_slice %arg3[%add3A, %dma_wait3A_140, %dma_wait3A_141] : memref<32x128x80xi32, #tpu.memory_space<hbm>> -> memref<1x1x80xi32, #tpu.memory_space<hbm>>
    %dma_wait3A_143 = tpu.memref_squeeze %dma_wait3A_142 : memref<1x1x80xi32, #tpu.memory_space<hbm>> -> memref<80xi32, #tpu.memory_space<hbm>>
    %dma_wait3A_144 = arith.constant 0 : i32
    %dma_wait3A_145 = tpu.memref_slice %arg3[%add3A, %dma_wait3A_140, %dma_wait3A_144] : memref<32x128x80xi32, #tpu.memory_space<hbm>> -> memref<1x1x80xi32, #tpu.memory_space<hbm>>
    %dma_wait3A_146 = tpu.memref_squeeze %dma_wait3A_145 : memref<1x1x80xi32, #tpu.memory_space<hbm>> -> memref<80xi32, #tpu.memory_space<hbm>>
    tpu.wait_dma2 semaphore(%arg23 : memref<!tpu.dma_semaphore, #tpu.memory_space<semaphore_mem>>) src(%dma_wait3A_146 : memref<80xi32, #tpu.memory_space<hbm>>) dst(%arg10 : memref<80xi32, #tpu.memory_space<vmem>>)
    %dma_start3A_147 = arith.constant 3 : i32
    %dma_start3A_148 = arith.constant 0 : i32
    %dma_start3A_149 = tpu.memref_slice %arg4[%add3A, %dma_start3A_147, %dma_start3A_148] : memref<32x128x80xi32, #tpu.memory_space<hbm>> -> memref<1x1x80xi32, #tpu.memory_space<hbm>>
    %dma_start3A_150 = tpu.memref_squeeze %dma_start3A_149 : memref<1x1x80xi32, #tpu.memory_space<hbm>> -> memref<80xi32, #tpu.memory_space<hbm>>
    %dma_start3A_151 = arith.constant 0 : i32
    %dma_start3A_152 = tpu.memref_slice %arg4[%add3A, %dma_start3A_147, %dma_start3A_151] : memref<32x128x80xi32, #tpu.memory_space<hbm>> -> memref<1x1x80xi32, #tpu.memory_space<hbm>>
    %dma_start3A_153 = tpu.memref_squeeze %dma_start3A_152 : memref<1x1x80xi32, #tpu.memory_space<hbm>> -> memref<80xi32, #tpu.memory_space<hbm>>
    tpu.enqueue_dma source(%dma_start3A_153 : memref<80xi32, #tpu.memory_space<hbm>>) target(%arg14 : memref<80xi32, #tpu.memory_space<vmem>>) target_semaphore(%arg27 : memref<!tpu.dma_semaphore, #tpu.memory_space<semaphore_mem>>)
    %dma_start3A_154 = arith.constant 0 : i32
    %dma_start3A_155 = arith.constant 0 : i32
    %dma_start3A_156 = tpu.memref_slice %arg2[%dma_start3A_154, %dma_start3A_155] : memref<10240x128xf32, #tpu.memory_space<hbm>> -> memref<10240x128xf32, #tpu.memory_space<hbm>>
    tpu.enqueue_indirect_dma source(%dma_start3A_156 : memref<10240x128xf32, #tpu.memory_space<hbm>>) target(%arg18 : memref<80x128xf32, #tpu.memory_space<vmem>>) offsets(%arg10 : memref<80xi32, #tpu.memory_space<vmem>>) semaphore(%arg31 : memref<!tpu.dma_semaphore, #tpu.memory_space<semaphore_mem>>)
    %dma_wait3A_157 = arith.constant 0 : i32
    %dma_wait3A_158 = arith.constant 0 : i32
    %dma_wait3A_159 = tpu.memref_slice %arg2[%dma_wait3A_157, %dma_wait3A_158] : memref<10240x128xf32, #tpu.memory_space<hbm>> -> memref<10240x128xf32, #tpu.memory_space<hbm>>
    tpu.wait_indirect_dma semaphore(%arg31 : memref<!tpu.dma_semaphore, #tpu.memory_space<semaphore_mem>>) src(%dma_wait3A_159 : memref<10240x128xf32, #tpu.memory_space<hbm>>) dst(%arg18 : memref<80x128xf32, #tpu.memory_space<vmem>>)
    %dma_start3A_160 = arith.constant 7 : i32
    %dma_start3A_161 = arith.constant 0 : i32
    %dma_start3A_162 = tpu.memref_slice %arg3[%add3A, %dma_start3A_160, %dma_start3A_161] : memref<32x128x80xi32, #tpu.memory_space<hbm>> -> memref<1x1x80xi32, #tpu.memory_space<hbm>>
    %dma_start3A_163 = tpu.memref_squeeze %dma_start3A_162 : memref<1x1x80xi32, #tpu.memory_space<hbm>> -> memref<80xi32, #tpu.memory_space<hbm>>
    %dma_start3A_164 = arith.constant 0 : i32
    %dma_start3A_165 = tpu.memref_slice %arg3[%add3A, %dma_start3A_160, %dma_start3A_164] : memref<32x128x80xi32, #tpu.memory_space<hbm>> -> memref<1x1x80xi32, #tpu.memory_space<hbm>>
    %dma_start3A_166 = tpu.memref_squeeze %dma_start3A_165 : memref<1x1x80xi32, #tpu.memory_space<hbm>> -> memref<80xi32, #tpu.memory_space<hbm>>
    tpu.enqueue_dma source(%dma_start3A_166 : memref<80xi32, #tpu.memory_space<hbm>>) target(%arg10 : memref<80xi32, #tpu.memory_space<vmem>>) target_semaphore(%arg23 : memref<!tpu.dma_semaphore, #tpu.memory_space<semaphore_mem>>)
    %dma_wait3A_167 = arith.constant 3 : i32
    %dma_wait3A_168 = arith.constant 0 : i32
    %dma_wait3A_169 = tpu.memref_slice %arg4[%add3A, %dma_wait3A_167, %dma_wait3A_168] : memref<32x128x80xi32, #tpu.memory_space<hbm>> -> memref<1x1x80xi32, #tpu.memory_space<hbm>>
    %dma_wait3A_170 = tpu.memref_squeeze %dma_wait3A_169 : memref<1x1x80xi32, #tpu.memory_space<hbm>> -> memref<80xi32, #tpu.memory_space<hbm>>
    %dma_wait3A_171 = arith.constant 0 : i32
    %dma_wait3A_172 = tpu.memref_slice %arg4[%add3A, %dma_wait3A_167, %dma_wait3A_171] : memref<32x128x80xi32, #tpu.memory_space<hbm>> -> memref<1x1x80xi32, #tpu.memory_space<hbm>>
    %dma_wait3A_173 = tpu.memref_squeeze %dma_wait3A_172 : memref<1x1x80xi32, #tpu.memory_space<hbm>> -> memref<80xi32, #tpu.memory_space<hbm>>
    tpu.wait_dma2 semaphore(%arg27 : memref<!tpu.dma_semaphore, #tpu.memory_space<semaphore_mem>>) src(%dma_wait3A_173 : memref<80xi32, #tpu.memory_space<hbm>>) dst(%arg14 : memref<80xi32, #tpu.memory_space<vmem>>)
    %dma_start3A_174 = arith.constant 0 : i32
    %dma_start3A_175 = arith.constant 0 : i32
    %dma_start3A_176 = tpu.memref_slice %arg19[%dma_start3A_174, %dma_start3A_175] : memref<10240x128xf32, #tpu.memory_space<vmem_shared>> -> memref<10240x128xf32, #tpu.memory_space<vmem_shared>>
    tpu.enqueue_indirect_dma source(%arg18 : memref<80x128xf32, #tpu.memory_space<vmem>>) target(%dma_start3A_176 : memref<10240x128xf32, #tpu.memory_space<vmem_shared>>) offsets(%arg14 : memref<80xi32, #tpu.memory_space<vmem>>) semaphore(%arg35 : memref<!tpu.dma_semaphore, #tpu.memory_space<semaphore_mem>>) {add = true}
    %dma_wait3A_177 = arith.constant 4 : i32
    %dma_wait3A_178 = arith.constant 0 : i32
    %dma_wait3A_179 = tpu.memref_slice %arg3[%add3A, %dma_wait3A_177, %dma_wait3A_178] : memref<32x128x80xi32, #tpu.memory_space<hbm>> -> memref<1x1x80xi32, #tpu.memory_space<hbm>>
    %dma_wait3A_180 = tpu.memref_squeeze %dma_wait3A_179 : memref<1x1x80xi32, #tpu.memory_space<hbm>> -> memref<80xi32, #tpu.memory_space<hbm>>
    %dma_wait3A_181 = arith.constant 0 : i32
    %dma_wait3A_182 = tpu.memref_slice %arg3[%add3A, %dma_wait3A_177, %dma_wait3A_181] : memref<32x128x80xi32, #tpu.memory_space<hbm>> -> memref<1x1x80xi32, #tpu.memory_space<hbm>>
    %dma_wait3A_183 = tpu.memref_squeeze %dma_wait3A_182 : memref<1x1x80xi32, #tpu.memory_space<hbm>> -> memref<80xi32, #tpu.memory_space<hbm>>
    tpu.wait_dma2 semaphore(%arg20 : memref<!tpu.dma_semaphore, #tpu.memory_space<semaphore_mem>>) src(%dma_wait3A_183 : memref<80xi32, #tpu.memory_space<hbm>>) dst(%arg7 : memref<80xi32, #tpu.memory_space<vmem>>)
    %dma_wait3A_184 = arith.constant 0 : i32
    %dma_wait3A_185 = arith.constant 0 : i32
    %dma_wait3A_186 = tpu.memref_slice %arg19[%dma_wait3A_184, %dma_wait3A_185] : memref<10240x128xf32, #tpu.memory_space<vmem_shared>> -> memref<10240x128xf32, #tpu.memory_space<vmem_shared>>
    tpu.wait_indirect_dma semaphore(%arg32 : memref<!tpu.dma_semaphore, #tpu.memory_space<semaphore_mem>>) src(%arg15 : memref<80x128xf32, #tpu.memory_space<vmem>>) dst(%dma_wait3A_186 : memref<10240x128xf32, #tpu.memory_space<vmem_shared>>)
    %dma_start3A_187 = arith.constant 4 : i32
    %dma_start3A_188 = arith.constant 0 : i32
    %dma_start3A_189 = tpu.memref_slice %arg4[%add3A, %dma_start3A_187, %dma_start3A_188] : memref<32x128x80xi32, #tpu.memory_space<hbm>> -> memref<1x1x80xi32, #tpu.memory_space<hbm>>
    %dma_start3A_190 = tpu.memref_squeeze %dma_start3A_189 : memref<1x1x80xi32, #tpu.memory_space<hbm>> -> memref<80xi32, #tpu.memory_space<hbm>>
    %dma_start3A_191 = arith.constant 0 : i32
    %dma_start3A_192 = tpu.memref_slice %arg4[%add3A, %dma_start3A_187, %dma_start3A_191] : memref<32x128x80xi32, #tpu.memory_space<hbm>> -> memref<1x1x80xi32, #tpu.memory_space<hbm>>
    %dma_start3A_193 = tpu.memref_squeeze %dma_start3A_192 : memref<1x1x80xi32, #tpu.memory_space<hbm>> -> memref<80xi32, #tpu.memory_space<hbm>>
    tpu.enqueue_dma source(%dma_start3A_193 : memref<80xi32, #tpu.memory_space<hbm>>) target(%arg11 : memref<80xi32, #tpu.memory_space<vmem>>) target_semaphore(%arg24 : memref<!tpu.dma_semaphore, #tpu.memory_space<semaphore_mem>>)
    %dma_start3A_194 = arith.constant 0 : i32
    %dma_start3A_195 = arith.constant 0 : i32
    %dma_start3A_196 = tpu.memref_slice %arg2[%dma_start3A_194, %dma_start3A_195] : memref<10240x128xf32, #tpu.memory_space<hbm>> -> memref<10240x128xf32, #tpu.memory_space<hbm>>
    tpu.enqueue_indirect_dma source(%dma_start3A_196 : memref<10240x128xf32, #tpu.memory_space<hbm>>) target(%arg15 : memref<80x128xf32, #tpu.memory_space<vmem>>) offsets(%arg7 : memref<80xi32, #tpu.memory_space<vmem>>) semaphore(%arg28 : memref<!tpu.dma_semaphore, #tpu.memory_space<semaphore_mem>>)
    %scan3A = arith.constant 0 : i32
    %scan3A_197 = arith.constant 1 : i32
    %scan3A_198 = arith.constant 30 : i32
    %scan3A_199 = arith.addi %scan3A_197, %scan3A_198 : i32
    %scan3A_200 = arith.constant 1 : i32
    scf.for %scan3A_331 = %scan3A_197 to %scan3A_199 step %scan3A_200  : i32 {
      %mul3A_332 = arith.constant 4 : i32
      %mul3A_333 = arith.muli %mul3A_332, %scan3A_331 : i32
      %add3A_334 = arith.constant 0 : i32
      %add3A_335 = arith.addi %mul3A_333, %add3A_334 : i32
      %dma_wait3A_336 = arith.constant 0 : i32
      %dma_wait3A_337 = arith.constant 0 : i32
      %dma_wait3A_338 = tpu.memref_slice %arg2[%dma_wait3A_336, %dma_wait3A_337] : memref<10240x128xf32, #tpu.memory_space<hbm>> -> memref<10240x128xf32, #tpu.memory_space<hbm>>
      tpu.wait_indirect_dma semaphore(%arg28 : memref<!tpu.dma_semaphore, #tpu.memory_space<semaphore_mem>>) src(%dma_wait3A_338 : memref<10240x128xf32, #tpu.memory_space<hbm>>) dst(%arg15 : memref<80x128xf32, #tpu.memory_space<vmem>>)
      %add3A_339 = arith.constant 4 : i32
      %add3A_340 = arith.addi %add3A_335, %add3A_339 : i32
      %dma_start3A_341 = arith.constant 0 : i32
      %dma_start3A_342 = tpu.memref_slice %arg3[%add3A, %add3A_340, %dma_start3A_341] : memref<32x128x80xi32, #tpu.memory_space<hbm>> -> memref<1x1x80xi32, #tpu.memory_space<hbm>>
      %dma_start3A_343 = tpu.memref_squeeze %dma_start3A_342 : memref<1x1x80xi32, #tpu.memory_space<hbm>> -> memref<80xi32, #tpu.memory_space<hbm>>
      %dma_start3A_344 = arith.constant 0 : i32
      %dma_start3A_345 = tpu.memref_slice %arg3[%add3A, %add3A_340, %dma_start3A_344] : memref<32x128x80xi32, #tpu.memory_space<hbm>> -> memref<1x1x80xi32, #tpu.memory_space<hbm>>
      %dma_start3A_346 = tpu.memref_squeeze %dma_start3A_345 : memref<1x1x80xi32, #tpu.memory_space<hbm>> -> memref<80xi32, #tpu.memory_space<hbm>>
      tpu.enqueue_dma source(%dma_start3A_346 : memref<80xi32, #tpu.memory_space<hbm>>) target(%arg7 : memref<80xi32, #tpu.memory_space<vmem>>) target_semaphore(%arg20 : memref<!tpu.dma_semaphore, #tpu.memory_space<semaphore_mem>>)
      %dma_wait3A_347 = arith.constant 0 : i32
      %dma_wait3A_348 = tpu.memref_slice %arg4[%add3A, %add3A_335, %dma_wait3A_347] : memref<32x128x80xi32, #tpu.memory_space<hbm>> -> memref<1x1x80xi32, #tpu.memory_space<hbm>>
      %dma_wait3A_349 = tpu.memref_squeeze %dma_wait3A_348 : memref<1x1x80xi32, #tpu.memory_space<hbm>> -> memref<80xi32, #tpu.memory_space<hbm>>
      %dma_wait3A_350 = arith.constant 0 : i32
      %dma_wait3A_351 = tpu.memref_slice %arg4[%add3A, %add3A_335, %dma_wait3A_350] : memref<32x128x80xi32, #tpu.memory_space<hbm>> -> memref<1x1x80xi32, #tpu.memory_space<hbm>>
      %dma_wait3A_352 = tpu.memref_squeeze %dma_wait3A_351 : memref<1x1x80xi32, #tpu.memory_space<hbm>> -> memref<80xi32, #tpu.memory_space<hbm>>
      tpu.wait_dma2 semaphore(%arg24 : memref<!tpu.dma_semaphore, #tpu.memory_space<semaphore_mem>>) src(%dma_wait3A_352 : memref<80xi32, #tpu.memory_space<hbm>>) dst(%arg11 : memref<80xi32, #tpu.memory_space<vmem>>)
      %dma_start3A_353 = arith.constant 0 : i32
      %dma_start3A_354 = arith.constant 0 : i32
      %dma_start3A_355 = tpu.memref_slice %arg19[%dma_start3A_353, %dma_start3A_354] : memref<10240x128xf32, #tpu.memory_space<vmem_shared>> -> memref<10240x128xf32, #tpu.memory_space<vmem_shared>>
      tpu.enqueue_indirect_dma source(%arg15 : memref<80x128xf32, #tpu.memory_space<vmem>>) target(%dma_start3A_355 : memref<10240x128xf32, #tpu.memory_space<vmem_shared>>) offsets(%arg11 : memref<80xi32, #tpu.memory_space<vmem>>) semaphore(%arg32 : memref<!tpu.dma_semaphore, #tpu.memory_space<semaphore_mem>>) {add = true}
      %add3A_356 = arith.constant 1 : i32
      %add3A_357 = arith.addi %add3A_335, %add3A_356 : i32
      %dma_wait3A_358 = arith.constant 0 : i32
      %dma_wait3A_359 = tpu.memref_slice %arg3[%add3A, %add3A_357, %dma_wait3A_358] : memref<32x128x80xi32, #tpu.memory_space<hbm>> -> memref<1x1x80xi32, #tpu.memory_space<hbm>>
      %dma_wait3A_360 = tpu.memref_squeeze %dma_wait3A_359 : memref<1x1x80xi32, #tpu.memory_space<hbm>> -> memref<80xi32, #tpu.memory_space<hbm>>
      %dma_wait3A_361 = arith.constant 0 : i32
      %dma_wait3A_362 = tpu.memref_slice %arg3[%add3A, %add3A_357, %dma_wait3A_361] : memref<32x128x80xi32, #tpu.memory_space<hbm>> -> memref<1x1x80xi32, #tpu.memory_space<hbm>>
      %dma_wait3A_363 = tpu.memref_squeeze %dma_wait3A_362 : memref<1x1x80xi32, #tpu.memory_space<hbm>> -> memref<80xi32, #tpu.memory_space<hbm>>
      tpu.wait_dma2 semaphore(%arg21 : memref<!tpu.dma_semaphore, #tpu.memory_space<semaphore_mem>>) src(%dma_wait3A_363 : memref<80xi32, #tpu.memory_space<hbm>>) dst(%arg8 : memref<80xi32, #tpu.memory_space<vmem>>)
      %dma_wait3A_364 = arith.constant 0 : i32
      %dma_wait3A_365 = arith.constant 0 : i32
      %dma_wait3A_366 = tpu.memref_slice %arg19[%dma_wait3A_364, %dma_wait3A_365] : memref<10240x128xf32, #tpu.memory_space<vmem_shared>> -> memref<10240x128xf32, #tpu.memory_space<vmem_shared>>
      tpu.wait_indirect_dma semaphore(%arg33 : memref<!tpu.dma_semaphore, #tpu.memory_space<semaphore_mem>>) src(%arg16 : memref<80x128xf32, #tpu.memory_space<vmem>>) dst(%dma_wait3A_366 : memref<10240x128xf32, #tpu.memory_space<vmem_shared>>)
      %add3A_367 = arith.constant 1 : i32
      %add3A_368 = arith.addi %add3A_335, %add3A_367 : i32
      %dma_start3A_369 = arith.constant 0 : i32
      %dma_start3A_370 = tpu.memref_slice %arg4[%add3A, %add3A_368, %dma_start3A_369] : memref<32x128x80xi32, #tpu.memory_space<hbm>> -> memref<1x1x80xi32, #tpu.memory_space<hbm>>
      %dma_start3A_371 = tpu.memref_squeeze %dma_start3A_370 : memref<1x1x80xi32, #tpu.memory_space<hbm>> -> memref<80xi32, #tpu.memory_space<hbm>>
      %dma_start3A_372 = arith.constant 0 : i32
      %dma_start3A_373 = tpu.memref_slice %arg4[%add3A, %add3A_368, %dma_start3A_372] : memref<32x128x80xi32, #tpu.memory_space<hbm>> -> memref<1x1x80xi32, #tpu.memory_space<hbm>>
      %dma_start3A_374 = tpu.memref_squeeze %dma_start3A_373 : memref<1x1x80xi32, #tpu.memory_space<hbm>> -> memref<80xi32, #tpu.memory_space<hbm>>
      tpu.enqueue_dma source(%dma_start3A_374 : memref<80xi32, #tpu.memory_space<hbm>>) target(%arg12 : memref<80xi32, #tpu.memory_space<vmem>>) target_semaphore(%arg25 : memref<!tpu.dma_semaphore, #tpu.memory_space<semaphore_mem>>)
      %dma_start3A_375 = arith.constant 0 : i32
      %dma_start3A_376 = arith.constant 0 : i32
      %dma_start3A_377 = tpu.memref_slice %arg2[%dma_start3A_375, %dma_start3A_376] : memref<10240x128xf32, #tpu.memory_space<hbm>> -> memref<10240x128xf32, #tpu.memory_space<hbm>>
      tpu.enqueue_indirect_dma source(%dma_start3A_377 : memref<10240x128xf32, #tpu.memory_space<hbm>>) target(%arg16 : memref<80x128xf32, #tpu.memory_space<vmem>>) offsets(%arg8 : memref<80xi32, #tpu.memory_space<vmem>>) semaphore(%arg29 : memref<!tpu.dma_semaphore, #tpu.memory_space<semaphore_mem>>)
      %add3A_378 = arith.constant 1 : i32
      %add3A_379 = arith.addi %mul3A_333, %add3A_378 : i32
      %dma_wait3A_380 = arith.constant 0 : i32
      %dma_wait3A_381 = arith.constant 0 : i32
      %dma_wait3A_382 = tpu.memref_slice %arg2[%dma_wait3A_380, %dma_wait3A_381] : memref<10240x128xf32, #tpu.memory_space<hbm>> -> memref<10240x128xf32, #tpu.memory_space<hbm>>
      tpu.wait_indirect_dma semaphore(%arg29 : memref<!tpu.dma_semaphore, #tpu.memory_space<semaphore_mem>>) src(%dma_wait3A_382 : memref<10240x128xf32, #tpu.memory_space<hbm>>) dst(%arg16 : memref<80x128xf32, #tpu.memory_space<vmem>>)
      %add3A_383 = arith.constant 4 : i32
      %add3A_384 = arith.addi %add3A_379, %add3A_383 : i32
      %dma_start3A_385 = arith.constant 0 : i32
      %dma_start3A_386 = tpu.memref_slice %arg3[%add3A, %add3A_384, %dma_start3A_385] : memref<32x128x80xi32, #tpu.memory_space<hbm>> -> memref<1x1x80xi32, #tpu.memory_space<hbm>>
      %dma_start3A_387 = tpu.memref_squeeze %dma_start3A_386 : memref<1x1x80xi32, #tpu.memory_space<hbm>> -> memref<80xi32, #tpu.memory_space<hbm>>
      %dma_start3A_388 = arith.constant 0 : i32
      %dma_start3A_389 = tpu.memref_slice %arg3[%add3A, %add3A_384, %dma_start3A_388] : memref<32x128x80xi32, #tpu.memory_space<hbm>> -> memref<1x1x80xi32, #tpu.memory_space<hbm>>
      %dma_start3A_390 = tpu.memref_squeeze %dma_start3A_389 : memref<1x1x80xi32, #tpu.memory_space<hbm>> -> memref<80xi32, #tpu.memory_space<hbm>>
      tpu.enqueue_dma source(%dma_start3A_390 : memref<80xi32, #tpu.memory_space<hbm>>) target(%arg8 : memref<80xi32, #tpu.memory_space<vmem>>) target_semaphore(%arg21 : memref<!tpu.dma_semaphore, #tpu.memory_space<semaphore_mem>>)
      %dma_wait3A_391 = arith.constant 0 : i32
      %dma_wait3A_392 = tpu.memref_slice %arg4[%add3A, %add3A_379, %dma_wait3A_391] : memref<32x128x80xi32, #tpu.memory_space<hbm>> -> memref<1x1x80xi32, #tpu.memory_space<hbm>>
      %dma_wait3A_393 = tpu.memref_squeeze %dma_wait3A_392 : memref<1x1x80xi32, #tpu.memory_space<hbm>> -> memref<80xi32, #tpu.memory_space<hbm>>
      %dma_wait3A_394 = arith.constant 0 : i32
      %dma_wait3A_395 = tpu.memref_slice %arg4[%add3A, %add3A_379, %dma_wait3A_394] : memref<32x128x80xi32, #tpu.memory_space<hbm>> -> memref<1x1x80xi32, #tpu.memory_space<hbm>>
      %dma_wait3A_396 = tpu.memref_squeeze %dma_wait3A_395 : memref<1x1x80xi32, #tpu.memory_space<hbm>> -> memref<80xi32, #tpu.memory_space<hbm>>
      tpu.wait_dma2 semaphore(%arg25 : memref<!tpu.dma_semaphore, #tpu.memory_space<semaphore_mem>>) src(%dma_wait3A_396 : memref<80xi32, #tpu.memory_space<hbm>>) dst(%arg12 : memref<80xi32, #tpu.memory_space<vmem>>)
      %dma_start3A_397 = arith.constant 0 : i32
      %dma_start3A_398 = arith.constant 0 : i32
      %dma_start3A_399 = tpu.memref_slice %arg19[%dma_start3A_397, %dma_start3A_398] : memref<10240x128xf32, #tpu.memory_space<vmem_shared>> -> memref<10240x128xf32, #tpu.memory_space<vmem_shared>>
      tpu.enqueue_indirect_dma source(%arg16 : memref<80x128xf32, #tpu.memory_space<vmem>>) target(%dma_start3A_399 : memref<10240x128xf32, #tpu.memory_space<vmem_shared>>) offsets(%arg12 : memref<80xi32, #tpu.memory_space<vmem>>) semaphore(%arg33 : memref<!tpu.dma_semaphore, #tpu.memory_space<semaphore_mem>>) {add = true}
      %add3A_400 = arith.constant 1 : i32
      %add3A_401 = arith.addi %add3A_379, %add3A_400 : i32
      %dma_wait3A_402 = arith.constant 0 : i32
      %dma_wait3A_403 = tpu.memref_slice %arg3[%add3A, %add3A_401, %dma_wait3A_402] : memref<32x128x80xi32, #tpu.memory_space<hbm>> -> memref<1x1x80xi32, #tpu.memory_space<hbm>>
      %dma_wait3A_404 = tpu.memref_squeeze %dma_wait3A_403 : memref<1x1x80xi32, #tpu.memory_space<hbm>> -> memref<80xi32, #tpu.memory_space<hbm>>
      %dma_wait3A_405 = arith.constant 0 : i32
      %dma_wait3A_406 = tpu.memref_slice %arg3[%add3A, %add3A_401, %dma_wait3A_405] : memref<32x128x80xi32, #tpu.memory_space<hbm>> -> memref<1x1x80xi32, #tpu.memory_space<hbm>>
      %dma_wait3A_407 = tpu.memref_squeeze %dma_wait3A_406 : memref<1x1x80xi32, #tpu.memory_space<hbm>> -> memref<80xi32, #tpu.memory_space<hbm>>
      tpu.wait_dma2 semaphore(%arg22 : memref<!tpu.dma_semaphore, #tpu.memory_space<semaphore_mem>>) src(%dma_wait3A_407 : memref<80xi32, #tpu.memory_space<hbm>>) dst(%arg9 : memref<80xi32, #tpu.memory_space<vmem>>)
      %dma_wait3A_408 = arith.constant 0 : i32
      %dma_wait3A_409 = arith.constant 0 : i32
      %dma_wait3A_410 = tpu.memref_slice %arg19[%dma_wait3A_408, %dma_wait3A_409] : memref<10240x128xf32, #tpu.memory_space<vmem_shared>> -> memref<10240x128xf32, #tpu.memory_space<vmem_shared>>
      tpu.wait_indirect_dma semaphore(%arg34 : memref<!tpu.dma_semaphore, #tpu.memory_space<semaphore_mem>>) src(%arg17 : memref<80x128xf32, #tpu.memory_space<vmem>>) dst(%dma_wait3A_410 : memref<10240x128xf32, #tpu.memory_space<vmem_shared>>)
      %add3A_411 = arith.constant 1 : i32
      %add3A_412 = arith.addi %add3A_379, %add3A_411 : i32
      %dma_start3A_413 = arith.constant 0 : i32
      %dma_start3A_414 = tpu.memref_slice %arg4[%add3A, %add3A_412, %dma_start3A_413] : memref<32x128x80xi32, #tpu.memory_space<hbm>> -> memref<1x1x80xi32, #tpu.memory_space<hbm>>
      %dma_start3A_415 = tpu.memref_squeeze %dma_start3A_414 : memref<1x1x80xi32, #tpu.memory_space<hbm>> -> memref<80xi32, #tpu.memory_space<hbm>>
      %dma_start3A_416 = arith.constant 0 : i32
      %dma_start3A_417 = tpu.memref_slice %arg4[%add3A, %add3A_412, %dma_start3A_416] : memref<32x128x80xi32, #tpu.memory_space<hbm>> -> memref<1x1x80xi32, #tpu.memory_space<hbm>>
      %dma_start3A_418 = tpu.memref_squeeze %dma_start3A_417 : memref<1x1x80xi32, #tpu.memory_space<hbm>> -> memref<80xi32, #tpu.memory_space<hbm>>
      tpu.enqueue_dma source(%dma_start3A_418 : memref<80xi32, #tpu.memory_space<hbm>>) target(%arg13 : memref<80xi32, #tpu.memory_space<vmem>>) target_semaphore(%arg26 : memref<!tpu.dma_semaphore, #tpu.memory_space<semaphore_mem>>)
      %dma_start3A_419 = arith.constant 0 : i32
      %dma_start3A_420 = arith.constant 0 : i32
      %dma_start3A_421 = tpu.memref_slice %arg2[%dma_start3A_419, %dma_start3A_420] : memref<10240x128xf32, #tpu.memory_space<hbm>> -> memref<10240x128xf32, #tpu.memory_space<hbm>>
      tpu.enqueue_indirect_dma source(%dma_start3A_421 : memref<10240x128xf32, #tpu.memory_space<hbm>>) target(%arg17 : memref<80x128xf32, #tpu.memory_space<vmem>>) offsets(%arg9 : memref<80xi32, #tpu.memory_space<vmem>>) semaphore(%arg30 : memref<!tpu.dma_semaphore, #tpu.memory_space<semaphore_mem>>)
      %add3A_422 = arith.constant 2 : i32
      %add3A_423 = arith.addi %mul3A_333, %add3A_422 : i32
      %dma_wait3A_424 = arith.constant 0 : i32
      %dma_wait3A_425 = arith.constant 0 : i32
      %dma_wait3A_426 = tpu.memref_slice %arg2[%dma_wait3A_424, %dma_wait3A_425] : memref<10240x128xf32, #tpu.memory_space<hbm>> -> memref<10240x128xf32, #tpu.memory_space<hbm>>
      tpu.wait_indirect_dma semaphore(%arg30 : memref<!tpu.dma_semaphore, #tpu.memory_space<semaphore_mem>>) src(%dma_wait3A_426 : memref<10240x128xf32, #tpu.memory_space<hbm>>) dst(%arg17 : memref<80x128xf32, #tpu.memory_space<vmem>>)
      %add3A_427 = arith.constant 4 : i32
      %add3A_428 = arith.addi %add3A_423, %add3A_427 : i32
      %dma_start3A_429 = arith.constant 0 : i32
      %dma_start3A_430 = tpu.memref_slice %arg3[%add3A, %add3A_428, %dma_start3A_429] : memref<32x128x80xi32, #tpu.memory_space<hbm>> -> memref<1x1x80xi32, #tpu.memory_space<hbm>>
      %dma_start3A_431 = tpu.memref_squeeze %dma_start3A_430 : memref<1x1x80xi32, #tpu.memory_space<hbm>> -> memref<80xi32, #tpu.memory_space<hbm>>
      %dma_start3A_432 = arith.constant 0 : i32
      %dma_start3A_433 = tpu.memref_slice %arg3[%add3A, %add3A_428, %dma_start3A_432] : memref<32x128x80xi32, #tpu.memory_space<hbm>> -> memref<1x1x80xi32, #tpu.memory_space<hbm>>
      %dma_start3A_434 = tpu.memref_squeeze %dma_start3A_433 : memref<1x1x80xi32, #tpu.memory_space<hbm>> -> memref<80xi32, #tpu.memory_space<hbm>>
      tpu.enqueue_dma source(%dma_start3A_434 : memref<80xi32, #tpu.memory_space<hbm>>) target(%arg9 : memref<80xi32, #tpu.memory_space<vmem>>) target_semaphore(%arg22 : memref<!tpu.dma_semaphore, #tpu.memory_space<semaphore_mem>>)
      %dma_wait3A_435 = arith.constant 0 : i32
      %dma_wait3A_436 = tpu.memref_slice %arg4[%add3A, %add3A_423, %dma_wait3A_435] : memref<32x128x80xi32, #tpu.memory_space<hbm>> -> memref<1x1x80xi32, #tpu.memory_space<hbm>>
      %dma_wait3A_437 = tpu.memref_squeeze %dma_wait3A_436 : memref<1x1x80xi32, #tpu.memory_space<hbm>> -> memref<80xi32, #tpu.memory_space<hbm>>
      %dma_wait3A_438 = arith.constant 0 : i32
      %dma_wait3A_439 = tpu.memref_slice %arg4[%add3A, %add3A_423, %dma_wait3A_438] : memref<32x128x80xi32, #tpu.memory_space<hbm>> -> memref<1x1x80xi32, #tpu.memory_space<hbm>>
      %dma_wait3A_440 = tpu.memref_squeeze %dma_wait3A_439 : memref<1x1x80xi32, #tpu.memory_space<hbm>> -> memref<80xi32, #tpu.memory_space<hbm>>
      tpu.wait_dma2 semaphore(%arg26 : memref<!tpu.dma_semaphore, #tpu.memory_space<semaphore_mem>>) src(%dma_wait3A_440 : memref<80xi32, #tpu.memory_space<hbm>>) dst(%arg13 : memref<80xi32, #tpu.memory_space<vmem>>)
      %dma_start3A_441 = arith.constant 0 : i32
      %dma_start3A_442 = arith.constant 0 : i32
      %dma_start3A_443 = tpu.memref_slice %arg19[%dma_start3A_441, %dma_start3A_442] : memref<10240x128xf32, #tpu.memory_space<vmem_shared>> -> memref<10240x128xf32, #tpu.memory_space<vmem_shared>>
      tpu.enqueue_indirect_dma source(%arg17 : memref<80x128xf32, #tpu.memory_space<vmem>>) target(%dma_start3A_443 : memref<10240x128xf32, #tpu.memory_space<vmem_shared>>) offsets(%arg13 : memref<80xi32, #tpu.memory_space<vmem>>) semaphore(%arg34 : memref<!tpu.dma_semaphore, #tpu.memory_space<semaphore_mem>>) {add = true}
      %add3A_444 = arith.constant 1 : i32
      %add3A_445 = arith.addi %add3A_423, %add3A_444 : i32
      %dma_wait3A_446 = arith.constant 0 : i32
      %dma_wait3A_447 = tpu.memref_slice %arg3[%add3A, %add3A_445, %dma_wait3A_446] : memref<32x128x80xi32, #tpu.memory_space<hbm>> -> memref<1x1x80xi32, #tpu.memory_space<hbm>>
      %dma_wait3A_448 = tpu.memref_squeeze %dma_wait3A_447 : memref<1x1x80xi32, #tpu.memory_space<hbm>> -> memref<80xi32, #tpu.memory_space<hbm>>
      %dma_wait3A_449 = arith.constant 0 : i32
      %dma_wait3A_450 = tpu.memref_slice %arg3[%add3A, %add3A_445, %dma_wait3A_449] : memref<32x128x80xi32, #tpu.memory_space<hbm>> -> memref<1x1x80xi32, #tpu.memory_space<hbm>>
      %dma_wait3A_451 = tpu.memref_squeeze %dma_wait3A_450 : memref<1x1x80xi32, #tpu.memory_space<hbm>> -> memref<80xi32, #tpu.memory_space<hbm>>
      tpu.wait_dma2 semaphore(%arg23 : memref<!tpu.dma_semaphore, #tpu.memory_space<semaphore_mem>>) src(%dma_wait3A_451 : memref<80xi32, #tpu.memory_space<hbm>>) dst(%arg10 : memref<80xi32, #tpu.memory_space<vmem>>)
      %dma_wait3A_452 = arith.constant 0 : i32
      %dma_wait3A_453 = arith.constant 0 : i32
      %dma_wait3A_454 = tpu.memref_slice %arg19[%dma_wait3A_452, %dma_wait3A_453] : memref<10240x128xf32, #tpu.memory_space<vmem_shared>> -> memref<10240x128xf32, #tpu.memory_space<vmem_shared>>
      tpu.wait_indirect_dma semaphore(%arg35 : memref<!tpu.dma_semaphore, #tpu.memory_space<semaphore_mem>>) src(%arg18 : memref<80x128xf32, #tpu.memory_space<vmem>>) dst(%dma_wait3A_454 : memref<10240x128xf32, #tpu.memory_space<vmem_shared>>)
      %add3A_455 = arith.constant 1 : i32
      %add3A_456 = arith.addi %add3A_423, %add3A_455 : i32
      %dma_start3A_457 = arith.constant 0 : i32
      %dma_start3A_458 = tpu.memref_slice %arg4[%add3A, %add3A_456, %dma_start3A_457] : memref<32x128x80xi32, #tpu.memory_space<hbm>> -> memref<1x1x80xi32, #tpu.memory_space<hbm>>
      %dma_start3A_459 = tpu.memref_squeeze %dma_start3A_458 : memref<1x1x80xi32, #tpu.memory_space<hbm>> -> memref<80xi32, #tpu.memory_space<hbm>>
      %dma_start3A_460 = arith.constant 0 : i32
      %dma_start3A_461 = tpu.memref_slice %arg4[%add3A, %add3A_456, %dma_start3A_460] : memref<32x128x80xi32, #tpu.memory_space<hbm>> -> memref<1x1x80xi32, #tpu.memory_space<hbm>>
      %dma_start3A_462 = tpu.memref_squeeze %dma_start3A_461 : memref<1x1x80xi32, #tpu.memory_space<hbm>> -> memref<80xi32, #tpu.memory_space<hbm>>
      tpu.enqueue_dma source(%dma_start3A_462 : memref<80xi32, #tpu.memory_space<hbm>>) target(%arg14 : memref<80xi32, #tpu.memory_space<vmem>>) target_semaphore(%arg27 : memref<!tpu.dma_semaphore, #tpu.memory_space<semaphore_mem>>)
      %dma_start3A_463 = arith.constant 0 : i32
      %dma_start3A_464 = arith.constant 0 : i32
      %dma_start3A_465 = tpu.memref_slice %arg2[%dma_start3A_463, %dma_start3A_464] : memref<10240x128xf32, #tpu.memory_space<hbm>> -> memref<10240x128xf32, #tpu.memory_space<hbm>>
      tpu.enqueue_indirect_dma source(%dma_start3A_465 : memref<10240x128xf32, #tpu.memory_space<hbm>>) target(%arg18 : memref<80x128xf32, #tpu.memory_space<vmem>>) offsets(%arg10 : memref<80xi32, #tpu.memory_space<vmem>>) semaphore(%arg31 : memref<!tpu.dma_semaphore, #tpu.memory_space<semaphore_mem>>)
      %add3A_466 = arith.constant 3 : i32
      %add3A_467 = arith.addi %mul3A_333, %add3A_466 : i32
      %dma_wait3A_468 = arith.constant 0 : i32
      %dma_wait3A_469 = arith.constant 0 : i32
      %dma_wait3A_470 = tpu.memref_slice %arg2[%dma_wait3A_468, %dma_wait3A_469] : memref<10240x128xf32, #tpu.memory_space<hbm>> -> memref<10240x128xf32, #tpu.memory_space<hbm>>
      tpu.wait_indirect_dma semaphore(%arg31 : memref<!tpu.dma_semaphore, #tpu.memory_space<semaphore_mem>>) src(%dma_wait3A_470 : memref<10240x128xf32, #tpu.memory_space<hbm>>) dst(%arg18 : memref<80x128xf32, #tpu.memory_space<vmem>>)
      %add3A_471 = arith.constant 4 : i32
      %add3A_472 = arith.addi %add3A_467, %add3A_471 : i32
      %dma_start3A_473 = arith.constant 0 : i32
      %dma_start3A_474 = tpu.memref_slice %arg3[%add3A, %add3A_472, %dma_start3A_473] : memref<32x128x80xi32, #tpu.memory_space<hbm>> -> memref<1x1x80xi32, #tpu.memory_space<hbm>>
      %dma_start3A_475 = tpu.memref_squeeze %dma_start3A_474 : memref<1x1x80xi32, #tpu.memory_space<hbm>> -> memref<80xi32, #tpu.memory_space<hbm>>
      %dma_start3A_476 = arith.constant 0 : i32
      %dma_start3A_477 = tpu.memref_slice %arg3[%add3A, %add3A_472, %dma_start3A_476] : memref<32x128x80xi32, #tpu.memory_space<hbm>> -> memref<1x1x80xi32, #tpu.memory_space<hbm>>
      %dma_start3A_478 = tpu.memref_squeeze %dma_start3A_477 : memref<1x1x80xi32, #tpu.memory_space<hbm>> -> memref<80xi32, #tpu.memory_space<hbm>>
      tpu.enqueue_dma source(%dma_start3A_478 : memref<80xi32, #tpu.memory_space<hbm>>) target(%arg10 : memref<80xi32, #tpu.memory_space<vmem>>) target_semaphore(%arg23 : memref<!tpu.dma_semaphore, #tpu.memory_space<semaphore_mem>>)
      %dma_wait3A_479 = arith.constant 0 : i32
      %dma_wait3A_480 = tpu.memref_slice %arg4[%add3A, %add3A_467, %dma_wait3A_479] : memref<32x128x80xi32, #tpu.memory_space<hbm>> -> memref<1x1x80xi32, #tpu.memory_space<hbm>>
      %dma_wait3A_481 = tpu.memref_squeeze %dma_wait3A_480 : memref<1x1x80xi32, #tpu.memory_space<hbm>> -> memref<80xi32, #tpu.memory_space<hbm>>
      %dma_wait3A_482 = arith.constant 0 : i32
      %dma_wait3A_483 = tpu.memref_slice %arg4[%add3A, %add3A_467, %dma_wait3A_482] : memref<32x128x80xi32, #tpu.memory_space<hbm>> -> memref<1x1x80xi32, #tpu.memory_space<hbm>>
      %dma_wait3A_484 = tpu.memref_squeeze %dma_wait3A_483 : memref<1x1x80xi32, #tpu.memory_space<hbm>> -> memref<80xi32, #tpu.memory_space<hbm>>
      tpu.wait_dma2 semaphore(%arg27 : memref<!tpu.dma_semaphore, #tpu.memory_space<semaphore_mem>>) src(%dma_wait3A_484 : memref<80xi32, #tpu.memory_space<hbm>>) dst(%arg14 : memref<80xi32, #tpu.memory_space<vmem>>)
      %dma_start3A_485 = arith.constant 0 : i32
      %dma_start3A_486 = arith.constant 0 : i32
      %dma_start3A_487 = tpu.memref_slice %arg19[%dma_start3A_485, %dma_start3A_486] : memref<10240x128xf32, #tpu.memory_space<vmem_shared>> -> memref<10240x128xf32, #tpu.memory_space<vmem_shared>>
      tpu.enqueue_indirect_dma source(%arg18 : memref<80x128xf32, #tpu.memory_space<vmem>>) target(%dma_start3A_487 : memref<10240x128xf32, #tpu.memory_space<vmem_shared>>) offsets(%arg14 : memref<80xi32, #tpu.memory_space<vmem>>) semaphore(%arg35 : memref<!tpu.dma_semaphore, #tpu.memory_space<semaphore_mem>>) {add = true}
      %add3A_488 = arith.constant 1 : i32
      %add3A_489 = arith.addi %add3A_467, %add3A_488 : i32
      %dma_wait3A_490 = arith.constant 0 : i32
      %dma_wait3A_491 = tpu.memref_slice %arg3[%add3A, %add3A_489, %dma_wait3A_490] : memref<32x128x80xi32, #tpu.memory_space<hbm>> -> memref<1x1x80xi32, #tpu.memory_space<hbm>>
      %dma_wait3A_492 = tpu.memref_squeeze %dma_wait3A_491 : memref<1x1x80xi32, #tpu.memory_space<hbm>> -> memref<80xi32, #tpu.memory_space<hbm>>
      %dma_wait3A_493 = arith.constant 0 : i32
      %dma_wait3A_494 = tpu.memref_slice %arg3[%add3A, %add3A_489, %dma_wait3A_493] : memref<32x128x80xi32, #tpu.memory_space<hbm>> -> memref<1x1x80xi32, #tpu.memory_space<hbm>>
      %dma_wait3A_495 = tpu.memref_squeeze %dma_wait3A_494 : memref<1x1x80xi32, #tpu.memory_space<hbm>> -> memref<80xi32, #tpu.memory_space<hbm>>
      tpu.wait_dma2 semaphore(%arg20 : memref<!tpu.dma_semaphore, #tpu.memory_space<semaphore_mem>>) src(%dma_wait3A_495 : memref<80xi32, #tpu.memory_space<hbm>>) dst(%arg7 : memref<80xi32, #tpu.memory_space<vmem>>)
      %dma_wait3A_496 = arith.constant 0 : i32
      %dma_wait3A_497 = arith.constant 0 : i32
      %dma_wait3A_498 = tpu.memref_slice %arg19[%dma_wait3A_496, %dma_wait3A_497] : memref<10240x128xf32, #tpu.memory_space<vmem_shared>> -> memref<10240x128xf32, #tpu.memory_space<vmem_shared>>
      tpu.wait_indirect_dma semaphore(%arg32 : memref<!tpu.dma_semaphore, #tpu.memory_space<semaphore_mem>>) src(%arg15 : memref<80x128xf32, #tpu.memory_space<vmem>>) dst(%dma_wait3A_498 : memref<10240x128xf32, #tpu.memory_space<vmem_shared>>)
      %add3A_499 = arith.constant 1 : i32
      %add3A_500 = arith.addi %add3A_467, %add3A_499 : i32
      %dma_start3A_501 = arith.constant 0 : i32
      %dma_start3A_502 = tpu.memref_slice %arg4[%add3A, %add3A_500, %dma_start3A_501] : memref<32x128x80xi32, #tpu.memory_space<hbm>> -> memref<1x1x80xi32, #tpu.memory_space<hbm>>
      %dma_start3A_503 = tpu.memref_squeeze %dma_start3A_502 : memref<1x1x80xi32, #tpu.memory_space<hbm>> -> memref<80xi32, #tpu.memory_space<hbm>>
      %dma_start3A_504 = arith.constant 0 : i32
      %dma_start3A_505 = tpu.memref_slice %arg4[%add3A, %add3A_500, %dma_start3A_504] : memref<32x128x80xi32, #tpu.memory_space<hbm>> -> memref<1x1x80xi32, #tpu.memory_space<hbm>>
      %dma_start3A_506 = tpu.memref_squeeze %dma_start3A_505 : memref<1x1x80xi32, #tpu.memory_space<hbm>> -> memref<80xi32, #tpu.memory_space<hbm>>
      tpu.enqueue_dma source(%dma_start3A_506 : memref<80xi32, #tpu.memory_space<hbm>>) target(%arg11 : memref<80xi32, #tpu.memory_space<vmem>>) target_semaphore(%arg24 : memref<!tpu.dma_semaphore, #tpu.memory_space<semaphore_mem>>)
      %dma_start3A_507 = arith.constant 0 : i32
      %dma_start3A_508 = arith.constant 0 : i32
      %dma_start3A_509 = tpu.memref_slice %arg2[%dma_start3A_507, %dma_start3A_508] : memref<10240x128xf32, #tpu.memory_space<hbm>> -> memref<10240x128xf32, #tpu.memory_space<hbm>>
      tpu.enqueue_indirect_dma source(%dma_start3A_509 : memref<10240x128xf32, #tpu.memory_space<hbm>>) target(%arg15 : memref<80x128xf32, #tpu.memory_space<vmem>>) offsets(%arg7 : memref<80xi32, #tpu.memory_space<vmem>>) semaphore(%arg28 : memref<!tpu.dma_semaphore, #tpu.memory_space<semaphore_mem>>)
    }
    %scan3A_201 = arith.constant 30 : i32
    %dma_wait3A_202 = arith.constant 0 : i32
    %dma_wait3A_203 = arith.constant 0 : i32
    %dma_wait3A_204 = tpu.memref_slice %arg2[%dma_wait3A_202, %dma_wait3A_203] : memref<10240x128xf32, #tpu.memory_space<hbm>> -> memref<10240x128xf32, #tpu.memory_space<hbm>>
    tpu.wait_indirect_dma semaphore(%arg28 : memref<!tpu.dma_semaphore, #tpu.memory_space<semaphore_mem>>) src(%dma_wait3A_204 : memref<10240x128xf32, #tpu.memory_space<hbm>>) dst(%arg15 : memref<80x128xf32, #tpu.memory_space<vmem>>)
    %dma_wait3A_205 = arith.constant 124 : i32
    %dma_wait3A_206 = arith.constant 0 : i32
    %dma_wait3A_207 = tpu.memref_slice %arg4[%add3A, %dma_wait3A_205, %dma_wait3A_206] : memref<32x128x80xi32, #tpu.memory_space<hbm>> -> memref<1x1x80xi32, #tpu.memory_space<hbm>>
    %dma_wait3A_208 = tpu.memref_squeeze %dma_wait3A_207 : memref<1x1x80xi32, #tpu.memory_space<hbm>> -> memref<80xi32, #tpu.memory_space<hbm>>
    %dma_wait3A_209 = arith.constant 0 : i32
    %dma_wait3A_210 = tpu.memref_slice %arg4[%add3A, %dma_wait3A_205, %dma_wait3A_209] : memref<32x128x80xi32, #tpu.memory_space<hbm>> -> memref<1x1x80xi32, #tpu.memory_space<hbm>>
    %dma_wait3A_211 = tpu.memref_squeeze %dma_wait3A_210 : memref<1x1x80xi32, #tpu.memory_space<hbm>> -> memref<80xi32, #tpu.memory_space<hbm>>
    tpu.wait_dma2 semaphore(%arg24 : memref<!tpu.dma_semaphore, #tpu.memory_space<semaphore_mem>>) src(%dma_wait3A_211 : memref<80xi32, #tpu.memory_space<hbm>>) dst(%arg11 : memref<80xi32, #tpu.memory_space<vmem>>)
    %dma_start3A_212 = arith.constant 0 : i32
    %dma_start3A_213 = arith.constant 0 : i32
    %dma_start3A_214 = tpu.memref_slice %arg19[%dma_start3A_212, %dma_start3A_213] : memref<10240x128xf32, #tpu.memory_space<vmem_shared>> -> memref<10240x128xf32, #tpu.memory_space<vmem_shared>>
    tpu.enqueue_indirect_dma source(%arg15 : memref<80x128xf32, #tpu.memory_space<vmem>>) target(%dma_start3A_214 : memref<10240x128xf32, #tpu.memory_space<vmem_shared>>) offsets(%arg11 : memref<80xi32, #tpu.memory_space<vmem>>) semaphore(%arg32 : memref<!tpu.dma_semaphore, #tpu.memory_space<semaphore_mem>>) {add = true}
    %dma_wait3A_215 = arith.constant 125 : i32
    %dma_wait3A_216 = arith.constant 0 : i32
    %dma_wait3A_217 = tpu.memref_slice %arg3[%add3A, %dma_wait3A_215, %dma_wait3A_216] : memref<32x128x80xi32, #tpu.memory_space<hbm>> -> memref<1x1x80xi32, #tpu.memory_space<hbm>>
    %dma_wait3A_218 = tpu.memref_squeeze %dma_wait3A_217 : memref<1x1x80xi32, #tpu.memory_space<hbm>> -> memref<80xi32, #tpu.memory_space<hbm>>
    %dma_wait3A_219 = arith.constant 0 : i32
    %dma_wait3A_220 = tpu.memref_slice %arg3[%add3A, %dma_wait3A_215, %dma_wait3A_219] : memref<32x128x80xi32, #tpu.memory_space<hbm>> -> memref<1x1x80xi32, #tpu.memory_space<hbm>>
    %dma_wait3A_221 = tpu.memref_squeeze %dma_wait3A_220 : memref<1x1x80xi32, #tpu.memory_space<hbm>> -> memref<80xi32, #tpu.memory_space<hbm>>
    tpu.wait_dma2 semaphore(%arg21 : memref<!tpu.dma_semaphore, #tpu.memory_space<semaphore_mem>>) src(%dma_wait3A_221 : memref<80xi32, #tpu.memory_space<hbm>>) dst(%arg8 : memref<80xi32, #tpu.memory_space<vmem>>)
    %dma_wait3A_222 = arith.constant 0 : i32
    %dma_wait3A_223 = arith.constant 0 : i32
    %dma_wait3A_224 = tpu.memref_slice %arg19[%dma_wait3A_222, %dma_wait3A_223] : memref<10240x128xf32, #tpu.memory_space<vmem_shared>> -> memref<10240x128xf32, #tpu.memory_space<vmem_shared>>
    tpu.wait_indirect_dma semaphore(%arg33 : memref<!tpu.dma_semaphore, #tpu.memory_space<semaphore_mem>>) src(%arg16 : memref<80x128xf32, #tpu.memory_space<vmem>>) dst(%dma_wait3A_224 : memref<10240x128xf32, #tpu.memory_space<vmem_shared>>)
    %dma_start3A_225 = arith.constant 125 : i32
    %dma_start3A_226 = arith.constant 0 : i32
    %dma_start3A_227 = tpu.memref_slice %arg4[%add3A, %dma_start3A_225, %dma_start3A_226] : memref<32x128x80xi32, #tpu.memory_space<hbm>> -> memref<1x1x80xi32, #tpu.memory_space<hbm>>
    %dma_start3A_228 = tpu.memref_squeeze %dma_start3A_227 : memref<1x1x80xi32, #tpu.memory_space<hbm>> -> memref<80xi32, #tpu.memory_space<hbm>>
    %dma_start3A_229 = arith.constant 0 : i32
    %dma_start3A_230 = tpu.memref_slice %arg4[%add3A, %dma_start3A_225, %dma_start3A_229] : memref<32x128x80xi32, #tpu.memory_space<hbm>> -> memref<1x1x80xi32, #tpu.memory_space<hbm>>
    %dma_start3A_231 = tpu.memref_squeeze %dma_start3A_230 : memref<1x1x80xi32, #tpu.memory_space<hbm>> -> memref<80xi32, #tpu.memory_space<hbm>>
    tpu.enqueue_dma source(%dma_start3A_231 : memref<80xi32, #tpu.memory_space<hbm>>) target(%arg12 : memref<80xi32, #tpu.memory_space<vmem>>) target_semaphore(%arg25 : memref<!tpu.dma_semaphore, #tpu.memory_space<semaphore_mem>>)
    %dma_start3A_232 = arith.constant 0 : i32
    %dma_start3A_233 = arith.constant 0 : i32
    %dma_start3A_234 = tpu.memref_slice %arg2[%dma_start3A_232, %dma_start3A_233] : memref<10240x128xf32, #tpu.memory_space<hbm>> -> memref<10240x128xf32, #tpu.memory_space<hbm>>
    tpu.enqueue_indirect_dma source(%dma_start3A_234 : memref<10240x128xf32, #tpu.memory_space<hbm>>) target(%arg16 : memref<80x128xf32, #tpu.memory_space<vmem>>) offsets(%arg8 : memref<80xi32, #tpu.memory_space<vmem>>) semaphore(%arg29 : memref<!tpu.dma_semaphore, #tpu.memory_space<semaphore_mem>>)
    %dma_wait3A_235 = arith.constant 0 : i32
    %dma_wait3A_236 = arith.constant 0 : i32
    %dma_wait3A_237 = tpu.memref_slice %arg2[%dma_wait3A_235, %dma_wait3A_236] : memref<10240x128xf32, #tpu.memory_space<hbm>> -> memref<10240x128xf32, #tpu.memory_space<hbm>>
    tpu.wait_indirect_dma semaphore(%arg29 : memref<!tpu.dma_semaphore, #tpu.memory_space<semaphore_mem>>) src(%dma_wait3A_237 : memref<10240x128xf32, #tpu.memory_space<hbm>>) dst(%arg16 : memref<80x128xf32, #tpu.memory_space<vmem>>)
    %dma_wait3A_238 = arith.constant 125 : i32
    %dma_wait3A_239 = arith.constant 0 : i32
    %dma_wait3A_240 = tpu.memref_slice %arg4[%add3A, %dma_wait3A_238, %dma_wait3A_239] : memref<32x128x80xi32, #tpu.memory_space<hbm>> -> memref<1x1x80xi32, #tpu.memory_space<hbm>>
    %dma_wait3A_241 = tpu.memref_squeeze %dma_wait3A_240 : memref<1x1x80xi32, #tpu.memory_space<hbm>> -> memref<80xi32, #tpu.memory_space<hbm>>
    %dma_wait3A_242 = arith.constant 0 : i32
    %dma_wait3A_243 = tpu.memref_slice %arg4[%add3A, %dma_wait3A_238, %dma_wait3A_242] : memref<32x128x80xi32, #tpu.memory_space<hbm>> -> memref<1x1x80xi32, #tpu.memory_space<hbm>>
    %dma_wait3A_244 = tpu.memref_squeeze %dma_wait3A_243 : memref<1x1x80xi32, #tpu.memory_space<hbm>> -> memref<80xi32, #tpu.memory_space<hbm>>
    tpu.wait_dma2 semaphore(%arg25 : memref<!tpu.dma_semaphore, #tpu.memory_space<semaphore_mem>>) src(%dma_wait3A_244 : memref<80xi32, #tpu.memory_space<hbm>>) dst(%arg12 : memref<80xi32, #tpu.memory_space<vmem>>)
    %dma_start3A_245 = arith.constant 0 : i32
    %dma_start3A_246 = arith.constant 0 : i32
    %dma_start3A_247 = tpu.memref_slice %arg19[%dma_start3A_245, %dma_start3A_246] : memref<10240x128xf32, #tpu.memory_space<vmem_shared>> -> memref<10240x128xf32, #tpu.memory_space<vmem_shared>>
    tpu.enqueue_indirect_dma source(%arg16 : memref<80x128xf32, #tpu.memory_space<vmem>>) target(%dma_start3A_247 : memref<10240x128xf32, #tpu.memory_space<vmem_shared>>) offsets(%arg12 : memref<80xi32, #tpu.memory_space<vmem>>) semaphore(%arg33 : memref<!tpu.dma_semaphore, #tpu.memory_space<semaphore_mem>>) {add = true}
    %dma_wait3A_248 = arith.constant 126 : i32
    %dma_wait3A_249 = arith.constant 0 : i32
    %dma_wait3A_250 = tpu.memref_slice %arg3[%add3A, %dma_wait3A_248, %dma_wait3A_249] : memref<32x128x80xi32, #tpu.memory_space<hbm>> -> memref<1x1x80xi32, #tpu.memory_space<hbm>>
    %dma_wait3A_251 = tpu.memref_squeeze %dma_wait3A_250 : memref<1x1x80xi32, #tpu.memory_space<hbm>> -> memref<80xi32, #tpu.memory_space<hbm>>
    %dma_wait3A_252 = arith.constant 0 : i32
    %dma_wait3A_253 = tpu.memref_slice %arg3[%add3A, %dma_wait3A_248, %dma_wait3A_252] : memref<32x128x80xi32, #tpu.memory_space<hbm>> -> memref<1x1x80xi32, #tpu.memory_space<hbm>>
    %dma_wait3A_254 = tpu.memref_squeeze %dma_wait3A_253 : memref<1x1x80xi32, #tpu.memory_space<hbm>> -> memref<80xi32, #tpu.memory_space<hbm>>
    tpu.wait_dma2 semaphore(%arg22 : memref<!tpu.dma_semaphore, #tpu.memory_space<semaphore_mem>>) src(%dma_wait3A_254 : memref<80xi32, #tpu.memory_space<hbm>>) dst(%arg9 : memref<80xi32, #tpu.memory_space<vmem>>)
    %dma_wait3A_255 = arith.constant 0 : i32
    %dma_wait3A_256 = arith.constant 0 : i32
    %dma_wait3A_257 = tpu.memref_slice %arg19[%dma_wait3A_255, %dma_wait3A_256] : memref<10240x128xf32, #tpu.memory_space<vmem_shared>> -> memref<10240x128xf32, #tpu.memory_space<vmem_shared>>
    tpu.wait_indirect_dma semaphore(%arg34 : memref<!tpu.dma_semaphore, #tpu.memory_space<semaphore_mem>>) src(%arg17 : memref<80x128xf32, #tpu.memory_space<vmem>>) dst(%dma_wait3A_257 : memref<10240x128xf32, #tpu.memory_space<vmem_shared>>)
    %dma_start3A_258 = arith.constant 126 : i32
    %dma_start3A_259 = arith.constant 0 : i32
    %dma_start3A_260 = tpu.memref_slice %arg4[%add3A, %dma_start3A_258, %dma_start3A_259] : memref<32x128x80xi32, #tpu.memory_space<hbm>> -> memref<1x1x80xi32, #tpu.memory_space<hbm>>
    %dma_start3A_261 = tpu.memref_squeeze %dma_start3A_260 : memref<1x1x80xi32, #tpu.memory_space<hbm>> -> memref<80xi32, #tpu.memory_space<hbm>>
    %dma_start3A_262 = arith.constant 0 : i32
    %dma_start3A_263 = tpu.memref_slice %arg4[%add3A, %dma_start3A_258, %dma_start3A_262] : memref<32x128x80xi32, #tpu.memory_space<hbm>> -> memref<1x1x80xi32, #tpu.memory_space<hbm>>
    %dma_start3A_264 = tpu.memref_squeeze %dma_start3A_263 : memref<1x1x80xi32, #tpu.memory_space<hbm>> -> memref<80xi32, #tpu.memory_space<hbm>>
    tpu.enqueue_dma source(%dma_start3A_264 : memref<80xi32, #tpu.memory_space<hbm>>) target(%arg13 : memref<80xi32, #tpu.memory_space<vmem>>) target_semaphore(%arg26 : memref<!tpu.dma_semaphore, #tpu.memory_space<semaphore_mem>>)
    %dma_start3A_265 = arith.constant 0 : i32
    %dma_start3A_266 = arith.constant 0 : i32
    %dma_start3A_267 = tpu.memref_slice %arg2[%dma_start3A_265, %dma_start3A_266] : memref<10240x128xf32, #tpu.memory_space<hbm>> -> memref<10240x128xf32, #tpu.memory_space<hbm>>
    tpu.enqueue_indirect_dma source(%dma_start3A_267 : memref<10240x128xf32, #tpu.memory_space<hbm>>) target(%arg17 : memref<80x128xf32, #tpu.memory_space<vmem>>) offsets(%arg9 : memref<80xi32, #tpu.memory_space<vmem>>) semaphore(%arg30 : memref<!tpu.dma_semaphore, #tpu.memory_space<semaphore_mem>>)
    %dma_wait3A_268 = arith.constant 0 : i32
    %dma_wait3A_269 = arith.constant 0 : i32
    %dma_wait3A_270 = tpu.memref_slice %arg2[%dma_wait3A_268, %dma_wait3A_269] : memref<10240x128xf32, #tpu.memory_space<hbm>> -> memref<10240x128xf32, #tpu.memory_space<hbm>>
    tpu.wait_indirect_dma semaphore(%arg30 : memref<!tpu.dma_semaphore, #tpu.memory_space<semaphore_mem>>) src(%dma_wait3A_270 : memref<10240x128xf32, #tpu.memory_space<hbm>>) dst(%arg17 : memref<80x128xf32, #tpu.memory_space<vmem>>)
    %dma_wait3A_271 = arith.constant 126 : i32
    %dma_wait3A_272 = arith.constant 0 : i32
    %dma_wait3A_273 = tpu.memref_slice %arg4[%add3A, %dma_wait3A_271, %dma_wait3A_272] : memref<32x128x80xi32, #tpu.memory_space<hbm>> -> memref<1x1x80xi32, #tpu.memory_space<hbm>>
    %dma_wait3A_274 = tpu.memref_squeeze %dma_wait3A_273 : memref<1x1x80xi32, #tpu.memory_space<hbm>> -> memref<80xi32, #tpu.memory_space<hbm>>
    %dma_wait3A_275 = arith.constant 0 : i32
    %dma_wait3A_276 = tpu.memref_slice %arg4[%add3A, %dma_wait3A_271, %dma_wait3A_275] : memref<32x128x80xi32, #tpu.memory_space<hbm>> -> memref<1x1x80xi32, #tpu.memory_space<hbm>>
    %dma_wait3A_277 = tpu.memref_squeeze %dma_wait3A_276 : memref<1x1x80xi32, #tpu.memory_space<hbm>> -> memref<80xi32, #tpu.memory_space<hbm>>
    tpu.wait_dma2 semaphore(%arg26 : memref<!tpu.dma_semaphore, #tpu.memory_space<semaphore_mem>>) src(%dma_wait3A_277 : memref<80xi32, #tpu.memory_space<hbm>>) dst(%arg13 : memref<80xi32, #tpu.memory_space<vmem>>)
    %dma_start3A_278 = arith.constant 0 : i32
    %dma_start3A_279 = arith.constant 0 : i32
    %dma_start3A_280 = tpu.memref_slice %arg19[%dma_start3A_278, %dma_start3A_279] : memref<10240x128xf32, #tpu.memory_space<vmem_shared>> -> memref<10240x128xf32, #tpu.memory_space<vmem_shared>>
    tpu.enqueue_indirect_dma source(%arg17 : memref<80x128xf32, #tpu.memory_space<vmem>>) target(%dma_start3A_280 : memref<10240x128xf32, #tpu.memory_space<vmem_shared>>) offsets(%arg13 : memref<80xi32, #tpu.memory_space<vmem>>) semaphore(%arg34 : memref<!tpu.dma_semaphore, #tpu.memory_space<semaphore_mem>>) {add = true}
    %dma_wait3A_281 = arith.constant 127 : i32
    %dma_wait3A_282 = arith.constant 0 : i32
    %dma_wait3A_283 = tpu.memref_slice %arg3[%add3A, %dma_wait3A_281, %dma_wait3A_282] : memref<32x128x80xi32, #tpu.memory_space<hbm>> -> memref<1x1x80xi32, #tpu.memory_space<hbm>>
    %dma_wait3A_284 = tpu.memref_squeeze %dma_wait3A_283 : memref<1x1x80xi32, #tpu.memory_space<hbm>> -> memref<80xi32, #tpu.memory_space<hbm>>
    %dma_wait3A_285 = arith.constant 0 : i32
    %dma_wait3A_286 = tpu.memref_slice %arg3[%add3A, %dma_wait3A_281, %dma_wait3A_285] : memref<32x128x80xi32, #tpu.memory_space<hbm>> -> memref<1x1x80xi32, #tpu.memory_space<hbm>>
    %dma_wait3A_287 = tpu.memref_squeeze %dma_wait3A_286 : memref<1x1x80xi32, #tpu.memory_space<hbm>> -> memref<80xi32, #tpu.memory_space<hbm>>
    tpu.wait_dma2 semaphore(%arg23 : memref<!tpu.dma_semaphore, #tpu.memory_space<semaphore_mem>>) src(%dma_wait3A_287 : memref<80xi32, #tpu.memory_space<hbm>>) dst(%arg10 : memref<80xi32, #tpu.memory_space<vmem>>)
    %dma_wait3A_288 = arith.constant 0 : i32
    %dma_wait3A_289 = arith.constant 0 : i32
    %dma_wait3A_290 = tpu.memref_slice %arg19[%dma_wait3A_288, %dma_wait3A_289] : memref<10240x128xf32, #tpu.memory_space<vmem_shared>> -> memref<10240x128xf32, #tpu.memory_space<vmem_shared>>
    tpu.wait_indirect_dma semaphore(%arg35 : memref<!tpu.dma_semaphore, #tpu.memory_space<semaphore_mem>>) src(%arg18 : memref<80x128xf32, #tpu.memory_space<vmem>>) dst(%dma_wait3A_290 : memref<10240x128xf32, #tpu.memory_space<vmem_shared>>)
    %dma_start3A_291 = arith.constant 127 : i32
    %dma_start3A_292 = arith.constant 0 : i32
    %dma_start3A_293 = tpu.memref_slice %arg4[%add3A, %dma_start3A_291, %dma_start3A_292] : memref<32x128x80xi32, #tpu.memory_space<hbm>> -> memref<1x1x80xi32, #tpu.memory_space<hbm>>
    %dma_start3A_294 = tpu.memref_squeeze %dma_start3A_293 : memref<1x1x80xi32, #tpu.memory_space<hbm>> -> memref<80xi32, #tpu.memory_space<hbm>>
    %dma_start3A_295 = arith.constant 0 : i32
    %dma_start3A_296 = tpu.memref_slice %arg4[%add3A, %dma_start3A_291, %dma_start3A_295] : memref<32x128x80xi32, #tpu.memory_space<hbm>> -> memref<1x1x80xi32, #tpu.memory_space<hbm>>
    %dma_start3A_297 = tpu.memref_squeeze %dma_start3A_296 : memref<1x1x80xi32, #tpu.memory_space<hbm>> -> memref<80xi32, #tpu.memory_space<hbm>>
    tpu.enqueue_dma source(%dma_start3A_297 : memref<80xi32, #tpu.memory_space<hbm>>) target(%arg14 : memref<80xi32, #tpu.memory_space<vmem>>) target_semaphore(%arg27 : memref<!tpu.dma_semaphore, #tpu.memory_space<semaphore_mem>>)
    %dma_start3A_298 = arith.constant 0 : i32
    %dma_start3A_299 = arith.constant 0 : i32
    %dma_start3A_300 = tpu.memref_slice %arg2[%dma_start3A_298, %dma_start3A_299] : memref<10240x128xf32, #tpu.memory_space<hbm>> -> memref<10240x128xf32, #tpu.memory_space<hbm>>
    tpu.enqueue_indirect_dma source(%dma_start3A_300 : memref<10240x128xf32, #tpu.memory_space<hbm>>) target(%arg18 : memref<80x128xf32, #tpu.memory_space<vmem>>) offsets(%arg10 : memref<80xi32, #tpu.memory_space<vmem>>) semaphore(%arg31 : memref<!tpu.dma_semaphore, #tpu.memory_space<semaphore_mem>>)
    %dma_wait3A_301 = arith.constant 0 : i32
    %dma_wait3A_302 = arith.constant 0 : i32
    %dma_wait3A_303 = tpu.memref_slice %arg2[%dma_wait3A_301, %dma_wait3A_302] : memref<10240x128xf32, #tpu.memory_space<hbm>> -> memref<10240x128xf32, #tpu.memory_space<hbm>>
    tpu.wait_indirect_dma semaphore(%arg31 : memref<!tpu.dma_semaphore, #tpu.memory_space<semaphore_mem>>) src(%dma_wait3A_303 : memref<10240x128xf32, #tpu.memory_space<hbm>>) dst(%arg18 : memref<80x128xf32, #tpu.memory_space<vmem>>)
    %dma_wait3A_304 = arith.constant 127 : i32
    %dma_wait3A_305 = arith.constant 0 : i32
    %dma_wait3A_306 = tpu.memref_slice %arg4[%add3A, %dma_wait3A_304, %dma_wait3A_305] : memref<32x128x80xi32, #tpu.memory_space<hbm>> -> memref<1x1x80xi32, #tpu.memory_space<hbm>>
    %dma_wait3A_307 = tpu.memref_squeeze %dma_wait3A_306 : memref<1x1x80xi32, #tpu.memory_space<hbm>> -> memref<80xi32, #tpu.memory_space<hbm>>
    %dma_wait3A_308 = arith.constant 0 : i32
    %dma_wait3A_309 = tpu.memref_slice %arg4[%add3A, %dma_wait3A_304, %dma_wait3A_308] : memref<32x128x80xi32, #tpu.memory_space<hbm>> -> memref<1x1x80xi32, #tpu.memory_space<hbm>>
    %dma_wait3A_310 = tpu.memref_squeeze %dma_wait3A_309 : memref<1x1x80xi32, #tpu.memory_space<hbm>> -> memref<80xi32, #tpu.memory_space<hbm>>
    tpu.wait_dma2 semaphore(%arg27 : memref<!tpu.dma_semaphore, #tpu.memory_space<semaphore_mem>>) src(%dma_wait3A_310 : memref<80xi32, #tpu.memory_space<hbm>>) dst(%arg14 : memref<80xi32, #tpu.memory_space<vmem>>)
    %dma_start3A_311 = arith.constant 0 : i32
    %dma_start3A_312 = arith.constant 0 : i32
    %dma_start3A_313 = tpu.memref_slice %arg19[%dma_start3A_311, %dma_start3A_312] : memref<10240x128xf32, #tpu.memory_space<vmem_shared>> -> memref<10240x128xf32, #tpu.memory_space<vmem_shared>>
    tpu.enqueue_indirect_dma source(%arg18 : memref<80x128xf32, #tpu.memory_space<vmem>>) target(%dma_start3A_313 : memref<10240x128xf32, #tpu.memory_space<vmem_shared>>) offsets(%arg14 : memref<80xi32, #tpu.memory_space<vmem>>) semaphore(%arg35 : memref<!tpu.dma_semaphore, #tpu.memory_space<semaphore_mem>>) {add = true}
    %dma_wait3A_314 = arith.constant 0 : i32
    %dma_wait3A_315 = arith.constant 0 : i32
    %dma_wait3A_316 = tpu.memref_slice %arg19[%dma_wait3A_314, %dma_wait3A_315] : memref<10240x128xf32, #tpu.memory_space<vmem_shared>> -> memref<10240x128xf32, #tpu.memory_space<vmem_shared>>
    tpu.wait_indirect_dma semaphore(%arg32 : memref<!tpu.dma_semaphore, #tpu.memory_space<semaphore_mem>>) src(%arg15 : memref<80x128xf32, #tpu.memory_space<vmem>>) dst(%dma_wait3A_316 : memref<10240x128xf32, #tpu.memory_space<vmem_shared>>)
    %dma_wait3A_317 = arith.constant 0 : i32
    %dma_wait3A_318 = arith.constant 0 : i32
    %dma_wait3A_319 = tpu.memref_slice %arg19[%dma_wait3A_317, %dma_wait3A_318] : memref<10240x128xf32, #tpu.memory_space<vmem_shared>> -> memref<10240x128xf32, #tpu.memory_space<vmem_shared>>
    tpu.wait_indirect_dma semaphore(%arg33 : memref<!tpu.dma_semaphore, #tpu.memory_space<semaphore_mem>>) src(%arg16 : memref<80x128xf32, #tpu.memory_space<vmem>>) dst(%dma_wait3A_319 : memref<10240x128xf32, #tpu.memory_space<vmem_shared>>)
    %dma_wait3A_320 = arith.constant 0 : i32
    %dma_wait3A_321 = arith.constant 0 : i32
    %dma_wait3A_322 = tpu.memref_slice %arg19[%dma_wait3A_320, %dma_wait3A_321] : memref<10240x128xf32, #tpu.memory_space<vmem_shared>> -> memref<10240x128xf32, #tpu.memory_space<vmem_shared>>
    tpu.wait_indirect_dma semaphore(%arg34 : memref<!tpu.dma_semaphore, #tpu.memory_space<semaphore_mem>>) src(%arg17 : memref<80x128xf32, #tpu.memory_space<vmem>>) dst(%dma_wait3A_322 : memref<10240x128xf32, #tpu.memory_space<vmem_shared>>)
    %dma_wait3A_323 = arith.constant 0 : i32
    %dma_wait3A_324 = arith.constant 0 : i32
    %dma_wait3A_325 = tpu.memref_slice %arg19[%dma_wait3A_323, %dma_wait3A_324] : memref<10240x128xf32, #tpu.memory_space<vmem_shared>> -> memref<10240x128xf32, #tpu.memory_space<vmem_shared>>
    tpu.wait_indirect_dma semaphore(%arg35 : memref<!tpu.dma_semaphore, #tpu.memory_space<semaphore_mem>>) src(%arg18 : memref<80x128xf32, #tpu.memory_space<vmem>>) dst(%dma_wait3A_325 : memref<10240x128xf32, #tpu.memory_space<vmem_shared>>)
    %barrier3A_326 = arith.constant 0 : index
    tpu.barrier barrier_id(%barrier3A_326)
    %mul3A_327 = arith.constant 640 : i32
    %mul3A_328 = arith.muli %arg1, %mul3A_327 : i32
    %mul3A_329 = arith.constant 640 : i32
    %mul3A_330 = arith.muli %arg1, %mul3A_329 : i32
    "tpu.region"() ({
      %run_scoped3A = tpu.sem_alloc : memref<!tpu.dma_semaphore, #tpu.memory_space<semaphore_mem>>
      %dma_start3A_331 = arith.constant 0 : i32
      %dma_start3A_332 = tpu.memref_slice %arg6[%arg0, %mul3A_330, %dma_start3A_331] : memref<2x10240x128xf32, #tpu.memory_space<hbm>> -> memref<1x640x128xf32, #tpu.memory_space<hbm>>
      %dma_start3A_333 = tpu.memref_squeeze %dma_start3A_332 : memref<1x640x128xf32, #tpu.memory_space<hbm>> -> memref<640x128xf32, #tpu.memory_space<hbm>>
      %dma_start3A_334 = arith.constant 0 : i32
      %dma_start3A_335 = tpu.memref_slice %arg19[%mul3A_328, %dma_start3A_334] : memref<10240x128xf32, #tpu.memory_space<vmem_shared>> -> memref<640x128xf32, #tpu.memory_space<vmem_shared>>
      tpu.enqueue_dma source(%dma_start3A_335 : memref<640x128xf32, #tpu.memory_space<vmem_shared>>) target(%dma_start3A_333 : memref<640x128xf32, #tpu.memory_space<hbm>>) target_semaphore(%run_scoped3A : memref<!tpu.dma_semaphore, #tpu.memory_space<semaphore_mem>>)
      %dma_wait3A_336 = arith.constant 0 : i32
      %dma_wait3A_337 = tpu.memref_slice %arg6[%arg0, %mul3A_330, %dma_wait3A_336] : memref<2x10240x128xf32, #tpu.memory_space<hbm>> -> memref<1x640x128xf32, #tpu.memory_space<hbm>>
      %dma_wait3A_338 = tpu.memref_squeeze %dma_wait3A_337 : memref<1x640x128xf32, #tpu.memory_space<hbm>> -> memref<640x128xf32, #tpu.memory_space<hbm>>
      %dma_wait3A_339 = arith.constant 0 : i32
      %dma_wait3A_340 = tpu.memref_slice %arg19[%mul3A_328, %dma_wait3A_339] : memref<10240x128xf32, #tpu.memory_space<vmem_shared>> -> memref<640x128xf32, #tpu.memory_space<vmem_shared>>
      tpu.wait_dma2 semaphore(%run_scoped3A : memref<!tpu.dma_semaphore, #tpu.memory_space<semaphore_mem>>) src(%dma_wait3A_340 : memref<640x128xf32, #tpu.memory_space<vmem_shared>>) dst(%dma_wait3A_338 : memref<640x128xf32, #tpu.memory_space<hbm>>)
      tpu.yield
    }) : () -> ()
    return
  }
}

module attributes {stable_mosaic.version = 14 : i64} {
  func.func @body(%arg0: memref<2x10240x128xf32, #tpu.memory_space<vmem>>, %arg1: memref<10240x1xf32, #tpu.memory_space<vmem>>) attributes {dimension_semantics = [], scalar_prefetch = 0 : i64, scratch_operands = 0 : i64, tpu.core_type = #tpu.core_type<tc>} {
    %get3A = arith.constant 0 : index
    %get3A_0 = arith.constant 0 : index
    %get3A_1 = arith.constant 0 : index
    %get3A_2 = vector.load %arg0[%get3A, %get3A_0, %get3A_1] : memref<2x10240x128xf32, #tpu.memory_space<vmem>>, vector<2x10240x128xf32>
    %slice3A = vector.extract_strided_slice %get3A_2 {offsets = [0, 0, 0], sizes = [1, 10240, 1], strides = [1, 1, 1]} : vector<2x10240x128xf32> to vector<1x10240x1xf32>
    %squeeze3A = vector.shape_cast %slice3A : vector<1x10240x1xf32> to vector<10240x1xf32>
    %slice3A_3 = vector.extract_strided_slice %get3A_2 {offsets = [1, 0, 0], sizes = [1, 10240, 1], strides = [1, 1, 1]} : vector<2x10240x128xf32> to vector<1x10240x1xf32>
    %squeeze3A_4 = vector.shape_cast %slice3A_3 : vector<1x10240x1xf32> to vector<10240x1xf32>
    %add3A = arith.addf %squeeze3A, %squeeze3A_4 : vector<10240x1xf32>
    %add3A_5 = arith.constant 1.000000e+00 : f32
    %add3A_6 = vector.broadcast %add3A_5 : f32 to vector<10240x1xf32>
    %add3A_7 = arith.addf %add3A, %add3A_6 : vector<10240x1xf32>
    %sqrt3A = math.sqrt %add3A_7 : vector<10240x1xf32>
    %div3A = arith.constant 1.000000e+00 : f32
    %div3A_8 = vector.broadcast %div3A : f32 to vector<10240x1xf32>
    %div3A_9 = arith.divf %div3A_8, %sqrt3A : vector<10240x1xf32>
    %swap3A = arith.constant 0 : index
    %swap3A_10 = arith.constant 0 : index
    %swap3A_11 = vector.load %arg1[%swap3A, %swap3A_10] : memref<10240x1xf32, #tpu.memory_space<vmem>>, vector<10240x1xf32>
    tpu.vector_store %arg1[%swap3A, %swap3A_10], %div3A_9 {strides = array<i32>} : memref<10240x1xf32, #tpu.memory_space<vmem>>, vector<10240x1xf32>,
    return
  }
}

module attributes {stable_mosaic.version = 14 : i64} {
  func.func @body(%arg0: i32, %arg1: memref<512x128xf32, #tpu.memory_space<vmem>>, %arg2: memref<128x128xf32, #tpu.memory_space<vmem>>, %arg3: memref<512x1xf32, #tpu.memory_space<vmem>>, %arg4: memref<512x128xf32, #tpu.memory_space<vmem>>) attributes {dimension_semantics = [#tpu.dimension_semantics<arbitrary>], iteration_bounds = array<i64: 20>, scalar_prefetch = 0 : i64, scratch_operands = 0 : i64, tpu.core_type = #tpu.core_type<tc>, window_params = [{transform_indices = @transform_0, window_bounds = array<i64: 512, 128>}, {pipeline_mode = #tpu.pipeline_mode<synchronous>, transform_indices = @transform_1, window_bounds = array<i64: 128, 128>}, {transform_indices = @transform_2, window_bounds = array<i64: 512, 1>}, {transform_indices = @transform_3, window_bounds = array<i64: 512, 128>}]} {
    %get3A = arith.constant 0 : index
    %get3A_0 = arith.constant 0 : index
    %get3A_1 = vector.load %arg1[%get3A, %get3A_0] : memref<512x128xf32, #tpu.memory_space<vmem>>, vector<512x128xf32>
    %get3A_2 = arith.constant 0 : index
    %get3A_3 = arith.constant 0 : index
    %get3A_4 = vector.load %arg2[%get3A_2, %get3A_3] : memref<128x128xf32, #tpu.memory_space<vmem>>, vector<128x128xf32>
    %dot_general3A = arith.constant dense<0.000000e+00> : vector<512x128xf32>
    %dot_general3A_5 = tpu.matmul %get3A_1, %get3A_4, %dot_general3A {dimension_numbers = #tpu.dot_dimension_numbers<[1], [0], [0], [1], [0, 0, 1, 1], [], []>, transpose_lhs_hint = false} : vector<512x128xf32>, vector<128x128xf32>, vector<512x128xf32> -> vector<512x128xf32>
    %get3A_6 = arith.constant 0 : index
    %get3A_7 = arith.constant 0 : index
    %get3A_8 = vector.load %arg3[%get3A_6, %get3A_7] : memref<512x1xf32, #tpu.memory_space<vmem>>, vector<512x1xf32>
    %mul3A = vector.broadcast %get3A_8 : vector<512x1xf32> to vector<512x128xf32>
    %mul3A_9 = arith.mulf %dot_general3A_5, %mul3A : vector<512x128xf32>
    %swap3A = arith.constant 0 : index
    %swap3A_10 = arith.constant 0 : index
    %swap3A_11 = vector.load %arg4[%swap3A, %swap3A_10] : memref<512x128xf32, #tpu.memory_space<vmem>>, vector<512x128xf32>
    tpu.vector_store %arg4[%swap3A, %swap3A_10], %mul3A_9 {strides = array<i32>} : memref<512x128xf32, #tpu.memory_space<vmem>>, vector<512x128xf32>,
    return
  }
  func.func @transform_0(%arg0: i32) -> (i32, i32) {
    %c0_i32 = arith.constant 0 : i32
    %c0_i32_0 = arith.constant 0 : i32
    return %arg0, %c0_i32 : i32, i32
  }
  func.func @transform_1(%arg0: i32) -> (i32, i32) {
    %c0_i32 = arith.constant 0 : i32
    %c0_i32_0 = arith.constant 0 : i32
    %c0_i32_1 = arith.constant 0 : i32
    return %c0_i32, %c0_i32_0 : i32, i32
  }
  func.func @transform_2(%arg0: i32) -> (i32, i32) {
    %c0_i32 = arith.constant 0 : i32
    %c0_i32_0 = arith.constant 0 : i32
    return %arg0, %c0_i32 : i32, i32
  }
  func.func @transform_3(%arg0: i32) -> (i32, i32) {
    %c0_i32 = arith.constant 0 : i32
    %c0_i32_0 = arith.constant 0 : i32
    return %arg0, %c0_i32 : i32, i32
  }
}

module attributes {stable_mosaic.version = 14 : i64} {
  func.func @body(%arg0: i32, %arg1: memref<1x512x128xf32, #tpu.memory_space<vmem>>, %arg2: memref<1x512x128xf32, #tpu.memory_space<vmem>>, %arg3: memref<512x128xf32, #tpu.memory_space<vmem>>, %arg4: memref<512x1xf32, #tpu.memory_space<vmem>>, %arg5: memref<1x128xf32, #tpu.memory_space<vmem>>, %arg6: memref<512x128xf32, #tpu.memory_space<vmem>>, %arg7: memref<2x128xf32, #tpu.memory_space<vmem>>) attributes {dimension_semantics = [#tpu.dimension_semantics<arbitrary>], iteration_bounds = array<i64: 20>, scalar_prefetch = 0 : i64, scratch_operands = 0 : i64, tpu.core_type = #tpu.core_type<tc>, window_params = [{transform_indices = @transform_0, window_bounds = array<i64: 1, 512, 128>}, {transform_indices = @transform_1, window_bounds = array<i64: 1, 512, 128>}, {transform_indices = @transform_2, window_bounds = array<i64: 512, 128>}, {transform_indices = @transform_3, window_bounds = array<i64: 512, 1>}, {pipeline_mode = #tpu.pipeline_mode<synchronous>, transform_indices = @transform_4, window_bounds = array<i64: 1, 128>}, {transform_indices = @transform_5, window_bounds = array<i64: 512, 128>}, {pipeline_mode = #tpu.pipeline_mode<synchronous>, transform_indices = @transform_6, window_bounds = array<i64: 2, 128>}]} {
    %get3A = arith.constant 0 : index
    %get3A_0 = arith.constant 0 : index
    %get3A_1 = vector.load %arg4[%get3A, %get3A_0] : memref<512x1xf32, #tpu.memory_space<vmem>>, vector<512x1xf32>
    %get3A_2 = arith.constant 0 : index
    %get3A_3 = arith.constant 0 : index
    %get3A_4 = arith.constant 0 : index
    %get3A_5 = vector.load %arg1[%get3A_2, %get3A_3, %get3A_4] : memref<1x512x128xf32, #tpu.memory_space<vmem>>, vector<1x512x128xf32>
    %squeeze3A = vector.shape_cast %get3A_5 : vector<1x512x128xf32> to vector<512x128xf32>
    %get3A_6 = arith.constant 0 : index
    %get3A_7 = arith.constant 0 : index
    %get3A_8 = arith.constant 0 : index
    %get3A_9 = vector.load %arg2[%get3A_6, %get3A_7, %get3A_8] : memref<1x512x128xf32, #tpu.memory_space<vmem>>, vector<1x512x128xf32>
    %squeeze3A_10 = vector.shape_cast %get3A_9 : vector<1x512x128xf32> to vector<512x128xf32>
    %add3A = arith.addf %squeeze3A, %squeeze3A_10 : vector<512x128xf32>
    %get3A_11 = arith.constant 0 : index
    %get3A_12 = arith.constant 0 : index
    %get3A_13 = vector.load %arg3[%get3A_11, %get3A_12] : memref<512x128xf32, #tpu.memory_space<vmem>>, vector<512x128xf32>
    %add3A_14 = arith.addf %add3A, %get3A_13 : vector<512x128xf32>
    %mul3A = vector.broadcast %get3A_1 : vector<512x1xf32> to vector<512x128xf32>
    %mul3A_15 = arith.mulf %mul3A, %add3A_14 : vector<512x128xf32>
    %get3A_16 = arith.constant 0 : index
    %get3A_17 = arith.constant 0 : index
    %get3A_18 = vector.load %arg5[%get3A_16, %get3A_17] : memref<1x128xf32, #tpu.memory_space<vmem>>, vector<1x128xf32>
    %add3A_19 = vector.broadcast %get3A_18 : vector<1x128xf32> to vector<512x128xf32>
    %add3A_20 = arith.addf %mul3A_15, %add3A_19 : vector<512x128xf32>
    %swap3A = arith.constant 0 : index
    %swap3A_21 = arith.constant 0 : index
    %swap3A_22 = vector.load %arg6[%swap3A, %swap3A_21] : memref<512x128xf32, #tpu.memory_space<vmem>>, vector<512x128xf32>
    tpu.vector_store %arg6[%swap3A, %swap3A_21], %add3A_20 {strides = array<i32>} : memref<512x128xf32, #tpu.memory_space<vmem>>, vector<512x128xf32>,
    %iota3A = tpu.iota {dimensions = array<i32: 0>} : vector<512x1xi32>
    %mul3A_23 = arith.constant 512 : i32
    %mul3A_24 = arith.muli %arg0, %mul3A_23 : i32
    %add3A_25 = vector.broadcast %mul3A_24 : i32 to vector<512x1xi32>
    %add3A_26 = arith.addi %iota3A, %add3A_25 : vector<512x1xi32>
    %lt3A = arith.constant 10000 : i32
    %lt3A_27 = vector.broadcast %lt3A : i32 to vector<512x1xi32>
    %lt3A_28 = arith.cmpi slt, %add3A_26, %lt3A_27 : vector<512x1xi32>
    %convert_element_type3A = arith.extui %lt3A_28 : vector<512x1xi1> to vector<512x1xi32>
    %convert_element_type3A_29 = arith.sitofp %convert_element_type3A : vector<512x1xi32> to vector<512x1xf32>
    %mul3A_30 = vector.broadcast %convert_element_type3A_29 : vector<512x1xf32> to vector<512x128xf32>
    %mul3A_31 = arith.mulf %add3A_20, %mul3A_30 : vector<512x128xf32>
    %eq3A = arith.constant 0 : i32
    %eq3A_32 = arith.cmpi eq, %arg0, %eq3A : i32
    %convert_element_type3A_33 = arith.extui %eq3A_32 : i1 to i32
    %cond3A = arith.constant 0 : i32
    %cond3A_34 = arith.cmpi ne, %convert_element_type3A_33, %cond3A : i32
    scf.if %cond3A_34 {
      %broadcast_in_dim3A_54 = arith.constant 0.000000e+00 : f32
      %broadcast_in_dim3A_55 = vector.broadcast %broadcast_in_dim3A_54 : f32 to vector<2x128xf32>
      %swap3A_56 = arith.constant 0 : index
      %swap3A_57 = arith.constant 0 : index
      %swap3A_58 = vector.load %arg7[%swap3A_56, %swap3A_57] : memref<2x128xf32, #tpu.memory_space<vmem>>, vector<2x128xf32>
      tpu.vector_store %arg7[%swap3A_56, %swap3A_57], %broadcast_in_dim3A_55 {strides = array<i32>} : memref<2x128xf32, #tpu.memory_space<vmem>>, vector<2x128xf32>,
    } else {
    }
    %get3A_35 = arith.constant 0 : index
    %get3A_36 = arith.constant 0 : index
    %get3A_37 = vector.load %arg7[%get3A_35, %get3A_36] : memref<2x128xf32, #tpu.memory_space<vmem>>, vector<1x128xf32>
    %reduce_sum3A = arith.constant dense<0.000000e+00> : vector<128xf32>
    %reduce_sum3A_38 = vector.multi_reduction <add>, %mul3A_31, %reduce_sum3A [0] : vector<512x128xf32> to vector<128xf32>
    %broadcast_in_dim3A = vector.shape_cast %reduce_sum3A_38 : vector<128xf32> to vector<1x128xf32>
    %add3A_39 = arith.addf %get3A_37, %broadcast_in_dim3A : vector<1x128xf32>
    %swap3A_40 = arith.constant 0 : index
    %swap3A_41 = arith.constant 0 : index
    %swap3A_42 = vector.load %arg7[%swap3A_40, %swap3A_41] : memref<2x128xf32, #tpu.memory_space<vmem>>, vector<1x128xf32>
    tpu.vector_store %arg7[%swap3A_40, %swap3A_41], %add3A_39 {strides = array<i32>} : memref<2x128xf32, #tpu.memory_space<vmem>>, vector<1x128xf32>,
    %get3A_43 = arith.constant 1 : index
    %get3A_44 = arith.constant 0 : index
    %get3A_45 = vector.load %arg7[%get3A_43, %get3A_44] : memref<2x128xf32, #tpu.memory_space<vmem>>, vector<1x128xf32>
    %mul3A_46 = arith.mulf %mul3A_31, %mul3A_31 : vector<512x128xf32>
    %reduce_sum3A_47 = arith.constant dense<0.000000e+00> : vector<128xf32>
    %reduce_sum3A_48 = vector.multi_reduction <add>, %mul3A_46, %reduce_sum3A_47 [0] : vector<512x128xf32> to vector<128xf32>
    %broadcast_in_dim3A_49 = vector.shape_cast %reduce_sum3A_48 : vector<128xf32> to vector<1x128xf32>
    %add3A_50 = arith.addf %get3A_45, %broadcast_in_dim3A_49 : vector<1x128xf32>
    %swap3A_51 = arith.constant 1 : index
    %swap3A_52 = arith.constant 0 : index
    %swap3A_53 = vector.load %arg7[%swap3A_51, %swap3A_52] : memref<2x128xf32, #tpu.memory_space<vmem>>, vector<1x128xf32>
    tpu.vector_store %arg7[%swap3A_51, %swap3A_52], %add3A_50 {strides = array<i32>} : memref<2x128xf32, #tpu.memory_space<vmem>>, vector<1x128xf32>,
    return
  }
  func.func @transform_0(%arg0: i32) -> (i32, i32, i32) {
    %c0_i32 = arith.constant 0 : i32
    %c0_i32_0 = arith.constant 0 : i32
    %c0_i32_1 = arith.constant 0 : i32
    return %c0_i32, %arg0, %c0_i32_0 : i32, i32, i32
  }
  func.func @transform_1(%arg0: i32) -> (i32, i32, i32) {
    %c1_i32 = arith.constant 1 : i32
    %c0_i32 = arith.constant 0 : i32
    %c0_i32_0 = arith.constant 0 : i32
    return %c1_i32, %arg0, %c0_i32 : i32, i32, i32
  }
  func.func @transform_2(%arg0: i32) -> (i32, i32) {
    %c0_i32 = arith.constant 0 : i32
    %c0_i32_0 = arith.constant 0 : i32
    return %arg0, %c0_i32 : i32, i32
  }
  func.func @transform_3(%arg0: i32) -> (i32, i32) {
    %c0_i32 = arith.constant 0 : i32
    %c0_i32_0 = arith.constant 0 : i32
    return %arg0, %c0_i32 : i32, i32
  }
  func.func @transform_4(%arg0: i32) -> (i32, i32) {
    %c0_i32 = arith.constant 0 : i32
    %c0_i32_0 = arith.constant 0 : i32
    %c0_i32_1 = arith.constant 0 : i32
    return %c0_i32, %c0_i32_0 : i32, i32
  }
  func.func @transform_5(%arg0: i32) -> (i32, i32) {
    %c0_i32 = arith.constant 0 : i32
    %c0_i32_0 = arith.constant 0 : i32
    return %arg0, %c0_i32 : i32, i32
  }
  func.func @transform_6(%arg0: i32) -> (i32, i32) {
    %c0_i32 = arith.constant 0 : i32
    %c0_i32_0 = arith.constant 0 : i32
    %c0_i32_1 = arith.constant 0 : i32
    return %c0_i32, %c0_i32_0 : i32, i32
  }
}

module attributes {stable_mosaic.version = 14 : i64} {
  func.func @body(%arg0: i32, %arg1: memref<512x128xf32, #tpu.memory_space<vmem>>, %arg2: memref<2x128xf32, #tpu.memory_space<vmem>>, %arg3: memref<1x128xf32, #tpu.memory_space<vmem>>, %arg4: memref<1x128xf32, #tpu.memory_space<vmem>>, %arg5: memref<1x1xf32, #tpu.memory_space<vmem>>, %arg6: memref<128x128xf32, #tpu.memory_space<vmem>>, %arg7: memref<512x1xf32, #tpu.memory_space<vmem>>, %arg8: memref<512x128xf32, #tpu.memory_space<vmem>>) attributes {dimension_semantics = [#tpu.dimension_semantics<arbitrary>], iteration_bounds = array<i64: 20>, scalar_prefetch = 0 : i64, scratch_operands = 0 : i64, tpu.core_type = #tpu.core_type<tc>, window_params = [{transform_indices = @transform_0, window_bounds = array<i64: 512, 128>}, {pipeline_mode = #tpu.pipeline_mode<synchronous>, transform_indices = @transform_1, window_bounds = array<i64: 2, 128>}, {pipeline_mode = #tpu.pipeline_mode<synchronous>, transform_indices = @transform_2, window_bounds = array<i64: 1, 128>}, {pipeline_mode = #tpu.pipeline_mode<synchronous>, transform_indices = @transform_3, window_bounds = array<i64: 1, 128>}, {pipeline_mode = #tpu.pipeline_mode<synchronous>, transform_indices = @transform_4, window_bounds = array<i64: 1, 1>}, {pipeline_mode = #tpu.pipeline_mode<synchronous>, transform_indices = @transform_5, window_bounds = array<i64: 128, 128>}, {transform_indices = @transform_6, window_bounds = array<i64: 512, 1>}, {transform_indices = @transform_7, window_bounds = array<i64: 512, 128>}]} {
    %get3A = arith.constant 0 : index
    %get3A_0 = arith.constant 0 : index
    %get3A_1 = vector.load %arg2[%get3A, %get3A_0] : memref<2x128xf32, #tpu.memory_space<vmem>>, vector<2x128xf32>
    %slice3A = vector.extract_strided_slice %get3A_1 {offsets = [0, 0], sizes = [1, 128], strides = [1, 1]} : vector<2x128xf32> to vector<1x128xf32>
    %mul3A = arith.constant 9.99999974E-5 : f32
    %mul3A_2 = vector.broadcast %mul3A : f32 to vector<1x128xf32>
    %mul3A_3 = arith.mulf %slice3A, %mul3A_2 : vector<1x128xf32>
    %slice3A_4 = vector.extract_strided_slice %get3A_1 {offsets = [1, 0], sizes = [1, 128], strides = [1, 1]} : vector<2x128xf32> to vector<1x128xf32>
    %mul3A_5 = arith.constant 9.99999974E-5 : f32
    %mul3A_6 = vector.broadcast %mul3A_5 : f32 to vector<1x128xf32>
    %mul3A_7 = arith.mulf %slice3A_4, %mul3A_6 : vector<1x128xf32>
    %mul3A_8 = arith.mulf %mul3A_3, %mul3A_3 : vector<1x128xf32>
    %sub3A = arith.subf %mul3A_7, %mul3A_8 : vector<1x128xf32>
    %get3A_9 = arith.constant 0 : index
    %get3A_10 = arith.constant 0 : index
    %get3A_11 = vector.load %arg3[%get3A_9, %get3A_10] : memref<1x128xf32, #tpu.memory_space<vmem>>, vector<1x128xf32>
    %get3A_12 = arith.constant 0 : index
    %get3A_13 = arith.constant 0 : index
    %get3A_14 = vector.load %arg1[%get3A_12, %get3A_13] : memref<512x128xf32, #tpu.memory_space<vmem>>, vector<512x128xf32>
    %sub3A_15 = vector.broadcast %mul3A_3 : vector<1x128xf32> to vector<512x128xf32>
    %sub3A_16 = arith.subf %get3A_14, %sub3A_15 : vector<512x128xf32>
    %mul3A_17 = vector.broadcast %get3A_11 : vector<1x128xf32> to vector<512x128xf32>
    %mul3A_18 = arith.mulf %mul3A_17, %sub3A_16 : vector<512x128xf32>
    %add3A = arith.constant 9.99999974E-6 : f32
    %add3A_19 = vector.broadcast %add3A : f32 to vector<1x128xf32>
    %add3A_20 = arith.addf %sub3A, %add3A_19 : vector<1x128xf32>
    %sqrt3A = math.sqrt %add3A_20 : vector<1x128xf32>
    %div3A = vector.broadcast %sqrt3A : vector<1x128xf32> to vector<512x128xf32>
    %div3A_21 = arith.divf %mul3A_18, %div3A : vector<512x128xf32>
    %get3A_22 = arith.constant 0 : index
    %get3A_23 = arith.constant 0 : index
    %get3A_24 = vector.load %arg4[%get3A_22, %get3A_23] : memref<1x128xf32, #tpu.memory_space<vmem>>, vector<1x128xf32>
    %add3A_25 = vector.broadcast %get3A_24 : vector<1x128xf32> to vector<512x128xf32>
    %add3A_26 = arith.addf %div3A_21, %add3A_25 : vector<512x128xf32>
    %ge3A = arith.constant 0.000000e+00 : f32
    %ge3A_27 = vector.broadcast %ge3A : f32 to vector<512x128xf32>
    %ge3A_28 = arith.cmpf oge, %add3A_26, %ge3A_27 : vector<512x128xf32>
    %get3A_29 = arith.constant 0 : index
    %get3A_30 = arith.constant 0 : index
    %get3A_31 = vector.load %arg5[%get3A_29, %get3A_30] : memref<1x1xf32, #tpu.memory_space<vmem>>, vector<1x1xf32>
    %mul3A_32 = vector.broadcast %get3A_31 : vector<1x1xf32> to vector<512x128xf32>
    %mul3A_33 = arith.mulf %mul3A_32, %add3A_26 : vector<512x128xf32>
    %select_n3A = arith.select %ge3A_28, %add3A_26, %mul3A_33 : vector<512x128xi1>, vector<512x128xf32>
    %get3A_34 = arith.constant 0 : index
    %get3A_35 = arith.constant 0 : index
    %get3A_36 = vector.load %arg6[%get3A_34, %get3A_35] : memref<128x128xf32, #tpu.memory_space<vmem>>, vector<128x128xf32>
    %dot_general3A = arith.constant dense<0.000000e+00> : vector<512x128xf32>
    %dot_general3A_37 = tpu.matmul %select_n3A, %get3A_36, %dot_general3A {dimension_numbers = #tpu.dot_dimension_numbers<[1], [0], [0], [1], [0, 0, 1, 1], [], []>, transpose_lhs_hint = false} : vector<512x128xf32>, vector<128x128xf32>, vector<512x128xf32> -> vector<512x128xf32>
    %get3A_38 = arith.constant 0 : index
    %get3A_39 = arith.constant 0 : index
    %get3A_40 = vector.load %arg7[%get3A_38, %get3A_39] : memref<512x1xf32, #tpu.memory_space<vmem>>, vector<512x1xf32>
    %mul3A_41 = vector.broadcast %get3A_40 : vector<512x1xf32> to vector<512x128xf32>
    %mul3A_42 = arith.mulf %dot_general3A_37, %mul3A_41 : vector<512x128xf32>
    %swap3A = arith.constant 0 : index
    %swap3A_43 = arith.constant 0 : index
    %swap3A_44 = vector.load %arg8[%swap3A, %swap3A_43] : memref<512x128xf32, #tpu.memory_space<vmem>>, vector<512x128xf32>
    tpu.vector_store %arg8[%swap3A, %swap3A_43], %mul3A_42 {strides = array<i32>} : memref<512x128xf32, #tpu.memory_space<vmem>>, vector<512x128xf32>,
    return
  }
  func.func @transform_0(%arg0: i32) -> (i32, i32) {
    %c0_i32 = arith.constant 0 : i32
    %c0_i32_0 = arith.constant 0 : i32
    return %arg0, %c0_i32 : i32, i32
  }
  func.func @transform_1(%arg0: i32) -> (i32, i32) {
    %c0_i32 = arith.constant 0 : i32
    %c0_i32_0 = arith.constant 0 : i32
    %c0_i32_1 = arith.constant 0 : i32
    return %c0_i32, %c0_i32_0 : i32, i32
  }
  func.func @transform_2(%arg0: i32) -> (i32, i32) {
    %c0_i32 = arith.constant 0 : i32
    %c0_i32_0 = arith.constant 0 : i32
    %c0_i32_1 = arith.constant 0 : i32
    return %c0_i32, %c0_i32_0 : i32, i32
  }
  func.func @transform_3(%arg0: i32) -> (i32, i32) {
    %c0_i32 = arith.constant 0 : i32
    %c0_i32_0 = arith.constant 0 : i32
    %c0_i32_1 = arith.constant 0 : i32
    return %c0_i32, %c0_i32_0 : i32, i32
  }
  func.func @transform_4(%arg0: i32) -> (i32, i32) {
    %c0_i32 = arith.constant 0 : i32
    %c0_i32_0 = arith.constant 0 : i32
    %c0_i32_1 = arith.constant 0 : i32
    return %c0_i32, %c0_i32_0 : i32, i32
  }
  func.func @transform_5(%arg0: i32) -> (i32, i32) {
    %c0_i32 = arith.constant 0 : i32
    %c0_i32_0 = arith.constant 0 : i32
    %c0_i32_1 = arith.constant 0 : i32
    return %c0_i32, %c0_i32_0 : i32, i32
  }
  func.func @transform_6(%arg0: i32) -> (i32, i32) {
    %c0_i32 = arith.constant 0 : i32
    %c0_i32_0 = arith.constant 0 : i32
    return %arg0, %c0_i32 : i32, i32
  }
  func.func @transform_7(%arg0: i32) -> (i32, i32) {
    %c0_i32 = arith.constant 0 : i32
    %c0_i32_0 = arith.constant 0 : i32
    return %arg0, %c0_i32 : i32, i32
  }
}

module attributes {stable_mosaic.version = 14 : i64} {
  func.func @body(%arg0: i32, %arg1: memref<512x128xf32, #tpu.memory_space<vmem>>, %arg2: memref<2x128xf32, #tpu.memory_space<vmem>>, %arg3: memref<1x128xf32, #tpu.memory_space<vmem>>, %arg4: memref<1x128xf32, #tpu.memory_space<vmem>>, %arg5: memref<1x1xf32, #tpu.memory_space<vmem>>, %arg6: memref<512x128xf32, #tpu.memory_space<vmem>>) attributes {dimension_semantics = [#tpu.dimension_semantics<arbitrary>], iteration_bounds = array<i64: 20>, scalar_prefetch = 0 : i64, scratch_operands = 0 : i64, tpu.core_type = #tpu.core_type<tc>, window_params = [{transform_indices = @transform_0, window_bounds = array<i64: 512, 128>}, {pipeline_mode = #tpu.pipeline_mode<synchronous>, transform_indices = @transform_1, window_bounds = array<i64: 2, 128>}, {pipeline_mode = #tpu.pipeline_mode<synchronous>, transform_indices = @transform_2, window_bounds = array<i64: 1, 128>}, {pipeline_mode = #tpu.pipeline_mode<synchronous>, transform_indices = @transform_3, window_bounds = array<i64: 1, 128>}, {pipeline_mode = #tpu.pipeline_mode<synchronous>, transform_indices = @transform_4, window_bounds = array<i64: 1, 1>}, {transform_indices = @transform_5, window_bounds = array<i64: 512, 128>}]} {
    %get3A = arith.constant 0 : index
    %get3A_0 = arith.constant 0 : index
    %get3A_1 = vector.load %arg2[%get3A, %get3A_0] : memref<2x128xf32, #tpu.memory_space<vmem>>, vector<2x128xf32>
    %slice3A = vector.extract_strided_slice %get3A_1 {offsets = [0, 0], sizes = [1, 128], strides = [1, 1]} : vector<2x128xf32> to vector<1x128xf32>
    %mul3A = arith.constant 9.99999974E-5 : f32
    %mul3A_2 = vector.broadcast %mul3A : f32 to vector<1x128xf32>
    %mul3A_3 = arith.mulf %slice3A, %mul3A_2 : vector<1x128xf32>
    %slice3A_4 = vector.extract_strided_slice %get3A_1 {offsets = [1, 0], sizes = [1, 128], strides = [1, 1]} : vector<2x128xf32> to vector<1x128xf32>
    %mul3A_5 = arith.constant 9.99999974E-5 : f32
    %mul3A_6 = vector.broadcast %mul3A_5 : f32 to vector<1x128xf32>
    %mul3A_7 = arith.mulf %slice3A_4, %mul3A_6 : vector<1x128xf32>
    %mul3A_8 = arith.mulf %mul3A_3, %mul3A_3 : vector<1x128xf32>
    %sub3A = arith.subf %mul3A_7, %mul3A_8 : vector<1x128xf32>
    %get3A_9 = arith.constant 0 : index
    %get3A_10 = arith.constant 0 : index
    %get3A_11 = vector.load %arg3[%get3A_9, %get3A_10] : memref<1x128xf32, #tpu.memory_space<vmem>>, vector<1x128xf32>
    %get3A_12 = arith.constant 0 : index
    %get3A_13 = arith.constant 0 : index
    %get3A_14 = vector.load %arg1[%get3A_12, %get3A_13] : memref<512x128xf32, #tpu.memory_space<vmem>>, vector<512x128xf32>
    %sub3A_15 = vector.broadcast %mul3A_3 : vector<1x128xf32> to vector<512x128xf32>
    %sub3A_16 = arith.subf %get3A_14, %sub3A_15 : vector<512x128xf32>
    %mul3A_17 = vector.broadcast %get3A_11 : vector<1x128xf32> to vector<512x128xf32>
    %mul3A_18 = arith.mulf %mul3A_17, %sub3A_16 : vector<512x128xf32>
    %add3A = arith.constant 9.99999974E-6 : f32
    %add3A_19 = vector.broadcast %add3A : f32 to vector<1x128xf32>
    %add3A_20 = arith.addf %sub3A, %add3A_19 : vector<1x128xf32>
    %sqrt3A = math.sqrt %add3A_20 : vector<1x128xf32>
    %div3A = vector.broadcast %sqrt3A : vector<1x128xf32> to vector<512x128xf32>
    %div3A_21 = arith.divf %mul3A_18, %div3A : vector<512x128xf32>
    %get3A_22 = arith.constant 0 : index
    %get3A_23 = arith.constant 0 : index
    %get3A_24 = vector.load %arg4[%get3A_22, %get3A_23] : memref<1x128xf32, #tpu.memory_space<vmem>>, vector<1x128xf32>
    %add3A_25 = vector.broadcast %get3A_24 : vector<1x128xf32> to vector<512x128xf32>
    %add3A_26 = arith.addf %div3A_21, %add3A_25 : vector<512x128xf32>
    %ge3A = arith.constant 0.000000e+00 : f32
    %ge3A_27 = vector.broadcast %ge3A : f32 to vector<512x128xf32>
    %ge3A_28 = arith.cmpf oge, %add3A_26, %ge3A_27 : vector<512x128xf32>
    %get3A_29 = arith.constant 0 : index
    %get3A_30 = arith.constant 0 : index
    %get3A_31 = vector.load %arg5[%get3A_29, %get3A_30] : memref<1x1xf32, #tpu.memory_space<vmem>>, vector<1x1xf32>
    %mul3A_32 = vector.broadcast %get3A_31 : vector<1x1xf32> to vector<512x128xf32>
    %mul3A_33 = arith.mulf %mul3A_32, %add3A_26 : vector<512x128xf32>
    %select_n3A = arith.select %ge3A_28, %add3A_26, %mul3A_33 : vector<512x128xi1>, vector<512x128xf32>
    %swap3A = arith.constant 0 : index
    %swap3A_34 = arith.constant 0 : index
    %swap3A_35 = vector.load %arg6[%swap3A, %swap3A_34] : memref<512x128xf32, #tpu.memory_space<vmem>>, vector<512x128xf32>
    tpu.vector_store %arg6[%swap3A, %swap3A_34], %select_n3A {strides = array<i32>} : memref<512x128xf32, #tpu.memory_space<vmem>>, vector<512x128xf32>,
    return
  }
  func.func @transform_0(%arg0: i32) -> (i32, i32) {
    %c0_i32 = arith.constant 0 : i32
    %c0_i32_0 = arith.constant 0 : i32
    return %arg0, %c0_i32 : i32, i32
  }
  func.func @transform_1(%arg0: i32) -> (i32, i32) {
    %c0_i32 = arith.constant 0 : i32
    %c0_i32_0 = arith.constant 0 : i32
    %c0_i32_1 = arith.constant 0 : i32
    return %c0_i32, %c0_i32_0 : i32, i32
  }
  func.func @transform_2(%arg0: i32) -> (i32, i32) {
    %c0_i32 = arith.constant 0 : i32
    %c0_i32_0 = arith.constant 0 : i32
    %c0_i32_1 = arith.constant 0 : i32
    return %c0_i32, %c0_i32_0 : i32, i32
  }
  func.func @transform_3(%arg0: i32) -> (i32, i32) {
    %c0_i32 = arith.constant 0 : i32
    %c0_i32_0 = arith.constant 0 : i32
    %c0_i32_1 = arith.constant 0 : i32
    return %c0_i32, %c0_i32_0 : i32, i32
  }
  func.func @transform_4(%arg0: i32) -> (i32, i32) {
    %c0_i32 = arith.constant 0 : i32
    %c0_i32_0 = arith.constant 0 : i32
    %c0_i32_1 = arith.constant 0 : i32
    return %c0_i32, %c0_i32_0 : i32, i32
  }
  func.func @transform_5(%arg0: i32) -> (i32, i32) {
    %c0_i32 = arith.constant 0 : i32
    %c0_i32_0 = arith.constant 0 : i32
    return %arg0, %c0_i32 : i32, i32
  }
}

</mosaic_0001>

<sc_bundles>
// kernel: kernel.11.cloned.1.call-start
scs
__scs_entry_jumppad:
0x0: {  	(pc) =	sbr.rel $0x88, $3  }
0x1: {  	(tag) =	ssettag $0x0;
	lr =	simm.s32 $0x1  }
0x2: {  	[smem:$0x3F95] =	sst lr;
	_ =	strace $0xD0000000  }
0x3: {  	_ = 	snop  }
0x4: {  	_ = 	snop  }
0x5: {  	_ = 	snop  }
0x6: {  	_ = 	snop  }
0x7: {  	_ = 	snop  }
__scs_overlays_trampoline_lowered:
0x8: {  	[smem:$0x3FA4] =	sst s0  }
0x9: {  	[smem:$0x3FA5] =	sst s1  }
0xa: {  	[smem:$0x3FA6] =	sst s2  }
0xb: {  	[smem:$0x3FA7] =	sst s3  }
0xc: {  	[smem:$0x3FA8] =	sst s4  }
0xd: {  	[smem:$0x3FA9] =	sst s5  }
0xe: {  	[smem:$0x3FAA] =	sst s6  }
0xf: {  	[smem:$0x3FAB] =	sst s7  }
0x10: {  	[smem:$0x3FAC] =	sst s8  }
0x11: {  	[smem:$0x3FAD] =	sst s9;
	s0 =	simm.s32 @!p0 $0x0  }
0x12: {  	s1 =	sld [smem:$0x3F93];
	s0 =	simm.s32 @p0 $0x1  }
0x13: {  	[smem:$0x3FAE] =	sst s0;
	s0 =	simm.s32 @!p1 $0x0  }
0x14: {  	s2 =	sld [smem:$0x3F92];
	s0 =	simm.s32 @p1 $0x1  }
0x15: {  	[smem:$0x3FAF] =	sst s0;
	s0 =	simm.s32 @!p2 $0x0  }
0x16: {  	s3 =	sld [smem:$0x3FDB];
	s0 =	simm.s32 @p2 $0x1  }
0x17: {  	s4 =	simm.s32 $0x1BF5;
	[smem:$0x3FB1] =	sst s0  }
0x18: {  	s0 =	sld [smem:$0x3F94];
	_ =	swait.ge [sflag:s4], $0x0  }
0x19: {  	s7 =	sld [smem:$0x3F95]  }
0x1a: {  	s8 =	sadd.s32 $0xFFFFE003, lr  }
0x1b: {  	s9 =	sadd.s32 $0xFFFFFEF7, lr;
	s5 =	simm.s32 $0xFFFFFFFF;
	p2 =	slt.u32 s8, $0xFFFFF086  }
0x1c: {  	p1 =	slt.u32 s9, $0xF7A;
	s5 =	simm.s32 @!p2 $0x0  }
0x1d: {  	s5 =	simm.s32 @p1 $0x1;
	p0 =	seq.s32 s7, s2  }
0x1e: {  	s7 =	smul.u32 @!p0 $0xF7A, s2;
	p2 =	seq.s32 @!p0 s5, $0x0  }
0x1f: {  	s9 =	smul.u32 $0xF7A, s1;
	s8 =	simm.s32 @!p0 $0x1BF5;
	p2 =	por !p2, p0  }
0x20: {  	[sflag:s8] =	ssyncset.s32 @!p0 $0xFFFFF086;
	s6 =	sadd.s32 @!p0 s3, s7;
	s7 =	simm.s32 @!p0 $0x108  }
0x21: {  	s3 =	sadd.s32 s3, s9;
	s6 =	sadd.s32 @!p0 $0x88, s6;
	s7 =	simm.s32 @p2 $0x1082  }
0x22: {  	[simem:s7], [sflag:s8] =	dma.local @!p0 [hbm:s6], $0xF7A  }
0x23: {  	s9 =	sor.u32 $0xD0000000, s2;
	s6 =	simm.s32 $0x108;
	_ =	swait.ge @!p0 [sflag:s8], $0x0  }
0x24: {  	s3 =	sadd.s32 $0x88, s3;
	s6 =	simm.s32 @!p1 $0x1082;
	[sflag:s4] =	ssyncset.s32 $0xFFFFF086  }
0x25: {  	[simem:s6], [sflag:s4] =	dma.local [hbm:s3], $0xF7A  }
0x26: {  	[smem:$0x3F95] =	sst s1;
	(tag) =	ssettag s2;
	_ =	strace s9  }
0x27: {  	s1 =	sld [smem:$0x3FA5]  }
0x28: {  	s2 =	sld [smem:$0x3FA6]  }
0x29: {  	s4 =	sld [smem:$0x3FA8]  }
0x2a: {  	p0 =	seq.s32 s5, $0x0;
	s5 =	sld [smem:$0x3FA9]  }
0x2b: {  	s6 =	sld [smem:$0x3FAA]  }
0x2c: {  	s7 =	sld [smem:$0x3FAB]  }
0x2d: {  	s3 =	simm.s32 $0x108;
	s8 =	sld [smem:$0x3FAC]  }
0x2e: {  	s3 =	simm.s32 @!p0 $0x1082;
	s9 =	sld [smem:$0x3FAD]  }
0x2f: {  	lr =	sadd.s32 s0, s3;
	s0 =	sld [smem:$0x3FA4]  }
0x30: {  	s3 =	sld [smem:$0x3FA7]  }
0x31: {  	[smem:$0x3FB0] =	sst s10  }
0x32: {  	s10 =	sld [smem:$0x3FAE];
	_ =	sdelay $0x3  }
0x33: {  	p0 =	seq.s32 s10, $0x1;
	s10 =	sld [smem:$0x3FB0];
	_ =	sdelay $0x3  }
0x34: {  	[smem:$0x3FB0] =	sst s10  }
0x35: {  	s10 =	sld [smem:$0x3FAF];
	_ =	sdelay $0x3  }
0x36: {  	p1 =	seq.s32 s10, $0x1;
	s10 =	sld [smem:$0x3FB0];
	_ =	sdelay $0x3  }
0x37: {  	[smem:$0x3FB0] =	sst s10  }
0x38: {  	s10 =	sld [smem:$0x3FB1]  }
0x39: {  	_ = 	snop;
	(pc) =	sbr.ind lr, $3  }
0x3a: {  	_ = 	snop  }
0x3b: {  	_ = 	snop  }
0x3c: {  	p2 =	seq.s32 s10, $0x1;
	s10 =	sld [smem:$0x3FB0]  }
0x3d: {  	_ =	shalt  }
0x3e: {  	_ =	shalt  }
0x3f: {  	_ =	shalt  }
0x40: {  	_ =	shalt  }
0x41: {  	_ =	shalt  }
0x42: {  	_ =	shalt  }
0x43: {  	_ =	shalt  }
0x44: {  	_ =	shalt  }
0x45: {  	_ =	shalt  }
0x46: {  	_ =	shalt  }
0x47: {  	_ =	shalt  }
0x48: {  	_ =	shalt  }
0x49: {  	_ =	shalt  }
0x4a: {  	_ =	shalt  }
0x4b: {  	_ =	shalt  }
0x4c: {  	_ =	shalt  }
0x4d: {  	_ =	shalt  }
0x4e: {  	_ =	shalt  }
0x4f: {  	_ =	shalt  }
0x50: {  	_ =	shalt  }
0x51: {  	_ =	shalt  }
0x52: {  	_ =	shalt  }
0x53: {  	_ =	shalt  }
0x54: {  	_ =	shalt  }
0x55: {  	_ =	shalt  }
0x56: {  	_ =	shalt  }
0x57: {  	_ =	shalt  }
0x58: {  	_ =	shalt  }
0x59: {  	_ =	shalt  }
0x5a: {  	_ =	shalt  }
0x5b: {  	_ =	shalt  }
0x5c: {  	_ =	shalt  }
0x5d: {  	_ =	shalt  }
0x5e: {  	_ =	shalt  }
0x5f: {  	_ =	shalt  }
0x60: {  	_ =	shalt  }
0x61: {  	_ =	shalt  }
0x62: {  	_ =	shalt  }
0x63: {  	_ =	shalt  }
0x64: {  	_ =	shalt  }
0x65: {  	_ =	shalt  }
0x66: {  	_ =	shalt  }
0x67: {  	_ =	shalt  }
0x68: {  	_ =	shalt  }
0x69: {  	_ =	shalt  }
0x6a: {  	_ =	shalt  }
0x6b: {  	_ =	shalt  }
0x6c: {  	_ =	shalt  }
0x6d: {  	_ =	shalt  }
0x6e: {  	_ =	shalt  }
0x6f: {  	_ =	shalt  }
0x70: {  	_ =	shalt  }
0x71: {  	_ =	shalt  }
0x72: {  	_ =	shalt  }
0x73: {  	_ =	shalt  }
0x74: {  	_ =	shalt  }
0x75: {  	_ =	shalt  }
0x76: {  	_ =	shalt  }
0x77: {  	_ =	shalt  }
0x78: {  	_ =	shalt  }
0x79: {  	_ =	shalt  }
0x7a: {  	_ =	shalt  }
0x7b: {  	_ =	shalt  }
0x7c: {  	_ =	shalt  }
0x7d: {  	_ =	shalt  }
0x7e: {  	_ =	shalt  }
0x7f: {  	_ =	shalt  }
0x80: {  	_ =	shalt  }
0x81: {  	_ =	shalt  }
0x82: {  	_ =	shalt  }
0x83: {  	_ =	shalt  }
0x84: {  	_ =	shalt  }
0x85: {  	_ =	shalt  }
0x86: {  	_ =	shalt  }
0x87: {  	_ =	shalt  }
.Lfunc_end0:
.L_simem_size_0:
called_computation_lowered:
.L_overlay_start_0:
0x88: {  	s2 =	sld [smem:$0x3FD9]  }
0x89: {  	s3 =	sld [smem:$0x3FFE];
	_ =	sdelay $0x1  }
0x8a: {  	s1 =	srdreg.scid  }
0x8b: {  	s0 =	sand.u32 $0x1, s1  }
0x8c: {  	s17 =	sshll.u32 s0, $0xA;
	s2 =	sadd.s32 s3, s2  }
0x8d: {  	s2 =	sadd.s32 s2, s17  }
0x8e: {  	[smem:$0x3FBC] =	sst s2  }
0x8f: {  	_ = 	snop  }
0x90: {  	s2 =	sld [smem:$0x3FD0];
	(tm) =	ssettm $0x1  }
0x91: {  	s18 =	sld [smem:$0x3FFB];
	_ =	sdelay $0x3  }
0x92: {  	_ =	strace s18  }
0x93: {  	s3 =	sld [smem:$0x3FFC];
	_ =	sdelay $0x3  }
0x94: {  	_ =	strace s3  }
0x95: {  	s3 =	sld [smem:$0x3FFD];
	_ =	sdelay $0x3  }
0x96: {  	_ =	strace s3  }
0x97: {  	_ =	strace $0x8FFFFFFF  }
0x98: {  	s19 =	sld [smem:$0x3FDB];
	_ =	sdelay $0x1  }
0x99: {  	s4 =	simm.s32 $_scs_section_size  }
0x9a: {  	s5 =	simm.s32 $_size__tile_overlayer_lowered;
	s6 =	simm.s32 $_tile_overlayer_lowered  }
0x9b: {  	s22 =	simm.s32 $0x1BFF;
	s21 =	sshll.u32 s6, $0x1;
	s3 =	sadd.s32 s4, s19  }
0x9c: {  	s7 =	simm.s32 $0x0;
	s20 =	sshll.u32 s5, $0x1;
	s5 =	sadd.s32 s21, s3  }
0x9d: {  	[timem:s7], [sflag:s22] =	dma.local [hbm:s5], s20  }
0x9e: {  	_ =	swait.ge [sflag:s22], s20  }
0x9f: {  	s4 =	ssub.s32 $0x0, s20;
	[sflag:s22] =	ssyncset.done $0x0  }
0xa0: {  	[sflag:s22] =	ssyncadd.s32 s4;
	_ =	sdelay $0x1  }
0xa1: {  	s23 =	simm.s32 $0x1B8B  }
0xa2: {  	_ =	swait.ge [sflag:s23], $0x1  }
0xa3: {  	[sflag:s23] =	ssyncset.done $0x0  }
0xa4: {  	s25 =	simm.s32 $0x1B8E;
	s24 =	sld [smem:$0x3FFE];
	[sflag:s23] =	ssyncadd.s32 $0xFFFFFFFF  }
0xa5: {  	s26 =	simm.s32 $execute0_lowered;
	[smem:$0x3FD2] =	sst s25  }
0xa6: {  	s5 =	sshll.u32 s26, $0x1;
	_ =	strace $0x80000046;
	[dreg:$0x1] =	wrdreg $0xFFFFFFFF  }
0xa7: {  	s28 =	simm.s32 $_size_execute0_lowered;
	s3 =	sadd.s32 s3, s5;
	[dreg:$0x0] =	wrdreg $0x0  }
0xa8: {  	s5 =	sshll.u32 s28, $0x1;
	[dreg:$0x2] =	wrdreg s3  }
0xa9: {  	[dreg:$0x3] =	wrdreg s5  }
0xaa: {  	[dreg:$0x4] =	wrdreg $0xC0  }
0xab: {  	_ =	task [dreg:s7], $0x5FFFF  }
0xac: {  	[dreg:$0x1] =	wrdreg $0xFFFFFFFF  }
0xad: {  	[dreg:$0x0] =	wrdreg $0x60  }
0xae: {  	[dreg:$0x2] =	wrdreg s2  }
0xaf: {  	[dreg:$0x3] =	wrdreg s24  }
0xb0: {  	[dreg:$0x4] =	wrdreg $0x68000  }
0xb1: {  	[dreg:$0x5] =	wrdreg $0x9  }
0xb2: {  	_ =	task.clear_ibuf [dreg:s7], $0x6FFFF;
	_ =	strace $0x90000046  }
0xb3: {  	s29 =	simm.s32 $0x9;
	_ =	strace $0x80000048  }
0xb4: {  	_ =	swait.ge [sflag:s29], $0x1  }
0xb5: {  	[sflag:s29] =	ssyncadd.s32 $0xFFFFFFFF  }
0xb6: {  	_ =	strace $0x90000048  }
0xb7: {  	_ =	sfence  }
0xb8: {  	s30 =	sld [smem:$0x0];
	_ =	sdelay $0x2  }
0xb9: {  	s31 =	sshll.u32 s1, $0xD;
	s1 =	sshrl.u32 s1, $0x2  }
0xba: {  	s3 =	sand.u32 $0x4000, s31;
	s1 =	sadd.s32 s1, s30  }
0xbb: {  	s0 =	sor.u32 s3, s0;
	s1 =	sshll.u32 s1, $0x11  }
0xbc: {  	s0 =	sor.u32 s1, s0  }
0xbd: {  	s0 =	sadd.s32 $0x8F2B, s0  }
0xbe: {  	[sflag:s0] =	ssyncadd.remote.s32 $0x1  }
0xbf: {  	_ =	sfence.sel $0xFFFF  }
0xc0: {  	[dreg:$0x0] =	wrdreg $0xFFFFFFFF;
	(pc) =	sbr.abs _section_cstart, $3  }
0xc1: {  	[dreg:$0x1] =	wrdreg $0xFFFFFFFF  }
0xc2: {  	_ =	task.clear_ibuf [dreg:s7], $0x2FFFF;
	_ =	strace $0x9FFFFFFF  }
0xc3: {  	(tm) =	ssettm $0x7FFFFFFF  }
tec
execute0_lowered:
.L_overlay_start_1:
0x0: {  	(tag) =	ssettag $0x1  }
0x1: {  	s6 =	rddreg [dreg:$0x0]  }
0x2: {  	s7 =	rddreg [dreg:$0x1]  }
0x3: {  	s1 =	rddreg [dreg:$0x2]  }
0x4: {  	s2 =	srdreg.scid;
	s0 =	rddreg [dreg:$0x3];
	s3 =	simm.s32 $0x0  }
0x5: {  	s13 =	simm.s32 $0x50;
	s8 =	sand.u32 $0x1, s2;
	s2 =	stileid.u32  }
0x6: {  	s14 =	simm.s32 $0x0;
	[smem:$0x7FF] =	sst s3;
	s9 =	smul.u32 $0x140000, s8  }
0x7: {  	s4 =	sadd.s32 $0x5200, s7;
	s5 =	sadd.s32 $0x2A00, s7;
	s10 =	smul.u32 $0x14000, s2  }
0x8: {  	_ =	strace $0x80000047;
	s26 =	ssub.s32 $0x2, s8;
	s11 =	smul.u32 $0x50000, s2  }
0x9: {  	s8 =	sshll.u32 s8, $0xB;
	s12 =	sshll.u32 s2, $0xC;
	s31 =	sshll.u32 s2, $0x6  }
0xa: {  	s28 =	sshrl.u32 s26, $0x1;
	s6 =	sadd.s32 s6, s8;
	s9 =	sadd.s32 s10, s9  }
0xb: {  	s29 =	sshrl.u32 s11, $0x2;
	s6 =	sadd.s32 s12, s6;
	s10 =	simm.s32 $0x4000  }
0xc: {  	s11 =	sor.u32 $0x1C01, s31;
	s9 =	sshrl.u32 s9, $0x3;
	s30 =	sadd.s32 s29, s1  }
0xd: {  	s7 =	sadd.s32 s9, s7;
	s9 =	ssub.s32 s26, s28;
	s12 =	sshrl.u32 s30, $0x3  }
0xe: {  	s7 =	sadd.s32 $0x5800, s7;
	s8 =	smax.u32 s9, $0x1;
	s9 =	simm.s32 $0x1  }
.LBB2_1:
0xf: {  	[tilespmem:s3], [sflag:$0x1] =	stream.linear.gather [hbm4b:s6+s3], $0x4000, $0x38;
	[tilespmem:$0x1A800] =	vst v63  }
0x10: {  	_ =	swait.ge [sflag:s9], $0x4000  }
0x11: {  	[sflag:s9] =	ssyncset.done $0x0  }
0x12: {  	[sflag:s9] =	ssyncadd.s32 $0xFFFFC000  }
0x13: {  	[tilespmem:s10], [sflag:$0x1] =	stream.linear.gather [hbm4b:s4+s3], $0x2800, $0x38;
	[tilespmem:$0x1A800] =	vst v63  }
0x14: {  	_ =	swait.ge [sflag:s9], $0x2800  }
0x15: {  	[sflag:s9] =	ssyncset.done $0x0  }
0x16: {  	[sflag:s9] =	ssyncadd.s32 $0xFFFFD800  }
0x17: {  	[spmem:s12], [sflag:s11] =	dma.local [hbm:s5], $0x2800  }
0x18: {  	_ =	swait.ge [sflag:s9], $0x2800  }
0x19: {  	[sflag:s9] =	ssyncset.done $0x0  }
0x1a: {  	[sflag:s9] =	ssyncadd.s32 $0xFFFFD800  }
0x1b: {  	s15 =	simm.s32 $0x0;
	[bflag:$0x0] =	sbarrier.arrive $0xFFFF  }
0x1c: {  	[spmem:s1] =	stream.indirect.scatter.add.f32 [tilespmem:s10], [sflag:$0x1], $0x80, s15, s13, $0xb8;
	[tilespmem:$0x1A800] =	vst v63  }
0x1d: {  	_ =	swait.ge [sflag:s9], $0x2800  }
0x1e: {  	s15 =	simm.s32 $0x200;
	[sflag:s9] =	ssyncset.done $0x0  }
.LBB2_2:
0x1f: {  	s16 =	sshra.s32 s15, $0x2;
	[sflag:s9] =	ssyncadd.s32 $0xFFFFD800;
	p0 =	sne.s32 s15, $0xFE00  }
0x20: {  	[spmem:s1] =	stream.indirect.scatter.add.f32 [tilespmem:s10], [sflag:$0x1], $0x80, s16, s13, $0xb8;
	[tilespmem:$0x1A800] =	vst v63  }
.Ltmp0:
0x21: {  	_ = 	snop;
	(pc) =	sbr.rel @p0 .LBB2_2-.Ltmp0, $4  }
0x22: {  	_ = 	snop  }
0x23: {  	s15 =	sadd.s32 $0x200, s15  }
0x24: {  	_ =	swait.ge [sflag:s9], $0x2800  }
0x25: {  	[sflag:s9] =	ssyncset.done $0x0  }
0x26: {  	s14 =	sadd.s32 $0x1, s14  }
0x27: {  	[sflag:s9] =	ssyncadd.s32 $0xFFFFD800;
	p0 =	sne.s32 s14, s8  }
.Ltmp1:
0x28: {  	[bflag:$0x0] =	sbarrier.arrive $0xFFFF;
	(pc) =	sbr.rel @p0 .LBB2_1-.Ltmp1, $4  }
0x29: {  	[hbm:s7], [sflag:s11] =	dma.local [spmem:s12], $0x2800  }
0x2a: {  	_ =	swait.ge [sflag:s9], $0x2800  }
0x2b: {  	[sflag:s9] =	ssyncset.done $0x0  }
0x2c: {  	[sflag:s9] =	ssyncadd.s32 $0xFFFFD800  }
0x2d: {  	_ =	sfence.sel $0x180000  }
0x2e: {  	[bflag:$0x0] =	sbarrier.arrive $0xFFFF  }
0x2f: {  	p0 =	sne.s32 s2, $0x0;
	_ =	strace $0x90000047  }
0x30: {  	s0 =	sadd.s32 @!p0 $0x100000, s0;
	[bflag:$0x2] =	sbarrier.arrive $0xFFFF  }
0x31: {  	[sflag:s0] =	ssyncadd.tile.s32 @!p0 $0x1;
	_ =	shalt  }
.Lfunc_end2:
_tile_overlayer_lowered:
.L_overlay_start_2:
0x32: {  	(tag) =	ssettag $0x2  }
0x33: {  	s0 =	rddreg [dreg:$0x0];
	s2 =	stileid.u32  }
0x34: {  	s1 =	rddreg [dreg:$0x1];
	p0 =	sne.s32 s2, $0x0  }
0x35: {  	s3 =	rddreg [dreg:$0x2];
	[bflag:$0x3] =	sbarrier.arrive $0xFFFF;
	s2 =	simm.s32 @!p0 $0x1C01  }
0x36: {  	[timem:s3], [sflag:s2] =	dma.local @!p0 [hbm:s0], s1  }
0x37: {  	s0 =	simm.s32 @!p0 $0x1  }
0x38: {  	_ =	swait.ge @!p0 [sflag:s0], s1  }
0x39: {  	s1 =	ssub.s32 @!p0 $0x0, s1;
	[sflag:s0] =	ssyncset.done @!p0 $0x0  }
0x3a: {  	[sflag:s0] =	ssyncadd.s32 @!p0 s1  }
0x3b: {  	[bflag:$0x3] =	sbarrier.arrive $0xFFFF  }
0x3c: {  	_ =	shalt  }

// kernel: kernel.14.cloned.1.call-start
scs
__scs_entry_jumppad:
0x0: {  	(pc) =	sbr.rel $0x88, $3  }
0x1: {  	(tag) =	ssettag $0x0;
	lr =	simm.s32 $0x1  }
0x2: {  	[smem:$0x3F95] =	sst lr;
	_ =	strace $0xD0000000  }
0x3: {  	_ = 	snop  }
0x4: {  	_ = 	snop  }
0x5: {  	_ = 	snop  }
0x6: {  	_ = 	snop  }
0x7: {  	_ = 	snop  }
__scs_overlays_trampoline_lowered:
0x8: {  	[smem:$0x3FA4] =	sst s0  }
0x9: {  	[smem:$0x3FA5] =	sst s1  }
0xa: {  	[smem:$0x3FA6] =	sst s2  }
0xb: {  	[smem:$0x3FA7] =	sst s3  }
0xc: {  	[smem:$0x3FA8] =	sst s4  }
0xd: {  	[smem:$0x3FA9] =	sst s5  }
0xe: {  	[smem:$0x3FAA] =	sst s6  }
0xf: {  	[smem:$0x3FAB] =	sst s7  }
0x10: {  	[smem:$0x3FAC] =	sst s8  }
0x11: {  	[smem:$0x3FAD] =	sst s9;
	s0 =	simm.s32 @!p0 $0x0  }
0x12: {  	s1 =	sld [smem:$0x3F93];
	s0 =	simm.s32 @p0 $0x1  }
0x13: {  	[smem:$0x3FAE] =	sst s0;
	s0 =	simm.s32 @!p1 $0x0  }
0x14: {  	s2 =	sld [smem:$0x3F92];
	s0 =	simm.s32 @p1 $0x1  }
0x15: {  	[smem:$0x3FAF] =	sst s0;
	s0 =	simm.s32 @!p2 $0x0  }
0x16: {  	s3 =	sld [smem:$0x3FDB];
	s0 =	simm.s32 @p2 $0x1  }
0x17: {  	s4 =	simm.s32 $0x1BF5;
	[smem:$0x3FB1] =	sst s0  }
0x18: {  	s0 =	sld [smem:$0x3F94];
	_ =	swait.ge [sflag:s4], $0x0  }
0x19: {  	s7 =	sld [smem:$0x3F95]  }
0x1a: {  	s8 =	sadd.s32 $0xFFFFE003, lr  }
0x1b: {  	s9 =	sadd.s32 $0xFFFFFEF7, lr;
	s5 =	simm.s32 $0xFFFFFFFF;
	p2 =	slt.u32 s8, $0xFFFFF086  }
0x1c: {  	p1 =	slt.u32 s9, $0xF7A;
	s5 =	simm.s32 @!p2 $0x0  }
0x1d: {  	s5 =	simm.s32 @p1 $0x1;
	p0 =	seq.s32 s7, s2  }
0x1e: {  	s7 =	smul.u32 @!p0 $0xF7A, s2;
	p2 =	seq.s32 @!p0 s5, $0x0  }
0x1f: {  	s9 =	smul.u32 $0xF7A, s1;
	s8 =	simm.s32 @!p0 $0x1BF5;
	p2 =	por !p2, p0  }
0x20: {  	[sflag:s8] =	ssyncset.s32 @!p0 $0xFFFFF086;
	s6 =	sadd.s32 @!p0 s3, s7;
	s7 =	simm.s32 @!p0 $0x108  }
0x21: {  	s3 =	sadd.s32 s3, s9;
	s6 =	sadd.s32 @!p0 $0x88, s6;
	s7 =	simm.s32 @p2 $0x1082  }
0x22: {  	[simem:s7], [sflag:s8] =	dma.local @!p0 [hbm:s6], $0xF7A  }
0x23: {  	s9 =	sor.u32 $0xD0000000, s2;
	s6 =	simm.s32 $0x108;
	_ =	swait.ge @!p0 [sflag:s8], $0x0  }
0x24: {  	s3 =	sadd.s32 $0x88, s3;
	s6 =	simm.s32 @!p1 $0x1082;
	[sflag:s4] =	ssyncset.s32 $0xFFFFF086  }
0x25: {  	[simem:s6], [sflag:s4] =	dma.local [hbm:s3], $0xF7A  }
0x26: {  	[smem:$0x3F95] =	sst s1;
	(tag) =	ssettag s2;
	_ =	strace s9  }
0x27: {  	s1 =	sld [smem:$0x3FA5]  }
0x28: {  	s2 =	sld [smem:$0x3FA6]  }
0x29: {  	s4 =	sld [smem:$0x3FA8]  }
0x2a: {  	p0 =	seq.s32 s5, $0x0;
	s5 =	sld [smem:$0x3FA9]  }
0x2b: {  	s6 =	sld [smem:$0x3FAA]  }
0x2c: {  	s7 =	sld [smem:$0x3FAB]  }
0x2d: {  	s3 =	simm.s32 $0x108;
	s8 =	sld [smem:$0x3FAC]  }
0x2e: {  	s3 =	simm.s32 @!p0 $0x1082;
	s9 =	sld [smem:$0x3FAD]  }
0x2f: {  	lr =	sadd.s32 s0, s3;
	s0 =	sld [smem:$0x3FA4]  }
0x30: {  	s3 =	sld [smem:$0x3FA7]  }
0x31: {  	[smem:$0x3FB0] =	sst s10  }
0x32: {  	s10 =	sld [smem:$0x3FAE];
	_ =	sdelay $0x3  }
0x33: {  	p0 =	seq.s32 s10, $0x1;
	s10 =	sld [smem:$0x3FB0];
	_ =	sdelay $0x3  }
0x34: {  	[smem:$0x3FB0] =	sst s10  }
0x35: {  	s10 =	sld [smem:$0x3FAF];
	_ =	sdelay $0x3  }
0x36: {  	p1 =	seq.s32 s10, $0x1;
	s10 =	sld [smem:$0x3FB0];
	_ =	sdelay $0x3  }
0x37: {  	[smem:$0x3FB0] =	sst s10  }
0x38: {  	s10 =	sld [smem:$0x3FB1]  }
0x39: {  	_ = 	snop;
	(pc) =	sbr.ind lr, $3  }
0x3a: {  	_ = 	snop  }
0x3b: {  	_ = 	snop  }
0x3c: {  	p2 =	seq.s32 s10, $0x1;
	s10 =	sld [smem:$0x3FB0]  }
0x3d: {  	_ =	shalt  }
0x3e: {  	_ =	shalt  }
0x3f: {  	_ =	shalt  }
0x40: {  	_ =	shalt  }
0x41: {  	_ =	shalt  }
0x42: {  	_ =	shalt  }
0x43: {  	_ =	shalt  }
0x44: {  	_ =	shalt  }
0x45: {  	_ =	shalt  }
0x46: {  	_ =	shalt  }
0x47: {  	_ =	shalt  }
0x48: {  	_ =	shalt  }
0x49: {  	_ =	shalt  }
0x4a: {  	_ =	shalt  }
0x4b: {  	_ =	shalt  }
0x4c: {  	_ =	shalt  }
0x4d: {  	_ =	shalt  }
0x4e: {  	_ =	shalt  }
0x4f: {  	_ =	shalt  }
0x50: {  	_ =	shalt  }
0x51: {  	_ =	shalt  }
0x52: {  	_ =	shalt  }
0x53: {  	_ =	shalt  }
0x54: {  	_ =	shalt  }
0x55: {  	_ =	shalt  }
0x56: {  	_ =	shalt  }
0x57: {  	_ =	shalt  }
0x58: {  	_ =	shalt  }
0x59: {  	_ =	shalt  }
0x5a: {  	_ =	shalt  }
0x5b: {  	_ =	shalt  }
0x5c: {  	_ =	shalt  }
0x5d: {  	_ =	shalt  }
0x5e: {  	_ =	shalt  }
0x5f: {  	_ =	shalt  }
0x60: {  	_ =	shalt  }
0x61: {  	_ =	shalt  }
0x62: {  	_ =	shalt  }
0x63: {  	_ =	shalt  }
0x64: {  	_ =	shalt  }
0x65: {  	_ =	shalt  }
0x66: {  	_ =	shalt  }
0x67: {  	_ =	shalt  }
0x68: {  	_ =	shalt  }
0x69: {  	_ =	shalt  }
0x6a: {  	_ =	shalt  }
0x6b: {  	_ =	shalt  }
0x6c: {  	_ =	shalt  }
0x6d: {  	_ =	shalt  }
0x6e: {  	_ =	shalt  }
0x6f: {  	_ =	shalt  }
0x70: {  	_ =	shalt  }
0x71: {  	_ =	shalt  }
0x72: {  	_ =	shalt  }
0x73: {  	_ =	shalt  }
0x74: {  	_ =	shalt  }
0x75: {  	_ =	shalt  }
0x76: {  	_ =	shalt  }
0x77: {  	_ =	shalt  }
0x78: {  	_ =	shalt  }
0x79: {  	_ =	shalt  }
0x7a: {  	_ =	shalt  }
0x7b: {  	_ =	shalt  }
0x7c: {  	_ =	shalt  }
0x7d: {  	_ =	shalt  }
0x7e: {  	_ =	shalt  }
0x7f: {  	_ =	shalt  }
0x80: {  	_ =	shalt  }
0x81: {  	_ =	shalt  }
0x82: {  	_ =	shalt  }
0x83: {  	_ =	shalt  }
0x84: {  	_ =	shalt  }
0x85: {  	_ =	shalt  }
0x86: {  	_ =	shalt  }
0x87: {  	_ =	shalt  }
.Lfunc_end0:
.L_simem_size_0:
called_computation.1_lowered:
.L_overlay_start_0:
0x88: {  	s2 =	sld [smem:$0x3FD9]  }
0x89: {  	s3 =	sld [smem:$0x3FFE];
	_ =	sdelay $0x1  }
0x8a: {  	s1 =	srdreg.scid  }
0x8b: {  	s0 =	sand.u32 $0x1, s1  }
0x8c: {  	s17 =	sshll.u32 s0, $0xA;
	s2 =	sadd.s32 s3, s2  }
0x8d: {  	s2 =	sadd.s32 s2, s17  }
0x8e: {  	[smem:$0x3FBC] =	sst s2  }
0x8f: {  	_ = 	snop  }
0x90: {  	s2 =	sld [smem:$0x3FD0];
	(tm) =	ssettm $0x1  }
0x91: {  	s18 =	sld [smem:$0x3FFB];
	_ =	sdelay $0x3  }
0x92: {  	_ =	strace s18  }
0x93: {  	s3 =	sld [smem:$0x3FFC];
	_ =	sdelay $0x3  }
0x94: {  	_ =	strace s3  }
0x95: {  	s3 =	sld [smem:$0x3FFD];
	_ =	sdelay $0x3  }
0x96: {  	_ =	strace s3  }
0x97: {  	_ =	strace $0x8FFFFFFF  }
0x98: {  	s19 =	sld [smem:$0x3FDB];
	_ =	sdelay $0x1  }
0x99: {  	s4 =	simm.s32 $_scs_section_size  }
0x9a: {  	s5 =	simm.s32 $_size__tile_overlayer_lowered;
	s6 =	simm.s32 $_tile_overlayer_lowered  }
0x9b: {  	s22 =	simm.s32 $0x1BFF;
	s21 =	sshll.u32 s6, $0x1;
	s3 =	sadd.s32 s4, s19  }
0x9c: {  	s7 =	simm.s32 $0x0;
	s20 =	sshll.u32 s5, $0x1;
	s5 =	sadd.s32 s21, s3  }
0x9d: {  	[timem:s7], [sflag:s22] =	dma.local [hbm:s5], s20  }
0x9e: {  	_ =	swait.ge [sflag:s22], s20  }
0x9f: {  	s4 =	ssub.s32 $0x0, s20;
	[sflag:s22] =	ssyncset.done $0x0  }
0xa0: {  	[sflag:s22] =	ssyncadd.s32 s4;
	_ =	sdelay $0x1  }
0xa1: {  	s23 =	simm.s32 $0x1B8B  }
0xa2: {  	_ =	swait.ge [sflag:s23], $0x1  }
0xa3: {  	[sflag:s23] =	ssyncset.done $0x0  }
0xa4: {  	s25 =	simm.s32 $0x1B8E;
	s24 =	sld [smem:$0x3FFE];
	[sflag:s23] =	ssyncadd.s32 $0xFFFFFFFF  }
0xa5: {  	s26 =	simm.s32 $execute0_lowered;
	[smem:$0x3FD2] =	sst s25  }
0xa6: {  	s5 =	sshll.u32 s26, $0x1;
	_ =	strace $0x80000049;
	[dreg:$0x1] =	wrdreg $0xFFFFFFFF  }
0xa7: {  	s28 =	simm.s32 $_size_execute0_lowered;
	s3 =	sadd.s32 s3, s5;
	[dreg:$0x0] =	wrdreg $0x0  }
0xa8: {  	s5 =	sshll.u32 s28, $0x1;
	[dreg:$0x2] =	wrdreg s3  }
0xa9: {  	[dreg:$0x3] =	wrdreg s5  }
0xaa: {  	[dreg:$0x4] =	wrdreg $0xC0  }
0xab: {  	_ =	task [dreg:s7], $0x5FFFF  }
0xac: {  	[dreg:$0x1] =	wrdreg $0xFFFFFFFF  }
0xad: {  	[dreg:$0x0] =	wrdreg $0x60  }
0xae: {  	[dreg:$0x2] =	wrdreg s24  }
0xaf: {  	[dreg:$0x3] =	wrdreg s2  }
0xb0: {  	[dreg:$0x4] =	wrdreg $0xA4000  }
0xb1: {  	[dreg:$0x5] =	wrdreg $0x9  }
0xb2: {  	_ =	task.clear_ibuf [dreg:s7], $0x6FFFF;
	_ =	strace $0x90000049  }
0xb3: {  	s29 =	simm.s32 $0x9;
	_ =	strace $0x8000004B  }
0xb4: {  	_ =	swait.ge [sflag:s29], $0x1  }
0xb5: {  	[sflag:s29] =	ssyncadd.s32 $0xFFFFFFFF  }
0xb6: {  	_ =	strace $0x9000004B  }
0xb7: {  	_ =	sfence  }
0xb8: {  	s30 =	sld [smem:$0x0];
	_ =	sdelay $0x2  }
0xb9: {  	s31 =	sshll.u32 s1, $0xD;
	s1 =	sshrl.u32 s1, $0x2  }
0xba: {  	s3 =	sand.u32 $0x4000, s31;
	s1 =	sadd.s32 s1, s30  }
0xbb: {  	s0 =	sor.u32 s3, s0;
	s1 =	sshll.u32 s1, $0x11  }
0xbc: {  	s0 =	sor.u32 s1, s0  }
0xbd: {  	s0 =	sadd.s32 $0x8F2B, s0  }
0xbe: {  	[sflag:s0] =	ssyncadd.remote.s32 $0x1  }
0xbf: {  	_ =	sfence.sel $0xFFFF  }
0xc0: {  	[dreg:$0x0] =	wrdreg $0xFFFFFFFF;
	(pc) =	sbr.abs _section_cstart, $3  }
0xc1: {  	[dreg:$0x1] =	wrdreg $0xFFFFFFFF  }
0xc2: {  	_ =	task.clear_ibuf [dreg:s7], $0x2FFFF;
	_ =	strace $0x9FFFFFFF  }
0xc3: {  	(tm) =	ssettm $0x7FFFFFFF  }
tec
execute0_lowered:
.L_overlay_start_1:
0x0: {  	(tag) =	ssettag $0x1  }
0x1: {  	s0 =	rddreg [dreg:$0x0]  }
0x2: {  	s20 =	rddreg [dreg:$0x1]  }
0x3: {  	s1 =	srdreg.scid;
	s3 =	rddreg [dreg:$0x2]  }
0x4: {  	s10 =	stileid.u32;
	s4 =	simm.s32 $0x0;
	s28 =	simm.s32 $0xB  }
0x5: {  	s1 =	sand.u32 $0x1, s1;
	s6 =	smul.u32 $0x14000, s10;
	[smem:$0x7FF] =	sst s4  }
0x6: {  	s5 =	sadd.s32 $0x5200, s0;
	s7 =	sadd.s32 $0x2A00, s0;
	s16 =	smul.u32 $0x50000, s10  }
0x7: {  	s9 =	sshll.u32 s10, $0xF;
	s18 =	sshll.u32 s10, $0x6;
	s2 =	smul.u32 $0x140000, s1  }
0x8: {  	_ =	strace $0x8000004A;
	[dreg:$0x4] =	wrdreg s7;
	s15 =	ssub.s32 $0x2, s1  }
0x9: {  	s1 =	sshll.u32 s1, $0xE;
	s14 =	sor.u32 $0x1C11, s18;
	s8 =	sshrl.u32 s15, $0x1  }
0xa: {  	s7 =	sshrl.u32 s16, $0x2;
	[dreg:$0x6] =	wrdreg s14;
	s2 =	sadd.s32 s6, s2  }
0xb: {  	s6 =	sadd.s32 $0x55800, s0;
	s17 =	sadd.s32 s7, s3;
	s2 =	sshrl.u32 s2, $0x3  }
0xc: {  	s0 =	sadd.s32 s2, s0;
	s2 =	ssub.s32 s15, s8;
	s8 =	sor.u32 s1, s9  }
0xd: {  	[dreg:$0x5] =	wrdreg s17;
	s19 =	sshrl.u32 s8, $0x3;
	s0 =	sadd.s32 $0x65800, s0  }
0xe: {  	s29 =	simm.s32 $0x7;
	s12 =	sadd.s32 s6, s19;
	[dreg:$0x13] =	wrdreg s0  }
0xf: {  	s21 =	sor.u32 $0x10, s19;
	s7 =	sadd.s32 s20, s19;
	[dreg:$0x7] =	wrdreg s12  }
0x10: {  	s23 =	sor.u32 $0x20, s19;
	s22 =	sadd.s32 s6, s21;
	[dreg:$0xb] =	wrdreg s7  }
0x11: {  	s24 =	sor.u32 $0x30, s19;
	s11 =	sadd.s32 s6, s23;
	[dreg:$0x8] =	wrdreg s22  }
0x12: {  	s26 =	sor.u32 $0x40, s19;
	s25 =	sadd.s32 s6, s24;
	[dreg:$0x9] =	wrdreg s11  }
0x13: {  	s30 =	simm.s32 $0x4;
	s13 =	sadd.s32 s6, s26;
	[dreg:$0xa] =	wrdreg s25  }
0x14: {  	s31 =	simm.s32 $0x8;
	s1 =	sadd.s32 s20, s21;
	[dreg:$0xc] =	wrdreg s13  }
0x15: {  	s10 =	simm.s32 $0xC;
	s15 =	sadd.s32 s20, s23;
	[dreg:$0xd] =	wrdreg s1  }
0x16: {  	s9 =	simm.s32 $0x11;
	s17 =	sadd.s32 $0x60, s12;
	[dreg:$0xf] =	wrdreg s15  }
0x17: {  	s16 =	sor.u32 $0x200, s8;
	s18 =	sadd.s32 s20, s24;
	[dreg:$0x10] =	wrdreg s17  }
0x18: {  	s19 =	sadd.s32 s20, s26;
	s23 =	sadd.s32 $0x70, s12;
	[dreg:$0x11] =	wrdreg s18  }
0x19: {  	s24 =	sadd.s32 $0x7D0, s7;
	s26 =	sadd.s32 $0x7F0, s7;
	[dreg:$0x12] =	wrdreg s19  }
0x1a: {  	s13 =	sadd.s32 $0x50, s12;
	s1 =	sshrl.u32 s16, $0x3;
	[dreg:$0x16] =	wrdreg s23  }
0x1b: {  	s22 =	smax.u32 s2, $0x1;
	[dreg:$0x17] =	wrdreg s24;
	s25 =	sadd.s32 $0x7E0, s7  }
0x1c: {  	[dreg:$0x19] =	wrdreg s26;
	s17 =	simm.s32 $0x5;
	s18 =	simm.s32 $0x2  }
0x1d: {  	s23 =	simm.s32 $0x3;
	s2 =	simm.s32 $0xE;
	[dreg:$0xe] =	wrdreg s13  }
0x1e: {  	s11 =	simm.s32 $0x0;
	s21 =	sadd.s32 s1, s20;
	[dreg:$0x14] =	wrdreg s22  }
0x1f: {  	[dreg:$0x18] =	wrdreg s25;
	s13 =	simm.s32 $0x50;
	s22 =	simm.s32 $0x6  }
0x20: {  	s25 =	simm.s32 $0xD;
	s1 =	simm.s32 $0x10;
	s0 =	sadd.s32 $0x30, s21  }
0x21: {  	s21 =	simm.s32 $0xA;
	[dreg:$0x15] =	wrdreg s0;
	s0 =	simm.s32 $0xF  }
.LBB2_1:
0x22: {  	[dreg:$0x1a] =	wrdreg s11  }
0x23: {  	s7 =	rddreg [dreg:$0x5]  }
0x24: {  	s26 =	rddreg [dreg:$0x4];
	s24 =	sshrl.u32 s7, $0x3  }
0x25: {  	[dreg:$0x1b] =	wrdreg s24  }
0x26: {  	[spmem:s24], [sflag:s14] =	dma.local [hbm:s26], $0x2800  }
0x27: {  	_ =	swait.ge [sflag:s9], $0x2800  }
0x28: {  	[sflag:s9] =	ssyncset.done $0x0  }
0x29: {  	[sflag:s9] =	ssyncadd.s32 $0xFFFFD800  }
0x2a: {  	[bflag:$0x0] =	sbarrier.arrive $0xFFFF  }
0x2b: {  	s12 =	rddreg [dreg:$0x7]  }
0x2c: {  	[tilespmem:s4], [sflag:$0x1] =	stream.linear.gather [hbm4b:s12+s4], $0x80, $0x38;
	[tilespmem:$0x1E400] =	vst v63  }
0x2d: {  	s24 =	simm.s32 $0x80;
	s14 =	rddreg [dreg:$0x8]  }
0x2e: {  	[tilespmem:s24], [sflag:$0x2] =	stream.linear.gather [hbm4b:s14+s4], $0x80, $0x38;
	[tilespmem:$0x1E400] =	vst v63  }
0x2f: {  	s16 =	simm.s32 $0x100;
	s15 =	rddreg [dreg:$0x9]  }
0x30: {  	[tilespmem:s16], [sflag:$0x3] =	stream.linear.gather [hbm4b:s15+s4], $0x80, $0x38;
	[tilespmem:$0x1E400] =	vst v63  }
0x31: {  	s26 =	simm.s32 $0x180;
	s19 =	rddreg [dreg:$0xa]  }
0x32: {  	[tilespmem:s26], [sflag:$0x4] =	stream.linear.gather [hbm4b:s19+s4], $0x80, $0x38;
	[tilespmem:$0x1E400] =	vst v63  }
0x33: {  	s9 =	rddreg [dreg:$0xb];
	s12 =	simm.s32 $0x1;
	s15 =	simm.s32 $0x200  }
0x34: {  	[tilespmem:s15], [sflag:$0x5] =	stream.linear.gather [hbm4b:s9+s4], $0x80, $0x38;
	[tilespmem:$0x1E400] =	vst v63  }
0x35: {  	_ =	swait.ge [sflag:s12], $0x80  }
0x36: {  	[sflag:s12] =	ssyncset.done $0x0  }
0x37: {  	s16 =	simm.s32 $0x9;
	s19 =	simm.s32 $0x400;
	[sflag:s12] =	ssyncadd.s32 $0xFFFFFF80  }
0x38: {  	[tilespmem:s19], [sflag:$0x9] =	stream.indirect.gather [hbm4b:s5+s13], $0x80, s4, s13, $0xb8;
	[tilespmem:$0x1E400] =	vst v63  }
0x39: {  	_ =	swait.ge [sflag:s16], $0x2800  }
0x3a: {  	[sflag:s16] =	ssyncset.done $0x0  }
0x3b: {  	s11 =	rddreg [dreg:$0xc];
	[sflag:s16] =	ssyncadd.s32 $0xFFFFD800  }
0x3c: {  	[tilespmem:s4], [sflag:$0x1] =	stream.linear.gather [hbm4b:s11+s4], $0x80, $0x38;
	[tilespmem:$0x1E400] =	vst v63  }
0x3d: {  	_ =	swait.ge [sflag:s17], $0x80  }
0x3e: {  	[sflag:s17] =	ssyncset.done $0x0  }
0x3f: {  	[sflag:s17] =	ssyncadd.s32 $0xFFFFFF80  }
0x40: {  	[spmem:s3] =	stream.indirect.scatter.add.f32 [tilespmem:s19], [sflag:$0xD], $0x80, s15, s13, $0xb8;
	[tilespmem:$0x1E400] =	vst v63  }
0x41: {  	_ =	swait.ge [sflag:s18], $0x80  }
0x42: {  	[sflag:s18] =	ssyncset.done $0x0  }
0x43: {  	s26 =	simm.s32 $0x280;
	s14 =	rddreg [dreg:$0xd];
	[sflag:s18] =	ssyncadd.s32 $0xFFFFFF80  }
0x44: {  	[tilespmem:s26], [sflag:$0x6] =	stream.linear.gather [hbm4b:s14+s4], $0x80, $0x38;
	[tilespmem:$0x1E400] =	vst v63  }
0x45: {  	s26 =	simm.s32 $0x2C00  }
0x46: {  	[tilespmem:s26], [sflag:$0xA] =	stream.indirect.gather [hbm4b:s5+s13], $0x80, s24, s13, $0xb8;
	[tilespmem:$0x1E400] =	vst v63  }
0x47: {  	_ =	swait.ge [sflag:s21], $0x2800  }
0x48: {  	[sflag:s21] =	ssyncset.done $0x0  }
0x49: {  	s14 =	rddreg [dreg:$0xe];
	[sflag:s21] =	ssyncadd.s32 $0xFFFFD800  }
0x4a: {  	[tilespmem:s24], [sflag:$0x2] =	stream.linear.gather [hbm4b:s14+s4], $0x80, $0x38;
	[tilespmem:$0x1E400] =	vst v63  }
0x4b: {  	_ =	swait.ge [sflag:s22], $0x80  }
0x4c: {  	[sflag:s22] =	ssyncset.done $0x0  }
0x4d: {  	s11 =	simm.s32 $0x280;
	[sflag:s22] =	ssyncadd.s32 $0xFFFFFF80  }
0x4e: {  	[spmem:s3] =	stream.indirect.scatter.add.f32 [tilespmem:s26], [sflag:$0xE], $0x80, s11, s13, $0xb8;
	[tilespmem:$0x1E400] =	vst v63  }
0x4f: {  	_ =	swait.ge [sflag:s23], $0x80  }
0x50: {  	[sflag:s23] =	ssyncset.done $0x0  }
0x51: {  	s14 =	simm.s32 $0x300;
	s11 =	rddreg [dreg:$0xf];
	[sflag:s23] =	ssyncadd.s32 $0xFFFFFF80  }
0x52: {  	[tilespmem:s14], [sflag:$0x7] =	stream.linear.gather [hbm4b:s11+s4], $0x80, $0x38;
	[tilespmem:$0x1E400] =	vst v63  }
0x53: {  	s9 =	simm.s32 $0x5400;
	s14 =	simm.s32 $0x100  }
0x54: {  	[tilespmem:s9], [sflag:$0xB] =	stream.indirect.gather [hbm4b:s5+s13], $0x80, s14, s13, $0xb8;
	[tilespmem:$0x1E400] =	vst v63  }
0x55: {  	_ =	swait.ge [sflag:s28], $0x2800  }
0x56: {  	[sflag:s28] =	ssyncset.done $0x0  }
0x57: {  	s7 =	rddreg [dreg:$0x10];
	[sflag:s28] =	ssyncadd.s32 $0xFFFFD800  }
0x58: {  	[tilespmem:s14], [sflag:$0x3] =	stream.linear.gather [hbm4b:s7+s4], $0x80, $0x38;
	[tilespmem:$0x1E400] =	vst v63  }
0x59: {  	_ =	swait.ge [sflag:s29], $0x80  }
0x5a: {  	[sflag:s29] =	ssyncset.done $0x0  }
0x5b: {  	s11 =	simm.s32 $0x300;
	s9 =	simm.s32 $0x5400;
	[sflag:s29] =	ssyncadd.s32 $0xFFFFFF80  }
0x5c: {  	[spmem:s3] =	stream.indirect.scatter.add.f32 [tilespmem:s9], [sflag:$0xF], $0x80, s11, s13, $0xb8;
	[tilespmem:$0x1E400] =	vst v63  }
0x5d: {  	_ =	swait.ge [sflag:s30], $0x80  }
0x5e: {  	[sflag:s30] =	ssyncset.done $0x0  }
0x5f: {  	s14 =	simm.s32 $0x380;
	s11 =	rddreg [dreg:$0x11];
	[sflag:s30] =	ssyncadd.s32 $0xFFFFFF80  }
0x60: {  	[tilespmem:s14], [sflag:$0x8] =	stream.linear.gather [hbm4b:s11+s4], $0x80, $0x38;
	[tilespmem:$0x1E400] =	vst v63  }
0x61: {  	s9 =	simm.s32 $0x7C00;
	s11 =	simm.s32 $0x180  }
0x62: {  	[tilespmem:s9], [sflag:$0xC] =	stream.indirect.gather [hbm4b:s5+s13], $0x80, s11, s13, $0xb8;
	[tilespmem:$0x1E400] =	vst v63  }
0x63: {  	_ =	swait.ge [sflag:s10], $0x2800  }
0x64: {  	[sflag:s10] =	ssyncset.done $0x0  }
0x65: {  	s7 =	rddreg [dreg:$0x16];
	[sflag:s10] =	ssyncadd.s32 $0xFFFFD800  }
0x66: {  	[tilespmem:s11], [sflag:$0x4] =	stream.linear.gather [hbm4b:s7+s4], $0x80, $0x38;
	[tilespmem:$0x1E400] =	vst v63  }
0x67: {  	_ =	swait.ge [sflag:s31], $0x80  }
0x68: {  	[sflag:s31] =	ssyncset.done $0x0  }
0x69: {  	s9 =	simm.s32 $0x7C00;
	[sflag:s31] =	ssyncadd.s32 $0xFFFFFF80  }
0x6a: {  	[spmem:s3] =	stream.indirect.scatter.add.f32 [tilespmem:s9], [sflag:$0x10], $0x80, s14, s13, $0xb8;
	[tilespmem:$0x1E400] =	vst v63  }
0x6b: {  	_ =	swait.ge [sflag:s12], $0x80  }
0x6c: {  	[sflag:s12] =	ssyncset.done $0x0  }
0x6d: {  	[sflag:s12] =	ssyncadd.s32 $0xFFFFFF80  }
0x6e: {  	_ =	swait.ge [sflag:s25], $0x2800  }
0x6f: {  	s11 =	simm.s32 $0x400;
	[sflag:s25] =	ssyncset.done $0x0  }
0x70: {  	s14 =	sand.u32 $0x7C00, s11;
	s9 =	rddreg [dreg:$0x12];
	[sflag:s25] =	ssyncadd.s32 $0xFFFFD800  }
0x71: {  	[tilespmem:s15], [sflag:$0x5] =	stream.linear.gather [hbm4b:s9+s4], $0x80, $0x38;
	[tilespmem:$0x1E400] =	vst v63  }
0x72: {  	s7 =	sand.u32 $0x200, s11;
	s9 =	sadd.s32 s8, s14  }
0x73: {  	[tilespmem:s19], [sflag:$0x9] =	stream.indirect.gather [hbm4b:s5+s13], $0x80, s4, s13, $0xb8;
	[tilespmem:$0x1E400] =	vst v63  }
0x74: {  	s7 =	sor.u32 s7, s9;
	_ =	swait.ge [sflag:s16], $0x2800  }
0x75: {  	s14 =	sshrl.u32 s7, $0x3;
	[sflag:s16] =	ssyncset.done $0x0  }
0x76: {  	s7 =	sadd.s32 s6, s14;
	[sflag:s16] =	ssyncadd.s32 $0xFFFFD800  }
0x77: {  	[tilespmem:s4], [sflag:$0x1] =	stream.linear.gather [hbm4b:s7+s4], $0x80, $0x38;
	[tilespmem:$0x1E400] =	vst v63  }
0x78: {  	_ =	swait.ge [sflag:s17], $0x80  }
0x79: {  	[sflag:s17] =	ssyncset.done $0x0  }
0x7a: {  	[sflag:s17] =	ssyncadd.s32 $0xFFFFFF80  }
0x7b: {  	[spmem:s3] =	stream.indirect.scatter.add.f32 [tilespmem:s19], [sflag:$0xD], $0x80, s15, s13, $0xb8;
	[tilespmem:$0x1E400] =	vst v63  }
0x7c: {  	_ =	swait.ge [sflag:s18], $0x80  }
0x7d: {  	[sflag:s18] =	ssyncset.done $0x0  }
0x7e: {  	[sflag:s18] =	ssyncadd.s32 $0xFFFFFF80  }
0x7f: {  	s16 =	simm.s32 $0x280;
	_ =	swait.ge [sflag:s2], $0x2800  }
0x80: {  	s7 =	simm.s32 $0x480;
	[sflag:s2] =	ssyncset.done $0x0;
	s11 =	rddreg [dreg:$0x15]  }
0x81: {  	s15 =	sand.u32 $0x7C00, s7;
	s19 =	sadd.s32 $0xFFFFFFE0, s11;
	[sflag:s2] =	ssyncadd.s32 $0xFFFFD800  }
0x82: {  	[tilespmem:s16], [sflag:$0x6] =	stream.linear.gather [hbm4b:s19+s4], $0x80, $0x38;
	[tilespmem:$0x1E400] =	vst v63  }
0x83: {  	s7 =	sand.u32 $0x280, s7;
	s19 =	sadd.s32 s8, s15  }
0x84: {  	[tilespmem:s26], [sflag:$0xA] =	stream.indirect.gather [hbm4b:s5+s13], $0x80, s24, s13, $0xb8;
	[tilespmem:$0x1E400] =	vst v63  }
0x85: {  	s7 =	sor.u32 s7, s19;
	_ =	swait.ge [sflag:s21], $0x2800  }
0x86: {  	s7 =	sshrl.u32 s7, $0x3;
	[sflag:s21] =	ssyncset.done $0x0  }
0x87: {  	s7 =	sadd.s32 s6, s7;
	[sflag:s21] =	ssyncadd.s32 $0xFFFFD800  }
0x88: {  	[tilespmem:s24], [sflag:$0x2] =	stream.linear.gather [hbm4b:s7+s4], $0x80, $0x38;
	[tilespmem:$0x1E400] =	vst v63  }
0x89: {  	_ =	swait.ge [sflag:s22], $0x80  }
0x8a: {  	[sflag:s22] =	ssyncset.done $0x0  }
0x8b: {  	[sflag:s22] =	ssyncadd.s32 $0xFFFFFF80  }
0x8c: {  	[spmem:s3] =	stream.indirect.scatter.add.f32 [tilespmem:s26], [sflag:$0xE], $0x80, s16, s13, $0xb8;
	[tilespmem:$0x1E400] =	vst v63  }
0x8d: {  	_ =	swait.ge [sflag:s23], $0x80  }
0x8e: {  	[sflag:s23] =	ssyncset.done $0x0  }
0x8f: {  	[sflag:s23] =	ssyncadd.s32 $0xFFFFFF80  }
0x90: {  	_ =	swait.ge [sflag:s0], $0x2800  }
0x91: {  	s15 =	simm.s32 $0x300;
	[sflag:s0] =	ssyncset.done $0x0  }
0x92: {  	s19 =	simm.s32 $0x500;
	s16 =	sadd.s32 $0xFFFFFFF0, s11;
	[sflag:s0] =	ssyncadd.s32 $0xFFFFD800  }
0x93: {  	[tilespmem:s15], [sflag:$0x7] =	stream.linear.gather [hbm4b:s16+s4], $0x80, $0x38;
	[tilespmem:$0x1E400] =	vst v63  }
0x94: {  	s9 =	sand.u32 $0x300, s19;
	s16 =	sand.u32 $0x7C00, s19  }
0x95: {  	s24 =	simm.s32 $0x100;
	s26 =	simm.s32 $0x5400;
	s7 =	sadd.s32 s8, s16  }
0x96: {  	[tilespmem:s26], [sflag:$0xB] =	stream.indirect.gather [hbm4b:s5+s13], $0x80, s24, s13, $0xb8;
	[tilespmem:$0x1E400] =	vst v63  }
0x97: {  	s7 =	sor.u32 s9, s7;
	_ =	swait.ge [sflag:s28], $0x2800  }
0x98: {  	s7 =	sshrl.u32 s7, $0x3;
	[sflag:s28] =	ssyncset.done $0x0  }
0x99: {  	s7 =	sadd.s32 s6, s7;
	[sflag:s28] =	ssyncadd.s32 $0xFFFFD800  }
0x9a: {  	[tilespmem:s24], [sflag:$0x3] =	stream.linear.gather [hbm4b:s7+s4], $0x80, $0x38;
	[tilespmem:$0x1E400] =	vst v63  }
0x9b: {  	_ =	swait.ge [sflag:s29], $0x80  }
0x9c: {  	[sflag:s29] =	ssyncset.done $0x0  }
0x9d: {  	[sflag:s29] =	ssyncadd.s32 $0xFFFFFF80  }
0x9e: {  	[spmem:s3] =	stream.indirect.scatter.add.f32 [tilespmem:s26], [sflag:$0xF], $0x80, s15, s13, $0xb8;
	[tilespmem:$0x1E400] =	vst v63  }
0x9f: {  	_ =	swait.ge [sflag:s30], $0x80  }
0xa0: {  	[sflag:s30] =	ssyncset.done $0x0  }
0xa1: {  	[sflag:s30] =	ssyncadd.s32 $0xFFFFFF80  }
0xa2: {  	_ =	swait.ge [sflag:s1], $0x2800  }
0xa3: {  	s16 =	simm.s32 $0x380;
	s26 =	simm.s32 $0x580;
	[sflag:s1] =	ssyncset.done $0x0  }
0xa4: {  	s24 =	simm.s32 $0x180;
	s15 =	sand.u32 $0x7C00, s26;
	[sflag:s1] =	ssyncadd.s32 $0xFFFFD800  }
0xa5: {  	[tilespmem:s16], [sflag:$0x8] =	stream.linear.gather [hbm4b:s11+s4], $0x80, $0x38;
	[tilespmem:$0x1E400] =	vst v63  }
0xa6: {  	s7 =	sand.u32 $0x380, s26;
	s26 =	simm.s32 $0x7C00;
	s9 =	sadd.s32 s8, s15  }
0xa7: {  	[tilespmem:s26], [sflag:$0xC] =	stream.indirect.gather [hbm4b:s5+s13], $0x80, s24, s13, $0xb8;
	[tilespmem:$0x1E400] =	vst v63  }
0xa8: {  	s7 =	sor.u32 s7, s9;
	_ =	swait.ge [sflag:s10], $0x2800  }
0xa9: {  	s7 =	sshrl.u32 s7, $0x3;
	[sflag:s10] =	ssyncset.done $0x0  }
0xaa: {  	s7 =	sadd.s32 s6, s7;
	[sflag:s10] =	ssyncadd.s32 $0xFFFFD800  }
0xab: {  	[tilespmem:s24], [sflag:$0x4] =	stream.linear.gather [hbm4b:s7+s4], $0x80, $0x38;
	[tilespmem:$0x1E400] =	vst v63  }
0xac: {  	_ =	swait.ge [sflag:s31], $0x80  }
0xad: {  	[sflag:s31] =	ssyncset.done $0x0  }
0xae: {  	[sflag:s31] =	ssyncadd.s32 $0xFFFFFF80  }
0xaf: {  	[spmem:s3] =	stream.indirect.scatter.add.f32 [tilespmem:s26], [sflag:$0x10], $0x80, s16, s13, $0xb8;
	[tilespmem:$0x1E400] =	vst v63  }
0xb0: {  	_ =	swait.ge [sflag:s12], $0x80  }
0xb1: {  	s19 =	simm.s32 $0x980;
	s9 =	sadd.s32 $0x40, s11;
	[sflag:s12] =	ssyncset.done $0x0  }
0xb2: {  	s7 =	simm.s32 $0x780;
	s24 =	simm.s32 $0x600;
	[sflag:s12] =	ssyncadd.s32 $0xFFFFFF80  }
.LBB2_2:
0xb3: {  	s26 =	sand.u32 $0x7C00, s24;
	_ =	swait.ge [sflag:s25], $0x2800  }
0xb4: {  	s14 =	sadd.s32 s20, s14;
	s15 =	smov.u32 s19;
	s24 =	sand.u32 $0x200, s24  }
0xb5: {  	s11 =	sadd.s32 s8, s26;
	[sflag:s25] =	ssyncset.done $0x0;
	s26 =	sadd.s32 $0x200, s19  }
0xb6: {  	s11 =	sor.u32 s24, s11;
	[sflag:s25] =	ssyncadd.s32 $0xFFFFD800;
	s24 =	simm.s32 $0x200  }
0xb7: {  	[tilespmem:s24], [sflag:$0x5] =	stream.linear.gather [hbm4b:s14+s4], $0x80, $0x38;
	[tilespmem:$0x1E400] =	vst v63  }
0xb8: {  	p0 =	sne.s32 s19, $0x3F80;
	s12 =	simm.s32 $0x9;
	s19 =	simm.s32 $0x400  }
0xb9: {  	[tilespmem:s19], [sflag:$0x9] =	stream.indirect.gather [hbm4b:s5+s13], $0x80, s4, s13, $0xb8;
	[tilespmem:$0x1E400] =	vst v63  }
0xba: {  	s14 =	sshrl.u32 s11, $0x3;
	_ =	swait.ge [sflag:s12], $0x2800  }
0xbb: {  	s11 =	sadd.s32 s6, s14;
	[sflag:s12] =	ssyncset.done $0x0  }
0xbc: {  	[sflag:s12] =	ssyncadd.s32 $0xFFFFD800  }
0xbd: {  	[tilespmem:s4], [sflag:$0x1] =	stream.linear.gather [hbm4b:s11+s4], $0x80, $0x38;
	[tilespmem:$0x1E400] =	vst v63  }
0xbe: {  	_ =	swait.ge [sflag:s17], $0x80  }
0xbf: {  	[sflag:s17] =	ssyncset.done $0x0  }
0xc0: {  	[sflag:s17] =	ssyncadd.s32 $0xFFFFFF80  }
0xc1: {  	[spmem:s3] =	stream.indirect.scatter.add.f32 [tilespmem:s19], [sflag:$0xD], $0x80, s24, s13, $0xb8;
	[tilespmem:$0x1E400] =	vst v63  }
0xc2: {  	_ =	swait.ge [sflag:s18], $0x80  }
0xc3: {  	[sflag:s18] =	ssyncset.done $0x0  }
0xc4: {  	[sflag:s18] =	ssyncadd.s32 $0xFFFFFF80  }
0xc5: {  	s16 =	simm.s32 $0x2C00;
	_ =	swait.ge [sflag:s2], $0x2800  }
0xc6: {  	s11 =	sadd.s32 $0xFFFFFFE0, s9;
	s19 =	sadd.s32 $0xFFFFFF00, s7;
	[sflag:s2] =	ssyncset.done $0x0  }
0xc7: {  	s12 =	simm.s32 $0x280;
	s24 =	sand.u32 $0x7C00, s19;
	[sflag:s2] =	ssyncadd.s32 $0xFFFFD800  }
0xc8: {  	[tilespmem:s12], [sflag:$0x6] =	stream.linear.gather [hbm4b:s11+s4], $0x80, $0x38;
	[tilespmem:$0x1E400] =	vst v63  }
0xc9: {  	s19 =	sand.u32 $0x280, s19;
	s11 =	sadd.s32 s8, s24;
	s24 =	simm.s32 $0x80  }
0xca: {  	[tilespmem:s16], [sflag:$0xA] =	stream.indirect.gather [hbm4b:s5+s13], $0x80, s24, s13, $0xb8;
	[tilespmem:$0x1E400] =	vst v63  }
0xcb: {  	s11 =	sor.u32 s19, s11;
	_ =	swait.ge [sflag:s21], $0x2800  }
0xcc: {  	s11 =	sshrl.u32 s11, $0x3;
	[sflag:s21] =	ssyncset.done $0x0  }
0xcd: {  	s11 =	sadd.s32 s6, s11;
	[sflag:s21] =	ssyncadd.s32 $0xFFFFD800  }
0xce: {  	[tilespmem:s24], [sflag:$0x2] =	stream.linear.gather [hbm4b:s11+s4], $0x80, $0x38;
	[tilespmem:$0x1E400] =	vst v63  }
0xcf: {  	_ =	swait.ge [sflag:s22], $0x80  }
0xd0: {  	[sflag:s22] =	ssyncset.done $0x0  }
0xd1: {  	[sflag:s22] =	ssyncadd.s32 $0xFFFFFF80  }
0xd2: {  	[spmem:s3] =	stream.indirect.scatter.add.f32 [tilespmem:s16], [sflag:$0xE], $0x80, s12, s13, $0xb8;
	[tilespmem:$0x1E400] =	vst v63  }
0xd3: {  	_ =	swait.ge [sflag:s23], $0x80  }
0xd4: {  	[sflag:s23] =	ssyncset.done $0x0  }
0xd5: {  	[sflag:s23] =	ssyncadd.s32 $0xFFFFFF80  }
0xd6: {  	_ =	swait.ge [sflag:s0], $0x2800  }
0xd7: {  	s19 =	sadd.s32 $0xFFFFFF80, s7;
	s11 =	sadd.s32 $0xFFFFFFF0, s9;
	[sflag:s0] =	ssyncset.done $0x0  }
0xd8: {  	s24 =	simm.s32 $0x100;
	s12 =	simm.s32 $0x300;
	[sflag:s0] =	ssyncadd.s32 $0xFFFFD800  }
0xd9: {  	[tilespmem:s12], [sflag:$0x7] =	stream.linear.gather [hbm4b:s11+s4], $0x80, $0x38;
	[tilespmem:$0x1E400] =	vst v63  }
0xda: {  	s16 =	simm.s32 $0x5400;
	s11 =	sand.u32 $0x7C00, s19;
	s19 =	sand.u32 $0x300, s19  }
0xdb: {  	[tilespmem:s16], [sflag:$0xB] =	stream.indirect.gather [hbm4b:s5+s13], $0x80, s24, s13, $0xb8;
	[tilespmem:$0x1E400] =	vst v63  }
0xdc: {  	s11 =	sadd.s32 s8, s11;
	_ =	swait.ge [sflag:s28], $0x2800  }
0xdd: {  	s11 =	sor.u32 s19, s11;
	[sflag:s28] =	ssyncset.done $0x0  }
0xde: {  	s11 =	sshrl.u32 s11, $0x3;
	[sflag:s28] =	ssyncadd.s32 $0xFFFFD800  }
0xdf: {  	s11 =	sadd.s32 s6, s11  }
0xe0: {  	[tilespmem:s24], [sflag:$0x3] =	stream.linear.gather [hbm4b:s11+s4], $0x80, $0x38;
	[tilespmem:$0x1E400] =	vst v63  }
0xe1: {  	_ =	swait.ge [sflag:s29], $0x80  }
0xe2: {  	[sflag:s29] =	ssyncset.done $0x0  }
0xe3: {  	[sflag:s29] =	ssyncadd.s32 $0xFFFFFF80  }
0xe4: {  	[spmem:s3] =	stream.indirect.scatter.add.f32 [tilespmem:s16], [sflag:$0xF], $0x80, s12, s13, $0xb8;
	[tilespmem:$0x1E400] =	vst v63  }
0xe5: {  	_ =	swait.ge [sflag:s30], $0x80  }
0xe6: {  	[sflag:s30] =	ssyncset.done $0x0  }
0xe7: {  	[sflag:s30] =	ssyncadd.s32 $0xFFFFFF80  }
0xe8: {  	_ =	swait.ge [sflag:s1], $0x2800  }
0xe9: {  	s19 =	sand.u32 $0x380, s7;
	s11 =	sand.u32 $0x7C00, s7;
	[sflag:s1] =	ssyncset.done $0x0  }
0xea: {  	s7 =	smov.u32 s15;
	s12 =	simm.s32 $0x380;
	[sflag:s1] =	ssyncadd.s32 $0xFFFFD800  }
0xeb: {  	[tilespmem:s12], [sflag:$0x8] =	stream.linear.gather [hbm4b:s9+s4], $0x80, $0x38;
	[tilespmem:$0x1E400] =	vst v63  }
0xec: {  	s15 =	simm.s32 $0x180;
	s11 =	sadd.s32 s8, s11;
	s16 =	simm.s32 $0x7C00  }
0xed: {  	[tilespmem:s16], [sflag:$0xC] =	stream.indirect.gather [hbm4b:s5+s13], $0x80, s15, s13, $0xb8;
	[tilespmem:$0x1E400] =	vst v63  }
0xee: {  	s11 =	sor.u32 s19, s11;
	_ =	swait.ge [sflag:s10], $0x2800  }
0xef: {  	s11 =	sshrl.u32 s11, $0x3;
	[sflag:s10] =	ssyncset.done $0x0  }
0xf0: {  	s11 =	sadd.s32 s6, s11;
	[sflag:s10] =	ssyncadd.s32 $0xFFFFD800  }
0xf1: {  	[tilespmem:s15], [sflag:$0x4] =	stream.linear.gather [hbm4b:s11+s4], $0x80, $0x38;
	[tilespmem:$0x1E400] =	vst v63  }
0xf2: {  	_ =	swait.ge [sflag:s31], $0x80  }
0xf3: {  	[sflag:s31] =	ssyncset.done $0x0  }
.Ltmp0:
0xf4: {  	s11 =	simm.s32 $0x1;
	[sflag:s31] =	ssyncadd.s32 $0xFFFFFF80;
	(pc) =	sbr.rel @p0 .LBB2_2-.Ltmp0, $4  }
0xf5: {  	[spmem:s3] =	stream.indirect.scatter.add.f32 [tilespmem:s16], [sflag:$0x10], $0x80, s12, s13, $0xb8;
	[tilespmem:$0x1E400] =	vst v63  }
0xf6: {  	_ =	swait.ge [sflag:s11], $0x80  }
0xf7: {  	s24 =	sadd.s32 $0xFFFFFE80, s7;
	[sflag:s11] =	ssyncset.done $0x0  }
0xf8: {  	s19 =	smov.u32 s26;
	s9 =	sadd.s32 $0x40, s9;
	[sflag:s11] =	ssyncadd.s32 $0xFFFFFF80  }
0xf9: {  	_ =	swait.ge [sflag:s25], $0x2800;
	s11 =	sand.u32 $0x7C00, s24  }
0xfa: {  	s14 =	sadd.s32 s20, s14;
	s12 =	simm.s32 $0x200;
	[sflag:s25] =	ssyncset.done $0x0  }
0xfb: {  	s16 =	sand.u32 $0x200, s24;
	s11 =	sadd.s32 s8, s11;
	[sflag:s25] =	ssyncadd.s32 $0xFFFFD800  }
0xfc: {  	[tilespmem:s12], [sflag:$0x5] =	stream.linear.gather [hbm4b:s14+s4], $0x80, $0x38;
	[tilespmem:$0x1E400] =	vst v63  }
0xfd: {  	s15 =	simm.s32 $0x400;
	s11 =	sor.u32 s16, s11;
	s16 =	simm.s32 $0x9  }
0xfe: {  	[tilespmem:s15], [sflag:$0x9] =	stream.indirect.gather [hbm4b:s5+s13], $0x80, s4, s13, $0xb8;
	[tilespmem:$0x1E400] =	vst v63  }
0xff: {  	_ =	swait.ge [sflag:s16], $0x2800  }
0x100: {  	s14 =	sshrl.u32 s11, $0x3;
	[sflag:s16] =	ssyncset.done $0x0  }
0x101: {  	s11 =	sadd.s32 s6, s14;
	[sflag:s16] =	ssyncadd.s32 $0xFFFFD800  }
0x102: {  	[tilespmem:s4], [sflag:$0x1] =	stream.linear.gather [hbm4b:s11+s4], $0x80, $0x38;
	[tilespmem:$0x1E400] =	vst v63  }
0x103: {  	_ =	swait.ge [sflag:s17], $0x80  }
0x104: {  	[sflag:s17] =	ssyncset.done $0x0  }
0x105: {  	s26 =	simm.s32 $0x200;
	s19 =	simm.s32 $0x400;
	[sflag:s17] =	ssyncadd.s32 $0xFFFFFF80  }
0x106: {  	[spmem:s3] =	stream.indirect.scatter.add.f32 [tilespmem:s19], [sflag:$0xD], $0x80, s26, s13, $0xb8;
	[tilespmem:$0x1E400] =	vst v63  }
0x107: {  	_ =	swait.ge [sflag:s18], $0x80  }
0x108: {  	[sflag:s18] =	ssyncset.done $0x0  }
0x109: {  	[sflag:s18] =	ssyncadd.s32 $0xFFFFFF80  }
0x10a: {  	s24 =	sadd.s32 $0xFFFFFFE0, s9;
	_ =	swait.ge [sflag:s2], $0x2800  }
0x10b: {  	s19 =	sadd.s32 $0xFFFFFF00, s7;
	s26 =	simm.s32 $0x280;
	[sflag:s2] =	ssyncset.done $0x0  }
0x10c: {  	s15 =	sand.u32 $0x7C00, s19;
	s19 =	sand.u32 $0x280, s19;
	[sflag:s2] =	ssyncadd.s32 $0xFFFFD800  }
0x10d: {  	[tilespmem:s26], [sflag:$0x6] =	stream.linear.gather [hbm4b:s24+s4], $0x80, $0x38;
	[tilespmem:$0x1E400] =	vst v63  }
0x10e: {  	s11 =	sadd.s32 s8, s15;
	s24 =	simm.s32 $0x80;
	s26 =	simm.s32 $0x2C00  }
0x10f: {  	[tilespmem:s26], [sflag:$0xA] =	stream.indirect.gather [hbm4b:s5+s13], $0x80, s24, s13, $0xb8;
	[tilespmem:$0x1E400] =	vst v63  }
0x110: {  	s11 =	sor.u32 s19, s11;
	_ =	swait.ge [sflag:s21], $0x2800  }
0x111: {  	s11 =	sshrl.u32 s11, $0x3;
	[sflag:s21] =	ssyncset.done $0x0  }
0x112: {  	s11 =	sadd.s32 s6, s11;
	[sflag:s21] =	ssyncadd.s32 $0xFFFFD800  }
0x113: {  	[tilespmem:s24], [sflag:$0x2] =	stream.linear.gather [hbm4b:s11+s4], $0x80, $0x38;
	[tilespmem:$0x1E400] =	vst v63  }
0x114: {  	_ =	swait.ge [sflag:s22], $0x80  }
0x115: {  	[sflag:s22] =	ssyncset.done $0x0  }
0x116: {  	s12 =	simm.s32 $0x280;
	[sflag:s22] =	ssyncadd.s32 $0xFFFFFF80  }
0x117: {  	[spmem:s3] =	stream.indirect.scatter.add.f32 [tilespmem:s26], [sflag:$0xE], $0x80, s12, s13, $0xb8;
	[tilespmem:$0x1E400] =	vst v63  }
0x118: {  	_ =	swait.ge [sflag:s23], $0x80  }
0x119: {  	[sflag:s23] =	ssyncset.done $0x0  }
0x11a: {  	[sflag:s23] =	ssyncadd.s32 $0xFFFFFF80  }
0x11b: {  	s19 =	sadd.s32 $0xFFFFFF80, s7;
	_ =	swait.ge [sflag:s0], $0x2800  }
0x11c: {  	s15 =	simm.s32 $0x300;
	s11 =	sand.u32 $0x7C00, s19;
	[sflag:s0] =	ssyncset.done $0x0  }
0x11d: {  	s24 =	simm.s32 $0x100;
	s12 =	sadd.s32 $0xFFFFFFF0, s9;
	[sflag:s0] =	ssyncadd.s32 $0xFFFFD800  }
0x11e: {  	[tilespmem:s15], [sflag:$0x7] =	stream.linear.gather [hbm4b:s12+s4], $0x80, $0x38;
	[tilespmem:$0x1E400] =	vst v63  }
0x11f: {  	s19 =	sand.u32 $0x300, s19;
	s11 =	sadd.s32 s8, s11;
	s12 =	simm.s32 $0x5400  }
0x120: {  	[tilespmem:s12], [sflag:$0xB] =	stream.indirect.gather [hbm4b:s5+s13], $0x80, s24, s13, $0xb8;
	[tilespmem:$0x1E400] =	vst v63  }
0x121: {  	s11 =	sor.u32 s19, s11;
	_ =	swait.ge [sflag:s28], $0x2800  }
0x122: {  	s11 =	sshrl.u32 s11, $0x3;
	[sflag:s28] =	ssyncset.done $0x0  }
0x123: {  	s11 =	sadd.s32 s6, s11;
	[sflag:s28] =	ssyncadd.s32 $0xFFFFD800  }
0x124: {  	[tilespmem:s24], [sflag:$0x3] =	stream.linear.gather [hbm4b:s11+s4], $0x80, $0x38;
	[tilespmem:$0x1E400] =	vst v63  }
0x125: {  	_ =	swait.ge [sflag:s29], $0x80  }
0x126: {  	[sflag:s29] =	ssyncset.done $0x0  }
0x127: {  	[sflag:s29] =	ssyncadd.s32 $0xFFFFFF80  }
0x128: {  	[spmem:s3] =	stream.indirect.scatter.add.f32 [tilespmem:s12], [sflag:$0xF], $0x80, s15, s13, $0xb8;
	[tilespmem:$0x1E400] =	vst v63  }
0x129: {  	_ =	swait.ge [sflag:s30], $0x80  }
0x12a: {  	[sflag:s30] =	ssyncset.done $0x0  }
0x12b: {  	[sflag:s30] =	ssyncadd.s32 $0xFFFFFF80  }
0x12c: {  	_ =	swait.ge [sflag:s1], $0x2800  }
0x12d: {  	s19 =	simm.s32 $0x380;
	[sflag:s1] =	ssyncset.done $0x0  }
0x12e: {  	s24 =	sand.u32 $0x7C00, s7;
	s7 =	sand.u32 $0x380, s7;
	[sflag:s1] =	ssyncadd.s32 $0xFFFFD800  }
0x12f: {  	[tilespmem:s19], [sflag:$0x8] =	stream.linear.gather [hbm4b:s9+s4], $0x80, $0x38;
	[tilespmem:$0x1E400] =	vst v63  }
0x130: {  	s11 =	simm.s32 $0x7C00;
	s9 =	sadd.s32 s8, s24;
	s24 =	simm.s32 $0x180  }
0x131: {  	[tilespmem:s11], [sflag:$0xC] =	stream.indirect.gather [hbm4b:s5+s13], $0x80, s24, s13, $0xb8;
	[tilespmem:$0x1E400] =	vst v63  }
0x132: {  	s7 =	sor.u32 s7, s9;
	_ =	swait.ge [sflag:s10], $0x2800  }
0x133: {  	s7 =	sshrl.u32 s7, $0x3;
	[sflag:s10] =	ssyncset.done $0x0  }
0x134: {  	s7 =	sadd.s32 s6, s7;
	[sflag:s10] =	ssyncadd.s32 $0xFFFFD800  }
0x135: {  	[tilespmem:s24], [sflag:$0x4] =	stream.linear.gather [hbm4b:s7+s4], $0x80, $0x38;
	[tilespmem:$0x1E400] =	vst v63  }
0x136: {  	_ =	swait.ge [sflag:s31], $0x80  }
0x137: {  	[sflag:s31] =	ssyncset.done $0x0  }
0x138: {  	s9 =	simm.s32 $0x1;
	[sflag:s31] =	ssyncadd.s32 $0xFFFFFF80  }
0x139: {  	[spmem:s3] =	stream.indirect.scatter.add.f32 [tilespmem:s11], [sflag:$0x10], $0x80, s19, s13, $0xb8;
	[tilespmem:$0x1E400] =	vst v63  }
0x13a: {  	_ =	swait.ge [sflag:s9], $0x80  }
0x13b: {  	[sflag:s9] =	ssyncset.done $0x0  }
0x13c: {  	[sflag:s9] =	ssyncadd.s32 $0xFFFFFF80  }
0x13d: {  	_ =	swait.ge [sflag:s25], $0x2800  }
0x13e: {  	[sflag:s25] =	ssyncset.done $0x0  }
0x13f: {  	s14 =	sadd.s32 s20, s14;
	s9 =	simm.s32 $0x200;
	[sflag:s25] =	ssyncadd.s32 $0xFFFFD800  }
0x140: {  	[tilespmem:s9], [sflag:$0x5] =	stream.linear.gather [hbm4b:s14+s4], $0x80, $0x38;
	[tilespmem:$0x1E400] =	vst v63  }
0x141: {  	s14 =	simm.s32 $0x400  }
0x142: {  	[tilespmem:s14], [sflag:$0x9] =	stream.indirect.gather [hbm4b:s5+s13], $0x80, s4, s13, $0xb8;
	[tilespmem:$0x1E400] =	vst v63  }
0x143: {  	_ =	swait.ge [sflag:s16], $0x2800  }
0x144: {  	[sflag:s16] =	ssyncset.done $0x0  }
0x145: {  	[sflag:s16] =	ssyncadd.s32 $0xFFFFD800  }
0x146: {  	_ =	swait.ge [sflag:s17], $0x80  }
0x147: {  	[sflag:s17] =	ssyncset.done $0x0  }
0x148: {  	[sflag:s17] =	ssyncadd.s32 $0xFFFFFF80  }
0x149: {  	[spmem:s3] =	stream.indirect.scatter.add.f32 [tilespmem:s14], [sflag:$0xD], $0x80, s9, s13, $0xb8;
	[tilespmem:$0x1E400] =	vst v63  }
0x14a: {  	_ =	swait.ge [sflag:s18], $0x80  }
0x14b: {  	[sflag:s18] =	ssyncset.done $0x0  }
0x14c: {  	[sflag:s18] =	ssyncadd.s32 $0xFFFFFF80  }
0x14d: {  	_ =	swait.ge [sflag:s2], $0x2800  }
0x14e: {  	[sflag:s2] =	ssyncset.done $0x0  }
0x14f: {  	s14 =	simm.s32 $0x280;
	s9 =	rddreg [dreg:$0x17];
	[sflag:s2] =	ssyncadd.s32 $0xFFFFD800  }
0x150: {  	[tilespmem:s14], [sflag:$0x6] =	stream.linear.gather [hbm4b:s9+s4], $0x80, $0x38;
	[tilespmem:$0x1E400] =	vst v63  }
0x151: {  	s16 =	simm.s32 $0x80  }
0x152: {  	[tilespmem:s26], [sflag:$0xA] =	stream.indirect.gather [hbm4b:s5+s13], $0x80, s16, s13, $0xb8;
	[tilespmem:$0x1E400] =	vst v63  }
0x153: {  	_ =	swait.ge [sflag:s21], $0x2800  }
0x154: {  	[sflag:s21] =	ssyncset.done $0x0  }
0x155: {  	[sflag:s21] =	ssyncadd.s32 $0xFFFFD800  }
0x156: {  	_ =	swait.ge [sflag:s22], $0x80  }
0x157: {  	[sflag:s22] =	ssyncset.done $0x0  }
0x158: {  	[sflag:s22] =	ssyncadd.s32 $0xFFFFFF80  }
0x159: {  	[spmem:s3] =	stream.indirect.scatter.add.f32 [tilespmem:s26], [sflag:$0xE], $0x80, s14, s13, $0xb8;
	[tilespmem:$0x1E400] =	vst v63  }
0x15a: {  	_ =	swait.ge [sflag:s23], $0x80  }
0x15b: {  	[sflag:s23] =	ssyncset.done $0x0  }
0x15c: {  	[sflag:s23] =	ssyncadd.s32 $0xFFFFFF80  }
0x15d: {  	_ =	swait.ge [sflag:s0], $0x2800  }
0x15e: {  	[sflag:s0] =	ssyncset.done $0x0  }
0x15f: {  	s9 =	rddreg [dreg:$0x18];
	[sflag:s0] =	ssyncadd.s32 $0xFFFFD800  }
0x160: {  	[tilespmem:s15], [sflag:$0x7] =	stream.linear.gather [hbm4b:s9+s4], $0x80, $0x38;
	[tilespmem:$0x1E400] =	vst v63  }
0x161: {  	s14 =	simm.s32 $0x100  }
0x162: {  	[tilespmem:s12], [sflag:$0xB] =	stream.indirect.gather [hbm4b:s5+s13], $0x80, s14, s13, $0xb8;
	[tilespmem:$0x1E400] =	vst v63  }
0x163: {  	_ =	swait.ge [sflag:s28], $0x2800  }
0x164: {  	[sflag:s28] =	ssyncset.done $0x0  }
0x165: {  	[sflag:s28] =	ssyncadd.s32 $0xFFFFD800  }
0x166: {  	_ =	swait.ge [sflag:s29], $0x80  }
0x167: {  	[sflag:s29] =	ssyncset.done $0x0  }
0x168: {  	[sflag:s29] =	ssyncadd.s32 $0xFFFFFF80  }
0x169: {  	[spmem:s3] =	stream.indirect.scatter.add.f32 [tilespmem:s12], [sflag:$0xF], $0x80, s15, s13, $0xb8;
	[tilespmem:$0x1E400] =	vst v63  }
0x16a: {  	_ =	swait.ge [sflag:s30], $0x80  }
0x16b: {  	[sflag:s30] =	ssyncset.done $0x0  }
0x16c: {  	[sflag:s30] =	ssyncadd.s32 $0xFFFFFF80  }
0x16d: {  	_ =	swait.ge [sflag:s1], $0x2800  }
0x16e: {  	[sflag:s1] =	ssyncset.done $0x0  }
0x16f: {  	s15 =	rddreg [dreg:$0x19];
	[sflag:s1] =	ssyncadd.s32 $0xFFFFD800  }
0x170: {  	[tilespmem:s19], [sflag:$0x8] =	stream.linear.gather [hbm4b:s15+s4], $0x80, $0x38;
	[tilespmem:$0x1E400] =	vst v63  }
0x171: {  	_ = 	snop  }
0x172: {  	[tilespmem:s11], [sflag:$0xC] =	stream.indirect.gather [hbm4b:s5+s13], $0x80, s24, s13, $0xb8;
	[tilespmem:$0x1E400] =	vst v63  }
0x173: {  	_ =	swait.ge [sflag:s10], $0x2800  }
0x174: {  	[sflag:s10] =	ssyncset.done $0x0  }
0x175: {  	[sflag:s10] =	ssyncadd.s32 $0xFFFFD800  }
0x176: {  	_ =	swait.ge [sflag:s31], $0x80  }
0x177: {  	[sflag:s31] =	ssyncset.done $0x0  }
0x178: {  	[sflag:s31] =	ssyncadd.s32 $0xFFFFFF80  }
0x179: {  	[spmem:s3] =	stream.indirect.scatter.add.f32 [tilespmem:s11], [sflag:$0x10], $0x80, s19, s13, $0xb8;
	[tilespmem:$0x1E400] =	vst v63  }
0x17a: {  	_ =	swait.ge [sflag:s25], $0x2800  }
0x17b: {  	[sflag:s25] =	ssyncset.done $0x0  }
0x17c: {  	[sflag:s25] =	ssyncadd.s32 $0xFFFFD800  }
0x17d: {  	_ =	swait.ge [sflag:s2], $0x2800  }
0x17e: {  	[sflag:s2] =	ssyncset.done $0x0  }
0x17f: {  	[sflag:s2] =	ssyncadd.s32 $0xFFFFD800  }
0x180: {  	_ =	swait.ge [sflag:s0], $0x2800  }
0x181: {  	[sflag:s0] =	ssyncset.done $0x0  }
0x182: {  	[sflag:s0] =	ssyncadd.s32 $0xFFFFD800  }
0x183: {  	_ =	swait.ge [sflag:s1], $0x2800  }
0x184: {  	[sflag:s1] =	ssyncset.done $0x0  }
0x185: {  	[sflag:s1] =	ssyncadd.s32 $0xFFFFD800  }
0x186: {  	[bflag:$0x0] =	sbarrier.arrive $0xFFFF  }
0x187: {  	s14 =	rddreg [dreg:$0x6]  }
0x188: {  	s16 =	rddreg [dreg:$0x13]  }
0x189: {  	s9 =	simm.s32 $0x11;
	s19 =	rddreg [dreg:$0x1b]  }
0x18a: {  	[hbm:s16], [sflag:s14] =	dma.local [spmem:s19], $0x2800  }
0x18b: {  	_ =	swait.ge [sflag:s9], $0x2800  }
0x18c: {  	s24 =	rddreg [dreg:$0x1a]  }
0x18d: {  	s26 =	rddreg [dreg:$0x14];
	s11 =	sadd.s32 $0x1, s24  }
0x18e: {  	p0 =	sne.s32 s11, s26  }
.Ltmp1:
0x18f: {  	_ = 	snop;
	(pc) =	sbr.rel @p0 .LBB2_1-.Ltmp1, $3  }
0x190: {  	_ =	sdelay $0x1  }
0x191: {  	[sflag:s9] =	ssyncset.done $0x0  }
0x192: {  	[sflag:s9] =	ssyncadd.s32 $0xFFFFD800  }
0x193: {  	_ =	sfence.sel $0x180000  }
0x194: {  	[bflag:$0x0] =	sbarrier.arrive $0xFFFF  }
0x195: {  	_ =	strace $0x9000004A  }
0x196: {  	s0 =	stileid.u32;
	[bflag:$0x2] =	sbarrier.arrive $0xFFFF  }
0x197: {  	p0 =	sne.s32 s0, $0x0;
	s0 =	rddreg [dreg:$0x3]  }
0x198: {  	s0 =	sadd.s32 @!p0 $0x100000, s0  }
0x199: {  	[sflag:s0] =	ssyncadd.tile.s32 @!p0 $0x1;
	_ =	shalt  }
.Lfunc_end2:
_tile_overlayer_lowered:
.L_overlay_start_2:
0x19a: {  	(tag) =	ssettag $0x2  }
0x19b: {  	s0 =	rddreg [dreg:$0x0];
	s2 =	stileid.u32  }
0x19c: {  	s1 =	rddreg [dreg:$0x1];
	p0 =	sne.s32 s2, $0x0  }
0x19d: {  	s3 =	rddreg [dreg:$0x2];
	[bflag:$0x3] =	sbarrier.arrive $0xFFFF;
	s2 =	simm.s32 @!p0 $0x1C11  }
0x19e: {  	[timem:s3], [sflag:s2] =	dma.local @!p0 [hbm:s0], s1  }
0x19f: {  	s0 =	simm.s32 @!p0 $0x11  }
0x1a0: {  	_ =	swait.ge @!p0 [sflag:s0], s1  }
0x1a1: {  	s1 =	ssub.s32 @!p0 $0x0, s1;
	[sflag:s0] =	ssyncset.done @!p0 $0x0  }
0x1a2: {  	[sflag:s0] =	ssyncadd.s32 @!p0 s1  }
0x1a3: {  	[bflag:$0x3] =	sbarrier.arrive $0xFFFF  }
0x1a4: {  	_ =	shalt  }

// kernel: kernel.17.cloned.1.call-start
scs
__scs_entry_jumppad:
0x0: {  	(pc) =	sbr.rel $0x88, $3  }
0x1: {  	(tag) =	ssettag $0x0;
	lr =	simm.s32 $0x1  }
0x2: {  	[smem:$0x3F95] =	sst lr;
	_ =	strace $0xD0000000  }
0x3: {  	_ = 	snop  }
0x4: {  	_ = 	snop  }
0x5: {  	_ = 	snop  }
0x6: {  	_ = 	snop  }
0x7: {  	_ = 	snop  }
__scs_overlays_trampoline_lowered:
0x8: {  	[smem:$0x3FA4] =	sst s0  }
0x9: {  	[smem:$0x3FA5] =	sst s1  }
0xa: {  	[smem:$0x3FA6] =	sst s2  }
0xb: {  	[smem:$0x3FA7] =	sst s3  }
0xc: {  	[smem:$0x3FA8] =	sst s4  }
0xd: {  	[smem:$0x3FA9] =	sst s5  }
0xe: {  	[smem:$0x3FAA] =	sst s6  }
0xf: {  	[smem:$0x3FAB] =	sst s7  }
0x10: {  	[smem:$0x3FAC] =	sst s8  }
0x11: {  	[smem:$0x3FAD] =	sst s9;
	s0 =	simm.s32 @!p0 $0x0  }
0x12: {  	s1 =	sld [smem:$0x3F93];
	s0 =	simm.s32 @p0 $0x1  }
0x13: {  	[smem:$0x3FAE] =	sst s0;
	s0 =	simm.s32 @!p1 $0x0  }
0x14: {  	s2 =	sld [smem:$0x3F92];
	s0 =	simm.s32 @p1 $0x1  }
0x15: {  	[smem:$0x3FAF] =	sst s0;
	s0 =	simm.s32 @!p2 $0x0  }
0x16: {  	s3 =	sld [smem:$0x3FDB];
	s0 =	simm.s32 @p2 $0x1  }
0x17: {  	s4 =	simm.s32 $0x1BF5;
	[smem:$0x3FB1] =	sst s0  }
0x18: {  	s0 =	sld [smem:$0x3F94];
	_ =	swait.ge [sflag:s4], $0x0  }
0x19: {  	s7 =	sld [smem:$0x3F95]  }
0x1a: {  	s8 =	sadd.s32 $0xFFFFE003, lr  }
0x1b: {  	s9 =	sadd.s32 $0xFFFFFEF7, lr;
	s5 =	simm.s32 $0xFFFFFFFF;
	p2 =	slt.u32 s8, $0xFFFFF086  }
0x1c: {  	p1 =	slt.u32 s9, $0xF7A;
	s5 =	simm.s32 @!p2 $0x0  }
0x1d: {  	s5 =	simm.s32 @p1 $0x1;
	p0 =	seq.s32 s7, s2  }
0x1e: {  	s7 =	smul.u32 @!p0 $0xF7A, s2;
	p2 =	seq.s32 @!p0 s5, $0x0  }
0x1f: {  	s9 =	smul.u32 $0xF7A, s1;
	s8 =	simm.s32 @!p0 $0x1BF5;
	p2 =	por !p2, p0  }
0x20: {  	[sflag:s8] =	ssyncset.s32 @!p0 $0xFFFFF086;
	s6 =	sadd.s32 @!p0 s3, s7;
	s7 =	simm.s32 @!p0 $0x108  }
0x21: {  	s3 =	sadd.s32 s3, s9;
	s6 =	sadd.s32 @!p0 $0x88, s6;
	s7 =	simm.s32 @p2 $0x1082  }
0x22: {  	[simem:s7], [sflag:s8] =	dma.local @!p0 [hbm:s6], $0xF7A  }
0x23: {  	s9 =	sor.u32 $0xD0000000, s2;
	s6 =	simm.s32 $0x108;
	_ =	swait.ge @!p0 [sflag:s8], $0x0  }
0x24: {  	s3 =	sadd.s32 $0x88, s3;
	s6 =	simm.s32 @!p1 $0x1082;
	[sflag:s4] =	ssyncset.s32 $0xFFFFF086  }
0x25: {  	[simem:s6], [sflag:s4] =	dma.local [hbm:s3], $0xF7A  }
0x26: {  	[smem:$0x3F95] =	sst s1;
	(tag) =	ssettag s2;
	_ =	strace s9  }
0x27: {  	s1 =	sld [smem:$0x3FA5]  }
0x28: {  	s2 =	sld [smem:$0x3FA6]  }
0x29: {  	s4 =	sld [smem:$0x3FA8]  }
0x2a: {  	p0 =	seq.s32 s5, $0x0;
	s5 =	sld [smem:$0x3FA9]  }
0x2b: {  	s6 =	sld [smem:$0x3FAA]  }
0x2c: {  	s7 =	sld [smem:$0x3FAB]  }
0x2d: {  	s3 =	simm.s32 $0x108;
	s8 =	sld [smem:$0x3FAC]  }
0x2e: {  	s3 =	simm.s32 @!p0 $0x1082;
	s9 =	sld [smem:$0x3FAD]  }
0x2f: {  	lr =	sadd.s32 s0, s3;
	s0 =	sld [smem:$0x3FA4]  }
0x30: {  	s3 =	sld [smem:$0x3FA7]  }
0x31: {  	[smem:$0x3FB0] =	sst s10  }
0x32: {  	s10 =	sld [smem:$0x3FAE];
	_ =	sdelay $0x3  }
0x33: {  	p0 =	seq.s32 s10, $0x1;
	s10 =	sld [smem:$0x3FB0];
	_ =	sdelay $0x3  }
0x34: {  	[smem:$0x3FB0] =	sst s10  }
0x35: {  	s10 =	sld [smem:$0x3FAF];
	_ =	sdelay $0x3  }
0x36: {  	p1 =	seq.s32 s10, $0x1;
	s10 =	sld [smem:$0x3FB0];
	_ =	sdelay $0x3  }
0x37: {  	[smem:$0x3FB0] =	sst s10  }
0x38: {  	s10 =	sld [smem:$0x3FB1]  }
0x39: {  	_ = 	snop;
	(pc) =	sbr.ind lr, $3  }
0x3a: {  	_ = 	snop  }
0x3b: {  	_ = 	snop  }
0x3c: {  	p2 =	seq.s32 s10, $0x1;
	s10 =	sld [smem:$0x3FB0]  }
0x3d: {  	_ =	shalt  }
0x3e: {  	_ =	shalt  }
0x3f: {  	_ =	shalt  }
0x40: {  	_ =	shalt  }
0x41: {  	_ =	shalt  }
0x42: {  	_ =	shalt  }
0x43: {  	_ =	shalt  }
0x44: {  	_ =	shalt  }
0x45: {  	_ =	shalt  }
0x46: {  	_ =	shalt  }
0x47: {  	_ =	shalt  }
0x48: {  	_ =	shalt  }
0x49: {  	_ =	shalt  }
0x4a: {  	_ =	shalt  }
0x4b: {  	_ =	shalt  }
0x4c: {  	_ =	shalt  }
0x4d: {  	_ =	shalt  }
0x4e: {  	_ =	shalt  }
0x4f: {  	_ =	shalt  }
0x50: {  	_ =	shalt  }
0x51: {  	_ =	shalt  }
0x52: {  	_ =	shalt  }
0x53: {  	_ =	shalt  }
0x54: {  	_ =	shalt  }
0x55: {  	_ =	shalt  }
0x56: {  	_ =	shalt  }
0x57: {  	_ =	shalt  }
0x58: {  	_ =	shalt  }
0x59: {  	_ =	shalt  }
0x5a: {  	_ =	shalt  }
0x5b: {  	_ =	shalt  }
0x5c: {  	_ =	shalt  }
0x5d: {  	_ =	shalt  }
0x5e: {  	_ =	shalt  }
0x5f: {  	_ =	shalt  }
0x60: {  	_ =	shalt  }
0x61: {  	_ =	shalt  }
0x62: {  	_ =	shalt  }
0x63: {  	_ =	shalt  }
0x64: {  	_ =	shalt  }
0x65: {  	_ =	shalt  }
0x66: {  	_ =	shalt  }
0x67: {  	_ =	shalt  }
0x68: {  	_ =	shalt  }
0x69: {  	_ =	shalt  }
0x6a: {  	_ =	shalt  }
0x6b: {  	_ =	shalt  }
0x6c: {  	_ =	shalt  }
0x6d: {  	_ =	shalt  }
0x6e: {  	_ =	shalt  }
0x6f: {  	_ =	shalt  }
0x70: {  	_ =	shalt  }
0x71: {  	_ =	shalt  }
0x72: {  	_ =	shalt  }
0x73: {  	_ =	shalt  }
0x74: {  	_ =	shalt  }
0x75: {  	_ =	shalt  }
0x76: {  	_ =	shalt  }
0x77: {  	_ =	shalt  }
0x78: {  	_ =	shalt  }
0x79: {  	_ =	shalt  }
0x7a: {  	_ =	shalt  }
0x7b: {  	_ =	shalt  }
0x7c: {  	_ =	shalt  }
0x7d: {  	_ =	shalt  }
0x7e: {  	_ =	shalt  }
0x7f: {  	_ =	shalt  }
0x80: {  	_ =	shalt  }
0x81: {  	_ =	shalt  }
0x82: {  	_ =	shalt  }
0x83: {  	_ =	shalt  }
0x84: {  	_ =	shalt  }
0x85: {  	_ =	shalt  }
0x86: {  	_ =	shalt  }
0x87: {  	_ =	shalt  }
.Lfunc_end0:
.L_simem_size_0:
called_computation.2_lowered:
.L_overlay_start_0:
0x88: {  	s2 =	sld [smem:$0x3FD9]  }
0x89: {  	s3 =	sld [smem:$0x3FFE];
	_ =	sdelay $0x1  }
0x8a: {  	s1 =	srdreg.scid  }
0x8b: {  	s0 =	sand.u32 $0x1, s1  }
0x8c: {  	s17 =	sshll.u32 s0, $0xA;
	s2 =	sadd.s32 s3, s2  }
0x8d: {  	s2 =	sadd.s32 s2, s17  }
0x8e: {  	[smem:$0x3FBC] =	sst s2  }
0x8f: {  	_ = 	snop  }
0x90: {  	s2 =	sld [smem:$0x3FD0];
	(tm) =	ssettm $0x1  }
0x91: {  	s18 =	sld [smem:$0x3FFB];
	_ =	sdelay $0x3  }
0x92: {  	_ =	strace s18  }
0x93: {  	s3 =	sld [smem:$0x3FFC];
	_ =	sdelay $0x3  }
0x94: {  	_ =	strace s3  }
0x95: {  	s3 =	sld [smem:$0x3FFD];
	_ =	sdelay $0x3  }
0x96: {  	_ =	strace s3  }
0x97: {  	_ =	strace $0x8FFFFFFF  }
0x98: {  	s19 =	sld [smem:$0x3FDB];
	_ =	sdelay $0x1  }
0x99: {  	s4 =	simm.s32 $_scs_section_size  }
0x9a: {  	s5 =	simm.s32 $_size__tile_overlayer_lowered;
	s6 =	simm.s32 $_tile_overlayer_lowered  }
0x9b: {  	s22 =	simm.s32 $0x1BFF;
	s21 =	sshll.u32 s6, $0x1;
	s3 =	sadd.s32 s4, s19  }
0x9c: {  	s7 =	simm.s32 $0x0;
	s20 =	sshll.u32 s5, $0x1;
	s5 =	sadd.s32 s21, s3  }
0x9d: {  	[timem:s7], [sflag:s22] =	dma.local [hbm:s5], s20  }
0x9e: {  	_ =	swait.ge [sflag:s22], s20  }
0x9f: {  	s4 =	ssub.s32 $0x0, s20;
	[sflag:s22] =	ssyncset.done $0x0  }
0xa0: {  	[sflag:s22] =	ssyncadd.s32 s4;
	_ =	sdelay $0x1  }
0xa1: {  	s23 =	simm.s32 $0x1B8B  }
0xa2: {  	_ =	swait.ge [sflag:s23], $0x1  }
0xa3: {  	[sflag:s23] =	ssyncset.done $0x0  }
0xa4: {  	s25 =	simm.s32 $0x1B8E;
	s24 =	sld [smem:$0x3FFE];
	[sflag:s23] =	ssyncadd.s32 $0xFFFFFFFF  }
0xa5: {  	s26 =	simm.s32 $execute0_lowered;
	[smem:$0x3FD2] =	sst s25  }
0xa6: {  	s5 =	sshll.u32 s26, $0x1;
	_ =	strace $0x8000004C;
	[dreg:$0x1] =	wrdreg $0xFFFFFFFF  }
0xa7: {  	s28 =	simm.s32 $_size_execute0_lowered;
	s3 =	sadd.s32 s3, s5;
	[dreg:$0x0] =	wrdreg $0x0  }
0xa8: {  	s5 =	sshll.u32 s28, $0x1;
	[dreg:$0x2] =	wrdreg s3  }
0xa9: {  	[dreg:$0x3] =	wrdreg s5  }
0xaa: {  	[dreg:$0x4] =	wrdreg $0xC0  }
0xab: {  	_ =	task [dreg:s7], $0x5FFFF  }
0xac: {  	[dreg:$0x1] =	wrdreg $0xFFFFFFFF  }
0xad: {  	[dreg:$0x0] =	wrdreg $0x60  }
0xae: {  	[dreg:$0x2] =	wrdreg s24  }
0xaf: {  	[dreg:$0x3] =	wrdreg s2  }
0xb0: {  	[dreg:$0x4] =	wrdreg $0xA4000  }
0xb1: {  	[dreg:$0x5] =	wrdreg $0x9  }
0xb2: {  	_ =	task.clear_ibuf [dreg:s7], $0x6FFFF;
	_ =	strace $0x9000004C  }
0xb3: {  	s29 =	simm.s32 $0x9;
	_ =	strace $0x8000004E  }
0xb4: {  	_ =	swait.ge [sflag:s29], $0x1  }
0xb5: {  	[sflag:s29] =	ssyncadd.s32 $0xFFFFFFFF  }
0xb6: {  	_ =	strace $0x9000004E  }
0xb7: {  	_ =	sfence  }
0xb8: {  	s30 =	sld [smem:$0x0];
	_ =	sdelay $0x2  }
0xb9: {  	s31 =	sshll.u32 s1, $0xD;
	s1 =	sshrl.u32 s1, $0x2  }
0xba: {  	s3 =	sand.u32 $0x4000, s31;
	s1 =	sadd.s32 s1, s30  }
0xbb: {  	s0 =	sor.u32 s3, s0;
	s1 =	sshll.u32 s1, $0x11  }
0xbc: {  	s0 =	sor.u32 s1, s0  }
0xbd: {  	s0 =	sadd.s32 $0x8F2B, s0  }
0xbe: {  	[sflag:s0] =	ssyncadd.remote.s32 $0x1  }
0xbf: {  	_ =	sfence.sel $0xFFFF  }
0xc0: {  	[dreg:$0x0] =	wrdreg $0xFFFFFFFF;
	(pc) =	sbr.abs _section_cstart, $3  }
0xc1: {  	[dreg:$0x1] =	wrdreg $0xFFFFFFFF  }
0xc2: {  	_ =	task.clear_ibuf [dreg:s7], $0x2FFFF;
	_ =	strace $0x9FFFFFFF  }
0xc3: {  	(tm) =	ssettm $0x7FFFFFFF  }
tec
execute0_lowered:
.L_overlay_start_1:
0x0: {  	(tag) =	ssettag $0x1  }
0x1: {  	s0 =	rddreg [dreg:$0x0]  }
0x2: {  	s20 =	rddreg [dreg:$0x1]  }
0x3: {  	s1 =	srdreg.scid;
	s3 =	rddreg [dreg:$0x2]  }
0x4: {  	s10 =	stileid.u32;
	s4 =	simm.s32 $0x0;
	s28 =	simm.s32 $0xB  }
0x5: {  	s1 =	sand.u32 $0x1, s1;
	s6 =	smul.u32 $0x14000, s10;
	[smem:$0x7FF] =	sst s4  }
0x6: {  	s5 =	sadd.s32 $0x5200, s0;
	s7 =	sadd.s32 $0x2A00, s0;
	s16 =	smul.u32 $0x50000, s10  }
0x7: {  	s9 =	sshll.u32 s10, $0xF;
	s18 =	sshll.u32 s10, $0x6;
	s2 =	smul.u32 $0x140000, s1  }
0x8: {  	_ =	strace $0x8000004D;
	[dreg:$0x4] =	wrdreg s7;
	s15 =	ssub.s32 $0x2, s1  }
0x9: {  	s1 =	sshll.u32 s1, $0xE;
	s14 =	sor.u32 $0x1C11, s18;
	s8 =	sshrl.u32 s15, $0x1  }
0xa: {  	s7 =	sshrl.u32 s16, $0x2;
	[dreg:$0x6] =	wrdreg s14;
	s2 =	sadd.s32 s6, s2  }
0xb: {  	s6 =	sadd.s32 $0x55800, s0;
	s17 =	sadd.s32 s7, s3;
	s2 =	sshrl.u32 s2, $0x3  }
0xc: {  	s0 =	sadd.s32 s2, s0;
	s2 =	ssub.s32 s15, s8;
	s8 =	sor.u32 s1, s9  }
0xd: {  	[dreg:$0x5] =	wrdreg s17;
	s19 =	sshrl.u32 s8, $0x3;
	s0 =	sadd.s32 $0x65800, s0  }
0xe: {  	s29 =	simm.s32 $0x7;
	s12 =	sadd.s32 s6, s19;
	[dreg:$0x13] =	wrdreg s0  }
0xf: {  	s21 =	sor.u32 $0x10, s19;
	s7 =	sadd.s32 s20, s19;
	[dreg:$0x7] =	wrdreg s12  }
0x10: {  	s23 =	sor.u32 $0x20, s19;
	s22 =	sadd.s32 s6, s21;
	[dreg:$0xb] =	wrdreg s7  }
0x11: {  	s24 =	sor.u32 $0x30, s19;
	s11 =	sadd.s32 s6, s23;
	[dreg:$0x8] =	wrdreg s22  }
0x12: {  	s26 =	sor.u32 $0x40, s19;
	s25 =	sadd.s32 s6, s24;
	[dreg:$0x9] =	wrdreg s11  }
0x13: {  	s30 =	simm.s32 $0x4;
	s13 =	sadd.s32 s6, s26;
	[dreg:$0xa] =	wrdreg s25  }
0x14: {  	s31 =	simm.s32 $0x8;
	s1 =	sadd.s32 s20, s21;
	[dreg:$0xc] =	wrdreg s13  }
0x15: {  	s10 =	simm.s32 $0xC;
	s15 =	sadd.s32 s20, s23;
	[dreg:$0xd] =	wrdreg s1  }
0x16: {  	s9 =	simm.s32 $0x11;
	s17 =	sadd.s32 $0x60, s12;
	[dreg:$0xf] =	wrdreg s15  }
0x17: {  	s16 =	sor.u32 $0x200, s8;
	s18 =	sadd.s32 s20, s24;
	[dreg:$0x10] =	wrdreg s17  }
0x18: {  	s19 =	sadd.s32 s20, s26;
	s23 =	sadd.s32 $0x70, s12;
	[dreg:$0x11] =	wrdreg s18  }
0x19: {  	s24 =	sadd.s32 $0x7D0, s7;
	s26 =	sadd.s32 $0x7F0, s7;
	[dreg:$0x12] =	wrdreg s19  }
0x1a: {  	s13 =	sadd.s32 $0x50, s12;
	s1 =	sshrl.u32 s16, $0x3;
	[dreg:$0x16] =	wrdreg s23  }
0x1b: {  	s22 =	smax.u32 s2, $0x1;
	[dreg:$0x17] =	wrdreg s24;
	s25 =	sadd.s32 $0x7E0, s7  }
0x1c: {  	[dreg:$0x19] =	wrdreg s26;
	s17 =	simm.s32 $0x5;
	s18 =	simm.s32 $0x2  }
0x1d: {  	s23 =	simm.s32 $0x3;
	s2 =	simm.s32 $0xE;
	[dreg:$0xe] =	wrdreg s13  }
0x1e: {  	s11 =	simm.s32 $0x0;
	s21 =	sadd.s32 s1, s20;
	[dreg:$0x14] =	wrdreg s22  }
0x1f: {  	[dreg:$0x18] =	wrdreg s25;
	s13 =	simm.s32 $0x50;
	s22 =	simm.s32 $0x6  }
0x20: {  	s25 =	simm.s32 $0xD;
	s1 =	simm.s32 $0x10;
	s0 =	sadd.s32 $0x30, s21  }
0x21: {  	s21 =	simm.s32 $0xA;
	[dreg:$0x15] =	wrdreg s0;
	s0 =	simm.s32 $0xF  }
.LBB2_1:
0x22: {  	[dreg:$0x1a] =	wrdreg s11  }
0x23: {  	s7 =	rddreg [dreg:$0x5]  }
0x24: {  	s26 =	rddreg [dreg:$0x4];
	s24 =	sshrl.u32 s7, $0x3  }
0x25: {  	[dreg:$0x1b] =	wrdreg s24  }
0x26: {  	[spmem:s24], [sflag:s14] =	dma.local [hbm:s26], $0x2800  }
0x27: {  	_ =	swait.ge [sflag:s9], $0x2800  }
0x28: {  	[sflag:s9] =	ssyncset.done $0x0  }
0x29: {  	[sflag:s9] =	ssyncadd.s32 $0xFFFFD800  }
0x2a: {  	[bflag:$0x0] =	sbarrier.arrive $0xFFFF  }
0x2b: {  	s12 =	rddreg [dreg:$0x7]  }
0x2c: {  	[tilespmem:s4], [sflag:$0x1] =	stream.linear.gather [hbm4b:s12+s4], $0x80, $0x38;
	[tilespmem:$0x1E400] =	vst v63  }
0x2d: {  	s24 =	simm.s32 $0x80;
	s14 =	rddreg [dreg:$0x8]  }
0x2e: {  	[tilespmem:s24], [sflag:$0x2] =	stream.linear.gather [hbm4b:s14+s4], $0x80, $0x38;
	[tilespmem:$0x1E400] =	vst v63  }
0x2f: {  	s16 =	simm.s32 $0x100;
	s15 =	rddreg [dreg:$0x9]  }
0x30: {  	[tilespmem:s16], [sflag:$0x3] =	stream.linear.gather [hbm4b:s15+s4], $0x80, $0x38;
	[tilespmem:$0x1E400] =	vst v63  }
0x31: {  	s26 =	simm.s32 $0x180;
	s19 =	rddreg [dreg:$0xa]  }
0x32: {  	[tilespmem:s26], [sflag:$0x4] =	stream.linear.gather [hbm4b:s19+s4], $0x80, $0x38;
	[tilespmem:$0x1E400] =	vst v63  }
0x33: {  	s9 =	rddreg [dreg:$0xb];
	s12 =	simm.s32 $0x1;
	s15 =	simm.s32 $0x200  }
0x34: {  	[tilespmem:s15], [sflag:$0x5] =	stream.linear.gather [hbm4b:s9+s4], $0x80, $0x38;
	[tilespmem:$0x1E400] =	vst v63  }
0x35: {  	_ =	swait.ge [sflag:s12], $0x80  }
0x36: {  	[sflag:s12] =	ssyncset.done $0x0  }
0x37: {  	s16 =	simm.s32 $0x9;
	s19 =	simm.s32 $0x400;
	[sflag:s12] =	ssyncadd.s32 $0xFFFFFF80  }
0x38: {  	[tilespmem:s19], [sflag:$0x9] =	stream.indirect.gather [hbm4b:s5+s13], $0x80, s4, s13, $0xb8;
	[tilespmem:$0x1E400] =	vst v63  }
0x39: {  	_ =	swait.ge [sflag:s16], $0x2800  }
0x3a: {  	[sflag:s16] =	ssyncset.done $0x0  }
0x3b: {  	s11 =	rddreg [dreg:$0xc];
	[sflag:s16] =	ssyncadd.s32 $0xFFFFD800  }
0x3c: {  	[tilespmem:s4], [sflag:$0x1] =	stream.linear.gather [hbm4b:s11+s4], $0x80, $0x38;
	[tilespmem:$0x1E400] =	vst v63  }
0x3d: {  	_ =	swait.ge [sflag:s17], $0x80  }
0x3e: {  	[sflag:s17] =	ssyncset.done $0x0  }
0x3f: {  	[sflag:s17] =	ssyncadd.s32 $0xFFFFFF80  }
0x40: {  	[spmem:s3] =	stream.indirect.scatter.add.f32 [tilespmem:s19], [sflag:$0xD], $0x80, s15, s13, $0xb8;
	[tilespmem:$0x1E400] =	vst v63  }
0x41: {  	_ =	swait.ge [sflag:s18], $0x80  }
0x42: {  	[sflag:s18] =	ssyncset.done $0x0  }
0x43: {  	s26 =	simm.s32 $0x280;
	s14 =	rddreg [dreg:$0xd];
	[sflag:s18] =	ssyncadd.s32 $0xFFFFFF80  }
0x44: {  	[tilespmem:s26], [sflag:$0x6] =	stream.linear.gather [hbm4b:s14+s4], $0x80, $0x38;
	[tilespmem:$0x1E400] =	vst v63  }
0x45: {  	s26 =	simm.s32 $0x2C00  }
0x46: {  	[tilespmem:s26], [sflag:$0xA] =	stream.indirect.gather [hbm4b:s5+s13], $0x80, s24, s13, $0xb8;
	[tilespmem:$0x1E400] =	vst v63  }
0x47: {  	_ =	swait.ge [sflag:s21], $0x2800  }
0x48: {  	[sflag:s21] =	ssyncset.done $0x0  }
0x49: {  	s14 =	rddreg [dreg:$0xe];
	[sflag:s21] =	ssyncadd.s32 $0xFFFFD800  }
0x4a: {  	[tilespmem:s24], [sflag:$0x2] =	stream.linear.gather [hbm4b:s14+s4], $0x80, $0x38;
	[tilespmem:$0x1E400] =	vst v63  }
0x4b: {  	_ =	swait.ge [sflag:s22], $0x80  }
0x4c: {  	[sflag:s22] =	ssyncset.done $0x0  }
0x4d: {  	s11 =	simm.s32 $0x280;
	[sflag:s22] =	ssyncadd.s32 $0xFFFFFF80  }
0x4e: {  	[spmem:s3] =	stream.indirect.scatter.add.f32 [tilespmem:s26], [sflag:$0xE], $0x80, s11, s13, $0xb8;
	[tilespmem:$0x1E400] =	vst v63  }
0x4f: {  	_ =	swait.ge [sflag:s23], $0x80  }
0x50: {  	[sflag:s23] =	ssyncset.done $0x0  }
0x51: {  	s14 =	simm.s32 $0x300;
	s11 =	rddreg [dreg:$0xf];
	[sflag:s23] =	ssyncadd.s32 $0xFFFFFF80  }
0x52: {  	[tilespmem:s14], [sflag:$0x7] =	stream.linear.gather [hbm4b:s11+s4], $0x80, $0x38;
	[tilespmem:$0x1E400] =	vst v63  }
0x53: {  	s9 =	simm.s32 $0x5400;
	s14 =	simm.s32 $0x100  }
0x54: {  	[tilespmem:s9], [sflag:$0xB] =	stream.indirect.gather [hbm4b:s5+s13], $0x80, s14, s13, $0xb8;
	[tilespmem:$0x1E400] =	vst v63  }
0x55: {  	_ =	swait.ge [sflag:s28], $0x2800  }
0x56: {  	[sflag:s28] =	ssyncset.done $0x0  }
0x57: {  	s7 =	rddreg [dreg:$0x10];
	[sflag:s28] =	ssyncadd.s32 $0xFFFFD800  }
0x58: {  	[tilespmem:s14], [sflag:$0x3] =	stream.linear.gather [hbm4b:s7+s4], $0x80, $0x38;
	[tilespmem:$0x1E400] =	vst v63  }
0x59: {  	_ =	swait.ge [sflag:s29], $0x80  }
0x5a: {  	[sflag:s29] =	ssyncset.done $0x0  }
0x5b: {  	s11 =	simm.s32 $0x300;
	s9 =	simm.s32 $0x5400;
	[sflag:s29] =	ssyncadd.s32 $0xFFFFFF80  }
0x5c: {  	[spmem:s3] =	stream.indirect.scatter.add.f32 [tilespmem:s9], [sflag:$0xF], $0x80, s11, s13, $0xb8;
	[tilespmem:$0x1E400] =	vst v63  }
0x5d: {  	_ =	swait.ge [sflag:s30], $0x80  }
0x5e: {  	[sflag:s30] =	ssyncset.done $0x0  }
0x5f: {  	s14 =	simm.s32 $0x380;
	s11 =	rddreg [dreg:$0x11];
	[sflag:s30] =	ssyncadd.s32 $0xFFFFFF80  }
0x60: {  	[tilespmem:s14], [sflag:$0x8] =	stream.linear.gather [hbm4b:s11+s4], $0x80, $0x38;
	[tilespmem:$0x1E400] =	vst v63  }
0x61: {  	s9 =	simm.s32 $0x7C00;
	s11 =	simm.s32 $0x180  }
0x62: {  	[tilespmem:s9], [sflag:$0xC] =	stream.indirect.gather [hbm4b:s5+s13], $0x80, s11, s13, $0xb8;
	[tilespmem:$0x1E400] =	vst v63  }
0x63: {  	_ =	swait.ge [sflag:s10], $0x2800  }
0x64: {  	[sflag:s10] =	ssyncset.done $0x0  }
0x65: {  	s7 =	rddreg [dreg:$0x16];
	[sflag:s10] =	ssyncadd.s32 $0xFFFFD800  }
0x66: {  	[tilespmem:s11], [sflag:$0x4] =	stream.linear.gather [hbm4b:s7+s4], $0x80, $0x38;
	[tilespmem:$0x1E400] =	vst v63  }
0x67: {  	_ =	swait.ge [sflag:s31], $0x80  }
0x68: {  	[sflag:s31] =	ssyncset.done $0x0  }
0x69: {  	s9 =	simm.s32 $0x7C00;
	[sflag:s31] =	ssyncadd.s32 $0xFFFFFF80  }
0x6a: {  	[spmem:s3] =	stream.indirect.scatter.add.f32 [tilespmem:s9], [sflag:$0x10], $0x80, s14, s13, $0xb8;
	[tilespmem:$0x1E400] =	vst v63  }
0x6b: {  	_ =	swait.ge [sflag:s12], $0x80  }
0x6c: {  	[sflag:s12] =	ssyncset.done $0x0  }
0x6d: {  	[sflag:s12] =	ssyncadd.s32 $0xFFFFFF80  }
0x6e: {  	_ =	swait.ge [sflag:s25], $0x2800  }
0x6f: {  	s11 =	simm.s32 $0x400;
	[sflag:s25] =	ssyncset.done $0x0  }
0x70: {  	s14 =	sand.u32 $0x7C00, s11;
	s9 =	rddreg [dreg:$0x12];
	[sflag:s25] =	ssyncadd.s32 $0xFFFFD800  }
0x71: {  	[tilespmem:s15], [sflag:$0x5] =	stream.linear.gather [hbm4b:s9+s4], $0x80, $0x38;
	[tilespmem:$0x1E400] =	vst v63  }
0x72: {  	s7 =	sand.u32 $0x200, s11;
	s9 =	sadd.s32 s8, s14  }
0x73: {  	[tilespmem:s19], [sflag:$0x9] =	stream.indirect.gather [hbm4b:s5+s13], $0x80, s4, s13, $0xb8;
	[tilespmem:$0x1E400] =	vst v63  }
0x74: {  	s7 =	sor.u32 s7, s9;
	_ =	swait.ge [sflag:s16], $0x2800  }
0x75: {  	s14 =	sshrl.u32 s7, $0x3;
	[sflag:s16] =	ssyncset.done $0x0  }
0x76: {  	s7 =	sadd.s32 s6, s14;
	[sflag:s16] =	ssyncadd.s32 $0xFFFFD800  }
0x77: {  	[tilespmem:s4], [sflag:$0x1] =	stream.linear.gather [hbm4b:s7+s4], $0x80, $0x38;
	[tilespmem:$0x1E400] =	vst v63  }
0x78: {  	_ =	swait.ge [sflag:s17], $0x80  }
0x79: {  	[sflag:s17] =	ssyncset.done $0x0  }
0x7a: {  	[sflag:s17] =	ssyncadd.s32 $0xFFFFFF80  }
0x7b: {  	[spmem:s3] =	stream.indirect.scatter.add.f32 [tilespmem:s19], [sflag:$0xD], $0x80, s15, s13, $0xb8;
	[tilespmem:$0x1E400] =	vst v63  }
0x7c: {  	_ =	swait.ge [sflag:s18], $0x80  }
0x7d: {  	[sflag:s18] =	ssyncset.done $0x0  }
0x7e: {  	[sflag:s18] =	ssyncadd.s32 $0xFFFFFF80  }
0x7f: {  	s16 =	simm.s32 $0x280;
	_ =	swait.ge [sflag:s2], $0x2800  }
0x80: {  	s7 =	simm.s32 $0x480;
	[sflag:s2] =	ssyncset.done $0x0;
	s11 =	rddreg [dreg:$0x15]  }
0x81: {  	s15 =	sand.u32 $0x7C00, s7;
	s19 =	sadd.s32 $0xFFFFFFE0, s11;
	[sflag:s2] =	ssyncadd.s32 $0xFFFFD800  }
0x82: {  	[tilespmem:s16], [sflag:$0x6] =	stream.linear.gather [hbm4b:s19+s4], $0x80, $0x38;
	[tilespmem:$0x1E400] =	vst v63  }
0x83: {  	s7 =	sand.u32 $0x280, s7;
	s19 =	sadd.s32 s8, s15  }
0x84: {  	[tilespmem:s26], [sflag:$0xA] =	stream.indirect.gather [hbm4b:s5+s13], $0x80, s24, s13, $0xb8;
	[tilespmem:$0x1E400] =	vst v63  }
0x85: {  	s7 =	sor.u32 s7, s19;
	_ =	swait.ge [sflag:s21], $0x2800  }
0x86: {  	s7 =	sshrl.u32 s7, $0x3;
	[sflag:s21] =	ssyncset.done $0x0  }
0x87: {  	s7 =	sadd.s32 s6, s7;
	[sflag:s21] =	ssyncadd.s32 $0xFFFFD800  }
0x88: {  	[tilespmem:s24], [sflag:$0x2] =	stream.linear.gather [hbm4b:s7+s4], $0x80, $0x38;
	[tilespmem:$0x1E400] =	vst v63  }
0x89: {  	_ =	swait.ge [sflag:s22], $0x80  }
0x8a: {  	[sflag:s22] =	ssyncset.done $0x0  }
0x8b: {  	[sflag:s22] =	ssyncadd.s32 $0xFFFFFF80  }
0x8c: {  	[spmem:s3] =	stream.indirect.scatter.add.f32 [tilespmem:s26], [sflag:$0xE], $0x80, s16, s13, $0xb8;
	[tilespmem:$0x1E400] =	vst v63  }
0x8d: {  	_ =	swait.ge [sflag:s23], $0x80  }
0x8e: {  	[sflag:s23] =	ssyncset.done $0x0  }
0x8f: {  	[sflag:s23] =	ssyncadd.s32 $0xFFFFFF80  }
0x90: {  	_ =	swait.ge [sflag:s0], $0x2800  }
0x91: {  	s15 =	simm.s32 $0x300;
	[sflag:s0] =	ssyncset.done $0x0  }
0x92: {  	s19 =	simm.s32 $0x500;
	s16 =	sadd.s32 $0xFFFFFFF0, s11;
	[sflag:s0] =	ssyncadd.s32 $0xFFFFD800  }
0x93: {  	[tilespmem:s15], [sflag:$0x7] =	stream.linear.gather [hbm4b:s16+s4], $0x80, $0x38;
	[tilespmem:$0x1E400] =	vst v63  }
0x94: {  	s9 =	sand.u32 $0x300, s19;
	s16 =	sand.u32 $0x7C00, s19  }
0x95: {  	s24 =	simm.s32 $0x100;
	s26 =	simm.s32 $0x5400;
	s7 =	sadd.s32 s8, s16  }
0x96: {  	[tilespmem:s26], [sflag:$0xB] =	stream.indirect.gather [hbm4b:s5+s13], $0x80, s24, s13, $0xb8;
	[tilespmem:$0x1E400] =	vst v63  }
0x97: {  	s7 =	sor.u32 s9, s7;
	_ =	swait.ge [sflag:s28], $0x2800  }
0x98: {  	s7 =	sshrl.u32 s7, $0x3;
	[sflag:s28] =	ssyncset.done $0x0  }
0x99: {  	s7 =	sadd.s32 s6, s7;
	[sflag:s28] =	ssyncadd.s32 $0xFFFFD800  }
0x9a: {  	[tilespmem:s24], [sflag:$0x3] =	stream.linear.gather [hbm4b:s7+s4], $0x80, $0x38;
	[tilespmem:$0x1E400] =	vst v63  }
0x9b: {  	_ =	swait.ge [sflag:s29], $0x80  }
0x9c: {  	[sflag:s29] =	ssyncset.done $0x0  }
0x9d: {  	[sflag:s29] =	ssyncadd.s32 $0xFFFFFF80  }
0x9e: {  	[spmem:s3] =	stream.indirect.scatter.add.f32 [tilespmem:s26], [sflag:$0xF], $0x80, s15, s13, $0xb8;
	[tilespmem:$0x1E400] =	vst v63  }
0x9f: {  	_ =	swait.ge [sflag:s30], $0x80  }
0xa0: {  	[sflag:s30] =	ssyncset.done $0x0  }
0xa1: {  	[sflag:s30] =	ssyncadd.s32 $0xFFFFFF80  }
0xa2: {  	_ =	swait.ge [sflag:s1], $0x2800  }
0xa3: {  	s16 =	simm.s32 $0x380;
	s26 =	simm.s32 $0x580;
	[sflag:s1] =	ssyncset.done $0x0  }
0xa4: {  	s24 =	simm.s32 $0x180;
	s15 =	sand.u32 $0x7C00, s26;
	[sflag:s1] =	ssyncadd.s32 $0xFFFFD800  }
0xa5: {  	[tilespmem:s16], [sflag:$0x8] =	stream.linear.gather [hbm4b:s11+s4], $0x80, $0x38;
	[tilespmem:$0x1E400] =	vst v63  }
0xa6: {  	s7 =	sand.u32 $0x380, s26;
	s26 =	simm.s32 $0x7C00;
	s9 =	sadd.s32 s8, s15  }
0xa7: {  	[tilespmem:s26], [sflag:$0xC] =	stream.indirect.gather [hbm4b:s5+s13], $0x80, s24, s13, $0xb8;
	[tilespmem:$0x1E400] =	vst v63  }
0xa8: {  	s7 =	sor.u32 s7, s9;
	_ =	swait.ge [sflag:s10], $0x2800  }
0xa9: {  	s7 =	sshrl.u32 s7, $0x3;
	[sflag:s10] =	ssyncset.done $0x0  }
0xaa: {  	s7 =	sadd.s32 s6, s7;
	[sflag:s10] =	ssyncadd.s32 $0xFFFFD800  }
0xab: {  	[tilespmem:s24], [sflag:$0x4] =	stream.linear.gather [hbm4b:s7+s4], $0x80, $0x38;
	[tilespmem:$0x1E400] =	vst v63  }
0xac: {  	_ =	swait.ge [sflag:s31], $0x80  }
0xad: {  	[sflag:s31] =	ssyncset.done $0x0  }
0xae: {  	[sflag:s31] =	ssyncadd.s32 $0xFFFFFF80  }
0xaf: {  	[spmem:s3] =	stream.indirect.scatter.add.f32 [tilespmem:s26], [sflag:$0x10], $0x80, s16, s13, $0xb8;
	[tilespmem:$0x1E400] =	vst v63  }
0xb0: {  	_ =	swait.ge [sflag:s12], $0x80  }
0xb1: {  	s19 =	simm.s32 $0x980;
	s9 =	sadd.s32 $0x40, s11;
	[sflag:s12] =	ssyncset.done $0x0  }
0xb2: {  	s7 =	simm.s32 $0x780;
	s24 =	simm.s32 $0x600;
	[sflag:s12] =	ssyncadd.s32 $0xFFFFFF80  }
.LBB2_2:
0xb3: {  	s26 =	sand.u32 $0x7C00, s24;
	_ =	swait.ge [sflag:s25], $0x2800  }
0xb4: {  	s14 =	sadd.s32 s20, s14;
	s15 =	smov.u32 s19;
	s24 =	sand.u32 $0x200, s24  }
0xb5: {  	s11 =	sadd.s32 s8, s26;
	[sflag:s25] =	ssyncset.done $0x0;
	s26 =	sadd.s32 $0x200, s19  }
0xb6: {  	s11 =	sor.u32 s24, s11;
	[sflag:s25] =	ssyncadd.s32 $0xFFFFD800;
	s24 =	simm.s32 $0x200  }
0xb7: {  	[tilespmem:s24], [sflag:$0x5] =	stream.linear.gather [hbm4b:s14+s4], $0x80, $0x38;
	[tilespmem:$0x1E400] =	vst v63  }
0xb8: {  	p0 =	sne.s32 s19, $0x3F80;
	s12 =	simm.s32 $0x9;
	s19 =	simm.s32 $0x400  }
0xb9: {  	[tilespmem:s19], [sflag:$0x9] =	stream.indirect.gather [hbm4b:s5+s13], $0x80, s4, s13, $0xb8;
	[tilespmem:$0x1E400] =	vst v63  }
0xba: {  	s14 =	sshrl.u32 s11, $0x3;
	_ =	swait.ge [sflag:s12], $0x2800  }
0xbb: {  	s11 =	sadd.s32 s6, s14;
	[sflag:s12] =	ssyncset.done $0x0  }
0xbc: {  	[sflag:s12] =	ssyncadd.s32 $0xFFFFD800  }
0xbd: {  	[tilespmem:s4], [sflag:$0x1] =	stream.linear.gather [hbm4b:s11+s4], $0x80, $0x38;
	[tilespmem:$0x1E400] =	vst v63  }
0xbe: {  	_ =	swait.ge [sflag:s17], $0x80  }
0xbf: {  	[sflag:s17] =	ssyncset.done $0x0  }
0xc0: {  	[sflag:s17] =	ssyncadd.s32 $0xFFFFFF80  }
0xc1: {  	[spmem:s3] =	stream.indirect.scatter.add.f32 [tilespmem:s19], [sflag:$0xD], $0x80, s24, s13, $0xb8;
	[tilespmem:$0x1E400] =	vst v63  }
0xc2: {  	_ =	swait.ge [sflag:s18], $0x80  }
0xc3: {  	[sflag:s18] =	ssyncset.done $0x0  }
0xc4: {  	[sflag:s18] =	ssyncadd.s32 $0xFFFFFF80  }
0xc5: {  	s16 =	simm.s32 $0x2C00;
	_ =	swait.ge [sflag:s2], $0x2800  }
0xc6: {  	s11 =	sadd.s32 $0xFFFFFFE0, s9;
	s19 =	sadd.s32 $0xFFFFFF00, s7;
	[sflag:s2] =	ssyncset.done $0x0  }
0xc7: {  	s12 =	simm.s32 $0x280;
	s24 =	sand.u32 $0x7C00, s19;
	[sflag:s2] =	ssyncadd.s32 $0xFFFFD800  }
0xc8: {  	[tilespmem:s12], [sflag:$0x6] =	stream.linear.gather [hbm4b:s11+s4], $0x80, $0x38;
	[tilespmem:$0x1E400] =	vst v63  }
0xc9: {  	s19 =	sand.u32 $0x280, s19;
	s11 =	sadd.s32 s8, s24;
	s24 =	simm.s32 $0x80  }
0xca: {  	[tilespmem:s16], [sflag:$0xA] =	stream.indirect.gather [hbm4b:s5+s13], $0x80, s24, s13, $0xb8;
	[tilespmem:$0x1E400] =	vst v63  }
0xcb: {  	s11 =	sor.u32 s19, s11;
	_ =	swait.ge [sflag:s21], $0x2800  }
0xcc: {  	s11 =	sshrl.u32 s11, $0x3;
	[sflag:s21] =	ssyncset.done $0x0  }
0xcd: {  	s11 =	sadd.s32 s6, s11;
	[sflag:s21] =	ssyncadd.s32 $0xFFFFD800  }
0xce: {  	[tilespmem:s24], [sflag:$0x2] =	stream.linear.gather [hbm4b:s11+s4], $0x80, $0x38;
	[tilespmem:$0x1E400] =	vst v63  }
0xcf: {  	_ =	swait.ge [sflag:s22], $0x80  }
0xd0: {  	[sflag:s22] =	ssyncset.done $0x0  }
0xd1: {  	[sflag:s22] =	ssyncadd.s32 $0xFFFFFF80  }
0xd2: {  	[spmem:s3] =	stream.indirect.scatter.add.f32 [tilespmem:s16], [sflag:$0xE], $0x80, s12, s13, $0xb8;
	[tilespmem:$0x1E400] =	vst v63  }
0xd3: {  	_ =	swait.ge [sflag:s23], $0x80  }
0xd4: {  	[sflag:s23] =	ssyncset.done $0x0  }
0xd5: {  	[sflag:s23] =	ssyncadd.s32 $0xFFFFFF80  }
0xd6: {  	_ =	swait.ge [sflag:s0], $0x2800  }
0xd7: {  	s19 =	sadd.s32 $0xFFFFFF80, s7;
	s11 =	sadd.s32 $0xFFFFFFF0, s9;
	[sflag:s0] =	ssyncset.done $0x0  }
0xd8: {  	s24 =	simm.s32 $0x100;
	s12 =	simm.s32 $0x300;
	[sflag:s0] =	ssyncadd.s32 $0xFFFFD800  }
0xd9: {  	[tilespmem:s12], [sflag:$0x7] =	stream.linear.gather [hbm4b:s11+s4], $0x80, $0x38;
	[tilespmem:$0x1E400] =	vst v63  }
0xda: {  	s16 =	simm.s32 $0x5400;
	s11 =	sand.u32 $0x7C00, s19;
	s19 =	sand.u32 $0x300, s19  }
0xdb: {  	[tilespmem:s16], [sflag:$0xB] =	stream.indirect.gather [hbm4b:s5+s13], $0x80, s24, s13, $0xb8;
	[tilespmem:$0x1E400] =	vst v63  }
0xdc: {  	s11 =	sadd.s32 s8, s11;
	_ =	swait.ge [sflag:s28], $0x2800  }
0xdd: {  	s11 =	sor.u32 s19, s11;
	[sflag:s28] =	ssyncset.done $0x0  }
0xde: {  	s11 =	sshrl.u32 s11, $0x3;
	[sflag:s28] =	ssyncadd.s32 $0xFFFFD800  }
0xdf: {  	s11 =	sadd.s32 s6, s11  }
0xe0: {  	[tilespmem:s24], [sflag:$0x3] =	stream.linear.gather [hbm4b:s11+s4], $0x80, $0x38;
	[tilespmem:$0x1E400] =	vst v63  }
0xe1: {  	_ =	swait.ge [sflag:s29], $0x80  }
0xe2: {  	[sflag:s29] =	ssyncset.done $0x0  }
0xe3: {  	[sflag:s29] =	ssyncadd.s32 $0xFFFFFF80  }
0xe4: {  	[spmem:s3] =	stream.indirect.scatter.add.f32 [tilespmem:s16], [sflag:$0xF], $0x80, s12, s13, $0xb8;
	[tilespmem:$0x1E400] =	vst v63  }
0xe5: {  	_ =	swait.ge [sflag:s30], $0x80  }
0xe6: {  	[sflag:s30] =	ssyncset.done $0x0  }
0xe7: {  	[sflag:s30] =	ssyncadd.s32 $0xFFFFFF80  }
0xe8: {  	_ =	swait.ge [sflag:s1], $0x2800  }
0xe9: {  	s19 =	sand.u32 $0x380, s7;
	s11 =	sand.u32 $0x7C00, s7;
	[sflag:s1] =	ssyncset.done $0x0  }
0xea: {  	s7 =	smov.u32 s15;
	s12 =	simm.s32 $0x380;
	[sflag:s1] =	ssyncadd.s32 $0xFFFFD800  }
0xeb: {  	[tilespmem:s12], [sflag:$0x8] =	stream.linear.gather [hbm4b:s9+s4], $0x80, $0x38;
	[tilespmem:$0x1E400] =	vst v63  }
0xec: {  	s15 =	simm.s32 $0x180;
	s11 =	sadd.s32 s8, s11;
	s16 =	simm.s32 $0x7C00  }
0xed: {  	[tilespmem:s16], [sflag:$0xC] =	stream.indirect.gather [hbm4b:s5+s13], $0x80, s15, s13, $0xb8;
	[tilespmem:$0x1E400] =	vst v63  }
0xee: {  	s11 =	sor.u32 s19, s11;
	_ =	swait.ge [sflag:s10], $0x2800  }
0xef: {  	s11 =	sshrl.u32 s11, $0x3;
	[sflag:s10] =	ssyncset.done $0x0  }
0xf0: {  	s11 =	sadd.s32 s6, s11;
	[sflag:s10] =	ssyncadd.s32 $0xFFFFD800  }
0xf1: {  	[tilespmem:s15], [sflag:$0x4] =	stream.linear.gather [hbm4b:s11+s4], $0x80, $0x38;
	[tilespmem:$0x1E400] =	vst v63  }
0xf2: {  	_ =	swait.ge [sflag:s31], $0x80  }
0xf3: {  	[sflag:s31] =	ssyncset.done $0x0  }
.Ltmp0:
0xf4: {  	s11 =	simm.s32 $0x1;
	[sflag:s31] =	ssyncadd.s32 $0xFFFFFF80;
	(pc) =	sbr.rel @p0 .LBB2_2-.Ltmp0, $4  }
0xf5: {  	[spmem:s3] =	stream.indirect.scatter.add.f32 [tilespmem:s16], [sflag:$0x10], $0x80, s12, s13, $0xb8;
	[tilespmem:$0x1E400] =	vst v63  }
0xf6: {  	_ =	swait.ge [sflag:s11], $0x80  }
0xf7: {  	s24 =	sadd.s32 $0xFFFFFE80, s7;
	[sflag:s11] =	ssyncset.done $0x0  }
0xf8: {  	s19 =	smov.u32 s26;
	s9 =	sadd.s32 $0x40, s9;
	[sflag:s11] =	ssyncadd.s32 $0xFFFFFF80  }
0xf9: {  	_ =	swait.ge [sflag:s25], $0x2800;
	s11 =	sand.u32 $0x7C00, s24  }
0xfa: {  	s14 =	sadd.s32 s20, s14;
	s12 =	simm.s32 $0x200;
	[sflag:s25] =	ssyncset.done $0x0  }
0xfb: {  	s16 =	sand.u32 $0x200, s24;
	s11 =	sadd.s32 s8, s11;
	[sflag:s25] =	ssyncadd.s32 $0xFFFFD800  }
0xfc: {  	[tilespmem:s12], [sflag:$0x5] =	stream.linear.gather [hbm4b:s14+s4], $0x80, $0x38;
	[tilespmem:$0x1E400] =	vst v63  }
0xfd: {  	s15 =	simm.s32 $0x400;
	s11 =	sor.u32 s16, s11;
	s16 =	simm.s32 $0x9  }
0xfe: {  	[tilespmem:s15], [sflag:$0x9] =	stream.indirect.gather [hbm4b:s5+s13], $0x80, s4, s13, $0xb8;
	[tilespmem:$0x1E400] =	vst v63  }
0xff: {  	_ =	swait.ge [sflag:s16], $0x2800  }
0x100: {  	s14 =	sshrl.u32 s11, $0x3;
	[sflag:s16] =	ssyncset.done $0x0  }
0x101: {  	s11 =	sadd.s32 s6, s14;
	[sflag:s16] =	ssyncadd.s32 $0xFFFFD800  }
0x102: {  	[tilespmem:s4], [sflag:$0x1] =	stream.linear.gather [hbm4b:s11+s4], $0x80, $0x38;
	[tilespmem:$0x1E400] =	vst v63  }
0x103: {  	_ =	swait.ge [sflag:s17], $0x80  }
0x104: {  	[sflag:s17] =	ssyncset.done $0x0  }
0x105: {  	s26 =	simm.s32 $0x200;
	s19 =	simm.s32 $0x400;
	[sflag:s17] =	ssyncadd.s32 $0xFFFFFF80  }
0x106: {  	[spmem:s3] =	stream.indirect.scatter.add.f32 [tilespmem:s19], [sflag:$0xD], $0x80, s26, s13, $0xb8;
	[tilespmem:$0x1E400] =	vst v63  }
0x107: {  	_ =	swait.ge [sflag:s18], $0x80  }
0x108: {  	[sflag:s18] =	ssyncset.done $0x0  }
0x109: {  	[sflag:s18] =	ssyncadd.s32 $0xFFFFFF80  }
0x10a: {  	s24 =	sadd.s32 $0xFFFFFFE0, s9;
	_ =	swait.ge [sflag:s2], $0x2800  }
0x10b: {  	s19 =	sadd.s32 $0xFFFFFF00, s7;
	s26 =	simm.s32 $0x280;
	[sflag:s2] =	ssyncset.done $0x0  }
0x10c: {  	s15 =	sand.u32 $0x7C00, s19;
	s19 =	sand.u32 $0x280, s19;
	[sflag:s2] =	ssyncadd.s32 $0xFFFFD800  }
0x10d: {  	[tilespmem:s26], [sflag:$0x6] =	stream.linear.gather [hbm4b:s24+s4], $0x80, $0x38;
	[tilespmem:$0x1E400] =	vst v63  }
0x10e: {  	s11 =	sadd.s32 s8, s15;
	s24 =	simm.s32 $0x80;
	s26 =	simm.s32 $0x2C00  }
0x10f: {  	[tilespmem:s26], [sflag:$0xA] =	stream.indirect.gather [hbm4b:s5+s13], $0x80, s24, s13, $0xb8;
	[tilespmem:$0x1E400] =	vst v63  }
0x110: {  	s11 =	sor.u32 s19, s11;
	_ =	swait.ge [sflag:s21], $0x2800  }
0x111: {  	s11 =	sshrl.u32 s11, $0x3;
	[sflag:s21] =	ssyncset.done $0x0  }
0x112: {  	s11 =	sadd.s32 s6, s11;
	[sflag:s21] =	ssyncadd.s32 $0xFFFFD800  }
0x113: {  	[tilespmem:s24], [sflag:$0x2] =	stream.linear.gather [hbm4b:s11+s4], $0x80, $0x38;
	[tilespmem:$0x1E400] =	vst v63  }
0x114: {  	_ =	swait.ge [sflag:s22], $0x80  }
0x115: {  	[sflag:s22] =	ssyncset.done $0x0  }
0x116: {  	s12 =	simm.s32 $0x280;
	[sflag:s22] =	ssyncadd.s32 $0xFFFFFF80  }
0x117: {  	[spmem:s3] =	stream.indirect.scatter.add.f32 [tilespmem:s26], [sflag:$0xE], $0x80, s12, s13, $0xb8;
	[tilespmem:$0x1E400] =	vst v63  }
0x118: {  	_ =	swait.ge [sflag:s23], $0x80  }
0x119: {  	[sflag:s23] =	ssyncset.done $0x0  }
0x11a: {  	[sflag:s23] =	ssyncadd.s32 $0xFFFFFF80  }
0x11b: {  	s19 =	sadd.s32 $0xFFFFFF80, s7;
	_ =	swait.ge [sflag:s0], $0x2800  }
0x11c: {  	s15 =	simm.s32 $0x300;
	s11 =	sand.u32 $0x7C00, s19;
	[sflag:s0] =	ssyncset.done $0x0  }
0x11d: {  	s24 =	simm.s32 $0x100;
	s12 =	sadd.s32 $0xFFFFFFF0, s9;
	[sflag:s0] =	ssyncadd.s32 $0xFFFFD800  }
0x11e: {  	[tilespmem:s15], [sflag:$0x7] =	stream.linear.gather [hbm4b:s12+s4], $0x80, $0x38;
	[tilespmem:$0x1E400] =	vst v63  }
0x11f: {  	s19 =	sand.u32 $0x300, s19;
	s11 =	sadd.s32 s8, s11;
	s12 =	simm.s32 $0x5400  }
0x120: {  	[tilespmem:s12], [sflag:$0xB] =	stream.indirect.gather [hbm4b:s5+s13], $0x80, s24, s13, $0xb8;
	[tilespmem:$0x1E400] =	vst v63  }
0x121: {  	s11 =	sor.u32 s19, s11;
	_ =	swait.ge [sflag:s28], $0x2800  }
0x122: {  	s11 =	sshrl.u32 s11, $0x3;
	[sflag:s28] =	ssyncset.done $0x0  }
0x123: {  	s11 =	sadd.s32 s6, s11;
	[sflag:s28] =	ssyncadd.s32 $0xFFFFD800  }
0x124: {  	[tilespmem:s24], [sflag:$0x3] =	stream.linear.gather [hbm4b:s11+s4], $0x80, $0x38;
	[tilespmem:$0x1E400] =	vst v63  }
0x125: {  	_ =	swait.ge [sflag:s29], $0x80  }
0x126: {  	[sflag:s29] =	ssyncset.done $0x0  }
0x127: {  	[sflag:s29] =	ssyncadd.s32 $0xFFFFFF80  }
0x128: {  	[spmem:s3] =	stream.indirect.scatter.add.f32 [tilespmem:s12], [sflag:$0xF], $0x80, s15, s13, $0xb8;
	[tilespmem:$0x1E400] =	vst v63  }
0x129: {  	_ =	swait.ge [sflag:s30], $0x80  }
0x12a: {  	[sflag:s30] =	ssyncset.done $0x0  }
0x12b: {  	[sflag:s30] =	ssyncadd.s32 $0xFFFFFF80  }
0x12c: {  	_ =	swait.ge [sflag:s1], $0x2800  }
0x12d: {  	s19 =	simm.s32 $0x380;
	[sflag:s1] =	ssyncset.done $0x0  }
0x12e: {  	s24 =	sand.u32 $0x7C00, s7;
	s7 =	sand.u32 $0x380, s7;
	[sflag:s1] =	ssyncadd.s32 $0xFFFFD800  }
0x12f: {  	[tilespmem:s19], [sflag:$0x8] =	stream.linear.gather [hbm4b:s9+s4], $0x80, $0x38;
	[tilespmem:$0x1E400] =	vst v63  }
0x130: {  	s11 =	simm.s32 $0x7C00;
	s9 =	sadd.s32 s8, s24;
	s24 =	simm.s32 $0x180  }
0x131: {  	[tilespmem:s11], [sflag:$0xC] =	stream.indirect.gather [hbm4b:s5+s13], $0x80, s24, s13, $0xb8;
	[tilespmem:$0x1E400] =	vst v63  }
0x132: {  	s7 =	sor.u32 s7, s9;
	_ =	swait.ge [sflag:s10], $0x2800  }
0x133: {  	s7 =	sshrl.u32 s7, $0x3;
	[sflag:s10] =	ssyncset.done $0x0  }
0x134: {  	s7 =	sadd.s32 s6, s7;
	[sflag:s10] =	ssyncadd.s32 $0xFFFFD800  }
0x135: {  	[tilespmem:s24], [sflag:$0x4] =	stream.linear.gather [hbm4b:s7+s4], $0x80, $0x38;
	[tilespmem:$0x1E400] =	vst v63  }
0x136: {  	_ =	swait.ge [sflag:s31], $0x80  }
0x137: {  	[sflag:s31] =	ssyncset.done $0x0  }
0x138: {  	s9 =	simm.s32 $0x1;
	[sflag:s31] =	ssyncadd.s32 $0xFFFFFF80  }
0x139: {  	[spmem:s3] =	stream.indirect.scatter.add.f32 [tilespmem:s11], [sflag:$0x10], $0x80, s19, s13, $0xb8;
	[tilespmem:$0x1E400] =	vst v63  }
0x13a: {  	_ =	swait.ge [sflag:s9], $0x80  }
0x13b: {  	[sflag:s9] =	ssyncset.done $0x0  }
0x13c: {  	[sflag:s9] =	ssyncadd.s32 $0xFFFFFF80  }
0x13d: {  	_ =	swait.ge [sflag:s25], $0x2800  }
0x13e: {  	[sflag:s25] =	ssyncset.done $0x0  }
0x13f: {  	s14 =	sadd.s32 s20, s14;
	s9 =	simm.s32 $0x200;
	[sflag:s25] =	ssyncadd.s32 $0xFFFFD800  }
0x140: {  	[tilespmem:s9], [sflag:$0x5] =	stream.linear.gather [hbm4b:s14+s4], $0x80, $0x38;
	[tilespmem:$0x1E400] =	vst v63  }
0x141: {  	s14 =	simm.s32 $0x400  }
0x142: {  	[tilespmem:s14], [sflag:$0x9] =	stream.indirect.gather [hbm4b:s5+s13], $0x80, s4, s13, $0xb8;
	[tilespmem:$0x1E400] =	vst v63  }
0x143: {  	_ =	swait.ge [sflag:s16], $0x2800  }
0x144: {  	[sflag:s16] =	ssyncset.done $0x0  }
0x145: {  	[sflag:s16] =	ssyncadd.s32 $0xFFFFD800  }
0x146: {  	_ =	swait.ge [sflag:s17], $0x80  }
0x147: {  	[sflag:s17] =	ssyncset.done $0x0  }
0x148: {  	[sflag:s17] =	ssyncadd.s32 $0xFFFFFF80  }
0x149: {  	[spmem:s3] =	stream.indirect.scatter.add.f32 [tilespmem:s14], [sflag:$0xD], $0x80, s9, s13, $0xb8;
	[tilespmem:$0x1E400] =	vst v63  }
0x14a: {  	_ =	swait.ge [sflag:s18], $0x80  }
0x14b: {  	[sflag:s18] =	ssyncset.done $0x0  }
0x14c: {  	[sflag:s18] =	ssyncadd.s32 $0xFFFFFF80  }
0x14d: {  	_ =	swait.ge [sflag:s2], $0x2800  }
0x14e: {  	[sflag:s2] =	ssyncset.done $0x0  }
0x14f: {  	s14 =	simm.s32 $0x280;
	s9 =	rddreg [dreg:$0x17];
	[sflag:s2] =	ssyncadd.s32 $0xFFFFD800  }
0x150: {  	[tilespmem:s14], [sflag:$0x6] =	stream.linear.gather [hbm4b:s9+s4], $0x80, $0x38;
	[tilespmem:$0x1E400] =	vst v63  }
0x151: {  	s16 =	simm.s32 $0x80  }
0x152: {  	[tilespmem:s26], [sflag:$0xA] =	stream.indirect.gather [hbm4b:s5+s13], $0x80, s16, s13, $0xb8;
	[tilespmem:$0x1E400] =	vst v63  }
0x153: {  	_ =	swait.ge [sflag:s21], $0x2800  }
0x154: {  	[sflag:s21] =	ssyncset.done $0x0  }
0x155: {  	[sflag:s21] =	ssyncadd.s32 $0xFFFFD800  }
0x156: {  	_ =	swait.ge [sflag:s22], $0x80  }
0x157: {  	[sflag:s22] =	ssyncset.done $0x0  }
0x158: {  	[sflag:s22] =	ssyncadd.s32 $0xFFFFFF80  }
0x159: {  	[spmem:s3] =	stream.indirect.scatter.add.f32 [tilespmem:s26], [sflag:$0xE], $0x80, s14, s13, $0xb8;
	[tilespmem:$0x1E400] =	vst v63  }
0x15a: {  	_ =	swait.ge [sflag:s23], $0x80  }
0x15b: {  	[sflag:s23] =	ssyncset.done $0x0  }
0x15c: {  	[sflag:s23] =	ssyncadd.s32 $0xFFFFFF80  }
0x15d: {  	_ =	swait.ge [sflag:s0], $0x2800  }
0x15e: {  	[sflag:s0] =	ssyncset.done $0x0  }
0x15f: {  	s9 =	rddreg [dreg:$0x18];
	[sflag:s0] =	ssyncadd.s32 $0xFFFFD800  }
0x160: {  	[tilespmem:s15], [sflag:$0x7] =	stream.linear.gather [hbm4b:s9+s4], $0x80, $0x38;
	[tilespmem:$0x1E400] =	vst v63  }
0x161: {  	s14 =	simm.s32 $0x100  }
0x162: {  	[tilespmem:s12], [sflag:$0xB] =	stream.indirect.gather [hbm4b:s5+s13], $0x80, s14, s13, $0xb8;
	[tilespmem:$0x1E400] =	vst v63  }
0x163: {  	_ =	swait.ge [sflag:s28], $0x2800  }
0x164: {  	[sflag:s28] =	ssyncset.done $0x0  }
0x165: {  	[sflag:s28] =	ssyncadd.s32 $0xFFFFD800  }
0x166: {  	_ =	swait.ge [sflag:s29], $0x80  }
0x167: {  	[sflag:s29] =	ssyncset.done $0x0  }
0x168: {  	[sflag:s29] =	ssyncadd.s32 $0xFFFFFF80  }
0x169: {  	[spmem:s3] =	stream.indirect.scatter.add.f32 [tilespmem:s12], [sflag:$0xF], $0x80, s15, s13, $0xb8;
	[tilespmem:$0x1E400] =	vst v63  }
0x16a: {  	_ =	swait.ge [sflag:s30], $0x80  }
0x16b: {  	[sflag:s30] =	ssyncset.done $0x0  }
0x16c: {  	[sflag:s30] =	ssyncadd.s32 $0xFFFFFF80  }
0x16d: {  	_ =	swait.ge [sflag:s1], $0x2800  }
0x16e: {  	[sflag:s1] =	ssyncset.done $0x0  }
0x16f: {  	s15 =	rddreg [dreg:$0x19];
	[sflag:s1] =	ssyncadd.s32 $0xFFFFD800  }
0x170: {  	[tilespmem:s19], [sflag:$0x8] =	stream.linear.gather [hbm4b:s15+s4], $0x80, $0x38;
	[tilespmem:$0x1E400] =	vst v63  }
0x171: {  	_ = 	snop  }
0x172: {  	[tilespmem:s11], [sflag:$0xC] =	stream.indirect.gather [hbm4b:s5+s13], $0x80, s24, s13, $0xb8;
	[tilespmem:$0x1E400] =	vst v63  }
0x173: {  	_ =	swait.ge [sflag:s10], $0x2800  }
0x174: {  	[sflag:s10] =	ssyncset.done $0x0  }
0x175: {  	[sflag:s10] =	ssyncadd.s32 $0xFFFFD800  }
0x176: {  	_ =	swait.ge [sflag:s31], $0x80  }
0x177: {  	[sflag:s31] =	ssyncset.done $0x0  }
0x178: {  	[sflag:s31] =	ssyncadd.s32 $0xFFFFFF80  }
0x179: {  	[spmem:s3] =	stream.indirect.scatter.add.f32 [tilespmem:s11], [sflag:$0x10], $0x80, s19, s13, $0xb8;
	[tilespmem:$0x1E400] =	vst v63  }
0x17a: {  	_ =	swait.ge [sflag:s25], $0x2800  }
0x17b: {  	[sflag:s25] =	ssyncset.done $0x0  }
0x17c: {  	[sflag:s25] =	ssyncadd.s32 $0xFFFFD800  }
0x17d: {  	_ =	swait.ge [sflag:s2], $0x2800  }
0x17e: {  	[sflag:s2] =	ssyncset.done $0x0  }
0x17f: {  	[sflag:s2] =	ssyncadd.s32 $0xFFFFD800  }
0x180: {  	_ =	swait.ge [sflag:s0], $0x2800  }
0x181: {  	[sflag:s0] =	ssyncset.done $0x0  }
0x182: {  	[sflag:s0] =	ssyncadd.s32 $0xFFFFD800  }
0x183: {  	_ =	swait.ge [sflag:s1], $0x2800  }
0x184: {  	[sflag:s1] =	ssyncset.done $0x0  }
0x185: {  	[sflag:s1] =	ssyncadd.s32 $0xFFFFD800  }
0x186: {  	[bflag:$0x0] =	sbarrier.arrive $0xFFFF  }
0x187: {  	s14 =	rddreg [dreg:$0x6]  }
0x188: {  	s16 =	rddreg [dreg:$0x13]  }
0x189: {  	s9 =	simm.s32 $0x11;
	s19 =	rddreg [dreg:$0x1b]  }
0x18a: {  	[hbm:s16], [sflag:s14] =	dma.local [spmem:s19], $0x2800  }
0x18b: {  	_ =	swait.ge [sflag:s9], $0x2800  }
0x18c: {  	s24 =	rddreg [dreg:$0x1a]  }
0x18d: {  	s26 =	rddreg [dreg:$0x14];
	s11 =	sadd.s32 $0x1, s24  }
0x18e: {  	p0 =	sne.s32 s11, s26  }
.Ltmp1:
0x18f: {  	_ = 	snop;
	(pc) =	sbr.rel @p0 .LBB2_1-.Ltmp1, $3  }
0x190: {  	_ =	sdelay $0x1  }
0x191: {  	[sflag:s9] =	ssyncset.done $0x0  }
0x192: {  	[sflag:s9] =	ssyncadd.s32 $0xFFFFD800  }
0x193: {  	_ =	sfence.sel $0x180000  }
0x194: {  	[bflag:$0x0] =	sbarrier.arrive $0xFFFF  }
0x195: {  	_ =	strace $0x9000004D  }
0x196: {  	s0 =	stileid.u32;
	[bflag:$0x2] =	sbarrier.arrive $0xFFFF  }
0x197: {  	p0 =	sne.s32 s0, $0x0;
	s0 =	rddreg [dreg:$0x3]  }
0x198: {  	s0 =	sadd.s32 @!p0 $0x100000, s0  }
0x199: {  	[sflag:s0] =	ssyncadd.tile.s32 @!p0 $0x1;
	_ =	shalt  }
.Lfunc_end2:
_tile_overlayer_lowered:
.L_overlay_start_2:
0x19a: {  	(tag) =	ssettag $0x2  }
0x19b: {  	s0 =	rddreg [dreg:$0x0];
	s2 =	stileid.u32  }
0x19c: {  	s1 =	rddreg [dreg:$0x1];
	p0 =	sne.s32 s2, $0x0  }
0x19d: {  	s3 =	rddreg [dreg:$0x2];
	[bflag:$0x3] =	sbarrier.arrive $0xFFFF;
	s2 =	simm.s32 @!p0 $0x1C11  }
0x19e: {  	[timem:s3], [sflag:s2] =	dma.local @!p0 [hbm:s0], s1  }
0x19f: {  	s0 =	simm.s32 @!p0 $0x11  }
0x1a0: {  	_ =	swait.ge @!p0 [sflag:s0], s1  }
0x1a1: {  	s1 =	ssub.s32 @!p0 $0x0, s1;
	[sflag:s0] =	ssyncset.done @!p0 $0x0  }
0x1a2: {  	[sflag:s0] =	ssyncadd.s32 @!p0 s1  }
0x1a3: {  	[bflag:$0x3] =	sbarrier.arrive $0xFFFF  }
0x1a4: {  	_ =	shalt  }

</sc_bundles>
